<compile_context>
chip_gen: v7x
topology: tpu7x:2x2x1
jax: 0.10.2.dev20260603
libtpu: 0.0.44.dev20260713+nightly
codegen_flags: <defaults>
</compile_context>

<pallas_src>
import functools

import jax
import jax.numpy as jnp
from jax import lax
from jax.experimental import pallas as pl
from jax.experimental.pallas import tpu as pltpu
from jax.experimental.pallas import tpu_sc as plsc

N = 10000
NP = 10240
E = 320000
D = 128
NC = 2
NS = 16
NW = NC * NS
EPW = E // NW
K = 100
NCHUNK = EPW // K
RPT = NP // NS
DW = 16
ZR = 20


def _zero_vmem_2d(ref, rows, cols):
    z16 = jnp.zeros((16,), jnp.float32)

    def body(r, _):
        for cb in range(cols // 16):
            ref[r, pl.ds(cb * 16, 16)] = z16
        return 0

    lax.fori_loop(0, rows, body, 0, unroll=False)


def _sc_agg_body(x_hbm, src_hbm, dst_hbm, p_hbm,
                 src_v, dst_v, rows0, rows1, zbuf_v,
                 agg_sh, sem0, sem1):
    c = lax.axis_index("c")
    s = lax.axis_index("s")
    wid = s * NC + c

    _zero_vmem_2d(zbuf_v, ZR, D)
    r0 = s * RPT
    for i in range(RPT // ZR):
        pltpu.async_copy(zbuf_v, agg_sh.at[pl.ds(r0 + i * ZR, ZR)], sem1)
    pltpu.sync_copy(src_hbm.at[wid], src_v)
    pltpu.sync_copy(dst_hbm.at[wid], dst_v)
    for i in range(RPT // ZR):
        pltpu.make_async_copy(zbuf_v, agg_sh.at[pl.ds(r0 + i * ZR, ZR)],
                              sem1).wait()
    plsc.subcore_barrier()

    pltpu.async_copy(x_hbm.at[src_v.at[0]], rows0, sem0)

    def pair_body(i, _):
        c0 = 2 * i
        pltpu.async_copy(x_hbm.at[src_v.at[c0 + 1]], rows1, sem1)
        pltpu.make_async_copy(x_hbm.at[src_v.at[c0]], rows0, sem0).wait()

        @pl.when(c0 + 2 < NCHUNK)
        def _():
            pltpu.async_copy(x_hbm.at[src_v.at[c0 + 2]], rows0, sem0)

        pltpu.make_async_copy(x_hbm.at[src_v.at[c0 + 1]], rows1, sem1).wait()
        return 0

    lax.fori_loop(0, NCHUNK // 2, pair_body, 0, unroll=False)
    plsc.subcore_barrier()

    pltpu.sync_copy(agg_sh.at[pl.ds(r0, RPT)], p_hbm.at[c, pl.ds(r0, RPT)])


def _make_sc_agg():
    mesh = plsc.VectorSubcoreMesh(core_axis_name="c", subcore_axis_name="s")
    scratch = [
        pltpu.VMEM((NCHUNK, K), jnp.int32),
        pltpu.VMEM((NCHUNK, K), jnp.int32),
        pltpu.VMEM((K, D), jnp.float32),
        pltpu.VMEM((K, D), jnp.float32),
        pltpu.VMEM((ZR, D), jnp.float32),
        pltpu.VMEM_SHARED((NP, D), jnp.float32),
        pltpu.SemaphoreType.DMA,
        pltpu.SemaphoreType.DMA,
    ]
    return pl.kernel(
        _sc_agg_body,
        out_type=(jax.ShapeDtypeStruct((NC, NP, D), jnp.float32),),
        mesh=mesh, scratch_types=scratch,
        compiler_params=pltpu.CompilerParams(use_tc_tiling_on_sc=False))


def _sc_deg_body(dst_hbm, degp_hbm, dst_v, ones_v, zdeg_v, deg_sh, sem):
    c = lax.axis_index("c")
    s = lax.axis_index("s")
    wid = s * NC + c

    _zero_vmem_2d(zdeg_v, 4 * ZR, DW)
    r0 = s * RPT
    for i in range(RPT // (4 * ZR)):
        pltpu.sync_copy(zdeg_v, deg_sh.at[pl.ds(r0 + i * 4 * ZR, 4 * ZR)])
    o16 = jnp.ones((16,), jnp.float32)

    def ones_body(r, _):
        ones_v[r, pl.ds(0, 16)] = o16
        return 0

    lax.fori_loop(0, K, ones_body, 0, unroll=False)
    plsc.subcore_barrier()

    pltpu.sync_copy(dst_hbm.at[wid], dst_v)

    def block_body(blk, _):
        for j in range(5):
            pltpu.async_copy(ones_v, deg_sh.at[dst_v.at[blk * 5 + j]], sem,
                             add=True)
        for j in range(5):
            pltpu.make_async_copy(ones_v, deg_sh.at[dst_v.at[blk * 5 + j]],
                                  sem).wait()
        return 0

    lax.fori_loop(0, NCHUNK // 5, block_body, 0, unroll=False)
    plsc.subcore_barrier()

    pltpu.sync_copy(deg_sh.at[pl.ds(r0, RPT)],
                    degp_hbm.at[c, pl.ds(r0, RPT)])


def _make_sc_deg():
    mesh = plsc.VectorSubcoreMesh(core_axis_name="c", subcore_axis_name="s")
    scratch = [
        pltpu.VMEM((NCHUNK, K), jnp.int32),
        pltpu.VMEM((K, DW), jnp.float32),
        pltpu.VMEM((4 * ZR, DW), jnp.float32),
        pltpu.VMEM_SHARED((NP, DW), jnp.float32),
        pltpu.SemaphoreType.DMA,
    ]
    return pl.kernel(
        _sc_deg_body,
        out_type=(jax.ShapeDtypeStruct((NC, NP, DW), jnp.float32),),
        mesh=mesh, scratch_types=scratch,
        compiler_params=pltpu.CompilerParams(use_tc_tiling_on_sc=False))


_sc_agg = _make_sc_agg()
_sc_deg = _make_sc_deg()


def _dense_body(p_ref, degp_ref, h_ref, wl_ref, wr_ref, b_ref, o_ref, *,
                relu):
    deg = degp_ref[0, :, 0] + degp_ref[1, :, 0]
    agg = p_ref[0] + p_ref[1]
    mean = agg / jnp.clip(deg, 1.0, None)[:, None]
    out = (jnp.dot(mean, wl_ref[...], preferred_element_type=jnp.float32)
           + jnp.dot(h_ref[...], wr_ref[...],
                     preferred_element_type=jnp.float32)
           + b_ref[...])
    if relu:
        out = jnp.maximum(out, 0.0)
    o_ref[...] = out


def _make_dense(relu):
    R = 2000
    grid = (N // R,)
    return pl.pallas_call(
        functools.partial(_dense_body, relu=relu),
        grid=grid,
        in_specs=[
            pl.BlockSpec((NC, R, D), lambda i: (0, i, 0)),
            pl.BlockSpec((NC, R, DW), lambda i: (0, i, 0)),
            pl.BlockSpec((R, D), lambda i: (i, 0)),
            pl.BlockSpec((D, D), lambda i: (0, 0)),
            pl.BlockSpec((D, D), lambda i: (0, 0)),
            pl.BlockSpec((1, D), lambda i: (0, 0)),
        ],
        out_specs=pl.BlockSpec((R, D), lambda i: (i, 0)),
        out_shape=jax.ShapeDtypeStruct((N, D), jnp.float32),
    )


_dense_relu = _make_dense(True)
_dense_lin = _make_dense(False)


def kernel(x, edge_index, edge_attr, Wl1, Wr1, b1, Wl2, Wr2, b2,
           Wl3, Wr3, b3):
    src = edge_index[0].astype(jnp.int32).reshape(NW, NCHUNK, K)
    dst = edge_index[1].astype(jnp.int32).reshape(NW, NCHUNK, K)
    b1r = b1.reshape(1, D)
    b2r = b2.reshape(1, D)
    b3r = b3.reshape(1, D)

    (degp,) = _sc_deg(dst)
    (p1,) = _sc_agg(x, src, dst)
    h1 = _dense_relu(p1, degp, x, Wl1, Wr1, b1r)
    (p2,) = _sc_agg(h1, src, dst)
    h2 = _dense_relu(p2, degp, h1, Wl2, Wr2, b2r)
    (p3,) = _sc_agg(h2, src, dst)
    h3 = _dense_lin(p3, degp, h2, Wl3, Wr3, b3r)
    return h3

# --- scband reference (transcript-rebuilt; emitter-appended) ---
"""Pipeline reference for scband-graph-sage-82970178224659 (READ-ONLY COPY).

The authoritative reference and input builder live on the scoring server;
editing this copy changes nothing except your own understanding.
"""

import jax, jax.numpy as jnp
import numpy as np

N = 10000
E = 320000
D = 128
DE = 16


def _sage_conv(x, src, dst, Wl, Wr, b):
    # PyG-style SAGEConv with mean aggregation:
    # out = mean_{j in N(i)} x_j @ Wl + x_i @ Wr + b
    msgs = x[src]                                   # gather neighbor features
    agg = jax.ops.segment_sum(msgs, dst, num_segments=N)   # scatter-add
    deg = jax.ops.segment_sum(jnp.ones((src.shape[0],), dtype=x.dtype), dst, num_segments=N)
    mean = agg / jnp.clip(deg, 1.0, None)[:, None]
    return mean @ Wl + x @ Wr + b


def setup_inputs(seed: int = 0) -> dict:
    key = jax.random.key(seed)
    ks = jax.random.split(key, 12)
    x = jax.random.normal(ks[0], (N, D), dtype=jnp.float32)
    edge_index = jax.random.randint(ks[1], (2, E), 0, N, dtype=jnp.int64)
    edge_attr = jax.random.normal(ks[2], (E, DE), dtype=jnp.float32)
    s = 1.0 / np.sqrt(D)
    params = {}
    for i, k0 in zip((1, 2, 3), (3, 6, 9)):
        params[f"Wl{i}"] = jax.random.normal(ks[k0], (D, D), dtype=jnp.float32) * s
        params[f"Wr{i}"] = jax.random.normal(ks[k0 + 1], (D, D), dtype=jnp.float32) * s
        params[f"b{i}"] = jnp.zeros((D,), dtype=jnp.float32)
    return {"x": x, "edge_index": edge_index, "edge_attr": edge_attr, **params}


def reference(x, edge_index, edge_attr, Wl1, Wr1, b1, Wl2, Wr2, b2, Wl3, Wr3, b3):
    src = edge_index[0]
    dst = edge_index[1]
    h = _sage_conv(x, src, dst, Wl1, Wr1, b1)
    h = jax.nn.relu(h)
    h = _sage_conv(h, src, dst, Wl2, Wr2, b2)
    h = jax.nn.relu(h)
    h = _sage_conv(h, src, dst, Wl3, Wr3, b3)
    return h

if __name__ == "__main__":
    import jax
    _d = setup_inputs()
    print(jax.jit(kernel)(*tuple(_d.values())))

</pallas_src>

<mosaic_0001>
#map = affine_map<(d0, d1) -> (0, 0)>
#map1 = affine_map<(d0, d1) -> (0, 0, 0)>
module attributes {stable_mosaic.version = 14 : i64} {
  func.func @_sc_agg_body(%arg0: i32, %arg1: i32, %arg2: memref<10000x128xf32, #tpu.memory_space<hbm>>, %arg3: memref<32x100x100xi32, #tpu.memory_space<hbm>>, %arg4: memref<32x100x100xi32, #tpu.memory_space<hbm>>, %arg5: memref<2x10240x128xf32, #tpu.memory_space<hbm>>, %arg6: memref<100x100xi32, #tpu.memory_space<vmem>>, %arg7: memref<100x100xi32, #tpu.memory_space<vmem>>, %arg8: memref<100x128xf32, #tpu.memory_space<vmem>>, %arg9: memref<100x128xf32, #tpu.memory_space<vmem>>, %arg10: memref<20x128xf32, #tpu.memory_space<vmem>>, %arg11: memref<10240x128xf32, #tpu.memory_space<vmem_shared>>, %arg12: memref<!tpu.dma_semaphore, #tpu.memory_space<semaphore_mem>>, %arg13: memref<!tpu.dma_semaphore, #tpu.memory_space<semaphore_mem>>) attributes {dimension_semantics = [#tpu.dimension_semantics<core_parallel>, #tpu.dimension_semantics<subcore_parallel>], iteration_bounds = array<i64: 2, 16>, scalar_prefetch = 0 : i64, scratch_operands = 8 : i64, tpu.core_type = #tpu.core_type<sc_vector_subcore>, window_params = [{transform_indices = #map}, {transform_indices = #map1}, {transform_indices = #map1}, {transform_indices = #map1}]} {
    %mul3A = arith.constant 2 : i32
    %mul3A_0 = arith.muli %arg1, %mul3A : i32
    %add3A = arith.addi %mul3A_0, %arg0 : i32
    %broadcast_in_dim3A = arith.constant 0.000000e+00 : f32
    %broadcast_in_dim3A_1 = vector.broadcast %broadcast_in_dim3A : f32 to vector<16xf32>
    %scan3A = arith.constant 0 : i32
    %scan3A_2 = arith.constant 0 : i32
    %scan3A_3 = arith.constant 20 : i32
    %scan3A_4 = arith.addi %scan3A_2, %scan3A_3 : i32
    %scan3A_5 = arith.constant 1 : i32
    %scan3A_6 = scf.for %scan3A_407 = %scan3A_2 to %scan3A_4 step %scan3A_5 iter_args(%scan3A_408 = %scan3A) -> (i32)  : i32 {
      %swap3A = arith.index_cast %scan3A_407 : i32 to index
      %swap3A_409 = arith.constant 0 : index
      %swap3A_410 = tpu.vector_load %arg10[%swap3A, %swap3A_409] {strides = array<i32>} : memref<20x128xf32, #tpu.memory_space<vmem>>, vector<1x16xf32>,
      %swap3A_411 = vector.shape_cast %swap3A_410 : vector<1x16xf32> to vector<16xf32>
      %swap3A_412 = vector.shape_cast %broadcast_in_dim3A_1 : vector<16xf32> to vector<1x16xf32>
      tpu.vector_store %arg10[%swap3A, %swap3A_409], %swap3A_412 {strides = array<i32>} : memref<20x128xf32, #tpu.memory_space<vmem>>, vector<1x16xf32>,
      %swap3A_413 = arith.index_cast %scan3A_407 : i32 to index
      %swap3A_414 = arith.constant 16 : index
      %swap3A_415 = tpu.vector_load %arg10[%swap3A_413, %swap3A_414] {strides = array<i32>} : memref<20x128xf32, #tpu.memory_space<vmem>>, vector<1x16xf32>,
      %swap3A_416 = vector.shape_cast %swap3A_415 : vector<1x16xf32> to vector<16xf32>
      %swap3A_417 = vector.shape_cast %broadcast_in_dim3A_1 : vector<16xf32> to vector<1x16xf32>
      tpu.vector_store %arg10[%swap3A_413, %swap3A_414], %swap3A_417 {strides = array<i32>} : memref<20x128xf32, #tpu.memory_space<vmem>>, vector<1x16xf32>,
      %swap3A_418 = arith.index_cast %scan3A_407 : i32 to index
      %swap3A_419 = arith.constant 32 : index
      %swap3A_420 = tpu.vector_load %arg10[%swap3A_418, %swap3A_419] {strides = array<i32>} : memref<20x128xf32, #tpu.memory_space<vmem>>, vector<1x16xf32>,
      %swap3A_421 = vector.shape_cast %swap3A_420 : vector<1x16xf32> to vector<16xf32>
      %swap3A_422 = vector.shape_cast %broadcast_in_dim3A_1 : vector<16xf32> to vector<1x16xf32>
      tpu.vector_store %arg10[%swap3A_418, %swap3A_419], %swap3A_422 {strides = array<i32>} : memref<20x128xf32, #tpu.memory_space<vmem>>, vector<1x16xf32>,
      %swap3A_423 = arith.index_cast %scan3A_407 : i32 to index
      %swap3A_424 = arith.constant 48 : index
      %swap3A_425 = tpu.vector_load %arg10[%swap3A_423, %swap3A_424] {strides = array<i32>} : memref<20x128xf32, #tpu.memory_space<vmem>>, vector<1x16xf32>,
      %swap3A_426 = vector.shape_cast %swap3A_425 : vector<1x16xf32> to vector<16xf32>
      %swap3A_427 = vector.shape_cast %broadcast_in_dim3A_1 : vector<16xf32> to vector<1x16xf32>
      tpu.vector_store %arg10[%swap3A_423, %swap3A_424], %swap3A_427 {strides = array<i32>} : memref<20x128xf32, #tpu.memory_space<vmem>>, vector<1x16xf32>,
      %swap3A_428 = arith.index_cast %scan3A_407 : i32 to index
      %swap3A_429 = arith.constant 64 : index
      %swap3A_430 = tpu.vector_load %arg10[%swap3A_428, %swap3A_429] {strides = array<i32>} : memref<20x128xf32, #tpu.memory_space<vmem>>, vector<1x16xf32>,
      %swap3A_431 = vector.shape_cast %swap3A_430 : vector<1x16xf32> to vector<16xf32>
      %swap3A_432 = vector.shape_cast %broadcast_in_dim3A_1 : vector<16xf32> to vector<1x16xf32>
      tpu.vector_store %arg10[%swap3A_428, %swap3A_429], %swap3A_432 {strides = array<i32>} : memref<20x128xf32, #tpu.memory_space<vmem>>, vector<1x16xf32>,
      %swap3A_433 = arith.index_cast %scan3A_407 : i32 to index
      %swap3A_434 = arith.constant 80 : index
      %swap3A_435 = tpu.vector_load %arg10[%swap3A_433, %swap3A_434] {strides = array<i32>} : memref<20x128xf32, #tpu.memory_space<vmem>>, vector<1x16xf32>,
      %swap3A_436 = vector.shape_cast %swap3A_435 : vector<1x16xf32> to vector<16xf32>
      %swap3A_437 = vector.shape_cast %broadcast_in_dim3A_1 : vector<16xf32> to vector<1x16xf32>
      tpu.vector_store %arg10[%swap3A_433, %swap3A_434], %swap3A_437 {strides = array<i32>} : memref<20x128xf32, #tpu.memory_space<vmem>>, vector<1x16xf32>,
      %swap3A_438 = arith.index_cast %scan3A_407 : i32 to index
      %swap3A_439 = arith.constant 96 : index
      %swap3A_440 = tpu.vector_load %arg10[%swap3A_438, %swap3A_439] {strides = array<i32>} : memref<20x128xf32, #tpu.memory_space<vmem>>, vector<1x16xf32>,
      %swap3A_441 = vector.shape_cast %swap3A_440 : vector<1x16xf32> to vector<16xf32>
      %swap3A_442 = vector.shape_cast %broadcast_in_dim3A_1 : vector<16xf32> to vector<1x16xf32>
      tpu.vector_store %arg10[%swap3A_438, %swap3A_439], %swap3A_442 {strides = array<i32>} : memref<20x128xf32, #tpu.memory_space<vmem>>, vector<1x16xf32>,
      %swap3A_443 = arith.index_cast %scan3A_407 : i32 to index
      %swap3A_444 = arith.constant 112 : index
      %swap3A_445 = tpu.vector_load %arg10[%swap3A_443, %swap3A_444] {strides = array<i32>} : memref<20x128xf32, #tpu.memory_space<vmem>>, vector<1x16xf32>,
      %swap3A_446 = vector.shape_cast %swap3A_445 : vector<1x16xf32> to vector<16xf32>
      %swap3A_447 = vector.shape_cast %broadcast_in_dim3A_1 : vector<16xf32> to vector<1x16xf32>
      tpu.vector_store %arg10[%swap3A_443, %swap3A_444], %swap3A_447 {strides = array<i32>} : memref<20x128xf32, #tpu.memory_space<vmem>>, vector<1x16xf32>,
      %scan3A_448 = arith.constant 0 : i32
      scf.yield %scan3A_448 : i32
    }
    %scan3A_7 = arith.constant 20 : i32
    %mul3A_8 = arith.constant 640 : i32
    %mul3A_9 = arith.muli %arg1, %mul3A_8 : i32
    %add3A_10 = arith.constant 0 : i32
    %add3A_11 = arith.addi %mul3A_9, %add3A_10 : i32
    %dma_start3A = arith.constant 0 : i32
    %dma_start3A_12 = tpu.memref_slice %arg11[%add3A_11, %dma_start3A] : memref<10240x128xf32, #tpu.memory_space<vmem_shared>> -> memref<20x128xf32, #tpu.memory_space<vmem_shared>>
    %dma_start3A_13 = arith.constant 0 : i32
    %dma_start3A_14 = tpu.memref_slice %arg11[%add3A_11, %dma_start3A_13] : memref<10240x128xf32, #tpu.memory_space<vmem_shared>> -> memref<20x128xf32, #tpu.memory_space<vmem_shared>>
    tpu.enqueue_dma source(%arg10 : memref<20x128xf32, #tpu.memory_space<vmem>>) target(%dma_start3A_14 : memref<20x128xf32, #tpu.memory_space<vmem_shared>>) target_semaphore(%arg13 : memref<!tpu.dma_semaphore, #tpu.memory_space<semaphore_mem>>)
    %add3A_15 = arith.constant 20 : i32
    %add3A_16 = arith.addi %mul3A_9, %add3A_15 : i32
    %dma_start3A_17 = arith.constant 0 : i32
    %dma_start3A_18 = tpu.memref_slice %arg11[%add3A_16, %dma_start3A_17] : memref<10240x128xf32, #tpu.memory_space<vmem_shared>> -> memref<20x128xf32, #tpu.memory_space<vmem_shared>>
    %dma_start3A_19 = arith.constant 0 : i32
    %dma_start3A_20 = tpu.memref_slice %arg11[%add3A_16, %dma_start3A_19] : memref<10240x128xf32, #tpu.memory_space<vmem_shared>> -> memref<20x128xf32, #tpu.memory_space<vmem_shared>>
    tpu.enqueue_dma source(%arg10 : memref<20x128xf32, #tpu.memory_space<vmem>>) target(%dma_start3A_20 : memref<20x128xf32, #tpu.memory_space<vmem_shared>>) target_semaphore(%arg13 : memref<!tpu.dma_semaphore, #tpu.memory_space<semaphore_mem>>)
    %add3A_21 = arith.constant 40 : i32
    %add3A_22 = arith.addi %mul3A_9, %add3A_21 : i32
    %dma_start3A_23 = arith.constant 0 : i32
    %dma_start3A_24 = tpu.memref_slice %arg11[%add3A_22, %dma_start3A_23] : memref<10240x128xf32, #tpu.memory_space<vmem_shared>> -> memref<20x128xf32, #tpu.memory_space<vmem_shared>>
    %dma_start3A_25 = arith.constant 0 : i32
    %dma_start3A_26 = tpu.memref_slice %arg11[%add3A_22, %dma_start3A_25] : memref<10240x128xf32, #tpu.memory_space<vmem_shared>> -> memref<20x128xf32, #tpu.memory_space<vmem_shared>>
    tpu.enqueue_dma source(%arg10 : memref<20x128xf32, #tpu.memory_space<vmem>>) target(%dma_start3A_26 : memref<20x128xf32, #tpu.memory_space<vmem_shared>>) target_semaphore(%arg13 : memref<!tpu.dma_semaphore, #tpu.memory_space<semaphore_mem>>)
    %add3A_27 = arith.constant 60 : i32
    %add3A_28 = arith.addi %mul3A_9, %add3A_27 : i32
    %dma_start3A_29 = arith.constant 0 : i32
    %dma_start3A_30 = tpu.memref_slice %arg11[%add3A_28, %dma_start3A_29] : memref<10240x128xf32, #tpu.memory_space<vmem_shared>> -> memref<20x128xf32, #tpu.memory_space<vmem_shared>>
    %dma_start3A_31 = arith.constant 0 : i32
    %dma_start3A_32 = tpu.memref_slice %arg11[%add3A_28, %dma_start3A_31] : memref<10240x128xf32, #tpu.memory_space<vmem_shared>> -> memref<20x128xf32, #tpu.memory_space<vmem_shared>>
    tpu.enqueue_dma source(%arg10 : memref<20x128xf32, #tpu.memory_space<vmem>>) target(%dma_start3A_32 : memref<20x128xf32, #tpu.memory_space<vmem_shared>>) target_semaphore(%arg13 : memref<!tpu.dma_semaphore, #tpu.memory_space<semaphore_mem>>)
    %add3A_33 = arith.constant 80 : i32
    %add3A_34 = arith.addi %mul3A_9, %add3A_33 : i32
    %dma_start3A_35 = arith.constant 0 : i32
    %dma_start3A_36 = tpu.memref_slice %arg11[%add3A_34, %dma_start3A_35] : memref<10240x128xf32, #tpu.memory_space<vmem_shared>> -> memref<20x128xf32, #tpu.memory_space<vmem_shared>>
    %dma_start3A_37 = arith.constant 0 : i32
    %dma_start3A_38 = tpu.memref_slice %arg11[%add3A_34, %dma_start3A_37] : memref<10240x128xf32, #tpu.memory_space<vmem_shared>> -> memref<20x128xf32, #tpu.memory_space<vmem_shared>>
    tpu.enqueue_dma source(%arg10 : memref<20x128xf32, #tpu.memory_space<vmem>>) target(%dma_start3A_38 : memref<20x128xf32, #tpu.memory_space<vmem_shared>>) target_semaphore(%arg13 : memref<!tpu.dma_semaphore, #tpu.memory_space<semaphore_mem>>)
    %add3A_39 = arith.constant 100 : i32
    %add3A_40 = arith.addi %mul3A_9, %add3A_39 : i32
    %dma_start3A_41 = arith.constant 0 : i32
    %dma_start3A_42 = tpu.memref_slice %arg11[%add3A_40, %dma_start3A_41] : memref<10240x128xf32, #tpu.memory_space<vmem_shared>> -> memref<20x128xf32, #tpu.memory_space<vmem_shared>>
    %dma_start3A_43 = arith.constant 0 : i32
    %dma_start3A_44 = tpu.memref_slice %arg11[%add3A_40, %dma_start3A_43] : memref<10240x128xf32, #tpu.memory_space<vmem_shared>> -> memref<20x128xf32, #tpu.memory_space<vmem_shared>>
    tpu.enqueue_dma source(%arg10 : memref<20x128xf32, #tpu.memory_space<vmem>>) target(%dma_start3A_44 : memref<20x128xf32, #tpu.memory_space<vmem_shared>>) target_semaphore(%arg13 : memref<!tpu.dma_semaphore, #tpu.memory_space<semaphore_mem>>)
    %add3A_45 = arith.constant 120 : i32
    %add3A_46 = arith.addi %mul3A_9, %add3A_45 : i32
    %dma_start3A_47 = arith.constant 0 : i32
    %dma_start3A_48 = tpu.memref_slice %arg11[%add3A_46, %dma_start3A_47] : memref<10240x128xf32, #tpu.memory_space<vmem_shared>> -> memref<20x128xf32, #tpu.memory_space<vmem_shared>>
    %dma_start3A_49 = arith.constant 0 : i32
    %dma_start3A_50 = tpu.memref_slice %arg11[%add3A_46, %dma_start3A_49] : memref<10240x128xf32, #tpu.memory_space<vmem_shared>> -> memref<20x128xf32, #tpu.memory_space<vmem_shared>>
    tpu.enqueue_dma source(%arg10 : memref<20x128xf32, #tpu.memory_space<vmem>>) target(%dma_start3A_50 : memref<20x128xf32, #tpu.memory_space<vmem_shared>>) target_semaphore(%arg13 : memref<!tpu.dma_semaphore, #tpu.memory_space<semaphore_mem>>)
    %add3A_51 = arith.constant 140 : i32
    %add3A_52 = arith.addi %mul3A_9, %add3A_51 : i32
    %dma_start3A_53 = arith.constant 0 : i32
    %dma_start3A_54 = tpu.memref_slice %arg11[%add3A_52, %dma_start3A_53] : memref<10240x128xf32, #tpu.memory_space<vmem_shared>> -> memref<20x128xf32, #tpu.memory_space<vmem_shared>>
    %dma_start3A_55 = arith.constant 0 : i32
    %dma_start3A_56 = tpu.memref_slice %arg11[%add3A_52, %dma_start3A_55] : memref<10240x128xf32, #tpu.memory_space<vmem_shared>> -> memref<20x128xf32, #tpu.memory_space<vmem_shared>>
    tpu.enqueue_dma source(%arg10 : memref<20x128xf32, #tpu.memory_space<vmem>>) target(%dma_start3A_56 : memref<20x128xf32, #tpu.memory_space<vmem_shared>>) target_semaphore(%arg13 : memref<!tpu.dma_semaphore, #tpu.memory_space<semaphore_mem>>)
    %add3A_57 = arith.constant 160 : i32
    %add3A_58 = arith.addi %mul3A_9, %add3A_57 : i32
    %dma_start3A_59 = arith.constant 0 : i32
    %dma_start3A_60 = tpu.memref_slice %arg11[%add3A_58, %dma_start3A_59] : memref<10240x128xf32, #tpu.memory_space<vmem_shared>> -> memref<20x128xf32, #tpu.memory_space<vmem_shared>>
    %dma_start3A_61 = arith.constant 0 : i32
    %dma_start3A_62 = tpu.memref_slice %arg11[%add3A_58, %dma_start3A_61] : memref<10240x128xf32, #tpu.memory_space<vmem_shared>> -> memref<20x128xf32, #tpu.memory_space<vmem_shared>>
    tpu.enqueue_dma source(%arg10 : memref<20x128xf32, #tpu.memory_space<vmem>>) target(%dma_start3A_62 : memref<20x128xf32, #tpu.memory_space<vmem_shared>>) target_semaphore(%arg13 : memref<!tpu.dma_semaphore, #tpu.memory_space<semaphore_mem>>)
    %add3A_63 = arith.constant 180 : i32
    %add3A_64 = arith.addi %mul3A_9, %add3A_63 : i32
    %dma_start3A_65 = arith.constant 0 : i32
    %dma_start3A_66 = tpu.memref_slice %arg11[%add3A_64, %dma_start3A_65] : memref<10240x128xf32, #tpu.memory_space<vmem_shared>> -> memref<20x128xf32, #tpu.memory_space<vmem_shared>>
    %dma_start3A_67 = arith.constant 0 : i32
    %dma_start3A_68 = tpu.memref_slice %arg11[%add3A_64, %dma_start3A_67] : memref<10240x128xf32, #tpu.memory_space<vmem_shared>> -> memref<20x128xf32, #tpu.memory_space<vmem_shared>>
    tpu.enqueue_dma source(%arg10 : memref<20x128xf32, #tpu.memory_space<vmem>>) target(%dma_start3A_68 : memref<20x128xf32, #tpu.memory_space<vmem_shared>>) target_semaphore(%arg13 : memref<!tpu.dma_semaphore, #tpu.memory_space<semaphore_mem>>)
    %add3A_69 = arith.constant 200 : i32
    %add3A_70 = arith.addi %mul3A_9, %add3A_69 : i32
    %dma_start3A_71 = arith.constant 0 : i32
    %dma_start3A_72 = tpu.memref_slice %arg11[%add3A_70, %dma_start3A_71] : memref<10240x128xf32, #tpu.memory_space<vmem_shared>> -> memref<20x128xf32, #tpu.memory_space<vmem_shared>>
    %dma_start3A_73 = arith.constant 0 : i32
    %dma_start3A_74 = tpu.memref_slice %arg11[%add3A_70, %dma_start3A_73] : memref<10240x128xf32, #tpu.memory_space<vmem_shared>> -> memref<20x128xf32, #tpu.memory_space<vmem_shared>>
    tpu.enqueue_dma source(%arg10 : memref<20x128xf32, #tpu.memory_space<vmem>>) target(%dma_start3A_74 : memref<20x128xf32, #tpu.memory_space<vmem_shared>>) target_semaphore(%arg13 : memref<!tpu.dma_semaphore, #tpu.memory_space<semaphore_mem>>)
    %add3A_75 = arith.constant 220 : i32
    %add3A_76 = arith.addi %mul3A_9, %add3A_75 : i32
    %dma_start3A_77 = arith.constant 0 : i32
    %dma_start3A_78 = tpu.memref_slice %arg11[%add3A_76, %dma_start3A_77] : memref<10240x128xf32, #tpu.memory_space<vmem_shared>> -> memref<20x128xf32, #tpu.memory_space<vmem_shared>>
    %dma_start3A_79 = arith.constant 0 : i32
    %dma_start3A_80 = tpu.memref_slice %arg11[%add3A_76, %dma_start3A_79] : memref<10240x128xf32, #tpu.memory_space<vmem_shared>> -> memref<20x128xf32, #tpu.memory_space<vmem_shared>>
    tpu.enqueue_dma source(%arg10 : memref<20x128xf32, #tpu.memory_space<vmem>>) target(%dma_start3A_80 : memref<20x128xf32, #tpu.memory_space<vmem_shared>>) target_semaphore(%arg13 : memref<!tpu.dma_semaphore, #tpu.memory_space<semaphore_mem>>)
    %add3A_81 = arith.constant 240 : i32
    %add3A_82 = arith.addi %mul3A_9, %add3A_81 : i32
    %dma_start3A_83 = arith.constant 0 : i32
    %dma_start3A_84 = tpu.memref_slice %arg11[%add3A_82, %dma_start3A_83] : memref<10240x128xf32, #tpu.memory_space<vmem_shared>> -> memref<20x128xf32, #tpu.memory_space<vmem_shared>>
    %dma_start3A_85 = arith.constant 0 : i32
    %dma_start3A_86 = tpu.memref_slice %arg11[%add3A_82, %dma_start3A_85] : memref<10240x128xf32, #tpu.memory_space<vmem_shared>> -> memref<20x128xf32, #tpu.memory_space<vmem_shared>>
    tpu.enqueue_dma source(%arg10 : memref<20x128xf32, #tpu.memory_space<vmem>>) target(%dma_start3A_86 : memref<20x128xf32, #tpu.memory_space<vmem_shared>>) target_semaphore(%arg13 : memref<!tpu.dma_semaphore, #tpu.memory_space<semaphore_mem>>)
    %add3A_87 = arith.constant 260 : i32
    %add3A_88 = arith.addi %mul3A_9, %add3A_87 : i32
    %dma_start3A_89 = arith.constant 0 : i32
    %dma_start3A_90 = tpu.memref_slice %arg11[%add3A_88, %dma_start3A_89] : memref<10240x128xf32, #tpu.memory_space<vmem_shared>> -> memref<20x128xf32, #tpu.memory_space<vmem_shared>>
    %dma_start3A_91 = arith.constant 0 : i32
    %dma_start3A_92 = tpu.memref_slice %arg11[%add3A_88, %dma_start3A_91] : memref<10240x128xf32, #tpu.memory_space<vmem_shared>> -> memref<20x128xf32, #tpu.memory_space<vmem_shared>>
    tpu.enqueue_dma source(%arg10 : memref<20x128xf32, #tpu.memory_space<vmem>>) target(%dma_start3A_92 : memref<20x128xf32, #tpu.memory_space<vmem_shared>>) target_semaphore(%arg13 : memref<!tpu.dma_semaphore, #tpu.memory_space<semaphore_mem>>)
    %add3A_93 = arith.constant 280 : i32
    %add3A_94 = arith.addi %mul3A_9, %add3A_93 : i32
    %dma_start3A_95 = arith.constant 0 : i32
    %dma_start3A_96 = tpu.memref_slice %arg11[%add3A_94, %dma_start3A_95] : memref<10240x128xf32, #tpu.memory_space<vmem_shared>> -> memref<20x128xf32, #tpu.memory_space<vmem_shared>>
    %dma_start3A_97 = arith.constant 0 : i32
    %dma_start3A_98 = tpu.memref_slice %arg11[%add3A_94, %dma_start3A_97] : memref<10240x128xf32, #tpu.memory_space<vmem_shared>> -> memref<20x128xf32, #tpu.memory_space<vmem_shared>>
    tpu.enqueue_dma source(%arg10 : memref<20x128xf32, #tpu.memory_space<vmem>>) target(%dma_start3A_98 : memref<20x128xf32, #tpu.memory_space<vmem_shared>>) target_semaphore(%arg13 : memref<!tpu.dma_semaphore, #tpu.memory_space<semaphore_mem>>)
    %add3A_99 = arith.constant 300 : i32
    %add3A_100 = arith.addi %mul3A_9, %add3A_99 : i32
    %dma_start3A_101 = arith.constant 0 : i32
    %dma_start3A_102 = tpu.memref_slice %arg11[%add3A_100, %dma_start3A_101] : memref<10240x128xf32, #tpu.memory_space<vmem_shared>> -> memref<20x128xf32, #tpu.memory_space<vmem_shared>>
    %dma_start3A_103 = arith.constant 0 : i32
    %dma_start3A_104 = tpu.memref_slice %arg11[%add3A_100, %dma_start3A_103] : memref<10240x128xf32, #tpu.memory_space<vmem_shared>> -> memref<20x128xf32, #tpu.memory_space<vmem_shared>>
    tpu.enqueue_dma source(%arg10 : memref<20x128xf32, #tpu.memory_space<vmem>>) target(%dma_start3A_104 : memref<20x128xf32, #tpu.memory_space<vmem_shared>>) target_semaphore(%arg13 : memref<!tpu.dma_semaphore, #tpu.memory_space<semaphore_mem>>)
    %add3A_105 = arith.constant 320 : i32
    %add3A_106 = arith.addi %mul3A_9, %add3A_105 : i32
    %dma_start3A_107 = arith.constant 0 : i32
    %dma_start3A_108 = tpu.memref_slice %arg11[%add3A_106, %dma_start3A_107] : memref<10240x128xf32, #tpu.memory_space<vmem_shared>> -> memref<20x128xf32, #tpu.memory_space<vmem_shared>>
    %dma_start3A_109 = arith.constant 0 : i32
    %dma_start3A_110 = tpu.memref_slice %arg11[%add3A_106, %dma_start3A_109] : memref<10240x128xf32, #tpu.memory_space<vmem_shared>> -> memref<20x128xf32, #tpu.memory_space<vmem_shared>>
    tpu.enqueue_dma source(%arg10 : memref<20x128xf32, #tpu.memory_space<vmem>>) target(%dma_start3A_110 : memref<20x128xf32, #tpu.memory_space<vmem_shared>>) target_semaphore(%arg13 : memref<!tpu.dma_semaphore, #tpu.memory_space<semaphore_mem>>)
    %add3A_111 = arith.constant 340 : i32
    %add3A_112 = arith.addi %mul3A_9, %add3A_111 : i32
    %dma_start3A_113 = arith.constant 0 : i32
    %dma_start3A_114 = tpu.memref_slice %arg11[%add3A_112, %dma_start3A_113] : memref<10240x128xf32, #tpu.memory_space<vmem_shared>> -> memref<20x128xf32, #tpu.memory_space<vmem_shared>>
    %dma_start3A_115 = arith.constant 0 : i32
    %dma_start3A_116 = tpu.memref_slice %arg11[%add3A_112, %dma_start3A_115] : memref<10240x128xf32, #tpu.memory_space<vmem_shared>> -> memref<20x128xf32, #tpu.memory_space<vmem_shared>>
    tpu.enqueue_dma source(%arg10 : memref<20x128xf32, #tpu.memory_space<vmem>>) target(%dma_start3A_116 : memref<20x128xf32, #tpu.memory_space<vmem_shared>>) target_semaphore(%arg13 : memref<!tpu.dma_semaphore, #tpu.memory_space<semaphore_mem>>)
    %add3A_117 = arith.constant 360 : i32
    %add3A_118 = arith.addi %mul3A_9, %add3A_117 : i32
    %dma_start3A_119 = arith.constant 0 : i32
    %dma_start3A_120 = tpu.memref_slice %arg11[%add3A_118, %dma_start3A_119] : memref<10240x128xf32, #tpu.memory_space<vmem_shared>> -> memref<20x128xf32, #tpu.memory_space<vmem_shared>>
    %dma_start3A_121 = arith.constant 0 : i32
    %dma_start3A_122 = tpu.memref_slice %arg11[%add3A_118, %dma_start3A_121] : memref<10240x128xf32, #tpu.memory_space<vmem_shared>> -> memref<20x128xf32, #tpu.memory_space<vmem_shared>>
    tpu.enqueue_dma source(%arg10 : memref<20x128xf32, #tpu.memory_space<vmem>>) target(%dma_start3A_122 : memref<20x128xf32, #tpu.memory_space<vmem_shared>>) target_semaphore(%arg13 : memref<!tpu.dma_semaphore, #tpu.memory_space<semaphore_mem>>)
    %add3A_123 = arith.constant 380 : i32
    %add3A_124 = arith.addi %mul3A_9, %add3A_123 : i32
    %dma_start3A_125 = arith.constant 0 : i32
    %dma_start3A_126 = tpu.memref_slice %arg11[%add3A_124, %dma_start3A_125] : memref<10240x128xf32, #tpu.memory_space<vmem_shared>> -> memref<20x128xf32, #tpu.memory_space<vmem_shared>>
    %dma_start3A_127 = arith.constant 0 : i32
    %dma_start3A_128 = tpu.memref_slice %arg11[%add3A_124, %dma_start3A_127] : memref<10240x128xf32, #tpu.memory_space<vmem_shared>> -> memref<20x128xf32, #tpu.memory_space<vmem_shared>>
    tpu.enqueue_dma source(%arg10 : memref<20x128xf32, #tpu.memory_space<vmem>>) target(%dma_start3A_128 : memref<20x128xf32, #tpu.memory_space<vmem_shared>>) target_semaphore(%arg13 : memref<!tpu.dma_semaphore, #tpu.memory_space<semaphore_mem>>)
    %add3A_129 = arith.constant 400 : i32
    %add3A_130 = arith.addi %mul3A_9, %add3A_129 : i32
    %dma_start3A_131 = arith.constant 0 : i32
    %dma_start3A_132 = tpu.memref_slice %arg11[%add3A_130, %dma_start3A_131] : memref<10240x128xf32, #tpu.memory_space<vmem_shared>> -> memref<20x128xf32, #tpu.memory_space<vmem_shared>>
    %dma_start3A_133 = arith.constant 0 : i32
    %dma_start3A_134 = tpu.memref_slice %arg11[%add3A_130, %dma_start3A_133] : memref<10240x128xf32, #tpu.memory_space<vmem_shared>> -> memref<20x128xf32, #tpu.memory_space<vmem_shared>>
    tpu.enqueue_dma source(%arg10 : memref<20x128xf32, #tpu.memory_space<vmem>>) target(%dma_start3A_134 : memref<20x128xf32, #tpu.memory_space<vmem_shared>>) target_semaphore(%arg13 : memref<!tpu.dma_semaphore, #tpu.memory_space<semaphore_mem>>)
    %add3A_135 = arith.constant 420 : i32
    %add3A_136 = arith.addi %mul3A_9, %add3A_135 : i32
    %dma_start3A_137 = arith.constant 0 : i32
    %dma_start3A_138 = tpu.memref_slice %arg11[%add3A_136, %dma_start3A_137] : memref<10240x128xf32, #tpu.memory_space<vmem_shared>> -> memref<20x128xf32, #tpu.memory_space<vmem_shared>>
    %dma_start3A_139 = arith.constant 0 : i32
    %dma_start3A_140 = tpu.memref_slice %arg11[%add3A_136, %dma_start3A_139] : memref<10240x128xf32, #tpu.memory_space<vmem_shared>> -> memref<20x128xf32, #tpu.memory_space<vmem_shared>>
    tpu.enqueue_dma source(%arg10 : memref<20x128xf32, #tpu.memory_space<vmem>>) target(%dma_start3A_140 : memref<20x128xf32, #tpu.memory_space<vmem_shared>>) target_semaphore(%arg13 : memref<!tpu.dma_semaphore, #tpu.memory_space<semaphore_mem>>)
    %add3A_141 = arith.constant 440 : i32
    %add3A_142 = arith.addi %mul3A_9, %add3A_141 : i32
    %dma_start3A_143 = arith.constant 0 : i32
    %dma_start3A_144 = tpu.memref_slice %arg11[%add3A_142, %dma_start3A_143] : memref<10240x128xf32, #tpu.memory_space<vmem_shared>> -> memref<20x128xf32, #tpu.memory_space<vmem_shared>>
    %dma_start3A_145 = arith.constant 0 : i32
    %dma_start3A_146 = tpu.memref_slice %arg11[%add3A_142, %dma_start3A_145] : memref<10240x128xf32, #tpu.memory_space<vmem_shared>> -> memref<20x128xf32, #tpu.memory_space<vmem_shared>>
    tpu.enqueue_dma source(%arg10 : memref<20x128xf32, #tpu.memory_space<vmem>>) target(%dma_start3A_146 : memref<20x128xf32, #tpu.memory_space<vmem_shared>>) target_semaphore(%arg13 : memref<!tpu.dma_semaphore, #tpu.memory_space<semaphore_mem>>)
    %add3A_147 = arith.constant 460 : i32
    %add3A_148 = arith.addi %mul3A_9, %add3A_147 : i32
    %dma_start3A_149 = arith.constant 0 : i32
    %dma_start3A_150 = tpu.memref_slice %arg11[%add3A_148, %dma_start3A_149] : memref<10240x128xf32, #tpu.memory_space<vmem_shared>> -> memref<20x128xf32, #tpu.memory_space<vmem_shared>>
    %dma_start3A_151 = arith.constant 0 : i32
    %dma_start3A_152 = tpu.memref_slice %arg11[%add3A_148, %dma_start3A_151] : memref<10240x128xf32, #tpu.memory_space<vmem_shared>> -> memref<20x128xf32, #tpu.memory_space<vmem_shared>>
    tpu.enqueue_dma source(%arg10 : memref<20x128xf32, #tpu.memory_space<vmem>>) target(%dma_start3A_152 : memref<20x128xf32, #tpu.memory_space<vmem_shared>>) target_semaphore(%arg13 : memref<!tpu.dma_semaphore, #tpu.memory_space<semaphore_mem>>)
    %add3A_153 = arith.constant 480 : i32
    %add3A_154 = arith.addi %mul3A_9, %add3A_153 : i32
    %dma_start3A_155 = arith.constant 0 : i32
    %dma_start3A_156 = tpu.memref_slice %arg11[%add3A_154, %dma_start3A_155] : memref<10240x128xf32, #tpu.memory_space<vmem_shared>> -> memref<20x128xf32, #tpu.memory_space<vmem_shared>>
    %dma_start3A_157 = arith.constant 0 : i32
    %dma_start3A_158 = tpu.memref_slice %arg11[%add3A_154, %dma_start3A_157] : memref<10240x128xf32, #tpu.memory_space<vmem_shared>> -> memref<20x128xf32, #tpu.memory_space<vmem_shared>>
    tpu.enqueue_dma source(%arg10 : memref<20x128xf32, #tpu.memory_space<vmem>>) target(%dma_start3A_158 : memref<20x128xf32, #tpu.memory_space<vmem_shared>>) target_semaphore(%arg13 : memref<!tpu.dma_semaphore, #tpu.memory_space<semaphore_mem>>)
    %add3A_159 = arith.constant 500 : i32
    %add3A_160 = arith.addi %mul3A_9, %add3A_159 : i32
    %dma_start3A_161 = arith.constant 0 : i32
    %dma_start3A_162 = tpu.memref_slice %arg11[%add3A_160, %dma_start3A_161] : memref<10240x128xf32, #tpu.memory_space<vmem_shared>> -> memref<20x128xf32, #tpu.memory_space<vmem_shared>>
    %dma_start3A_163 = arith.constant 0 : i32
    %dma_start3A_164 = tpu.memref_slice %arg11[%add3A_160, %dma_start3A_163] : memref<10240x128xf32, #tpu.memory_space<vmem_shared>> -> memref<20x128xf32, #tpu.memory_space<vmem_shared>>
    tpu.enqueue_dma source(%arg10 : memref<20x128xf32, #tpu.memory_space<vmem>>) target(%dma_start3A_164 : memref<20x128xf32, #tpu.memory_space<vmem_shared>>) target_semaphore(%arg13 : memref<!tpu.dma_semaphore, #tpu.memory_space<semaphore_mem>>)
    %add3A_165 = arith.constant 520 : i32
    %add3A_166 = arith.addi %mul3A_9, %add3A_165 : i32
    %dma_start3A_167 = arith.constant 0 : i32
    %dma_start3A_168 = tpu.memref_slice %arg11[%add3A_166, %dma_start3A_167] : memref<10240x128xf32, #tpu.memory_space<vmem_shared>> -> memref<20x128xf32, #tpu.memory_space<vmem_shared>>
    %dma_start3A_169 = arith.constant 0 : i32
    %dma_start3A_170 = tpu.memref_slice %arg11[%add3A_166, %dma_start3A_169] : memref<10240x128xf32, #tpu.memory_space<vmem_shared>> -> memref<20x128xf32, #tpu.memory_space<vmem_shared>>
    tpu.enqueue_dma source(%arg10 : memref<20x128xf32, #tpu.memory_space<vmem>>) target(%dma_start3A_170 : memref<20x128xf32, #tpu.memory_space<vmem_shared>>) target_semaphore(%arg13 : memref<!tpu.dma_semaphore, #tpu.memory_space<semaphore_mem>>)
    %add3A_171 = arith.constant 540 : i32
    %add3A_172 = arith.addi %mul3A_9, %add3A_171 : i32
    %dma_start3A_173 = arith.constant 0 : i32
    %dma_start3A_174 = tpu.memref_slice %arg11[%add3A_172, %dma_start3A_173] : memref<10240x128xf32, #tpu.memory_space<vmem_shared>> -> memref<20x128xf32, #tpu.memory_space<vmem_shared>>
    %dma_start3A_175 = arith.constant 0 : i32
    %dma_start3A_176 = tpu.memref_slice %arg11[%add3A_172, %dma_start3A_175] : memref<10240x128xf32, #tpu.memory_space<vmem_shared>> -> memref<20x128xf32, #tpu.memory_space<vmem_shared>>
    tpu.enqueue_dma source(%arg10 : memref<20x128xf32, #tpu.memory_space<vmem>>) target(%dma_start3A_176 : memref<20x128xf32, #tpu.memory_space<vmem_shared>>) target_semaphore(%arg13 : memref<!tpu.dma_semaphore, #tpu.memory_space<semaphore_mem>>)
    %add3A_177 = arith.constant 560 : i32
    %add3A_178 = arith.addi %mul3A_9, %add3A_177 : i32
    %dma_start3A_179 = arith.constant 0 : i32
    %dma_start3A_180 = tpu.memref_slice %arg11[%add3A_178, %dma_start3A_179] : memref<10240x128xf32, #tpu.memory_space<vmem_shared>> -> memref<20x128xf32, #tpu.memory_space<vmem_shared>>
    %dma_start3A_181 = arith.constant 0 : i32
    %dma_start3A_182 = tpu.memref_slice %arg11[%add3A_178, %dma_start3A_181] : memref<10240x128xf32, #tpu.memory_space<vmem_shared>> -> memref<20x128xf32, #tpu.memory_space<vmem_shared>>
    tpu.enqueue_dma source(%arg10 : memref<20x128xf32, #tpu.memory_space<vmem>>) target(%dma_start3A_182 : memref<20x128xf32, #tpu.memory_space<vmem_shared>>) target_semaphore(%arg13 : memref<!tpu.dma_semaphore, #tpu.memory_space<semaphore_mem>>)
    %add3A_183 = arith.constant 580 : i32
    %add3A_184 = arith.addi %mul3A_9, %add3A_183 : i32
    %dma_start3A_185 = arith.constant 0 : i32
    %dma_start3A_186 = tpu.memref_slice %arg11[%add3A_184, %dma_start3A_185] : memref<10240x128xf32, #tpu.memory_space<vmem_shared>> -> memref<20x128xf32, #tpu.memory_space<vmem_shared>>
    %dma_start3A_187 = arith.constant 0 : i32
    %dma_start3A_188 = tpu.memref_slice %arg11[%add3A_184, %dma_start3A_187] : memref<10240x128xf32, #tpu.memory_space<vmem_shared>> -> memref<20x128xf32, #tpu.memory_space<vmem_shared>>
    tpu.enqueue_dma source(%arg10 : memref<20x128xf32, #tpu.memory_space<vmem>>) target(%dma_start3A_188 : memref<20x128xf32, #tpu.memory_space<vmem_shared>>) target_semaphore(%arg13 : memref<!tpu.dma_semaphore, #tpu.memory_space<semaphore_mem>>)
    %add3A_189 = arith.constant 600 : i32
    %add3A_190 = arith.addi %mul3A_9, %add3A_189 : i32
    %dma_start3A_191 = arith.constant 0 : i32
    %dma_start3A_192 = tpu.memref_slice %arg11[%add3A_190, %dma_start3A_191] : memref<10240x128xf32, #tpu.memory_space<vmem_shared>> -> memref<20x128xf32, #tpu.memory_space<vmem_shared>>
    %dma_start3A_193 = arith.constant 0 : i32
    %dma_start3A_194 = tpu.memref_slice %arg11[%add3A_190, %dma_start3A_193] : memref<10240x128xf32, #tpu.memory_space<vmem_shared>> -> memref<20x128xf32, #tpu.memory_space<vmem_shared>>
    tpu.enqueue_dma source(%arg10 : memref<20x128xf32, #tpu.memory_space<vmem>>) target(%dma_start3A_194 : memref<20x128xf32, #tpu.memory_space<vmem_shared>>) target_semaphore(%arg13 : memref<!tpu.dma_semaphore, #tpu.memory_space<semaphore_mem>>)
    %add3A_195 = arith.constant 620 : i32
    %add3A_196 = arith.addi %mul3A_9, %add3A_195 : i32
    %dma_start3A_197 = arith.constant 0 : i32
    %dma_start3A_198 = tpu.memref_slice %arg11[%add3A_196, %dma_start3A_197] : memref<10240x128xf32, #tpu.memory_space<vmem_shared>> -> memref<20x128xf32, #tpu.memory_space<vmem_shared>>
    %dma_start3A_199 = arith.constant 0 : i32
    %dma_start3A_200 = tpu.memref_slice %arg11[%add3A_196, %dma_start3A_199] : memref<10240x128xf32, #tpu.memory_space<vmem_shared>> -> memref<20x128xf32, #tpu.memory_space<vmem_shared>>
    tpu.enqueue_dma source(%arg10 : memref<20x128xf32, #tpu.memory_space<vmem>>) target(%dma_start3A_200 : memref<20x128xf32, #tpu.memory_space<vmem_shared>>) target_semaphore(%arg13 : memref<!tpu.dma_semaphore, #tpu.memory_space<semaphore_mem>>)
    "tpu.region"() ({
      %run_scoped3A = tpu.sem_alloc : memref<!tpu.dma_semaphore, #tpu.memory_space<semaphore_mem>>
      %dma_start3A_407 = arith.constant 0 : i32
      %dma_start3A_408 = arith.constant 0 : i32
      %dma_start3A_409 = tpu.memref_slice %arg3[%add3A, %dma_start3A_407, %dma_start3A_408] : memref<32x100x100xi32, #tpu.memory_space<hbm>> -> memref<1x100x100xi32, #tpu.memory_space<hbm>>
      %dma_start3A_410 = tpu.memref_squeeze %dma_start3A_409 : memref<1x100x100xi32, #tpu.memory_space<hbm>> -> memref<100x100xi32, #tpu.memory_space<hbm>>
      %dma_start3A_411 = arith.constant 0 : i32
      %dma_start3A_412 = arith.constant 0 : i32
      %dma_start3A_413 = tpu.memref_slice %arg3[%add3A, %dma_start3A_411, %dma_start3A_412] : memref<32x100x100xi32, #tpu.memory_space<hbm>> -> memref<1x100x100xi32, #tpu.memory_space<hbm>>
      %dma_start3A_414 = tpu.memref_squeeze %dma_start3A_413 : memref<1x100x100xi32, #tpu.memory_space<hbm>> -> memref<100x100xi32, #tpu.memory_space<hbm>>
      tpu.enqueue_dma source(%dma_start3A_414 : memref<100x100xi32, #tpu.memory_space<hbm>>) target(%arg6 : memref<100x100xi32, #tpu.memory_space<vmem>>) target_semaphore(%run_scoped3A : memref<!tpu.dma_semaphore, #tpu.memory_space<semaphore_mem>>)
      %dma_wait3A_415 = arith.constant 0 : i32
      %dma_wait3A_416 = arith.constant 0 : i32
      %dma_wait3A_417 = tpu.memref_slice %arg3[%add3A, %dma_wait3A_415, %dma_wait3A_416] : memref<32x100x100xi32, #tpu.memory_space<hbm>> -> memref<1x100x100xi32, #tpu.memory_space<hbm>>
      %dma_wait3A_418 = tpu.memref_squeeze %dma_wait3A_417 : memref<1x100x100xi32, #tpu.memory_space<hbm>> -> memref<100x100xi32, #tpu.memory_space<hbm>>
      %dma_wait3A_419 = arith.constant 0 : i32
      %dma_wait3A_420 = arith.constant 0 : i32
      %dma_wait3A_421 = tpu.memref_slice %arg3[%add3A, %dma_wait3A_419, %dma_wait3A_420] : memref<32x100x100xi32, #tpu.memory_space<hbm>> -> memref<1x100x100xi32, #tpu.memory_space<hbm>>
      %dma_wait3A_422 = tpu.memref_squeeze %dma_wait3A_421 : memref<1x100x100xi32, #tpu.memory_space<hbm>> -> memref<100x100xi32, #tpu.memory_space<hbm>>
      tpu.wait_dma2 semaphore(%run_scoped3A : memref<!tpu.dma_semaphore, #tpu.memory_space<semaphore_mem>>) src(%dma_wait3A_422 : memref<100x100xi32, #tpu.memory_space<hbm>>) dst(%arg6 : memref<100x100xi32, #tpu.memory_space<vmem>>)
      tpu.yield
    }) : () -> ()
    "tpu.region"() ({
      %run_scoped3A = tpu.sem_alloc : memref<!tpu.dma_semaphore, #tpu.memory_space<semaphore_mem>>
      %dma_start3A_407 = arith.constant 0 : i32
      %dma_start3A_408 = arith.constant 0 : i32
      %dma_start3A_409 = tpu.memref_slice %arg4[%add3A, %dma_start3A_407, %dma_start3A_408] : memref<32x100x100xi32, #tpu.memory_space<hbm>> -> memref<1x100x100xi32, #tpu.memory_space<hbm>>
      %dma_start3A_410 = tpu.memref_squeeze %dma_start3A_409 : memref<1x100x100xi32, #tpu.memory_space<hbm>> -> memref<100x100xi32, #tpu.memory_space<hbm>>
      %dma_start3A_411 = arith.constant 0 : i32
      %dma_start3A_412 = arith.constant 0 : i32
      %dma_start3A_413 = tpu.memref_slice %arg4[%add3A, %dma_start3A_411, %dma_start3A_412] : memref<32x100x100xi32, #tpu.memory_space<hbm>> -> memref<1x100x100xi32, #tpu.memory_space<hbm>>
      %dma_start3A_414 = tpu.memref_squeeze %dma_start3A_413 : memref<1x100x100xi32, #tpu.memory_space<hbm>> -> memref<100x100xi32, #tpu.memory_space<hbm>>
      tpu.enqueue_dma source(%dma_start3A_414 : memref<100x100xi32, #tpu.memory_space<hbm>>) target(%arg7 : memref<100x100xi32, #tpu.memory_space<vmem>>) target_semaphore(%run_scoped3A : memref<!tpu.dma_semaphore, #tpu.memory_space<semaphore_mem>>)
      %dma_wait3A_415 = arith.constant 0 : i32
      %dma_wait3A_416 = arith.constant 0 : i32
      %dma_wait3A_417 = tpu.memref_slice %arg4[%add3A, %dma_wait3A_415, %dma_wait3A_416] : memref<32x100x100xi32, #tpu.memory_space<hbm>> -> memref<1x100x100xi32, #tpu.memory_space<hbm>>
      %dma_wait3A_418 = tpu.memref_squeeze %dma_wait3A_417 : memref<1x100x100xi32, #tpu.memory_space<hbm>> -> memref<100x100xi32, #tpu.memory_space<hbm>>
      %dma_wait3A_419 = arith.constant 0 : i32
      %dma_wait3A_420 = arith.constant 0 : i32
      %dma_wait3A_421 = tpu.memref_slice %arg4[%add3A, %dma_wait3A_419, %dma_wait3A_420] : memref<32x100x100xi32, #tpu.memory_space<hbm>> -> memref<1x100x100xi32, #tpu.memory_space<hbm>>
      %dma_wait3A_422 = tpu.memref_squeeze %dma_wait3A_421 : memref<1x100x100xi32, #tpu.memory_space<hbm>> -> memref<100x100xi32, #tpu.memory_space<hbm>>
      tpu.wait_dma2 semaphore(%run_scoped3A : memref<!tpu.dma_semaphore, #tpu.memory_space<semaphore_mem>>) src(%dma_wait3A_422 : memref<100x100xi32, #tpu.memory_space<hbm>>) dst(%arg7 : memref<100x100xi32, #tpu.memory_space<vmem>>)
      tpu.yield
    }) : () -> ()
    %add3A_201 = arith.constant 0 : i32
    %add3A_202 = arith.addi %mul3A_9, %add3A_201 : i32
    %dma_wait3A = arith.constant 0 : i32
    %dma_wait3A_203 = tpu.memref_slice %arg11[%add3A_202, %dma_wait3A] : memref<10240x128xf32, #tpu.memory_space<vmem_shared>> -> memref<20x128xf32, #tpu.memory_space<vmem_shared>>
    %dma_wait3A_204 = arith.constant 0 : i32
    %dma_wait3A_205 = tpu.memref_slice %arg11[%add3A_202, %dma_wait3A_204] : memref<10240x128xf32, #tpu.memory_space<vmem_shared>> -> memref<20x128xf32, #tpu.memory_space<vmem_shared>>
    tpu.wait_dma2 semaphore(%arg13 : memref<!tpu.dma_semaphore, #tpu.memory_space<semaphore_mem>>) src(%arg10 : memref<20x128xf32, #tpu.memory_space<vmem>>) dst(%dma_wait3A_205 : memref<20x128xf32, #tpu.memory_space<vmem_shared>>)
    %add3A_206 = arith.constant 20 : i32
    %add3A_207 = arith.addi %mul3A_9, %add3A_206 : i32
    %dma_wait3A_208 = arith.constant 0 : i32
    %dma_wait3A_209 = tpu.memref_slice %arg11[%add3A_207, %dma_wait3A_208] : memref<10240x128xf32, #tpu.memory_space<vmem_shared>> -> memref<20x128xf32, #tpu.memory_space<vmem_shared>>
    %dma_wait3A_210 = arith.constant 0 : i32
    %dma_wait3A_211 = tpu.memref_slice %arg11[%add3A_207, %dma_wait3A_210] : memref<10240x128xf32, #tpu.memory_space<vmem_shared>> -> memref<20x128xf32, #tpu.memory_space<vmem_shared>>
    tpu.wait_dma2 semaphore(%arg13 : memref<!tpu.dma_semaphore, #tpu.memory_space<semaphore_mem>>) src(%arg10 : memref<20x128xf32, #tpu.memory_space<vmem>>) dst(%dma_wait3A_211 : memref<20x128xf32, #tpu.memory_space<vmem_shared>>)
    %add3A_212 = arith.constant 40 : i32
    %add3A_213 = arith.addi %mul3A_9, %add3A_212 : i32
    %dma_wait3A_214 = arith.constant 0 : i32
    %dma_wait3A_215 = tpu.memref_slice %arg11[%add3A_213, %dma_wait3A_214] : memref<10240x128xf32, #tpu.memory_space<vmem_shared>> -> memref<20x128xf32, #tpu.memory_space<vmem_shared>>
    %dma_wait3A_216 = arith.constant 0 : i32
    %dma_wait3A_217 = tpu.memref_slice %arg11[%add3A_213, %dma_wait3A_216] : memref<10240x128xf32, #tpu.memory_space<vmem_shared>> -> memref<20x128xf32, #tpu.memory_space<vmem_shared>>
    tpu.wait_dma2 semaphore(%arg13 : memref<!tpu.dma_semaphore, #tpu.memory_space<semaphore_mem>>) src(%arg10 : memref<20x128xf32, #tpu.memory_space<vmem>>) dst(%dma_wait3A_217 : memref<20x128xf32, #tpu.memory_space<vmem_shared>>)
    %add3A_218 = arith.constant 60 : i32
    %add3A_219 = arith.addi %mul3A_9, %add3A_218 : i32
    %dma_wait3A_220 = arith.constant 0 : i32
    %dma_wait3A_221 = tpu.memref_slice %arg11[%add3A_219, %dma_wait3A_220] : memref<10240x128xf32, #tpu.memory_space<vmem_shared>> -> memref<20x128xf32, #tpu.memory_space<vmem_shared>>
    %dma_wait3A_222 = arith.constant 0 : i32
    %dma_wait3A_223 = tpu.memref_slice %arg11[%add3A_219, %dma_wait3A_222] : memref<10240x128xf32, #tpu.memory_space<vmem_shared>> -> memref<20x128xf32, #tpu.memory_space<vmem_shared>>
    tpu.wait_dma2 semaphore(%arg13 : memref<!tpu.dma_semaphore, #tpu.memory_space<semaphore_mem>>) src(%arg10 : memref<20x128xf32, #tpu.memory_space<vmem>>) dst(%dma_wait3A_223 : memref<20x128xf32, #tpu.memory_space<vmem_shared>>)
    %add3A_224 = arith.constant 80 : i32
    %add3A_225 = arith.addi %mul3A_9, %add3A_224 : i32
    %dma_wait3A_226 = arith.constant 0 : i32
    %dma_wait3A_227 = tpu.memref_slice %arg11[%add3A_225, %dma_wait3A_226] : memref<10240x128xf32, #tpu.memory_space<vmem_shared>> -> memref<20x128xf32, #tpu.memory_space<vmem_shared>>
    %dma_wait3A_228 = arith.constant 0 : i32
    %dma_wait3A_229 = tpu.memref_slice %arg11[%add3A_225, %dma_wait3A_228] : memref<10240x128xf32, #tpu.memory_space<vmem_shared>> -> memref<20x128xf32, #tpu.memory_space<vmem_shared>>
    tpu.wait_dma2 semaphore(%arg13 : memref<!tpu.dma_semaphore, #tpu.memory_space<semaphore_mem>>) src(%arg10 : memref<20x128xf32, #tpu.memory_space<vmem>>) dst(%dma_wait3A_229 : memref<20x128xf32, #tpu.memory_space<vmem_shared>>)
    %add3A_230 = arith.constant 100 : i32
    %add3A_231 = arith.addi %mul3A_9, %add3A_230 : i32
    %dma_wait3A_232 = arith.constant 0 : i32
    %dma_wait3A_233 = tpu.memref_slice %arg11[%add3A_231, %dma_wait3A_232] : memref<10240x128xf32, #tpu.memory_space<vmem_shared>> -> memref<20x128xf32, #tpu.memory_space<vmem_shared>>
    %dma_wait3A_234 = arith.constant 0 : i32
    %dma_wait3A_235 = tpu.memref_slice %arg11[%add3A_231, %dma_wait3A_234] : memref<10240x128xf32, #tpu.memory_space<vmem_shared>> -> memref<20x128xf32, #tpu.memory_space<vmem_shared>>
    tpu.wait_dma2 semaphore(%arg13 : memref<!tpu.dma_semaphore, #tpu.memory_space<semaphore_mem>>) src(%arg10 : memref<20x128xf32, #tpu.memory_space<vmem>>) dst(%dma_wait3A_235 : memref<20x128xf32, #tpu.memory_space<vmem_shared>>)
    %add3A_236 = arith.constant 120 : i32
    %add3A_237 = arith.addi %mul3A_9, %add3A_236 : i32
    %dma_wait3A_238 = arith.constant 0 : i32
    %dma_wait3A_239 = tpu.memref_slice %arg11[%add3A_237, %dma_wait3A_238] : memref<10240x128xf32, #tpu.memory_space<vmem_shared>> -> memref<20x128xf32, #tpu.memory_space<vmem_shared>>
    %dma_wait3A_240 = arith.constant 0 : i32
    %dma_wait3A_241 = tpu.memref_slice %arg11[%add3A_237, %dma_wait3A_240] : memref<10240x128xf32, #tpu.memory_space<vmem_shared>> -> memref<20x128xf32, #tpu.memory_space<vmem_shared>>
    tpu.wait_dma2 semaphore(%arg13 : memref<!tpu.dma_semaphore, #tpu.memory_space<semaphore_mem>>) src(%arg10 : memref<20x128xf32, #tpu.memory_space<vmem>>) dst(%dma_wait3A_241 : memref<20x128xf32, #tpu.memory_space<vmem_shared>>)
    %add3A_242 = arith.constant 140 : i32
    %add3A_243 = arith.addi %mul3A_9, %add3A_242 : i32
    %dma_wait3A_244 = arith.constant 0 : i32
    %dma_wait3A_245 = tpu.memref_slice %arg11[%add3A_243, %dma_wait3A_244] : memref<10240x128xf32, #tpu.memory_space<vmem_shared>> -> memref<20x128xf32, #tpu.memory_space<vmem_shared>>
    %dma_wait3A_246 = arith.constant 0 : i32
    %dma_wait3A_247 = tpu.memref_slice %arg11[%add3A_243, %dma_wait3A_246] : memref<10240x128xf32, #tpu.memory_space<vmem_shared>> -> memref<20x128xf32, #tpu.memory_space<vmem_shared>>
    tpu.wait_dma2 semaphore(%arg13 : memref<!tpu.dma_semaphore, #tpu.memory_space<semaphore_mem>>) src(%arg10 : memref<20x128xf32, #tpu.memory_space<vmem>>) dst(%dma_wait3A_247 : memref<20x128xf32, #tpu.memory_space<vmem_shared>>)
    %add3A_248 = arith.constant 160 : i32
    %add3A_249 = arith.addi %mul3A_9, %add3A_248 : i32
    %dma_wait3A_250 = arith.constant 0 : i32
    %dma_wait3A_251 = tpu.memref_slice %arg11[%add3A_249, %dma_wait3A_250] : memref<10240x128xf32, #tpu.memory_space<vmem_shared>> -> memref<20x128xf32, #tpu.memory_space<vmem_shared>>
    %dma_wait3A_252 = arith.constant 0 : i32
    %dma_wait3A_253 = tpu.memref_slice %arg11[%add3A_249, %dma_wait3A_252] : memref<10240x128xf32, #tpu.memory_space<vmem_shared>> -> memref<20x128xf32, #tpu.memory_space<vmem_shared>>
    tpu.wait_dma2 semaphore(%arg13 : memref<!tpu.dma_semaphore, #tpu.memory_space<semaphore_mem>>) src(%arg10 : memref<20x128xf32, #tpu.memory_space<vmem>>) dst(%dma_wait3A_253 : memref<20x128xf32, #tpu.memory_space<vmem_shared>>)
    %add3A_254 = arith.constant 180 : i32
    %add3A_255 = arith.addi %mul3A_9, %add3A_254 : i32
    %dma_wait3A_256 = arith.constant 0 : i32
    %dma_wait3A_257 = tpu.memref_slice %arg11[%add3A_255, %dma_wait3A_256] : memref<10240x128xf32, #tpu.memory_space<vmem_shared>> -> memref<20x128xf32, #tpu.memory_space<vmem_shared>>
    %dma_wait3A_258 = arith.constant 0 : i32
    %dma_wait3A_259 = tpu.memref_slice %arg11[%add3A_255, %dma_wait3A_258] : memref<10240x128xf32, #tpu.memory_space<vmem_shared>> -> memref<20x128xf32, #tpu.memory_space<vmem_shared>>
    tpu.wait_dma2 semaphore(%arg13 : memref<!tpu.dma_semaphore, #tpu.memory_space<semaphore_mem>>) src(%arg10 : memref<20x128xf32, #tpu.memory_space<vmem>>) dst(%dma_wait3A_259 : memref<20x128xf32, #tpu.memory_space<vmem_shared>>)
    %add3A_260 = arith.constant 200 : i32
    %add3A_261 = arith.addi %mul3A_9, %add3A_260 : i32
    %dma_wait3A_262 = arith.constant 0 : i32
    %dma_wait3A_263 = tpu.memref_slice %arg11[%add3A_261, %dma_wait3A_262] : memref<10240x128xf32, #tpu.memory_space<vmem_shared>> -> memref<20x128xf32, #tpu.memory_space<vmem_shared>>
    %dma_wait3A_264 = arith.constant 0 : i32
    %dma_wait3A_265 = tpu.memref_slice %arg11[%add3A_261, %dma_wait3A_264] : memref<10240x128xf32, #tpu.memory_space<vmem_shared>> -> memref<20x128xf32, #tpu.memory_space<vmem_shared>>
    tpu.wait_dma2 semaphore(%arg13 : memref<!tpu.dma_semaphore, #tpu.memory_space<semaphore_mem>>) src(%arg10 : memref<20x128xf32, #tpu.memory_space<vmem>>) dst(%dma_wait3A_265 : memref<20x128xf32, #tpu.memory_space<vmem_shared>>)
    %add3A_266 = arith.constant 220 : i32
    %add3A_267 = arith.addi %mul3A_9, %add3A_266 : i32
    %dma_wait3A_268 = arith.constant 0 : i32
    %dma_wait3A_269 = tpu.memref_slice %arg11[%add3A_267, %dma_wait3A_268] : memref<10240x128xf32, #tpu.memory_space<vmem_shared>> -> memref<20x128xf32, #tpu.memory_space<vmem_shared>>
    %dma_wait3A_270 = arith.constant 0 : i32
    %dma_wait3A_271 = tpu.memref_slice %arg11[%add3A_267, %dma_wait3A_270] : memref<10240x128xf32, #tpu.memory_space<vmem_shared>> -> memref<20x128xf32, #tpu.memory_space<vmem_shared>>
    tpu.wait_dma2 semaphore(%arg13 : memref<!tpu.dma_semaphore, #tpu.memory_space<semaphore_mem>>) src(%arg10 : memref<20x128xf32, #tpu.memory_space<vmem>>) dst(%dma_wait3A_271 : memref<20x128xf32, #tpu.memory_space<vmem_shared>>)
    %add3A_272 = arith.constant 240 : i32
    %add3A_273 = arith.addi %mul3A_9, %add3A_272 : i32
    %dma_wait3A_274 = arith.constant 0 : i32
    %dma_wait3A_275 = tpu.memref_slice %arg11[%add3A_273, %dma_wait3A_274] : memref<10240x128xf32, #tpu.memory_space<vmem_shared>> -> memref<20x128xf32, #tpu.memory_space<vmem_shared>>
    %dma_wait3A_276 = arith.constant 0 : i32
    %dma_wait3A_277 = tpu.memref_slice %arg11[%add3A_273, %dma_wait3A_276] : memref<10240x128xf32, #tpu.memory_space<vmem_shared>> -> memref<20x128xf32, #tpu.memory_space<vmem_shared>>
    tpu.wait_dma2 semaphore(%arg13 : memref<!tpu.dma_semaphore, #tpu.memory_space<semaphore_mem>>) src(%arg10 : memref<20x128xf32, #tpu.memory_space<vmem>>) dst(%dma_wait3A_277 : memref<20x128xf32, #tpu.memory_space<vmem_shared>>)
    %add3A_278 = arith.constant 260 : i32
    %add3A_279 = arith.addi %mul3A_9, %add3A_278 : i32
    %dma_wait3A_280 = arith.constant 0 : i32
    %dma_wait3A_281 = tpu.memref_slice %arg11[%add3A_279, %dma_wait3A_280] : memref<10240x128xf32, #tpu.memory_space<vmem_shared>> -> memref<20x128xf32, #tpu.memory_space<vmem_shared>>
    %dma_wait3A_282 = arith.constant 0 : i32
    %dma_wait3A_283 = tpu.memref_slice %arg11[%add3A_279, %dma_wait3A_282] : memref<10240x128xf32, #tpu.memory_space<vmem_shared>> -> memref<20x128xf32, #tpu.memory_space<vmem_shared>>
    tpu.wait_dma2 semaphore(%arg13 : memref<!tpu.dma_semaphore, #tpu.memory_space<semaphore_mem>>) src(%arg10 : memref<20x128xf32, #tpu.memory_space<vmem>>) dst(%dma_wait3A_283 : memref<20x128xf32, #tpu.memory_space<vmem_shared>>)
    %add3A_284 = arith.constant 280 : i32
    %add3A_285 = arith.addi %mul3A_9, %add3A_284 : i32
    %dma_wait3A_286 = arith.constant 0 : i32
    %dma_wait3A_287 = tpu.memref_slice %arg11[%add3A_285, %dma_wait3A_286] : memref<10240x128xf32, #tpu.memory_space<vmem_shared>> -> memref<20x128xf32, #tpu.memory_space<vmem_shared>>
    %dma_wait3A_288 = arith.constant 0 : i32
    %dma_wait3A_289 = tpu.memref_slice %arg11[%add3A_285, %dma_wait3A_288] : memref<10240x128xf32, #tpu.memory_space<vmem_shared>> -> memref<20x128xf32, #tpu.memory_space<vmem_shared>>
    tpu.wait_dma2 semaphore(%arg13 : memref<!tpu.dma_semaphore, #tpu.memory_space<semaphore_mem>>) src(%arg10 : memref<20x128xf32, #tpu.memory_space<vmem>>) dst(%dma_wait3A_289 : memref<20x128xf32, #tpu.memory_space<vmem_shared>>)
    %add3A_290 = arith.constant 300 : i32
    %add3A_291 = arith.addi %mul3A_9, %add3A_290 : i32
    %dma_wait3A_292 = arith.constant 0 : i32
    %dma_wait3A_293 = tpu.memref_slice %arg11[%add3A_291, %dma_wait3A_292] : memref<10240x128xf32, #tpu.memory_space<vmem_shared>> -> memref<20x128xf32, #tpu.memory_space<vmem_shared>>
    %dma_wait3A_294 = arith.constant 0 : i32
    %dma_wait3A_295 = tpu.memref_slice %arg11[%add3A_291, %dma_wait3A_294] : memref<10240x128xf32, #tpu.memory_space<vmem_shared>> -> memref<20x128xf32, #tpu.memory_space<vmem_shared>>
    tpu.wait_dma2 semaphore(%arg13 : memref<!tpu.dma_semaphore, #tpu.memory_space<semaphore_mem>>) src(%arg10 : memref<20x128xf32, #tpu.memory_space<vmem>>) dst(%dma_wait3A_295 : memref<20x128xf32, #tpu.memory_space<vmem_shared>>)
    %add3A_296 = arith.constant 320 : i32
    %add3A_297 = arith.addi %mul3A_9, %add3A_296 : i32
    %dma_wait3A_298 = arith.constant 0 : i32
    %dma_wait3A_299 = tpu.memref_slice %arg11[%add3A_297, %dma_wait3A_298] : memref<10240x128xf32, #tpu.memory_space<vmem_shared>> -> memref<20x128xf32, #tpu.memory_space<vmem_shared>>
    %dma_wait3A_300 = arith.constant 0 : i32
    %dma_wait3A_301 = tpu.memref_slice %arg11[%add3A_297, %dma_wait3A_300] : memref<10240x128xf32, #tpu.memory_space<vmem_shared>> -> memref<20x128xf32, #tpu.memory_space<vmem_shared>>
    tpu.wait_dma2 semaphore(%arg13 : memref<!tpu.dma_semaphore, #tpu.memory_space<semaphore_mem>>) src(%arg10 : memref<20x128xf32, #tpu.memory_space<vmem>>) dst(%dma_wait3A_301 : memref<20x128xf32, #tpu.memory_space<vmem_shared>>)
    %add3A_302 = arith.constant 340 : i32
    %add3A_303 = arith.addi %mul3A_9, %add3A_302 : i32
    %dma_wait3A_304 = arith.constant 0 : i32
    %dma_wait3A_305 = tpu.memref_slice %arg11[%add3A_303, %dma_wait3A_304] : memref<10240x128xf32, #tpu.memory_space<vmem_shared>> -> memref<20x128xf32, #tpu.memory_space<vmem_shared>>
    %dma_wait3A_306 = arith.constant 0 : i32
    %dma_wait3A_307 = tpu.memref_slice %arg11[%add3A_303, %dma_wait3A_306] : memref<10240x128xf32, #tpu.memory_space<vmem_shared>> -> memref<20x128xf32, #tpu.memory_space<vmem_shared>>
    tpu.wait_dma2 semaphore(%arg13 : memref<!tpu.dma_semaphore, #tpu.memory_space<semaphore_mem>>) src(%arg10 : memref<20x128xf32, #tpu.memory_space<vmem>>) dst(%dma_wait3A_307 : memref<20x128xf32, #tpu.memory_space<vmem_shared>>)
    %add3A_308 = arith.constant 360 : i32
    %add3A_309 = arith.addi %mul3A_9, %add3A_308 : i32
    %dma_wait3A_310 = arith.constant 0 : i32
    %dma_wait3A_311 = tpu.memref_slice %arg11[%add3A_309, %dma_wait3A_310] : memref<10240x128xf32, #tpu.memory_space<vmem_shared>> -> memref<20x128xf32, #tpu.memory_space<vmem_shared>>
    %dma_wait3A_312 = arith.constant 0 : i32
    %dma_wait3A_313 = tpu.memref_slice %arg11[%add3A_309, %dma_wait3A_312] : memref<10240x128xf32, #tpu.memory_space<vmem_shared>> -> memref<20x128xf32, #tpu.memory_space<vmem_shared>>
    tpu.wait_dma2 semaphore(%arg13 : memref<!tpu.dma_semaphore, #tpu.memory_space<semaphore_mem>>) src(%arg10 : memref<20x128xf32, #tpu.memory_space<vmem>>) dst(%dma_wait3A_313 : memref<20x128xf32, #tpu.memory_space<vmem_shared>>)
    %add3A_314 = arith.constant 380 : i32
    %add3A_315 = arith.addi %mul3A_9, %add3A_314 : i32
    %dma_wait3A_316 = arith.constant 0 : i32
    %dma_wait3A_317 = tpu.memref_slice %arg11[%add3A_315, %dma_wait3A_316] : memref<10240x128xf32, #tpu.memory_space<vmem_shared>> -> memref<20x128xf32, #tpu.memory_space<vmem_shared>>
    %dma_wait3A_318 = arith.constant 0 : i32
    %dma_wait3A_319 = tpu.memref_slice %arg11[%add3A_315, %dma_wait3A_318] : memref<10240x128xf32, #tpu.memory_space<vmem_shared>> -> memref<20x128xf32, #tpu.memory_space<vmem_shared>>
    tpu.wait_dma2 semaphore(%arg13 : memref<!tpu.dma_semaphore, #tpu.memory_space<semaphore_mem>>) src(%arg10 : memref<20x128xf32, #tpu.memory_space<vmem>>) dst(%dma_wait3A_319 : memref<20x128xf32, #tpu.memory_space<vmem_shared>>)
    %add3A_320 = arith.constant 400 : i32
    %add3A_321 = arith.addi %mul3A_9, %add3A_320 : i32
    %dma_wait3A_322 = arith.constant 0 : i32
    %dma_wait3A_323 = tpu.memref_slice %arg11[%add3A_321, %dma_wait3A_322] : memref<10240x128xf32, #tpu.memory_space<vmem_shared>> -> memref<20x128xf32, #tpu.memory_space<vmem_shared>>
    %dma_wait3A_324 = arith.constant 0 : i32
    %dma_wait3A_325 = tpu.memref_slice %arg11[%add3A_321, %dma_wait3A_324] : memref<10240x128xf32, #tpu.memory_space<vmem_shared>> -> memref<20x128xf32, #tpu.memory_space<vmem_shared>>
    tpu.wait_dma2 semaphore(%arg13 : memref<!tpu.dma_semaphore, #tpu.memory_space<semaphore_mem>>) src(%arg10 : memref<20x128xf32, #tpu.memory_space<vmem>>) dst(%dma_wait3A_325 : memref<20x128xf32, #tpu.memory_space<vmem_shared>>)
    %add3A_326 = arith.constant 420 : i32
    %add3A_327 = arith.addi %mul3A_9, %add3A_326 : i32
    %dma_wait3A_328 = arith.constant 0 : i32
    %dma_wait3A_329 = tpu.memref_slice %arg11[%add3A_327, %dma_wait3A_328] : memref<10240x128xf32, #tpu.memory_space<vmem_shared>> -> memref<20x128xf32, #tpu.memory_space<vmem_shared>>
    %dma_wait3A_330 = arith.constant 0 : i32
    %dma_wait3A_331 = tpu.memref_slice %arg11[%add3A_327, %dma_wait3A_330] : memref<10240x128xf32, #tpu.memory_space<vmem_shared>> -> memref<20x128xf32, #tpu.memory_space<vmem_shared>>
    tpu.wait_dma2 semaphore(%arg13 : memref<!tpu.dma_semaphore, #tpu.memory_space<semaphore_mem>>) src(%arg10 : memref<20x128xf32, #tpu.memory_space<vmem>>) dst(%dma_wait3A_331 : memref<20x128xf32, #tpu.memory_space<vmem_shared>>)
    %add3A_332 = arith.constant 440 : i32
    %add3A_333 = arith.addi %mul3A_9, %add3A_332 : i32
    %dma_wait3A_334 = arith.constant 0 : i32
    %dma_wait3A_335 = tpu.memref_slice %arg11[%add3A_333, %dma_wait3A_334] : memref<10240x128xf32, #tpu.memory_space<vmem_shared>> -> memref<20x128xf32, #tpu.memory_space<vmem_shared>>
    %dma_wait3A_336 = arith.constant 0 : i32
    %dma_wait3A_337 = tpu.memref_slice %arg11[%add3A_333, %dma_wait3A_336] : memref<10240x128xf32, #tpu.memory_space<vmem_shared>> -> memref<20x128xf32, #tpu.memory_space<vmem_shared>>
    tpu.wait_dma2 semaphore(%arg13 : memref<!tpu.dma_semaphore, #tpu.memory_space<semaphore_mem>>) src(%arg10 : memref<20x128xf32, #tpu.memory_space<vmem>>) dst(%dma_wait3A_337 : memref<20x128xf32, #tpu.memory_space<vmem_shared>>)
    %add3A_338 = arith.constant 460 : i32
    %add3A_339 = arith.addi %mul3A_9, %add3A_338 : i32
    %dma_wait3A_340 = arith.constant 0 : i32
    %dma_wait3A_341 = tpu.memref_slice %arg11[%add3A_339, %dma_wait3A_340] : memref<10240x128xf32, #tpu.memory_space<vmem_shared>> -> memref<20x128xf32, #tpu.memory_space<vmem_shared>>
    %dma_wait3A_342 = arith.constant 0 : i32
    %dma_wait3A_343 = tpu.memref_slice %arg11[%add3A_339, %dma_wait3A_342] : memref<10240x128xf32, #tpu.memory_space<vmem_shared>> -> memref<20x128xf32, #tpu.memory_space<vmem_shared>>
    tpu.wait_dma2 semaphore(%arg13 : memref<!tpu.dma_semaphore, #tpu.memory_space<semaphore_mem>>) src(%arg10 : memref<20x128xf32, #tpu.memory_space<vmem>>) dst(%dma_wait3A_343 : memref<20x128xf32, #tpu.memory_space<vmem_shared>>)
    %add3A_344 = arith.constant 480 : i32
    %add3A_345 = arith.addi %mul3A_9, %add3A_344 : i32
    %dma_wait3A_346 = arith.constant 0 : i32
    %dma_wait3A_347 = tpu.memref_slice %arg11[%add3A_345, %dma_wait3A_346] : memref<10240x128xf32, #tpu.memory_space<vmem_shared>> -> memref<20x128xf32, #tpu.memory_space<vmem_shared>>
    %dma_wait3A_348 = arith.constant 0 : i32
    %dma_wait3A_349 = tpu.memref_slice %arg11[%add3A_345, %dma_wait3A_348] : memref<10240x128xf32, #tpu.memory_space<vmem_shared>> -> memref<20x128xf32, #tpu.memory_space<vmem_shared>>
    tpu.wait_dma2 semaphore(%arg13 : memref<!tpu.dma_semaphore, #tpu.memory_space<semaphore_mem>>) src(%arg10 : memref<20x128xf32, #tpu.memory_space<vmem>>) dst(%dma_wait3A_349 : memref<20x128xf32, #tpu.memory_space<vmem_shared>>)
    %add3A_350 = arith.constant 500 : i32
    %add3A_351 = arith.addi %mul3A_9, %add3A_350 : i32
    %dma_wait3A_352 = arith.constant 0 : i32
    %dma_wait3A_353 = tpu.memref_slice %arg11[%add3A_351, %dma_wait3A_352] : memref<10240x128xf32, #tpu.memory_space<vmem_shared>> -> memref<20x128xf32, #tpu.memory_space<vmem_shared>>
    %dma_wait3A_354 = arith.constant 0 : i32
    %dma_wait3A_355 = tpu.memref_slice %arg11[%add3A_351, %dma_wait3A_354] : memref<10240x128xf32, #tpu.memory_space<vmem_shared>> -> memref<20x128xf32, #tpu.memory_space<vmem_shared>>
    tpu.wait_dma2 semaphore(%arg13 : memref<!tpu.dma_semaphore, #tpu.memory_space<semaphore_mem>>) src(%arg10 : memref<20x128xf32, #tpu.memory_space<vmem>>) dst(%dma_wait3A_355 : memref<20x128xf32, #tpu.memory_space<vmem_shared>>)
    %add3A_356 = arith.constant 520 : i32
    %add3A_357 = arith.addi %mul3A_9, %add3A_356 : i32
    %dma_wait3A_358 = arith.constant 0 : i32
    %dma_wait3A_359 = tpu.memref_slice %arg11[%add3A_357, %dma_wait3A_358] : memref<10240x128xf32, #tpu.memory_space<vmem_shared>> -> memref<20x128xf32, #tpu.memory_space<vmem_shared>>
    %dma_wait3A_360 = arith.constant 0 : i32
    %dma_wait3A_361 = tpu.memref_slice %arg11[%add3A_357, %dma_wait3A_360] : memref<10240x128xf32, #tpu.memory_space<vmem_shared>> -> memref<20x128xf32, #tpu.memory_space<vmem_shared>>
    tpu.wait_dma2 semaphore(%arg13 : memref<!tpu.dma_semaphore, #tpu.memory_space<semaphore_mem>>) src(%arg10 : memref<20x128xf32, #tpu.memory_space<vmem>>) dst(%dma_wait3A_361 : memref<20x128xf32, #tpu.memory_space<vmem_shared>>)
    %add3A_362 = arith.constant 540 : i32
    %add3A_363 = arith.addi %mul3A_9, %add3A_362 : i32
    %dma_wait3A_364 = arith.constant 0 : i32
    %dma_wait3A_365 = tpu.memref_slice %arg11[%add3A_363, %dma_wait3A_364] : memref<10240x128xf32, #tpu.memory_space<vmem_shared>> -> memref<20x128xf32, #tpu.memory_space<vmem_shared>>
    %dma_wait3A_366 = arith.constant 0 : i32
    %dma_wait3A_367 = tpu.memref_slice %arg11[%add3A_363, %dma_wait3A_366] : memref<10240x128xf32, #tpu.memory_space<vmem_shared>> -> memref<20x128xf32, #tpu.memory_space<vmem_shared>>
    tpu.wait_dma2 semaphore(%arg13 : memref<!tpu.dma_semaphore, #tpu.memory_space<semaphore_mem>>) src(%arg10 : memref<20x128xf32, #tpu.memory_space<vmem>>) dst(%dma_wait3A_367 : memref<20x128xf32, #tpu.memory_space<vmem_shared>>)
    %add3A_368 = arith.constant 560 : i32
    %add3A_369 = arith.addi %mul3A_9, %add3A_368 : i32
    %dma_wait3A_370 = arith.constant 0 : i32
    %dma_wait3A_371 = tpu.memref_slice %arg11[%add3A_369, %dma_wait3A_370] : memref<10240x128xf32, #tpu.memory_space<vmem_shared>> -> memref<20x128xf32, #tpu.memory_space<vmem_shared>>
    %dma_wait3A_372 = arith.constant 0 : i32
    %dma_wait3A_373 = tpu.memref_slice %arg11[%add3A_369, %dma_wait3A_372] : memref<10240x128xf32, #tpu.memory_space<vmem_shared>> -> memref<20x128xf32, #tpu.memory_space<vmem_shared>>
    tpu.wait_dma2 semaphore(%arg13 : memref<!tpu.dma_semaphore, #tpu.memory_space<semaphore_mem>>) src(%arg10 : memref<20x128xf32, #tpu.memory_space<vmem>>) dst(%dma_wait3A_373 : memref<20x128xf32, #tpu.memory_space<vmem_shared>>)
    %add3A_374 = arith.constant 580 : i32
    %add3A_375 = arith.addi %mul3A_9, %add3A_374 : i32
    %dma_wait3A_376 = arith.constant 0 : i32
    %dma_wait3A_377 = tpu.memref_slice %arg11[%add3A_375, %dma_wait3A_376] : memref<10240x128xf32, #tpu.memory_space<vmem_shared>> -> memref<20x128xf32, #tpu.memory_space<vmem_shared>>
    %dma_wait3A_378 = arith.constant 0 : i32
    %dma_wait3A_379 = tpu.memref_slice %arg11[%add3A_375, %dma_wait3A_378] : memref<10240x128xf32, #tpu.memory_space<vmem_shared>> -> memref<20x128xf32, #tpu.memory_space<vmem_shared>>
    tpu.wait_dma2 semaphore(%arg13 : memref<!tpu.dma_semaphore, #tpu.memory_space<semaphore_mem>>) src(%arg10 : memref<20x128xf32, #tpu.memory_space<vmem>>) dst(%dma_wait3A_379 : memref<20x128xf32, #tpu.memory_space<vmem_shared>>)
    %add3A_380 = arith.constant 600 : i32
    %add3A_381 = arith.addi %mul3A_9, %add3A_380 : i32
    %dma_wait3A_382 = arith.constant 0 : i32
    %dma_wait3A_383 = tpu.memref_slice %arg11[%add3A_381, %dma_wait3A_382] : memref<10240x128xf32, #tpu.memory_space<vmem_shared>> -> memref<20x128xf32, #tpu.memory_space<vmem_shared>>
    %dma_wait3A_384 = arith.constant 0 : i32
    %dma_wait3A_385 = tpu.memref_slice %arg11[%add3A_381, %dma_wait3A_384] : memref<10240x128xf32, #tpu.memory_space<vmem_shared>> -> memref<20x128xf32, #tpu.memory_space<vmem_shared>>
    tpu.wait_dma2 semaphore(%arg13 : memref<!tpu.dma_semaphore, #tpu.memory_space<semaphore_mem>>) src(%arg10 : memref<20x128xf32, #tpu.memory_space<vmem>>) dst(%dma_wait3A_385 : memref<20x128xf32, #tpu.memory_space<vmem_shared>>)
    %add3A_386 = arith.constant 620 : i32
    %add3A_387 = arith.addi %mul3A_9, %add3A_386 : i32
    %dma_wait3A_388 = arith.constant 0 : i32
    %dma_wait3A_389 = tpu.memref_slice %arg11[%add3A_387, %dma_wait3A_388] : memref<10240x128xf32, #tpu.memory_space<vmem_shared>> -> memref<20x128xf32, #tpu.memory_space<vmem_shared>>
    %dma_wait3A_390 = arith.constant 0 : i32
    %dma_wait3A_391 = tpu.memref_slice %arg11[%add3A_387, %dma_wait3A_390] : memref<10240x128xf32, #tpu.memory_space<vmem_shared>> -> memref<20x128xf32, #tpu.memory_space<vmem_shared>>
    tpu.wait_dma2 semaphore(%arg13 : memref<!tpu.dma_semaphore, #tpu.memory_space<semaphore_mem>>) src(%arg10 : memref<20x128xf32, #tpu.memory_space<vmem>>) dst(%dma_wait3A_391 : memref<20x128xf32, #tpu.memory_space<vmem_shared>>)
    %barrier3A = arith.constant 0 : index
    tpu.barrier barrier_id(%barrier3A)
    %dma_start3A_392 = arith.constant 0 : i32
    %dma_start3A_393 = arith.constant 0 : i32
    %dma_start3A_394 = tpu.memref_slice %arg6[%dma_start3A_392, %dma_start3A_393] : memref<100x100xi32, #tpu.memory_space<vmem>> -> memref<1x100xi32, #tpu.memory_space<vmem>>
    %dma_start3A_395 = tpu.memref_squeeze %dma_start3A_394 : memref<1x100xi32, #tpu.memory_space<vmem>> -> memref<100xi32, #tpu.memory_space<vmem>>
    %dma_start3A_396 = arith.constant 0 : i32
    %dma_start3A_397 = arith.constant 0 : i32
    %dma_start3A_398 = tpu.memref_slice %arg2[%dma_start3A_396, %dma_start3A_397] : memref<10000x128xf32, #tpu.memory_space<hbm>> -> memref<10000x128xf32, #tpu.memory_space<hbm>>
    tpu.enqueue_indirect_dma source(%dma_start3A_398 : memref<10000x128xf32, #tpu.memory_space<hbm>>) target(%arg8 : memref<100x128xf32, #tpu.memory_space<vmem>>) offsets(%dma_start3A_395 : memref<100xi32, #tpu.memory_space<vmem>>) semaphore(%arg12 : memref<!tpu.dma_semaphore, #tpu.memory_space<semaphore_mem>>)
    %scan3A_399 = arith.constant 0 : i32
    %scan3A_400 = arith.constant 0 : i32
    %scan3A_401 = arith.constant 50 : i32
    %scan3A_402 = arith.addi %scan3A_400, %scan3A_401 : i32
    %scan3A_403 = arith.constant 1 : i32
    %scan3A_404 = scf.for %scan3A_407 = %scan3A_400 to %scan3A_402 step %scan3A_403 iter_args(%scan3A_408 = %scan3A_399) -> (i32)  : i32 {
      %mul3A_409 = arith.constant 2 : i32
      %mul3A_410 = arith.muli %mul3A_409, %scan3A_407 : i32
      %add3A_411 = arith.constant 1 : i32
      %add3A_412 = arith.addi %mul3A_410, %add3A_411 : i32
      %dma_start3A_413 = arith.constant 0 : i32
      %dma_start3A_414 = tpu.memref_slice %arg6[%add3A_412, %dma_start3A_413] : memref<100x100xi32, #tpu.memory_space<vmem>> -> memref<1x100xi32, #tpu.memory_space<vmem>>
      %dma_start3A_415 = tpu.memref_squeeze %dma_start3A_414 : memref<1x100xi32, #tpu.memory_space<vmem>> -> memref<100xi32, #tpu.memory_space<vmem>>
      %dma_start3A_416 = arith.constant 0 : i32
      %dma_start3A_417 = arith.constant 0 : i32
      %dma_start3A_418 = tpu.memref_slice %arg2[%dma_start3A_416, %dma_start3A_417] : memref<10000x128xf32, #tpu.memory_space<hbm>> -> memref<10000x128xf32, #tpu.memory_space<hbm>>
      tpu.enqueue_indirect_dma source(%dma_start3A_418 : memref<10000x128xf32, #tpu.memory_space<hbm>>) target(%arg9 : memref<100x128xf32, #tpu.memory_space<vmem>>) offsets(%dma_start3A_415 : memref<100xi32, #tpu.memory_space<vmem>>) semaphore(%arg13 : memref<!tpu.dma_semaphore, #tpu.memory_space<semaphore_mem>>)
      %dma_wait3A_419 = arith.constant 0 : i32
      %dma_wait3A_420 = tpu.memref_slice %arg6[%mul3A_410, %dma_wait3A_419] : memref<100x100xi32, #tpu.memory_space<vmem>> -> memref<1x100xi32, #tpu.memory_space<vmem>>
      %dma_wait3A_421 = tpu.memref_squeeze %dma_wait3A_420 : memref<1x100xi32, #tpu.memory_space<vmem>> -> memref<100xi32, #tpu.memory_space<vmem>>
      %dma_wait3A_422 = arith.constant 0 : i32
      %dma_wait3A_423 = arith.constant 0 : i32
      %dma_wait3A_424 = tpu.memref_slice %arg2[%dma_wait3A_422, %dma_wait3A_423] : memref<10000x128xf32, #tpu.memory_space<hbm>> -> memref<10000x128xf32, #tpu.memory_space<hbm>>
      tpu.wait_indirect_dma semaphore(%arg12 : memref<!tpu.dma_semaphore, #tpu.memory_space<semaphore_mem>>) src(%dma_wait3A_424 : memref<10000x128xf32, #tpu.memory_space<hbm>>) dst(%arg8 : memref<100x128xf32, #tpu.memory_space<vmem>>)
      %add3A_425 = arith.constant 2 : i32
      %add3A_426 = arith.addi %mul3A_410, %add3A_425 : i32
      %lt3A = arith.constant 100 : i32
      %lt3A_427 = arith.cmpi slt, %add3A_426, %lt3A : i32
      %convert_element_type3A = arith.extui %lt3A_427 : i1 to i32
      %cond3A = arith.constant 0 : i32
      %cond3A_428 = arith.cmpi ne, %convert_element_type3A, %cond3A : i32
      scf.if %cond3A_428 {
        %add3A_438 = arith.constant 2 : i32
        %add3A_439 = arith.addi %mul3A_410, %add3A_438 : i32
        %dma_start3A_440 = arith.constant 0 : i32
        %dma_start3A_441 = tpu.memref_slice %arg6[%add3A_439, %dma_start3A_440] : memref<100x100xi32, #tpu.memory_space<vmem>> -> memref<1x100xi32, #tpu.memory_space<vmem>>
        %dma_start3A_442 = tpu.memref_squeeze %dma_start3A_441 : memref<1x100xi32, #tpu.memory_space<vmem>> -> memref<100xi32, #tpu.memory_space<vmem>>
        %dma_start3A_443 = arith.constant 0 : i32
        %dma_start3A_444 = arith.constant 0 : i32
        %dma_start3A_445 = tpu.memref_slice %arg2[%dma_start3A_443, %dma_start3A_444] : memref<10000x128xf32, #tpu.memory_space<hbm>> -> memref<10000x128xf32, #tpu.memory_space<hbm>>
        tpu.enqueue_indirect_dma source(%dma_start3A_445 : memref<10000x128xf32, #tpu.memory_space<hbm>>) target(%arg8 : memref<100x128xf32, #tpu.memory_space<vmem>>) offsets(%dma_start3A_442 : memref<100xi32, #tpu.memory_space<vmem>>) semaphore(%arg12 : memref<!tpu.dma_semaphore, #tpu.memory_space<semaphore_mem>>)
      } else {
      }
      %add3A_429 = arith.constant 1 : i32
      %add3A_430 = arith.addi %mul3A_410, %add3A_429 : i32
      %dma_wait3A_431 = arith.constant 0 : i32
      %dma_wait3A_432 = tpu.memref_slice %arg6[%add3A_430, %dma_wait3A_431] : memref<100x100xi32, #tpu.memory_space<vmem>> -> memref<1x100xi32, #tpu.memory_space<vmem>>
      %dma_wait3A_433 = tpu.memref_squeeze %dma_wait3A_432 : memref<1x100xi32, #tpu.memory_space<vmem>> -> memref<100xi32, #tpu.memory_space<vmem>>
      %dma_wait3A_434 = arith.constant 0 : i32
      %dma_wait3A_435 = arith.constant 0 : i32
      %dma_wait3A_436 = tpu.memref_slice %arg2[%dma_wait3A_434, %dma_wait3A_435] : memref<10000x128xf32, #tpu.memory_space<hbm>> -> memref<10000x128xf32, #tpu.memory_space<hbm>>
      tpu.wait_indirect_dma semaphore(%arg13 : memref<!tpu.dma_semaphore, #tpu.memory_space<semaphore_mem>>) src(%dma_wait3A_436 : memref<10000x128xf32, #tpu.memory_space<hbm>>) dst(%arg9 : memref<100x128xf32, #tpu.memory_space<vmem>>)
      %scan3A_437 = arith.constant 0 : i32
      scf.yield %scan3A_437 : i32
    }
    %scan3A_405 = arith.constant 50 : i32
    %barrier3A_406 = arith.constant 0 : index
    tpu.barrier barrier_id(%barrier3A_406)
    "tpu.region"() ({
      %run_scoped3A = tpu.sem_alloc : memref<!tpu.dma_semaphore, #tpu.memory_space<semaphore_mem>>
      %dma_start3A_407 = arith.constant 0 : i32
      %dma_start3A_408 = tpu.memref_slice %arg5[%arg0, %mul3A_9, %dma_start3A_407] : memref<2x10240x128xf32, #tpu.memory_space<hbm>> -> memref<1x640x128xf32, #tpu.memory_space<hbm>>
      %dma_start3A_409 = tpu.memref_squeeze %dma_start3A_408 : memref<1x640x128xf32, #tpu.memory_space<hbm>> -> memref<640x128xf32, #tpu.memory_space<hbm>>
      %dma_start3A_410 = arith.constant 0 : i32
      %dma_start3A_411 = tpu.memref_slice %arg11[%mul3A_9, %dma_start3A_410] : memref<10240x128xf32, #tpu.memory_space<vmem_shared>> -> memref<640x128xf32, #tpu.memory_space<vmem_shared>>
      tpu.enqueue_dma source(%dma_start3A_411 : memref<640x128xf32, #tpu.memory_space<vmem_shared>>) target(%dma_start3A_409 : memref<640x128xf32, #tpu.memory_space<hbm>>) target_semaphore(%run_scoped3A : memref<!tpu.dma_semaphore, #tpu.memory_space<semaphore_mem>>)
      %dma_wait3A_412 = arith.constant 0 : i32
      %dma_wait3A_413 = tpu.memref_slice %arg5[%arg0, %mul3A_9, %dma_wait3A_412] : memref<2x10240x128xf32, #tpu.memory_space<hbm>> -> memref<1x640x128xf32, #tpu.memory_space<hbm>>
      %dma_wait3A_414 = tpu.memref_squeeze %dma_wait3A_413 : memref<1x640x128xf32, #tpu.memory_space<hbm>> -> memref<640x128xf32, #tpu.memory_space<hbm>>
      %dma_wait3A_415 = arith.constant 0 : i32
      %dma_wait3A_416 = tpu.memref_slice %arg11[%mul3A_9, %dma_wait3A_415] : memref<10240x128xf32, #tpu.memory_space<vmem_shared>> -> memref<640x128xf32, #tpu.memory_space<vmem_shared>>
      tpu.wait_dma2 semaphore(%run_scoped3A : memref<!tpu.dma_semaphore, #tpu.memory_space<semaphore_mem>>) src(%dma_wait3A_416 : memref<640x128xf32, #tpu.memory_space<vmem_shared>>) dst(%dma_wait3A_414 : memref<640x128xf32, #tpu.memory_space<hbm>>)
      tpu.yield
    }) : () -> ()
    return
  }
}

#map = affine_map<(d0, d1) -> (0, 0)>
#map1 = affine_map<(d0, d1) -> (0, 0, 0)>
module attributes {stable_mosaic.version = 14 : i64} {
  func.func @_sc_agg_body(%arg0: i32, %arg1: i32, %arg2: memref<10000x128xf32, #tpu.memory_space<hbm>>, %arg3: memref<32x100x100xi32, #tpu.memory_space<hbm>>, %arg4: memref<32x100x100xi32, #tpu.memory_space<hbm>>, %arg5: memref<2x10240x128xf32, #tpu.memory_space<hbm>>, %arg6: memref<100x100xi32, #tpu.memory_space<vmem>>, %arg7: memref<100x100xi32, #tpu.memory_space<vmem>>, %arg8: memref<100x128xf32, #tpu.memory_space<vmem>>, %arg9: memref<100x128xf32, #tpu.memory_space<vmem>>, %arg10: memref<20x128xf32, #tpu.memory_space<vmem>>, %arg11: memref<10240x128xf32, #tpu.memory_space<vmem_shared>>, %arg12: memref<!tpu.dma_semaphore, #tpu.memory_space<semaphore_mem>>, %arg13: memref<!tpu.dma_semaphore, #tpu.memory_space<semaphore_mem>>) attributes {dimension_semantics = [#tpu.dimension_semantics<core_parallel>, #tpu.dimension_semantics<subcore_parallel>], iteration_bounds = array<i64: 2, 16>, scalar_prefetch = 0 : i64, scratch_operands = 8 : i64, tpu.core_type = #tpu.core_type<sc_vector_subcore>, window_params = [{transform_indices = #map}, {transform_indices = #map1}, {transform_indices = #map1}, {transform_indices = #map1}]} {
    %mul3A = arith.constant 2 : i32
    %mul3A_0 = arith.muli %arg1, %mul3A : i32
    %add3A = arith.addi %mul3A_0, %arg0 : i32
    %broadcast_in_dim3A = arith.constant 0.000000e+00 : f32
    %broadcast_in_dim3A_1 = vector.broadcast %broadcast_in_dim3A : f32 to vector<16xf32>
    %scan3A = arith.constant 0 : i32
    %scan3A_2 = arith.constant 0 : i32
    %scan3A_3 = arith.constant 20 : i32
    %scan3A_4 = arith.addi %scan3A_2, %scan3A_3 : i32
    %scan3A_5 = arith.constant 1 : i32
    %scan3A_6 = scf.for %scan3A_407 = %scan3A_2 to %scan3A_4 step %scan3A_5 iter_args(%scan3A_408 = %scan3A) -> (i32)  : i32 {
      %swap3A = arith.index_cast %scan3A_407 : i32 to index
      %swap3A_409 = arith.constant 0 : index
      %swap3A_410 = tpu.vector_load %arg10[%swap3A, %swap3A_409] {strides = array<i32>} : memref<20x128xf32, #tpu.memory_space<vmem>>, vector<1x16xf32>,
      %swap3A_411 = vector.shape_cast %swap3A_410 : vector<1x16xf32> to vector<16xf32>
      %swap3A_412 = vector.shape_cast %broadcast_in_dim3A_1 : vector<16xf32> to vector<1x16xf32>
      tpu.vector_store %arg10[%swap3A, %swap3A_409], %swap3A_412 {strides = array<i32>} : memref<20x128xf32, #tpu.memory_space<vmem>>, vector<1x16xf32>,
      %swap3A_413 = arith.index_cast %scan3A_407 : i32 to index
      %swap3A_414 = arith.constant 16 : index
      %swap3A_415 = tpu.vector_load %arg10[%swap3A_413, %swap3A_414] {strides = array<i32>} : memref<20x128xf32, #tpu.memory_space<vmem>>, vector<1x16xf32>,
      %swap3A_416 = vector.shape_cast %swap3A_415 : vector<1x16xf32> to vector<16xf32>
      %swap3A_417 = vector.shape_cast %broadcast_in_dim3A_1 : vector<16xf32> to vector<1x16xf32>
      tpu.vector_store %arg10[%swap3A_413, %swap3A_414], %swap3A_417 {strides = array<i32>} : memref<20x128xf32, #tpu.memory_space<vmem>>, vector<1x16xf32>,
      %swap3A_418 = arith.index_cast %scan3A_407 : i32 to index
      %swap3A_419 = arith.constant 32 : index
      %swap3A_420 = tpu.vector_load %arg10[%swap3A_418, %swap3A_419] {strides = array<i32>} : memref<20x128xf32, #tpu.memory_space<vmem>>, vector<1x16xf32>,
      %swap3A_421 = vector.shape_cast %swap3A_420 : vector<1x16xf32> to vector<16xf32>
      %swap3A_422 = vector.shape_cast %broadcast_in_dim3A_1 : vector<16xf32> to vector<1x16xf32>
      tpu.vector_store %arg10[%swap3A_418, %swap3A_419], %swap3A_422 {strides = array<i32>} : memref<20x128xf32, #tpu.memory_space<vmem>>, vector<1x16xf32>,
      %swap3A_423 = arith.index_cast %scan3A_407 : i32 to index
      %swap3A_424 = arith.constant 48 : index
      %swap3A_425 = tpu.vector_load %arg10[%swap3A_423, %swap3A_424] {strides = array<i32>} : memref<20x128xf32, #tpu.memory_space<vmem>>, vector<1x16xf32>,
      %swap3A_426 = vector.shape_cast %swap3A_425 : vector<1x16xf32> to vector<16xf32>
      %swap3A_427 = vector.shape_cast %broadcast_in_dim3A_1 : vector<16xf32> to vector<1x16xf32>
      tpu.vector_store %arg10[%swap3A_423, %swap3A_424], %swap3A_427 {strides = array<i32>} : memref<20x128xf32, #tpu.memory_space<vmem>>, vector<1x16xf32>,
      %swap3A_428 = arith.index_cast %scan3A_407 : i32 to index
      %swap3A_429 = arith.constant 64 : index
      %swap3A_430 = tpu.vector_load %arg10[%swap3A_428, %swap3A_429] {strides = array<i32>} : memref<20x128xf32, #tpu.memory_space<vmem>>, vector<1x16xf32>,
      %swap3A_431 = vector.shape_cast %swap3A_430 : vector<1x16xf32> to vector<16xf32>
      %swap3A_432 = vector.shape_cast %broadcast_in_dim3A_1 : vector<16xf32> to vector<1x16xf32>
      tpu.vector_store %arg10[%swap3A_428, %swap3A_429], %swap3A_432 {strides = array<i32>} : memref<20x128xf32, #tpu.memory_space<vmem>>, vector<1x16xf32>,
      %swap3A_433 = arith.index_cast %scan3A_407 : i32 to index
      %swap3A_434 = arith.constant 80 : index
      %swap3A_435 = tpu.vector_load %arg10[%swap3A_433, %swap3A_434] {strides = array<i32>} : memref<20x128xf32, #tpu.memory_space<vmem>>, vector<1x16xf32>,
      %swap3A_436 = vector.shape_cast %swap3A_435 : vector<1x16xf32> to vector<16xf32>
      %swap3A_437 = vector.shape_cast %broadcast_in_dim3A_1 : vector<16xf32> to vector<1x16xf32>
      tpu.vector_store %arg10[%swap3A_433, %swap3A_434], %swap3A_437 {strides = array<i32>} : memref<20x128xf32, #tpu.memory_space<vmem>>, vector<1x16xf32>,
      %swap3A_438 = arith.index_cast %scan3A_407 : i32 to index
      %swap3A_439 = arith.constant 96 : index
      %swap3A_440 = tpu.vector_load %arg10[%swap3A_438, %swap3A_439] {strides = array<i32>} : memref<20x128xf32, #tpu.memory_space<vmem>>, vector<1x16xf32>,
      %swap3A_441 = vector.shape_cast %swap3A_440 : vector<1x16xf32> to vector<16xf32>
      %swap3A_442 = vector.shape_cast %broadcast_in_dim3A_1 : vector<16xf32> to vector<1x16xf32>
      tpu.vector_store %arg10[%swap3A_438, %swap3A_439], %swap3A_442 {strides = array<i32>} : memref<20x128xf32, #tpu.memory_space<vmem>>, vector<1x16xf32>,
      %swap3A_443 = arith.index_cast %scan3A_407 : i32 to index
      %swap3A_444 = arith.constant 112 : index
      %swap3A_445 = tpu.vector_load %arg10[%swap3A_443, %swap3A_444] {strides = array<i32>} : memref<20x128xf32, #tpu.memory_space<vmem>>, vector<1x16xf32>,
      %swap3A_446 = vector.shape_cast %swap3A_445 : vector<1x16xf32> to vector<16xf32>
      %swap3A_447 = vector.shape_cast %broadcast_in_dim3A_1 : vector<16xf32> to vector<1x16xf32>
      tpu.vector_store %arg10[%swap3A_443, %swap3A_444], %swap3A_447 {strides = array<i32>} : memref<20x128xf32, #tpu.memory_space<vmem>>, vector<1x16xf32>,
      %scan3A_448 = arith.constant 0 : i32
      scf.yield %scan3A_448 : i32
    }
    %scan3A_7 = arith.constant 20 : i32
    %mul3A_8 = arith.constant 640 : i32
    %mul3A_9 = arith.muli %arg1, %mul3A_8 : i32
    %add3A_10 = arith.constant 0 : i32
    %add3A_11 = arith.addi %mul3A_9, %add3A_10 : i32
    %dma_start3A = arith.constant 0 : i32
    %dma_start3A_12 = tpu.memref_slice %arg11[%add3A_11, %dma_start3A] : memref<10240x128xf32, #tpu.memory_space<vmem_shared>> -> memref<20x128xf32, #tpu.memory_space<vmem_shared>>
    %dma_start3A_13 = arith.constant 0 : i32
    %dma_start3A_14 = tpu.memref_slice %arg11[%add3A_11, %dma_start3A_13] : memref<10240x128xf32, #tpu.memory_space<vmem_shared>> -> memref<20x128xf32, #tpu.memory_space<vmem_shared>>
    tpu.enqueue_dma source(%arg10 : memref<20x128xf32, #tpu.memory_space<vmem>>) target(%dma_start3A_14 : memref<20x128xf32, #tpu.memory_space<vmem_shared>>) target_semaphore(%arg13 : memref<!tpu.dma_semaphore, #tpu.memory_space<semaphore_mem>>)
    %add3A_15 = arith.constant 20 : i32
    %add3A_16 = arith.addi %mul3A_9, %add3A_15 : i32
    %dma_start3A_17 = arith.constant 0 : i32
    %dma_start3A_18 = tpu.memref_slice %arg11[%add3A_16, %dma_start3A_17] : memref<10240x128xf32, #tpu.memory_space<vmem_shared>> -> memref<20x128xf32, #tpu.memory_space<vmem_shared>>
    %dma_start3A_19 = arith.constant 0 : i32
    %dma_start3A_20 = tpu.memref_slice %arg11[%add3A_16, %dma_start3A_19] : memref<10240x128xf32, #tpu.memory_space<vmem_shared>> -> memref<20x128xf32, #tpu.memory_space<vmem_shared>>
    tpu.enqueue_dma source(%arg10 : memref<20x128xf32, #tpu.memory_space<vmem>>) target(%dma_start3A_20 : memref<20x128xf32, #tpu.memory_space<vmem_shared>>) target_semaphore(%arg13 : memref<!tpu.dma_semaphore, #tpu.memory_space<semaphore_mem>>)
    %add3A_21 = arith.constant 40 : i32
    %add3A_22 = arith.addi %mul3A_9, %add3A_21 : i32
    %dma_start3A_23 = arith.constant 0 : i32
    %dma_start3A_24 = tpu.memref_slice %arg11[%add3A_22, %dma_start3A_23] : memref<10240x128xf32, #tpu.memory_space<vmem_shared>> -> memref<20x128xf32, #tpu.memory_space<vmem_shared>>
    %dma_start3A_25 = arith.constant 0 : i32
    %dma_start3A_26 = tpu.memref_slice %arg11[%add3A_22, %dma_start3A_25] : memref<10240x128xf32, #tpu.memory_space<vmem_shared>> -> memref<20x128xf32, #tpu.memory_space<vmem_shared>>
    tpu.enqueue_dma source(%arg10 : memref<20x128xf32, #tpu.memory_space<vmem>>) target(%dma_start3A_26 : memref<20x128xf32, #tpu.memory_space<vmem_shared>>) target_semaphore(%arg13 : memref<!tpu.dma_semaphore, #tpu.memory_space<semaphore_mem>>)
    %add3A_27 = arith.constant 60 : i32
    %add3A_28 = arith.addi %mul3A_9, %add3A_27 : i32
    %dma_start3A_29 = arith.constant 0 : i32
    %dma_start3A_30 = tpu.memref_slice %arg11[%add3A_28, %dma_start3A_29] : memref<10240x128xf32, #tpu.memory_space<vmem_shared>> -> memref<20x128xf32, #tpu.memory_space<vmem_shared>>
    %dma_start3A_31 = arith.constant 0 : i32
    %dma_start3A_32 = tpu.memref_slice %arg11[%add3A_28, %dma_start3A_31] : memref<10240x128xf32, #tpu.memory_space<vmem_shared>> -> memref<20x128xf32, #tpu.memory_space<vmem_shared>>
    tpu.enqueue_dma source(%arg10 : memref<20x128xf32, #tpu.memory_space<vmem>>) target(%dma_start3A_32 : memref<20x128xf32, #tpu.memory_space<vmem_shared>>) target_semaphore(%arg13 : memref<!tpu.dma_semaphore, #tpu.memory_space<semaphore_mem>>)
    %add3A_33 = arith.constant 80 : i32
    %add3A_34 = arith.addi %mul3A_9, %add3A_33 : i32
    %dma_start3A_35 = arith.constant 0 : i32
    %dma_start3A_36 = tpu.memref_slice %arg11[%add3A_34, %dma_start3A_35] : memref<10240x128xf32, #tpu.memory_space<vmem_shared>> -> memref<20x128xf32, #tpu.memory_space<vmem_shared>>
    %dma_start3A_37 = arith.constant 0 : i32
    %dma_start3A_38 = tpu.memref_slice %arg11[%add3A_34, %dma_start3A_37] : memref<10240x128xf32, #tpu.memory_space<vmem_shared>> -> memref<20x128xf32, #tpu.memory_space<vmem_shared>>
    tpu.enqueue_dma source(%arg10 : memref<20x128xf32, #tpu.memory_space<vmem>>) target(%dma_start3A_38 : memref<20x128xf32, #tpu.memory_space<vmem_shared>>) target_semaphore(%arg13 : memref<!tpu.dma_semaphore, #tpu.memory_space<semaphore_mem>>)
    %add3A_39 = arith.constant 100 : i32
    %add3A_40 = arith.addi %mul3A_9, %add3A_39 : i32
    %dma_start3A_41 = arith.constant 0 : i32
    %dma_start3A_42 = tpu.memref_slice %arg11[%add3A_40, %dma_start3A_41] : memref<10240x128xf32, #tpu.memory_space<vmem_shared>> -> memref<20x128xf32, #tpu.memory_space<vmem_shared>>
    %dma_start3A_43 = arith.constant 0 : i32
    %dma_start3A_44 = tpu.memref_slice %arg11[%add3A_40, %dma_start3A_43] : memref<10240x128xf32, #tpu.memory_space<vmem_shared>> -> memref<20x128xf32, #tpu.memory_space<vmem_shared>>
    tpu.enqueue_dma source(%arg10 : memref<20x128xf32, #tpu.memory_space<vmem>>) target(%dma_start3A_44 : memref<20x128xf32, #tpu.memory_space<vmem_shared>>) target_semaphore(%arg13 : memref<!tpu.dma_semaphore, #tpu.memory_space<semaphore_mem>>)
    %add3A_45 = arith.constant 120 : i32
    %add3A_46 = arith.addi %mul3A_9, %add3A_45 : i32
    %dma_start3A_47 = arith.constant 0 : i32
    %dma_start3A_48 = tpu.memref_slice %arg11[%add3A_46, %dma_start3A_47] : memref<10240x128xf32, #tpu.memory_space<vmem_shared>> -> memref<20x128xf32, #tpu.memory_space<vmem_shared>>
    %dma_start3A_49 = arith.constant 0 : i32
    %dma_start3A_50 = tpu.memref_slice %arg11[%add3A_46, %dma_start3A_49] : memref<10240x128xf32, #tpu.memory_space<vmem_shared>> -> memref<20x128xf32, #tpu.memory_space<vmem_shared>>
    tpu.enqueue_dma source(%arg10 : memref<20x128xf32, #tpu.memory_space<vmem>>) target(%dma_start3A_50 : memref<20x128xf32, #tpu.memory_space<vmem_shared>>) target_semaphore(%arg13 : memref<!tpu.dma_semaphore, #tpu.memory_space<semaphore_mem>>)
    %add3A_51 = arith.constant 140 : i32
    %add3A_52 = arith.addi %mul3A_9, %add3A_51 : i32
    %dma_start3A_53 = arith.constant 0 : i32
    %dma_start3A_54 = tpu.memref_slice %arg11[%add3A_52, %dma_start3A_53] : memref<10240x128xf32, #tpu.memory_space<vmem_shared>> -> memref<20x128xf32, #tpu.memory_space<vmem_shared>>
    %dma_start3A_55 = arith.constant 0 : i32
    %dma_start3A_56 = tpu.memref_slice %arg11[%add3A_52, %dma_start3A_55] : memref<10240x128xf32, #tpu.memory_space<vmem_shared>> -> memref<20x128xf32, #tpu.memory_space<vmem_shared>>
    tpu.enqueue_dma source(%arg10 : memref<20x128xf32, #tpu.memory_space<vmem>>) target(%dma_start3A_56 : memref<20x128xf32, #tpu.memory_space<vmem_shared>>) target_semaphore(%arg13 : memref<!tpu.dma_semaphore, #tpu.memory_space<semaphore_mem>>)
    %add3A_57 = arith.constant 160 : i32
    %add3A_58 = arith.addi %mul3A_9, %add3A_57 : i32
    %dma_start3A_59 = arith.constant 0 : i32
    %dma_start3A_60 = tpu.memref_slice %arg11[%add3A_58, %dma_start3A_59] : memref<10240x128xf32, #tpu.memory_space<vmem_shared>> -> memref<20x128xf32, #tpu.memory_space<vmem_shared>>
    %dma_start3A_61 = arith.constant 0 : i32
    %dma_start3A_62 = tpu.memref_slice %arg11[%add3A_58, %dma_start3A_61] : memref<10240x128xf32, #tpu.memory_space<vmem_shared>> -> memref<20x128xf32, #tpu.memory_space<vmem_shared>>
    tpu.enqueue_dma source(%arg10 : memref<20x128xf32, #tpu.memory_space<vmem>>) target(%dma_start3A_62 : memref<20x128xf32, #tpu.memory_space<vmem_shared>>) target_semaphore(%arg13 : memref<!tpu.dma_semaphore, #tpu.memory_space<semaphore_mem>>)
    %add3A_63 = arith.constant 180 : i32
    %add3A_64 = arith.addi %mul3A_9, %add3A_63 : i32
    %dma_start3A_65 = arith.constant 0 : i32
    %dma_start3A_66 = tpu.memref_slice %arg11[%add3A_64, %dma_start3A_65] : memref<10240x128xf32, #tpu.memory_space<vmem_shared>> -> memref<20x128xf32, #tpu.memory_space<vmem_shared>>
    %dma_start3A_67 = arith.constant 0 : i32
    %dma_start3A_68 = tpu.memref_slice %arg11[%add3A_64, %dma_start3A_67] : memref<10240x128xf32, #tpu.memory_space<vmem_shared>> -> memref<20x128xf32, #tpu.memory_space<vmem_shared>>
    tpu.enqueue_dma source(%arg10 : memref<20x128xf32, #tpu.memory_space<vmem>>) target(%dma_start3A_68 : memref<20x128xf32, #tpu.memory_space<vmem_shared>>) target_semaphore(%arg13 : memref<!tpu.dma_semaphore, #tpu.memory_space<semaphore_mem>>)
    %add3A_69 = arith.constant 200 : i32
    %add3A_70 = arith.addi %mul3A_9, %add3A_69 : i32
    %dma_start3A_71 = arith.constant 0 : i32
    %dma_start3A_72 = tpu.memref_slice %arg11[%add3A_70, %dma_start3A_71] : memref<10240x128xf32, #tpu.memory_space<vmem_shared>> -> memref<20x128xf32, #tpu.memory_space<vmem_shared>>
    %dma_start3A_73 = arith.constant 0 : i32
    %dma_start3A_74 = tpu.memref_slice %arg11[%add3A_70, %dma_start3A_73] : memref<10240x128xf32, #tpu.memory_space<vmem_shared>> -> memref<20x128xf32, #tpu.memory_space<vmem_shared>>
    tpu.enqueue_dma source(%arg10 : memref<20x128xf32, #tpu.memory_space<vmem>>) target(%dma_start3A_74 : memref<20x128xf32, #tpu.memory_space<vmem_shared>>) target_semaphore(%arg13 : memref<!tpu.dma_semaphore, #tpu.memory_space<semaphore_mem>>)
    %add3A_75 = arith.constant 220 : i32
    %add3A_76 = arith.addi %mul3A_9, %add3A_75 : i32
    %dma_start3A_77 = arith.constant 0 : i32
    %dma_start3A_78 = tpu.memref_slice %arg11[%add3A_76, %dma_start3A_77] : memref<10240x128xf32, #tpu.memory_space<vmem_shared>> -> memref<20x128xf32, #tpu.memory_space<vmem_shared>>
    %dma_start3A_79 = arith.constant 0 : i32
    %dma_start3A_80 = tpu.memref_slice %arg11[%add3A_76, %dma_start3A_79] : memref<10240x128xf32, #tpu.memory_space<vmem_shared>> -> memref<20x128xf32, #tpu.memory_space<vmem_shared>>
    tpu.enqueue_dma source(%arg10 : memref<20x128xf32, #tpu.memory_space<vmem>>) target(%dma_start3A_80 : memref<20x128xf32, #tpu.memory_space<vmem_shared>>) target_semaphore(%arg13 : memref<!tpu.dma_semaphore, #tpu.memory_space<semaphore_mem>>)
    %add3A_81 = arith.constant 240 : i32
    %add3A_82 = arith.addi %mul3A_9, %add3A_81 : i32
    %dma_start3A_83 = arith.constant 0 : i32
    %dma_start3A_84 = tpu.memref_slice %arg11[%add3A_82, %dma_start3A_83] : memref<10240x128xf32, #tpu.memory_space<vmem_shared>> -> memref<20x128xf32, #tpu.memory_space<vmem_shared>>
    %dma_start3A_85 = arith.constant 0 : i32
    %dma_start3A_86 = tpu.memref_slice %arg11[%add3A_82, %dma_start3A_85] : memref<10240x128xf32, #tpu.memory_space<vmem_shared>> -> memref<20x128xf32, #tpu.memory_space<vmem_shared>>
    tpu.enqueue_dma source(%arg10 : memref<20x128xf32, #tpu.memory_space<vmem>>) target(%dma_start3A_86 : memref<20x128xf32, #tpu.memory_space<vmem_shared>>) target_semaphore(%arg13 : memref<!tpu.dma_semaphore, #tpu.memory_space<semaphore_mem>>)
    %add3A_87 = arith.constant 260 : i32
    %add3A_88 = arith.addi %mul3A_9, %add3A_87 : i32
    %dma_start3A_89 = arith.constant 0 : i32
    %dma_start3A_90 = tpu.memref_slice %arg11[%add3A_88, %dma_start3A_89] : memref<10240x128xf32, #tpu.memory_space<vmem_shared>> -> memref<20x128xf32, #tpu.memory_space<vmem_shared>>
    %dma_start3A_91 = arith.constant 0 : i32
    %dma_start3A_92 = tpu.memref_slice %arg11[%add3A_88, %dma_start3A_91] : memref<10240x128xf32, #tpu.memory_space<vmem_shared>> -> memref<20x128xf32, #tpu.memory_space<vmem_shared>>
    tpu.enqueue_dma source(%arg10 : memref<20x128xf32, #tpu.memory_space<vmem>>) target(%dma_start3A_92 : memref<20x128xf32, #tpu.memory_space<vmem_shared>>) target_semaphore(%arg13 : memref<!tpu.dma_semaphore, #tpu.memory_space<semaphore_mem>>)
    %add3A_93 = arith.constant 280 : i32
    %add3A_94 = arith.addi %mul3A_9, %add3A_93 : i32
    %dma_start3A_95 = arith.constant 0 : i32
    %dma_start3A_96 = tpu.memref_slice %arg11[%add3A_94, %dma_start3A_95] : memref<10240x128xf32, #tpu.memory_space<vmem_shared>> -> memref<20x128xf32, #tpu.memory_space<vmem_shared>>
    %dma_start3A_97 = arith.constant 0 : i32
    %dma_start3A_98 = tpu.memref_slice %arg11[%add3A_94, %dma_start3A_97] : memref<10240x128xf32, #tpu.memory_space<vmem_shared>> -> memref<20x128xf32, #tpu.memory_space<vmem_shared>>
    tpu.enqueue_dma source(%arg10 : memref<20x128xf32, #tpu.memory_space<vmem>>) target(%dma_start3A_98 : memref<20x128xf32, #tpu.memory_space<vmem_shared>>) target_semaphore(%arg13 : memref<!tpu.dma_semaphore, #tpu.memory_space<semaphore_mem>>)
    %add3A_99 = arith.constant 300 : i32
    %add3A_100 = arith.addi %mul3A_9, %add3A_99 : i32
    %dma_start3A_101 = arith.constant 0 : i32
    %dma_start3A_102 = tpu.memref_slice %arg11[%add3A_100, %dma_start3A_101] : memref<10240x128xf32, #tpu.memory_space<vmem_shared>> -> memref<20x128xf32, #tpu.memory_space<vmem_shared>>
    %dma_start3A_103 = arith.constant 0 : i32
    %dma_start3A_104 = tpu.memref_slice %arg11[%add3A_100, %dma_start3A_103] : memref<10240x128xf32, #tpu.memory_space<vmem_shared>> -> memref<20x128xf32, #tpu.memory_space<vmem_shared>>
    tpu.enqueue_dma source(%arg10 : memref<20x128xf32, #tpu.memory_space<vmem>>) target(%dma_start3A_104 : memref<20x128xf32, #tpu.memory_space<vmem_shared>>) target_semaphore(%arg13 : memref<!tpu.dma_semaphore, #tpu.memory_space<semaphore_mem>>)
    %add3A_105 = arith.constant 320 : i32
    %add3A_106 = arith.addi %mul3A_9, %add3A_105 : i32
    %dma_start3A_107 = arith.constant 0 : i32
    %dma_start3A_108 = tpu.memref_slice %arg11[%add3A_106, %dma_start3A_107] : memref<10240x128xf32, #tpu.memory_space<vmem_shared>> -> memref<20x128xf32, #tpu.memory_space<vmem_shared>>
    %dma_start3A_109 = arith.constant 0 : i32
    %dma_start3A_110 = tpu.memref_slice %arg11[%add3A_106, %dma_start3A_109] : memref<10240x128xf32, #tpu.memory_space<vmem_shared>> -> memref<20x128xf32, #tpu.memory_space<vmem_shared>>
    tpu.enqueue_dma source(%arg10 : memref<20x128xf32, #tpu.memory_space<vmem>>) target(%dma_start3A_110 : memref<20x128xf32, #tpu.memory_space<vmem_shared>>) target_semaphore(%arg13 : memref<!tpu.dma_semaphore, #tpu.memory_space<semaphore_mem>>)
    %add3A_111 = arith.constant 340 : i32
    %add3A_112 = arith.addi %mul3A_9, %add3A_111 : i32
    %dma_start3A_113 = arith.constant 0 : i32
    %dma_start3A_114 = tpu.memref_slice %arg11[%add3A_112, %dma_start3A_113] : memref<10240x128xf32, #tpu.memory_space<vmem_shared>> -> memref<20x128xf32, #tpu.memory_space<vmem_shared>>
    %dma_start3A_115 = arith.constant 0 : i32
    %dma_start3A_116 = tpu.memref_slice %arg11[%add3A_112, %dma_start3A_115] : memref<10240x128xf32, #tpu.memory_space<vmem_shared>> -> memref<20x128xf32, #tpu.memory_space<vmem_shared>>
    tpu.enqueue_dma source(%arg10 : memref<20x128xf32, #tpu.memory_space<vmem>>) target(%dma_start3A_116 : memref<20x128xf32, #tpu.memory_space<vmem_shared>>) target_semaphore(%arg13 : memref<!tpu.dma_semaphore, #tpu.memory_space<semaphore_mem>>)
    %add3A_117 = arith.constant 360 : i32
    %add3A_118 = arith.addi %mul3A_9, %add3A_117 : i32
    %dma_start3A_119 = arith.constant 0 : i32
    %dma_start3A_120 = tpu.memref_slice %arg11[%add3A_118, %dma_start3A_119] : memref<10240x128xf32, #tpu.memory_space<vmem_shared>> -> memref<20x128xf32, #tpu.memory_space<vmem_shared>>
    %dma_start3A_121 = arith.constant 0 : i32
    %dma_start3A_122 = tpu.memref_slice %arg11[%add3A_118, %dma_start3A_121] : memref<10240x128xf32, #tpu.memory_space<vmem_shared>> -> memref<20x128xf32, #tpu.memory_space<vmem_shared>>
    tpu.enqueue_dma source(%arg10 : memref<20x128xf32, #tpu.memory_space<vmem>>) target(%dma_start3A_122 : memref<20x128xf32, #tpu.memory_space<vmem_shared>>) target_semaphore(%arg13 : memref<!tpu.dma_semaphore, #tpu.memory_space<semaphore_mem>>)
    %add3A_123 = arith.constant 380 : i32
    %add3A_124 = arith.addi %mul3A_9, %add3A_123 : i32
    %dma_start3A_125 = arith.constant 0 : i32
    %dma_start3A_126 = tpu.memref_slice %arg11[%add3A_124, %dma_start3A_125] : memref<10240x128xf32, #tpu.memory_space<vmem_shared>> -> memref<20x128xf32, #tpu.memory_space<vmem_shared>>
    %dma_start3A_127 = arith.constant 0 : i32
    %dma_start3A_128 = tpu.memref_slice %arg11[%add3A_124, %dma_start3A_127] : memref<10240x128xf32, #tpu.memory_space<vmem_shared>> -> memref<20x128xf32, #tpu.memory_space<vmem_shared>>
    tpu.enqueue_dma source(%arg10 : memref<20x128xf32, #tpu.memory_space<vmem>>) target(%dma_start3A_128 : memref<20x128xf32, #tpu.memory_space<vmem_shared>>) target_semaphore(%arg13 : memref<!tpu.dma_semaphore, #tpu.memory_space<semaphore_mem>>)
    %add3A_129 = arith.constant 400 : i32
    %add3A_130 = arith.addi %mul3A_9, %add3A_129 : i32
    %dma_start3A_131 = arith.constant 0 : i32
    %dma_start3A_132 = tpu.memref_slice %arg11[%add3A_130, %dma_start3A_131] : memref<10240x128xf32, #tpu.memory_space<vmem_shared>> -> memref<20x128xf32, #tpu.memory_space<vmem_shared>>
    %dma_start3A_133 = arith.constant 0 : i32
    %dma_start3A_134 = tpu.memref_slice %arg11[%add3A_130, %dma_start3A_133] : memref<10240x128xf32, #tpu.memory_space<vmem_shared>> -> memref<20x128xf32, #tpu.memory_space<vmem_shared>>
    tpu.enqueue_dma source(%arg10 : memref<20x128xf32, #tpu.memory_space<vmem>>) target(%dma_start3A_134 : memref<20x128xf32, #tpu.memory_space<vmem_shared>>) target_semaphore(%arg13 : memref<!tpu.dma_semaphore, #tpu.memory_space<semaphore_mem>>)
    %add3A_135 = arith.constant 420 : i32
    %add3A_136 = arith.addi %mul3A_9, %add3A_135 : i32
    %dma_start3A_137 = arith.constant 0 : i32
    %dma_start3A_138 = tpu.memref_slice %arg11[%add3A_136, %dma_start3A_137] : memref<10240x128xf32, #tpu.memory_space<vmem_shared>> -> memref<20x128xf32, #tpu.memory_space<vmem_shared>>
    %dma_start3A_139 = arith.constant 0 : i32
    %dma_start3A_140 = tpu.memref_slice %arg11[%add3A_136, %dma_start3A_139] : memref<10240x128xf32, #tpu.memory_space<vmem_shared>> -> memref<20x128xf32, #tpu.memory_space<vmem_shared>>
    tpu.enqueue_dma source(%arg10 : memref<20x128xf32, #tpu.memory_space<vmem>>) target(%dma_start3A_140 : memref<20x128xf32, #tpu.memory_space<vmem_shared>>) target_semaphore(%arg13 : memref<!tpu.dma_semaphore, #tpu.memory_space<semaphore_mem>>)
    %add3A_141 = arith.constant 440 : i32
    %add3A_142 = arith.addi %mul3A_9, %add3A_141 : i32
    %dma_start3A_143 = arith.constant 0 : i32
    %dma_start3A_144 = tpu.memref_slice %arg11[%add3A_142, %dma_start3A_143] : memref<10240x128xf32, #tpu.memory_space<vmem_shared>> -> memref<20x128xf32, #tpu.memory_space<vmem_shared>>
    %dma_start3A_145 = arith.constant 0 : i32
    %dma_start3A_146 = tpu.memref_slice %arg11[%add3A_142, %dma_start3A_145] : memref<10240x128xf32, #tpu.memory_space<vmem_shared>> -> memref<20x128xf32, #tpu.memory_space<vmem_shared>>
    tpu.enqueue_dma source(%arg10 : memref<20x128xf32, #tpu.memory_space<vmem>>) target(%dma_start3A_146 : memref<20x128xf32, #tpu.memory_space<vmem_shared>>) target_semaphore(%arg13 : memref<!tpu.dma_semaphore, #tpu.memory_space<semaphore_mem>>)
    %add3A_147 = arith.constant 460 : i32
    %add3A_148 = arith.addi %mul3A_9, %add3A_147 : i32
    %dma_start3A_149 = arith.constant 0 : i32
    %dma_start3A_150 = tpu.memref_slice %arg11[%add3A_148, %dma_start3A_149] : memref<10240x128xf32, #tpu.memory_space<vmem_shared>> -> memref<20x128xf32, #tpu.memory_space<vmem_shared>>
    %dma_start3A_151 = arith.constant 0 : i32
    %dma_start3A_152 = tpu.memref_slice %arg11[%add3A_148, %dma_start3A_151] : memref<10240x128xf32, #tpu.memory_space<vmem_shared>> -> memref<20x128xf32, #tpu.memory_space<vmem_shared>>
    tpu.enqueue_dma source(%arg10 : memref<20x128xf32, #tpu.memory_space<vmem>>) target(%dma_start3A_152 : memref<20x128xf32, #tpu.memory_space<vmem_shared>>) target_semaphore(%arg13 : memref<!tpu.dma_semaphore, #tpu.memory_space<semaphore_mem>>)
    %add3A_153 = arith.constant 480 : i32
    %add3A_154 = arith.addi %mul3A_9, %add3A_153 : i32
    %dma_start3A_155 = arith.constant 0 : i32
    %dma_start3A_156 = tpu.memref_slice %arg11[%add3A_154, %dma_start3A_155] : memref<10240x128xf32, #tpu.memory_space<vmem_shared>> -> memref<20x128xf32, #tpu.memory_space<vmem_shared>>
    %dma_start3A_157 = arith.constant 0 : i32
    %dma_start3A_158 = tpu.memref_slice %arg11[%add3A_154, %dma_start3A_157] : memref<10240x128xf32, #tpu.memory_space<vmem_shared>> -> memref<20x128xf32, #tpu.memory_space<vmem_shared>>
    tpu.enqueue_dma source(%arg10 : memref<20x128xf32, #tpu.memory_space<vmem>>) target(%dma_start3A_158 : memref<20x128xf32, #tpu.memory_space<vmem_shared>>) target_semaphore(%arg13 : memref<!tpu.dma_semaphore, #tpu.memory_space<semaphore_mem>>)
    %add3A_159 = arith.constant 500 : i32
    %add3A_160 = arith.addi %mul3A_9, %add3A_159 : i32
    %dma_start3A_161 = arith.constant 0 : i32
    %dma_start3A_162 = tpu.memref_slice %arg11[%add3A_160, %dma_start3A_161] : memref<10240x128xf32, #tpu.memory_space<vmem_shared>> -> memref<20x128xf32, #tpu.memory_space<vmem_shared>>
    %dma_start3A_163 = arith.constant 0 : i32
    %dma_start3A_164 = tpu.memref_slice %arg11[%add3A_160, %dma_start3A_163] : memref<10240x128xf32, #tpu.memory_space<vmem_shared>> -> memref<20x128xf32, #tpu.memory_space<vmem_shared>>
    tpu.enqueue_dma source(%arg10 : memref<20x128xf32, #tpu.memory_space<vmem>>) target(%dma_start3A_164 : memref<20x128xf32, #tpu.memory_space<vmem_shared>>) target_semaphore(%arg13 : memref<!tpu.dma_semaphore, #tpu.memory_space<semaphore_mem>>)
    %add3A_165 = arith.constant 520 : i32
    %add3A_166 = arith.addi %mul3A_9, %add3A_165 : i32
    %dma_start3A_167 = arith.constant 0 : i32
    %dma_start3A_168 = tpu.memref_slice %arg11[%add3A_166, %dma_start3A_167] : memref<10240x128xf32, #tpu.memory_space<vmem_shared>> -> memref<20x128xf32, #tpu.memory_space<vmem_shared>>
    %dma_start3A_169 = arith.constant 0 : i32
    %dma_start3A_170 = tpu.memref_slice %arg11[%add3A_166, %dma_start3A_169] : memref<10240x128xf32, #tpu.memory_space<vmem_shared>> -> memref<20x128xf32, #tpu.memory_space<vmem_shared>>
    tpu.enqueue_dma source(%arg10 : memref<20x128xf32, #tpu.memory_space<vmem>>) target(%dma_start3A_170 : memref<20x128xf32, #tpu.memory_space<vmem_shared>>) target_semaphore(%arg13 : memref<!tpu.dma_semaphore, #tpu.memory_space<semaphore_mem>>)
    %add3A_171 = arith.constant 540 : i32
    %add3A_172 = arith.addi %mul3A_9, %add3A_171 : i32
    %dma_start3A_173 = arith.constant 0 : i32
    %dma_start3A_174 = tpu.memref_slice %arg11[%add3A_172, %dma_start3A_173] : memref<10240x128xf32, #tpu.memory_space<vmem_shared>> -> memref<20x128xf32, #tpu.memory_space<vmem_shared>>
    %dma_start3A_175 = arith.constant 0 : i32
    %dma_start3A_176 = tpu.memref_slice %arg11[%add3A_172, %dma_start3A_175] : memref<10240x128xf32, #tpu.memory_space<vmem_shared>> -> memref<20x128xf32, #tpu.memory_space<vmem_shared>>
    tpu.enqueue_dma source(%arg10 : memref<20x128xf32, #tpu.memory_space<vmem>>) target(%dma_start3A_176 : memref<20x128xf32, #tpu.memory_space<vmem_shared>>) target_semaphore(%arg13 : memref<!tpu.dma_semaphore, #tpu.memory_space<semaphore_mem>>)
    %add3A_177 = arith.constant 560 : i32
    %add3A_178 = arith.addi %mul3A_9, %add3A_177 : i32
    %dma_start3A_179 = arith.constant 0 : i32
    %dma_start3A_180 = tpu.memref_slice %arg11[%add3A_178, %dma_start3A_179] : memref<10240x128xf32, #tpu.memory_space<vmem_shared>> -> memref<20x128xf32, #tpu.memory_space<vmem_shared>>
    %dma_start3A_181 = arith.constant 0 : i32
    %dma_start3A_182 = tpu.memref_slice %arg11[%add3A_178, %dma_start3A_181] : memref<10240x128xf32, #tpu.memory_space<vmem_shared>> -> memref<20x128xf32, #tpu.memory_space<vmem_shared>>
    tpu.enqueue_dma source(%arg10 : memref<20x128xf32, #tpu.memory_space<vmem>>) target(%dma_start3A_182 : memref<20x128xf32, #tpu.memory_space<vmem_shared>>) target_semaphore(%arg13 : memref<!tpu.dma_semaphore, #tpu.memory_space<semaphore_mem>>)
    %add3A_183 = arith.constant 580 : i32
    %add3A_184 = arith.addi %mul3A_9, %add3A_183 : i32
    %dma_start3A_185 = arith.constant 0 : i32
    %dma_start3A_186 = tpu.memref_slice %arg11[%add3A_184, %dma_start3A_185] : memref<10240x128xf32, #tpu.memory_space<vmem_shared>> -> memref<20x128xf32, #tpu.memory_space<vmem_shared>>
    %dma_start3A_187 = arith.constant 0 : i32
    %dma_start3A_188 = tpu.memref_slice %arg11[%add3A_184, %dma_start3A_187] : memref<10240x128xf32, #tpu.memory_space<vmem_shared>> -> memref<20x128xf32, #tpu.memory_space<vmem_shared>>
    tpu.enqueue_dma source(%arg10 : memref<20x128xf32, #tpu.memory_space<vmem>>) target(%dma_start3A_188 : memref<20x128xf32, #tpu.memory_space<vmem_shared>>) target_semaphore(%arg13 : memref<!tpu.dma_semaphore, #tpu.memory_space<semaphore_mem>>)
    %add3A_189 = arith.constant 600 : i32
    %add3A_190 = arith.addi %mul3A_9, %add3A_189 : i32
    %dma_start3A_191 = arith.constant 0 : i32
    %dma_start3A_192 = tpu.memref_slice %arg11[%add3A_190, %dma_start3A_191] : memref<10240x128xf32, #tpu.memory_space<vmem_shared>> -> memref<20x128xf32, #tpu.memory_space<vmem_shared>>
    %dma_start3A_193 = arith.constant 0 : i32
    %dma_start3A_194 = tpu.memref_slice %arg11[%add3A_190, %dma_start3A_193] : memref<10240x128xf32, #tpu.memory_space<vmem_shared>> -> memref<20x128xf32, #tpu.memory_space<vmem_shared>>
    tpu.enqueue_dma source(%arg10 : memref<20x128xf32, #tpu.memory_space<vmem>>) target(%dma_start3A_194 : memref<20x128xf32, #tpu.memory_space<vmem_shared>>) target_semaphore(%arg13 : memref<!tpu.dma_semaphore, #tpu.memory_space<semaphore_mem>>)
    %add3A_195 = arith.constant 620 : i32
    %add3A_196 = arith.addi %mul3A_9, %add3A_195 : i32
    %dma_start3A_197 = arith.constant 0 : i32
    %dma_start3A_198 = tpu.memref_slice %arg11[%add3A_196, %dma_start3A_197] : memref<10240x128xf32, #tpu.memory_space<vmem_shared>> -> memref<20x128xf32, #tpu.memory_space<vmem_shared>>
    %dma_start3A_199 = arith.constant 0 : i32
    %dma_start3A_200 = tpu.memref_slice %arg11[%add3A_196, %dma_start3A_199] : memref<10240x128xf32, #tpu.memory_space<vmem_shared>> -> memref<20x128xf32, #tpu.memory_space<vmem_shared>>
    tpu.enqueue_dma source(%arg10 : memref<20x128xf32, #tpu.memory_space<vmem>>) target(%dma_start3A_200 : memref<20x128xf32, #tpu.memory_space<vmem_shared>>) target_semaphore(%arg13 : memref<!tpu.dma_semaphore, #tpu.memory_space<semaphore_mem>>)
    "tpu.region"() ({
      %run_scoped3A = tpu.sem_alloc : memref<!tpu.dma_semaphore, #tpu.memory_space<semaphore_mem>>
      %dma_start3A_407 = arith.constant 0 : i32
      %dma_start3A_408 = arith.constant 0 : i32
      %dma_start3A_409 = tpu.memref_slice %arg3[%add3A, %dma_start3A_407, %dma_start3A_408] : memref<32x100x100xi32, #tpu.memory_space<hbm>> -> memref<1x100x100xi32, #tpu.memory_space<hbm>>
      %dma_start3A_410 = tpu.memref_squeeze %dma_start3A_409 : memref<1x100x100xi32, #tpu.memory_space<hbm>> -> memref<100x100xi32, #tpu.memory_space<hbm>>
      %dma_start3A_411 = arith.constant 0 : i32
      %dma_start3A_412 = arith.constant 0 : i32
      %dma_start3A_413 = tpu.memref_slice %arg3[%add3A, %dma_start3A_411, %dma_start3A_412] : memref<32x100x100xi32, #tpu.memory_space<hbm>> -> memref<1x100x100xi32, #tpu.memory_space<hbm>>
      %dma_start3A_414 = tpu.memref_squeeze %dma_start3A_413 : memref<1x100x100xi32, #tpu.memory_space<hbm>> -> memref<100x100xi32, #tpu.memory_space<hbm>>
      tpu.enqueue_dma source(%dma_start3A_414 : memref<100x100xi32, #tpu.memory_space<hbm>>) target(%arg6 : memref<100x100xi32, #tpu.memory_space<vmem>>) target_semaphore(%run_scoped3A : memref<!tpu.dma_semaphore, #tpu.memory_space<semaphore_mem>>)
      %dma_wait3A_415 = arith.constant 0 : i32
      %dma_wait3A_416 = arith.constant 0 : i32
      %dma_wait3A_417 = tpu.memref_slice %arg3[%add3A, %dma_wait3A_415, %dma_wait3A_416] : memref<32x100x100xi32, #tpu.memory_space<hbm>> -> memref<1x100x100xi32, #tpu.memory_space<hbm>>
      %dma_wait3A_418 = tpu.memref_squeeze %dma_wait3A_417 : memref<1x100x100xi32, #tpu.memory_space<hbm>> -> memref<100x100xi32, #tpu.memory_space<hbm>>
      %dma_wait3A_419 = arith.constant 0 : i32
      %dma_wait3A_420 = arith.constant 0 : i32
      %dma_wait3A_421 = tpu.memref_slice %arg3[%add3A, %dma_wait3A_419, %dma_wait3A_420] : memref<32x100x100xi32, #tpu.memory_space<hbm>> -> memref<1x100x100xi32, #tpu.memory_space<hbm>>
      %dma_wait3A_422 = tpu.memref_squeeze %dma_wait3A_421 : memref<1x100x100xi32, #tpu.memory_space<hbm>> -> memref<100x100xi32, #tpu.memory_space<hbm>>
      tpu.wait_dma2 semaphore(%run_scoped3A : memref<!tpu.dma_semaphore, #tpu.memory_space<semaphore_mem>>) src(%dma_wait3A_422 : memref<100x100xi32, #tpu.memory_space<hbm>>) dst(%arg6 : memref<100x100xi32, #tpu.memory_space<vmem>>)
      tpu.yield
    }) : () -> ()
    "tpu.region"() ({
      %run_scoped3A = tpu.sem_alloc : memref<!tpu.dma_semaphore, #tpu.memory_space<semaphore_mem>>
      %dma_start3A_407 = arith.constant 0 : i32
      %dma_start3A_408 = arith.constant 0 : i32
      %dma_start3A_409 = tpu.memref_slice %arg4[%add3A, %dma_start3A_407, %dma_start3A_408] : memref<32x100x100xi32, #tpu.memory_space<hbm>> -> memref<1x100x100xi32, #tpu.memory_space<hbm>>
      %dma_start3A_410 = tpu.memref_squeeze %dma_start3A_409 : memref<1x100x100xi32, #tpu.memory_space<hbm>> -> memref<100x100xi32, #tpu.memory_space<hbm>>
      %dma_start3A_411 = arith.constant 0 : i32
      %dma_start3A_412 = arith.constant 0 : i32
      %dma_start3A_413 = tpu.memref_slice %arg4[%add3A, %dma_start3A_411, %dma_start3A_412] : memref<32x100x100xi32, #tpu.memory_space<hbm>> -> memref<1x100x100xi32, #tpu.memory_space<hbm>>
      %dma_start3A_414 = tpu.memref_squeeze %dma_start3A_413 : memref<1x100x100xi32, #tpu.memory_space<hbm>> -> memref<100x100xi32, #tpu.memory_space<hbm>>
      tpu.enqueue_dma source(%dma_start3A_414 : memref<100x100xi32, #tpu.memory_space<hbm>>) target(%arg7 : memref<100x100xi32, #tpu.memory_space<vmem>>) target_semaphore(%run_scoped3A : memref<!tpu.dma_semaphore, #tpu.memory_space<semaphore_mem>>)
      %dma_wait3A_415 = arith.constant 0 : i32
      %dma_wait3A_416 = arith.constant 0 : i32
      %dma_wait3A_417 = tpu.memref_slice %arg4[%add3A, %dma_wait3A_415, %dma_wait3A_416] : memref<32x100x100xi32, #tpu.memory_space<hbm>> -> memref<1x100x100xi32, #tpu.memory_space<hbm>>
      %dma_wait3A_418 = tpu.memref_squeeze %dma_wait3A_417 : memref<1x100x100xi32, #tpu.memory_space<hbm>> -> memref<100x100xi32, #tpu.memory_space<hbm>>
      %dma_wait3A_419 = arith.constant 0 : i32
      %dma_wait3A_420 = arith.constant 0 : i32
      %dma_wait3A_421 = tpu.memref_slice %arg4[%add3A, %dma_wait3A_419, %dma_wait3A_420] : memref<32x100x100xi32, #tpu.memory_space<hbm>> -> memref<1x100x100xi32, #tpu.memory_space<hbm>>
      %dma_wait3A_422 = tpu.memref_squeeze %dma_wait3A_421 : memref<1x100x100xi32, #tpu.memory_space<hbm>> -> memref<100x100xi32, #tpu.memory_space<hbm>>
      tpu.wait_dma2 semaphore(%run_scoped3A : memref<!tpu.dma_semaphore, #tpu.memory_space<semaphore_mem>>) src(%dma_wait3A_422 : memref<100x100xi32, #tpu.memory_space<hbm>>) dst(%arg7 : memref<100x100xi32, #tpu.memory_space<vmem>>)
      tpu.yield
    }) : () -> ()
    %add3A_201 = arith.constant 0 : i32
    %add3A_202 = arith.addi %mul3A_9, %add3A_201 : i32
    %dma_wait3A = arith.constant 0 : i32
    %dma_wait3A_203 = tpu.memref_slice %arg11[%add3A_202, %dma_wait3A] : memref<10240x128xf32, #tpu.memory_space<vmem_shared>> -> memref<20x128xf32, #tpu.memory_space<vmem_shared>>
    %dma_wait3A_204 = arith.constant 0 : i32
    %dma_wait3A_205 = tpu.memref_slice %arg11[%add3A_202, %dma_wait3A_204] : memref<10240x128xf32, #tpu.memory_space<vmem_shared>> -> memref<20x128xf32, #tpu.memory_space<vmem_shared>>
    tpu.wait_dma2 semaphore(%arg13 : memref<!tpu.dma_semaphore, #tpu.memory_space<semaphore_mem>>) src(%arg10 : memref<20x128xf32, #tpu.memory_space<vmem>>) dst(%dma_wait3A_205 : memref<20x128xf32, #tpu.memory_space<vmem_shared>>)
    %add3A_206 = arith.constant 20 : i32
    %add3A_207 = arith.addi %mul3A_9, %add3A_206 : i32
    %dma_wait3A_208 = arith.constant 0 : i32
    %dma_wait3A_209 = tpu.memref_slice %arg11[%add3A_207, %dma_wait3A_208] : memref<10240x128xf32, #tpu.memory_space<vmem_shared>> -> memref<20x128xf32, #tpu.memory_space<vmem_shared>>
    %dma_wait3A_210 = arith.constant 0 : i32
    %dma_wait3A_211 = tpu.memref_slice %arg11[%add3A_207, %dma_wait3A_210] : memref<10240x128xf32, #tpu.memory_space<vmem_shared>> -> memref<20x128xf32, #tpu.memory_space<vmem_shared>>
    tpu.wait_dma2 semaphore(%arg13 : memref<!tpu.dma_semaphore, #tpu.memory_space<semaphore_mem>>) src(%arg10 : memref<20x128xf32, #tpu.memory_space<vmem>>) dst(%dma_wait3A_211 : memref<20x128xf32, #tpu.memory_space<vmem_shared>>)
    %add3A_212 = arith.constant 40 : i32
    %add3A_213 = arith.addi %mul3A_9, %add3A_212 : i32
    %dma_wait3A_214 = arith.constant 0 : i32
    %dma_wait3A_215 = tpu.memref_slice %arg11[%add3A_213, %dma_wait3A_214] : memref<10240x128xf32, #tpu.memory_space<vmem_shared>> -> memref<20x128xf32, #tpu.memory_space<vmem_shared>>
    %dma_wait3A_216 = arith.constant 0 : i32
    %dma_wait3A_217 = tpu.memref_slice %arg11[%add3A_213, %dma_wait3A_216] : memref<10240x128xf32, #tpu.memory_space<vmem_shared>> -> memref<20x128xf32, #tpu.memory_space<vmem_shared>>
    tpu.wait_dma2 semaphore(%arg13 : memref<!tpu.dma_semaphore, #tpu.memory_space<semaphore_mem>>) src(%arg10 : memref<20x128xf32, #tpu.memory_space<vmem>>) dst(%dma_wait3A_217 : memref<20x128xf32, #tpu.memory_space<vmem_shared>>)
    %add3A_218 = arith.constant 60 : i32
    %add3A_219 = arith.addi %mul3A_9, %add3A_218 : i32
    %dma_wait3A_220 = arith.constant 0 : i32
    %dma_wait3A_221 = tpu.memref_slice %arg11[%add3A_219, %dma_wait3A_220] : memref<10240x128xf32, #tpu.memory_space<vmem_shared>> -> memref<20x128xf32, #tpu.memory_space<vmem_shared>>
    %dma_wait3A_222 = arith.constant 0 : i32
    %dma_wait3A_223 = tpu.memref_slice %arg11[%add3A_219, %dma_wait3A_222] : memref<10240x128xf32, #tpu.memory_space<vmem_shared>> -> memref<20x128xf32, #tpu.memory_space<vmem_shared>>
    tpu.wait_dma2 semaphore(%arg13 : memref<!tpu.dma_semaphore, #tpu.memory_space<semaphore_mem>>) src(%arg10 : memref<20x128xf32, #tpu.memory_space<vmem>>) dst(%dma_wait3A_223 : memref<20x128xf32, #tpu.memory_space<vmem_shared>>)
    %add3A_224 = arith.constant 80 : i32
    %add3A_225 = arith.addi %mul3A_9, %add3A_224 : i32
    %dma_wait3A_226 = arith.constant 0 : i32
    %dma_wait3A_227 = tpu.memref_slice %arg11[%add3A_225, %dma_wait3A_226] : memref<10240x128xf32, #tpu.memory_space<vmem_shared>> -> memref<20x128xf32, #tpu.memory_space<vmem_shared>>
    %dma_wait3A_228 = arith.constant 0 : i32
    %dma_wait3A_229 = tpu.memref_slice %arg11[%add3A_225, %dma_wait3A_228] : memref<10240x128xf32, #tpu.memory_space<vmem_shared>> -> memref<20x128xf32, #tpu.memory_space<vmem_shared>>
    tpu.wait_dma2 semaphore(%arg13 : memref<!tpu.dma_semaphore, #tpu.memory_space<semaphore_mem>>) src(%arg10 : memref<20x128xf32, #tpu.memory_space<vmem>>) dst(%dma_wait3A_229 : memref<20x128xf32, #tpu.memory_space<vmem_shared>>)
    %add3A_230 = arith.constant 100 : i32
    %add3A_231 = arith.addi %mul3A_9, %add3A_230 : i32
    %dma_wait3A_232 = arith.constant 0 : i32
    %dma_wait3A_233 = tpu.memref_slice %arg11[%add3A_231, %dma_wait3A_232] : memref<10240x128xf32, #tpu.memory_space<vmem_shared>> -> memref<20x128xf32, #tpu.memory_space<vmem_shared>>
    %dma_wait3A_234 = arith.constant 0 : i32
    %dma_wait3A_235 = tpu.memref_slice %arg11[%add3A_231, %dma_wait3A_234] : memref<10240x128xf32, #tpu.memory_space<vmem_shared>> -> memref<20x128xf32, #tpu.memory_space<vmem_shared>>
    tpu.wait_dma2 semaphore(%arg13 : memref<!tpu.dma_semaphore, #tpu.memory_space<semaphore_mem>>) src(%arg10 : memref<20x128xf32, #tpu.memory_space<vmem>>) dst(%dma_wait3A_235 : memref<20x128xf32, #tpu.memory_space<vmem_shared>>)
    %add3A_236 = arith.constant 120 : i32
    %add3A_237 = arith.addi %mul3A_9, %add3A_236 : i32
    %dma_wait3A_238 = arith.constant 0 : i32
    %dma_wait3A_239 = tpu.memref_slice %arg11[%add3A_237, %dma_wait3A_238] : memref<10240x128xf32, #tpu.memory_space<vmem_shared>> -> memref<20x128xf32, #tpu.memory_space<vmem_shared>>
    %dma_wait3A_240 = arith.constant 0 : i32
    %dma_wait3A_241 = tpu.memref_slice %arg11[%add3A_237, %dma_wait3A_240] : memref<10240x128xf32, #tpu.memory_space<vmem_shared>> -> memref<20x128xf32, #tpu.memory_space<vmem_shared>>
    tpu.wait_dma2 semaphore(%arg13 : memref<!tpu.dma_semaphore, #tpu.memory_space<semaphore_mem>>) src(%arg10 : memref<20x128xf32, #tpu.memory_space<vmem>>) dst(%dma_wait3A_241 : memref<20x128xf32, #tpu.memory_space<vmem_shared>>)
    %add3A_242 = arith.constant 140 : i32
    %add3A_243 = arith.addi %mul3A_9, %add3A_242 : i32
    %dma_wait3A_244 = arith.constant 0 : i32
    %dma_wait3A_245 = tpu.memref_slice %arg11[%add3A_243, %dma_wait3A_244] : memref<10240x128xf32, #tpu.memory_space<vmem_shared>> -> memref<20x128xf32, #tpu.memory_space<vmem_shared>>
    %dma_wait3A_246 = arith.constant 0 : i32
    %dma_wait3A_247 = tpu.memref_slice %arg11[%add3A_243, %dma_wait3A_246] : memref<10240x128xf32, #tpu.memory_space<vmem_shared>> -> memref<20x128xf32, #tpu.memory_space<vmem_shared>>
    tpu.wait_dma2 semaphore(%arg13 : memref<!tpu.dma_semaphore, #tpu.memory_space<semaphore_mem>>) src(%arg10 : memref<20x128xf32, #tpu.memory_space<vmem>>) dst(%dma_wait3A_247 : memref<20x128xf32, #tpu.memory_space<vmem_shared>>)
    %add3A_248 = arith.constant 160 : i32
    %add3A_249 = arith.addi %mul3A_9, %add3A_248 : i32
    %dma_wait3A_250 = arith.constant 0 : i32
    %dma_wait3A_251 = tpu.memref_slice %arg11[%add3A_249, %dma_wait3A_250] : memref<10240x128xf32, #tpu.memory_space<vmem_shared>> -> memref<20x128xf32, #tpu.memory_space<vmem_shared>>
    %dma_wait3A_252 = arith.constant 0 : i32
    %dma_wait3A_253 = tpu.memref_slice %arg11[%add3A_249, %dma_wait3A_252] : memref<10240x128xf32, #tpu.memory_space<vmem_shared>> -> memref<20x128xf32, #tpu.memory_space<vmem_shared>>
    tpu.wait_dma2 semaphore(%arg13 : memref<!tpu.dma_semaphore, #tpu.memory_space<semaphore_mem>>) src(%arg10 : memref<20x128xf32, #tpu.memory_space<vmem>>) dst(%dma_wait3A_253 : memref<20x128xf32, #tpu.memory_space<vmem_shared>>)
    %add3A_254 = arith.constant 180 : i32
    %add3A_255 = arith.addi %mul3A_9, %add3A_254 : i32
    %dma_wait3A_256 = arith.constant 0 : i32
    %dma_wait3A_257 = tpu.memref_slice %arg11[%add3A_255, %dma_wait3A_256] : memref<10240x128xf32, #tpu.memory_space<vmem_shared>> -> memref<20x128xf32, #tpu.memory_space<vmem_shared>>
    %dma_wait3A_258 = arith.constant 0 : i32
    %dma_wait3A_259 = tpu.memref_slice %arg11[%add3A_255, %dma_wait3A_258] : memref<10240x128xf32, #tpu.memory_space<vmem_shared>> -> memref<20x128xf32, #tpu.memory_space<vmem_shared>>
    tpu.wait_dma2 semaphore(%arg13 : memref<!tpu.dma_semaphore, #tpu.memory_space<semaphore_mem>>) src(%arg10 : memref<20x128xf32, #tpu.memory_space<vmem>>) dst(%dma_wait3A_259 : memref<20x128xf32, #tpu.memory_space<vmem_shared>>)
    %add3A_260 = arith.constant 200 : i32
    %add3A_261 = arith.addi %mul3A_9, %add3A_260 : i32
    %dma_wait3A_262 = arith.constant 0 : i32
    %dma_wait3A_263 = tpu.memref_slice %arg11[%add3A_261, %dma_wait3A_262] : memref<10240x128xf32, #tpu.memory_space<vmem_shared>> -> memref<20x128xf32, #tpu.memory_space<vmem_shared>>
    %dma_wait3A_264 = arith.constant 0 : i32
    %dma_wait3A_265 = tpu.memref_slice %arg11[%add3A_261, %dma_wait3A_264] : memref<10240x128xf32, #tpu.memory_space<vmem_shared>> -> memref<20x128xf32, #tpu.memory_space<vmem_shared>>
    tpu.wait_dma2 semaphore(%arg13 : memref<!tpu.dma_semaphore, #tpu.memory_space<semaphore_mem>>) src(%arg10 : memref<20x128xf32, #tpu.memory_space<vmem>>) dst(%dma_wait3A_265 : memref<20x128xf32, #tpu.memory_space<vmem_shared>>)
    %add3A_266 = arith.constant 220 : i32
    %add3A_267 = arith.addi %mul3A_9, %add3A_266 : i32
    %dma_wait3A_268 = arith.constant 0 : i32
    %dma_wait3A_269 = tpu.memref_slice %arg11[%add3A_267, %dma_wait3A_268] : memref<10240x128xf32, #tpu.memory_space<vmem_shared>> -> memref<20x128xf32, #tpu.memory_space<vmem_shared>>
    %dma_wait3A_270 = arith.constant 0 : i32
    %dma_wait3A_271 = tpu.memref_slice %arg11[%add3A_267, %dma_wait3A_270] : memref<10240x128xf32, #tpu.memory_space<vmem_shared>> -> memref<20x128xf32, #tpu.memory_space<vmem_shared>>
    tpu.wait_dma2 semaphore(%arg13 : memref<!tpu.dma_semaphore, #tpu.memory_space<semaphore_mem>>) src(%arg10 : memref<20x128xf32, #tpu.memory_space<vmem>>) dst(%dma_wait3A_271 : memref<20x128xf32, #tpu.memory_space<vmem_shared>>)
    %add3A_272 = arith.constant 240 : i32
    %add3A_273 = arith.addi %mul3A_9, %add3A_272 : i32
    %dma_wait3A_274 = arith.constant 0 : i32
    %dma_wait3A_275 = tpu.memref_slice %arg11[%add3A_273, %dma_wait3A_274] : memref<10240x128xf32, #tpu.memory_space<vmem_shared>> -> memref<20x128xf32, #tpu.memory_space<vmem_shared>>
    %dma_wait3A_276 = arith.constant 0 : i32
    %dma_wait3A_277 = tpu.memref_slice %arg11[%add3A_273, %dma_wait3A_276] : memref<10240x128xf32, #tpu.memory_space<vmem_shared>> -> memref<20x128xf32, #tpu.memory_space<vmem_shared>>
    tpu.wait_dma2 semaphore(%arg13 : memref<!tpu.dma_semaphore, #tpu.memory_space<semaphore_mem>>) src(%arg10 : memref<20x128xf32, #tpu.memory_space<vmem>>) dst(%dma_wait3A_277 : memref<20x128xf32, #tpu.memory_space<vmem_shared>>)
    %add3A_278 = arith.constant 260 : i32
    %add3A_279 = arith.addi %mul3A_9, %add3A_278 : i32
    %dma_wait3A_280 = arith.constant 0 : i32
    %dma_wait3A_281 = tpu.memref_slice %arg11[%add3A_279, %dma_wait3A_280] : memref<10240x128xf32, #tpu.memory_space<vmem_shared>> -> memref<20x128xf32, #tpu.memory_space<vmem_shared>>
    %dma_wait3A_282 = arith.constant 0 : i32
    %dma_wait3A_283 = tpu.memref_slice %arg11[%add3A_279, %dma_wait3A_282] : memref<10240x128xf32, #tpu.memory_space<vmem_shared>> -> memref<20x128xf32, #tpu.memory_space<vmem_shared>>
    tpu.wait_dma2 semaphore(%arg13 : memref<!tpu.dma_semaphore, #tpu.memory_space<semaphore_mem>>) src(%arg10 : memref<20x128xf32, #tpu.memory_space<vmem>>) dst(%dma_wait3A_283 : memref<20x128xf32, #tpu.memory_space<vmem_shared>>)
    %add3A_284 = arith.constant 280 : i32
    %add3A_285 = arith.addi %mul3A_9, %add3A_284 : i32
    %dma_wait3A_286 = arith.constant 0 : i32
    %dma_wait3A_287 = tpu.memref_slice %arg11[%add3A_285, %dma_wait3A_286] : memref<10240x128xf32, #tpu.memory_space<vmem_shared>> -> memref<20x128xf32, #tpu.memory_space<vmem_shared>>
    %dma_wait3A_288 = arith.constant 0 : i32
    %dma_wait3A_289 = tpu.memref_slice %arg11[%add3A_285, %dma_wait3A_288] : memref<10240x128xf32, #tpu.memory_space<vmem_shared>> -> memref<20x128xf32, #tpu.memory_space<vmem_shared>>
    tpu.wait_dma2 semaphore(%arg13 : memref<!tpu.dma_semaphore, #tpu.memory_space<semaphore_mem>>) src(%arg10 : memref<20x128xf32, #tpu.memory_space<vmem>>) dst(%dma_wait3A_289 : memref<20x128xf32, #tpu.memory_space<vmem_shared>>)
    %add3A_290 = arith.constant 300 : i32
    %add3A_291 = arith.addi %mul3A_9, %add3A_290 : i32
    %dma_wait3A_292 = arith.constant 0 : i32
    %dma_wait3A_293 = tpu.memref_slice %arg11[%add3A_291, %dma_wait3A_292] : memref<10240x128xf32, #tpu.memory_space<vmem_shared>> -> memref<20x128xf32, #tpu.memory_space<vmem_shared>>
    %dma_wait3A_294 = arith.constant 0 : i32
    %dma_wait3A_295 = tpu.memref_slice %arg11[%add3A_291, %dma_wait3A_294] : memref<10240x128xf32, #tpu.memory_space<vmem_shared>> -> memref<20x128xf32, #tpu.memory_space<vmem_shared>>
    tpu.wait_dma2 semaphore(%arg13 : memref<!tpu.dma_semaphore, #tpu.memory_space<semaphore_mem>>) src(%arg10 : memref<20x128xf32, #tpu.memory_space<vmem>>) dst(%dma_wait3A_295 : memref<20x128xf32, #tpu.memory_space<vmem_shared>>)
    %add3A_296 = arith.constant 320 : i32
    %add3A_297 = arith.addi %mul3A_9, %add3A_296 : i32
    %dma_wait3A_298 = arith.constant 0 : i32
    %dma_wait3A_299 = tpu.memref_slice %arg11[%add3A_297, %dma_wait3A_298] : memref<10240x128xf32, #tpu.memory_space<vmem_shared>> -> memref<20x128xf32, #tpu.memory_space<vmem_shared>>
    %dma_wait3A_300 = arith.constant 0 : i32
    %dma_wait3A_301 = tpu.memref_slice %arg11[%add3A_297, %dma_wait3A_300] : memref<10240x128xf32, #tpu.memory_space<vmem_shared>> -> memref<20x128xf32, #tpu.memory_space<vmem_shared>>
    tpu.wait_dma2 semaphore(%arg13 : memref<!tpu.dma_semaphore, #tpu.memory_space<semaphore_mem>>) src(%arg10 : memref<20x128xf32, #tpu.memory_space<vmem>>) dst(%dma_wait3A_301 : memref<20x128xf32, #tpu.memory_space<vmem_shared>>)
    %add3A_302 = arith.constant 340 : i32
    %add3A_303 = arith.addi %mul3A_9, %add3A_302 : i32
    %dma_wait3A_304 = arith.constant 0 : i32
    %dma_wait3A_305 = tpu.memref_slice %arg11[%add3A_303, %dma_wait3A_304] : memref<10240x128xf32, #tpu.memory_space<vmem_shared>> -> memref<20x128xf32, #tpu.memory_space<vmem_shared>>
    %dma_wait3A_306 = arith.constant 0 : i32
    %dma_wait3A_307 = tpu.memref_slice %arg11[%add3A_303, %dma_wait3A_306] : memref<10240x128xf32, #tpu.memory_space<vmem_shared>> -> memref<20x128xf32, #tpu.memory_space<vmem_shared>>
    tpu.wait_dma2 semaphore(%arg13 : memref<!tpu.dma_semaphore, #tpu.memory_space<semaphore_mem>>) src(%arg10 : memref<20x128xf32, #tpu.memory_space<vmem>>) dst(%dma_wait3A_307 : memref<20x128xf32, #tpu.memory_space<vmem_shared>>)
    %add3A_308 = arith.constant 360 : i32
    %add3A_309 = arith.addi %mul3A_9, %add3A_308 : i32
    %dma_wait3A_310 = arith.constant 0 : i32
    %dma_wait3A_311 = tpu.memref_slice %arg11[%add3A_309, %dma_wait3A_310] : memref<10240x128xf32, #tpu.memory_space<vmem_shared>> -> memref<20x128xf32, #tpu.memory_space<vmem_shared>>
    %dma_wait3A_312 = arith.constant 0 : i32
    %dma_wait3A_313 = tpu.memref_slice %arg11[%add3A_309, %dma_wait3A_312] : memref<10240x128xf32, #tpu.memory_space<vmem_shared>> -> memref<20x128xf32, #tpu.memory_space<vmem_shared>>
    tpu.wait_dma2 semaphore(%arg13 : memref<!tpu.dma_semaphore, #tpu.memory_space<semaphore_mem>>) src(%arg10 : memref<20x128xf32, #tpu.memory_space<vmem>>) dst(%dma_wait3A_313 : memref<20x128xf32, #tpu.memory_space<vmem_shared>>)
    %add3A_314 = arith.constant 380 : i32
    %add3A_315 = arith.addi %mul3A_9, %add3A_314 : i32
    %dma_wait3A_316 = arith.constant 0 : i32
    %dma_wait3A_317 = tpu.memref_slice %arg11[%add3A_315, %dma_wait3A_316] : memref<10240x128xf32, #tpu.memory_space<vmem_shared>> -> memref<20x128xf32, #tpu.memory_space<vmem_shared>>
    %dma_wait3A_318 = arith.constant 0 : i32
    %dma_wait3A_319 = tpu.memref_slice %arg11[%add3A_315, %dma_wait3A_318] : memref<10240x128xf32, #tpu.memory_space<vmem_shared>> -> memref<20x128xf32, #tpu.memory_space<vmem_shared>>
    tpu.wait_dma2 semaphore(%arg13 : memref<!tpu.dma_semaphore, #tpu.memory_space<semaphore_mem>>) src(%arg10 : memref<20x128xf32, #tpu.memory_space<vmem>>) dst(%dma_wait3A_319 : memref<20x128xf32, #tpu.memory_space<vmem_shared>>)
    %add3A_320 = arith.constant 400 : i32
    %add3A_321 = arith.addi %mul3A_9, %add3A_320 : i32
    %dma_wait3A_322 = arith.constant 0 : i32
    %dma_wait3A_323 = tpu.memref_slice %arg11[%add3A_321, %dma_wait3A_322] : memref<10240x128xf32, #tpu.memory_space<vmem_shared>> -> memref<20x128xf32, #tpu.memory_space<vmem_shared>>
    %dma_wait3A_324 = arith.constant 0 : i32
    %dma_wait3A_325 = tpu.memref_slice %arg11[%add3A_321, %dma_wait3A_324] : memref<10240x128xf32, #tpu.memory_space<vmem_shared>> -> memref<20x128xf32, #tpu.memory_space<vmem_shared>>
    tpu.wait_dma2 semaphore(%arg13 : memref<!tpu.dma_semaphore, #tpu.memory_space<semaphore_mem>>) src(%arg10 : memref<20x128xf32, #tpu.memory_space<vmem>>) dst(%dma_wait3A_325 : memref<20x128xf32, #tpu.memory_space<vmem_shared>>)
    %add3A_326 = arith.constant 420 : i32
    %add3A_327 = arith.addi %mul3A_9, %add3A_326 : i32
    %dma_wait3A_328 = arith.constant 0 : i32
    %dma_wait3A_329 = tpu.memref_slice %arg11[%add3A_327, %dma_wait3A_328] : memref<10240x128xf32, #tpu.memory_space<vmem_shared>> -> memref<20x128xf32, #tpu.memory_space<vmem_shared>>
    %dma_wait3A_330 = arith.constant 0 : i32
    %dma_wait3A_331 = tpu.memref_slice %arg11[%add3A_327, %dma_wait3A_330] : memref<10240x128xf32, #tpu.memory_space<vmem_shared>> -> memref<20x128xf32, #tpu.memory_space<vmem_shared>>
    tpu.wait_dma2 semaphore(%arg13 : memref<!tpu.dma_semaphore, #tpu.memory_space<semaphore_mem>>) src(%arg10 : memref<20x128xf32, #tpu.memory_space<vmem>>) dst(%dma_wait3A_331 : memref<20x128xf32, #tpu.memory_space<vmem_shared>>)
    %add3A_332 = arith.constant 440 : i32
    %add3A_333 = arith.addi %mul3A_9, %add3A_332 : i32
    %dma_wait3A_334 = arith.constant 0 : i32
    %dma_wait3A_335 = tpu.memref_slice %arg11[%add3A_333, %dma_wait3A_334] : memref<10240x128xf32, #tpu.memory_space<vmem_shared>> -> memref<20x128xf32, #tpu.memory_space<vmem_shared>>
    %dma_wait3A_336 = arith.constant 0 : i32
    %dma_wait3A_337 = tpu.memref_slice %arg11[%add3A_333, %dma_wait3A_336] : memref<10240x128xf32, #tpu.memory_space<vmem_shared>> -> memref<20x128xf32, #tpu.memory_space<vmem_shared>>
    tpu.wait_dma2 semaphore(%arg13 : memref<!tpu.dma_semaphore, #tpu.memory_space<semaphore_mem>>) src(%arg10 : memref<20x128xf32, #tpu.memory_space<vmem>>) dst(%dma_wait3A_337 : memref<20x128xf32, #tpu.memory_space<vmem_shared>>)
    %add3A_338 = arith.constant 460 : i32
    %add3A_339 = arith.addi %mul3A_9, %add3A_338 : i32
    %dma_wait3A_340 = arith.constant 0 : i32
    %dma_wait3A_341 = tpu.memref_slice %arg11[%add3A_339, %dma_wait3A_340] : memref<10240x128xf32, #tpu.memory_space<vmem_shared>> -> memref<20x128xf32, #tpu.memory_space<vmem_shared>>
    %dma_wait3A_342 = arith.constant 0 : i32
    %dma_wait3A_343 = tpu.memref_slice %arg11[%add3A_339, %dma_wait3A_342] : memref<10240x128xf32, #tpu.memory_space<vmem_shared>> -> memref<20x128xf32, #tpu.memory_space<vmem_shared>>
    tpu.wait_dma2 semaphore(%arg13 : memref<!tpu.dma_semaphore, #tpu.memory_space<semaphore_mem>>) src(%arg10 : memref<20x128xf32, #tpu.memory_space<vmem>>) dst(%dma_wait3A_343 : memref<20x128xf32, #tpu.memory_space<vmem_shared>>)
    %add3A_344 = arith.constant 480 : i32
    %add3A_345 = arith.addi %mul3A_9, %add3A_344 : i32
    %dma_wait3A_346 = arith.constant 0 : i32
    %dma_wait3A_347 = tpu.memref_slice %arg11[%add3A_345, %dma_wait3A_346] : memref<10240x128xf32, #tpu.memory_space<vmem_shared>> -> memref<20x128xf32, #tpu.memory_space<vmem_shared>>
    %dma_wait3A_348 = arith.constant 0 : i32
    %dma_wait3A_349 = tpu.memref_slice %arg11[%add3A_345, %dma_wait3A_348] : memref<10240x128xf32, #tpu.memory_space<vmem_shared>> -> memref<20x128xf32, #tpu.memory_space<vmem_shared>>
    tpu.wait_dma2 semaphore(%arg13 : memref<!tpu.dma_semaphore, #tpu.memory_space<semaphore_mem>>) src(%arg10 : memref<20x128xf32, #tpu.memory_space<vmem>>) dst(%dma_wait3A_349 : memref<20x128xf32, #tpu.memory_space<vmem_shared>>)
    %add3A_350 = arith.constant 500 : i32
    %add3A_351 = arith.addi %mul3A_9, %add3A_350 : i32
    %dma_wait3A_352 = arith.constant 0 : i32
    %dma_wait3A_353 = tpu.memref_slice %arg11[%add3A_351, %dma_wait3A_352] : memref<10240x128xf32, #tpu.memory_space<vmem_shared>> -> memref<20x128xf32, #tpu.memory_space<vmem_shared>>
    %dma_wait3A_354 = arith.constant 0 : i32
    %dma_wait3A_355 = tpu.memref_slice %arg11[%add3A_351, %dma_wait3A_354] : memref<10240x128xf32, #tpu.memory_space<vmem_shared>> -> memref<20x128xf32, #tpu.memory_space<vmem_shared>>
    tpu.wait_dma2 semaphore(%arg13 : memref<!tpu.dma_semaphore, #tpu.memory_space<semaphore_mem>>) src(%arg10 : memref<20x128xf32, #tpu.memory_space<vmem>>) dst(%dma_wait3A_355 : memref<20x128xf32, #tpu.memory_space<vmem_shared>>)
    %add3A_356 = arith.constant 520 : i32
    %add3A_357 = arith.addi %mul3A_9, %add3A_356 : i32
    %dma_wait3A_358 = arith.constant 0 : i32
    %dma_wait3A_359 = tpu.memref_slice %arg11[%add3A_357, %dma_wait3A_358] : memref<10240x128xf32, #tpu.memory_space<vmem_shared>> -> memref<20x128xf32, #tpu.memory_space<vmem_shared>>
    %dma_wait3A_360 = arith.constant 0 : i32
    %dma_wait3A_361 = tpu.memref_slice %arg11[%add3A_357, %dma_wait3A_360] : memref<10240x128xf32, #tpu.memory_space<vmem_shared>> -> memref<20x128xf32, #tpu.memory_space<vmem_shared>>
    tpu.wait_dma2 semaphore(%arg13 : memref<!tpu.dma_semaphore, #tpu.memory_space<semaphore_mem>>) src(%arg10 : memref<20x128xf32, #tpu.memory_space<vmem>>) dst(%dma_wait3A_361 : memref<20x128xf32, #tpu.memory_space<vmem_shared>>)
    %add3A_362 = arith.constant 540 : i32
    %add3A_363 = arith.addi %mul3A_9, %add3A_362 : i32
    %dma_wait3A_364 = arith.constant 0 : i32
    %dma_wait3A_365 = tpu.memref_slice %arg11[%add3A_363, %dma_wait3A_364] : memref<10240x128xf32, #tpu.memory_space<vmem_shared>> -> memref<20x128xf32, #tpu.memory_space<vmem_shared>>
    %dma_wait3A_366 = arith.constant 0 : i32
    %dma_wait3A_367 = tpu.memref_slice %arg11[%add3A_363, %dma_wait3A_366] : memref<10240x128xf32, #tpu.memory_space<vmem_shared>> -> memref<20x128xf32, #tpu.memory_space<vmem_shared>>
    tpu.wait_dma2 semaphore(%arg13 : memref<!tpu.dma_semaphore, #tpu.memory_space<semaphore_mem>>) src(%arg10 : memref<20x128xf32, #tpu.memory_space<vmem>>) dst(%dma_wait3A_367 : memref<20x128xf32, #tpu.memory_space<vmem_shared>>)
    %add3A_368 = arith.constant 560 : i32
    %add3A_369 = arith.addi %mul3A_9, %add3A_368 : i32
    %dma_wait3A_370 = arith.constant 0 : i32
    %dma_wait3A_371 = tpu.memref_slice %arg11[%add3A_369, %dma_wait3A_370] : memref<10240x128xf32, #tpu.memory_space<vmem_shared>> -> memref<20x128xf32, #tpu.memory_space<vmem_shared>>
    %dma_wait3A_372 = arith.constant 0 : i32
    %dma_wait3A_373 = tpu.memref_slice %arg11[%add3A_369, %dma_wait3A_372] : memref<10240x128xf32, #tpu.memory_space<vmem_shared>> -> memref<20x128xf32, #tpu.memory_space<vmem_shared>>
    tpu.wait_dma2 semaphore(%arg13 : memref<!tpu.dma_semaphore, #tpu.memory_space<semaphore_mem>>) src(%arg10 : memref<20x128xf32, #tpu.memory_space<vmem>>) dst(%dma_wait3A_373 : memref<20x128xf32, #tpu.memory_space<vmem_shared>>)
    %add3A_374 = arith.constant 580 : i32
    %add3A_375 = arith.addi %mul3A_9, %add3A_374 : i32
    %dma_wait3A_376 = arith.constant 0 : i32
    %dma_wait3A_377 = tpu.memref_slice %arg11[%add3A_375, %dma_wait3A_376] : memref<10240x128xf32, #tpu.memory_space<vmem_shared>> -> memref<20x128xf32, #tpu.memory_space<vmem_shared>>
    %dma_wait3A_378 = arith.constant 0 : i32
    %dma_wait3A_379 = tpu.memref_slice %arg11[%add3A_375, %dma_wait3A_378] : memref<10240x128xf32, #tpu.memory_space<vmem_shared>> -> memref<20x128xf32, #tpu.memory_space<vmem_shared>>
    tpu.wait_dma2 semaphore(%arg13 : memref<!tpu.dma_semaphore, #tpu.memory_space<semaphore_mem>>) src(%arg10 : memref<20x128xf32, #tpu.memory_space<vmem>>) dst(%dma_wait3A_379 : memref<20x128xf32, #tpu.memory_space<vmem_shared>>)
    %add3A_380 = arith.constant 600 : i32
    %add3A_381 = arith.addi %mul3A_9, %add3A_380 : i32
    %dma_wait3A_382 = arith.constant 0 : i32
    %dma_wait3A_383 = tpu.memref_slice %arg11[%add3A_381, %dma_wait3A_382] : memref<10240x128xf32, #tpu.memory_space<vmem_shared>> -> memref<20x128xf32, #tpu.memory_space<vmem_shared>>
    %dma_wait3A_384 = arith.constant 0 : i32
    %dma_wait3A_385 = tpu.memref_slice %arg11[%add3A_381, %dma_wait3A_384] : memref<10240x128xf32, #tpu.memory_space<vmem_shared>> -> memref<20x128xf32, #tpu.memory_space<vmem_shared>>
    tpu.wait_dma2 semaphore(%arg13 : memref<!tpu.dma_semaphore, #tpu.memory_space<semaphore_mem>>) src(%arg10 : memref<20x128xf32, #tpu.memory_space<vmem>>) dst(%dma_wait3A_385 : memref<20x128xf32, #tpu.memory_space<vmem_shared>>)
    %add3A_386 = arith.constant 620 : i32
    %add3A_387 = arith.addi %mul3A_9, %add3A_386 : i32
    %dma_wait3A_388 = arith.constant 0 : i32
    %dma_wait3A_389 = tpu.memref_slice %arg11[%add3A_387, %dma_wait3A_388] : memref<10240x128xf32, #tpu.memory_space<vmem_shared>> -> memref<20x128xf32, #tpu.memory_space<vmem_shared>>
    %dma_wait3A_390 = arith.constant 0 : i32
    %dma_wait3A_391 = tpu.memref_slice %arg11[%add3A_387, %dma_wait3A_390] : memref<10240x128xf32, #tpu.memory_space<vmem_shared>> -> memref<20x128xf32, #tpu.memory_space<vmem_shared>>
    tpu.wait_dma2 semaphore(%arg13 : memref<!tpu.dma_semaphore, #tpu.memory_space<semaphore_mem>>) src(%arg10 : memref<20x128xf32, #tpu.memory_space<vmem>>) dst(%dma_wait3A_391 : memref<20x128xf32, #tpu.memory_space<vmem_shared>>)
    %barrier3A = arith.constant 0 : index
    tpu.barrier barrier_id(%barrier3A)
    %dma_start3A_392 = arith.constant 0 : i32
    %dma_start3A_393 = arith.constant 0 : i32
    %dma_start3A_394 = tpu.memref_slice %arg6[%dma_start3A_392, %dma_start3A_393] : memref<100x100xi32, #tpu.memory_space<vmem>> -> memref<1x100xi32, #tpu.memory_space<vmem>>
    %dma_start3A_395 = tpu.memref_squeeze %dma_start3A_394 : memref<1x100xi32, #tpu.memory_space<vmem>> -> memref<100xi32, #tpu.memory_space<vmem>>
    %dma_start3A_396 = arith.constant 0 : i32
    %dma_start3A_397 = arith.constant 0 : i32
    %dma_start3A_398 = tpu.memref_slice %arg2[%dma_start3A_396, %dma_start3A_397] : memref<10000x128xf32, #tpu.memory_space<hbm>> -> memref<10000x128xf32, #tpu.memory_space<hbm>>
    tpu.enqueue_indirect_dma source(%dma_start3A_398 : memref<10000x128xf32, #tpu.memory_space<hbm>>) target(%arg8 : memref<100x128xf32, #tpu.memory_space<vmem>>) offsets(%dma_start3A_395 : memref<100xi32, #tpu.memory_space<vmem>>) semaphore(%arg12 : memref<!tpu.dma_semaphore, #tpu.memory_space<semaphore_mem>>)
    %scan3A_399 = arith.constant 0 : i32
    %scan3A_400 = arith.constant 0 : i32
    %scan3A_401 = arith.constant 50 : i32
    %scan3A_402 = arith.addi %scan3A_400, %scan3A_401 : i32
    %scan3A_403 = arith.constant 1 : i32
    %scan3A_404 = scf.for %scan3A_407 = %scan3A_400 to %scan3A_402 step %scan3A_403 iter_args(%scan3A_408 = %scan3A_399) -> (i32)  : i32 {
      %mul3A_409 = arith.constant 2 : i32
      %mul3A_410 = arith.muli %mul3A_409, %scan3A_407 : i32
      %add3A_411 = arith.constant 1 : i32
      %add3A_412 = arith.addi %mul3A_410, %add3A_411 : i32
      %dma_start3A_413 = arith.constant 0 : i32
      %dma_start3A_414 = tpu.memref_slice %arg6[%add3A_412, %dma_start3A_413] : memref<100x100xi32, #tpu.memory_space<vmem>> -> memref<1x100xi32, #tpu.memory_space<vmem>>
      %dma_start3A_415 = tpu.memref_squeeze %dma_start3A_414 : memref<1x100xi32, #tpu.memory_space<vmem>> -> memref<100xi32, #tpu.memory_space<vmem>>
      %dma_start3A_416 = arith.constant 0 : i32
      %dma_start3A_417 = arith.constant 0 : i32
      %dma_start3A_418 = tpu.memref_slice %arg2[%dma_start3A_416, %dma_start3A_417] : memref<10000x128xf32, #tpu.memory_space<hbm>> -> memref<10000x128xf32, #tpu.memory_space<hbm>>
      tpu.enqueue_indirect_dma source(%dma_start3A_418 : memref<10000x128xf32, #tpu.memory_space<hbm>>) target(%arg9 : memref<100x128xf32, #tpu.memory_space<vmem>>) offsets(%dma_start3A_415 : memref<100xi32, #tpu.memory_space<vmem>>) semaphore(%arg13 : memref<!tpu.dma_semaphore, #tpu.memory_space<semaphore_mem>>)
      %dma_wait3A_419 = arith.constant 0 : i32
      %dma_wait3A_420 = tpu.memref_slice %arg6[%mul3A_410, %dma_wait3A_419] : memref<100x100xi32, #tpu.memory_space<vmem>> -> memref<1x100xi32, #tpu.memory_space<vmem>>
      %dma_wait3A_421 = tpu.memref_squeeze %dma_wait3A_420 : memref<1x100xi32, #tpu.memory_space<vmem>> -> memref<100xi32, #tpu.memory_space<vmem>>
      %dma_wait3A_422 = arith.constant 0 : i32
      %dma_wait3A_423 = arith.constant 0 : i32
      %dma_wait3A_424 = tpu.memref_slice %arg2[%dma_wait3A_422, %dma_wait3A_423] : memref<10000x128xf32, #tpu.memory_space<hbm>> -> memref<10000x128xf32, #tpu.memory_space<hbm>>
      tpu.wait_indirect_dma semaphore(%arg12 : memref<!tpu.dma_semaphore, #tpu.memory_space<semaphore_mem>>) src(%dma_wait3A_424 : memref<10000x128xf32, #tpu.memory_space<hbm>>) dst(%arg8 : memref<100x128xf32, #tpu.memory_space<vmem>>)
      %add3A_425 = arith.constant 2 : i32
      %add3A_426 = arith.addi %mul3A_410, %add3A_425 : i32
      %lt3A = arith.constant 100 : i32
      %lt3A_427 = arith.cmpi slt, %add3A_426, %lt3A : i32
      %convert_element_type3A = arith.extui %lt3A_427 : i1 to i32
      %cond3A = arith.constant 0 : i32
      %cond3A_428 = arith.cmpi ne, %convert_element_type3A, %cond3A : i32
      scf.if %cond3A_428 {
        %add3A_438 = arith.constant 2 : i32
        %add3A_439 = arith.addi %mul3A_410, %add3A_438 : i32
        %dma_start3A_440 = arith.constant 0 : i32
        %dma_start3A_441 = tpu.memref_slice %arg6[%add3A_439, %dma_start3A_440] : memref<100x100xi32, #tpu.memory_space<vmem>> -> memref<1x100xi32, #tpu.memory_space<vmem>>
        %dma_start3A_442 = tpu.memref_squeeze %dma_start3A_441 : memref<1x100xi32, #tpu.memory_space<vmem>> -> memref<100xi32, #tpu.memory_space<vmem>>
        %dma_start3A_443 = arith.constant 0 : i32
        %dma_start3A_444 = arith.constant 0 : i32
        %dma_start3A_445 = tpu.memref_slice %arg2[%dma_start3A_443, %dma_start3A_444] : memref<10000x128xf32, #tpu.memory_space<hbm>> -> memref<10000x128xf32, #tpu.memory_space<hbm>>
        tpu.enqueue_indirect_dma source(%dma_start3A_445 : memref<10000x128xf32, #tpu.memory_space<hbm>>) target(%arg8 : memref<100x128xf32, #tpu.memory_space<vmem>>) offsets(%dma_start3A_442 : memref<100xi32, #tpu.memory_space<vmem>>) semaphore(%arg12 : memref<!tpu.dma_semaphore, #tpu.memory_space<semaphore_mem>>)
      } else {
      }
      %add3A_429 = arith.constant 1 : i32
      %add3A_430 = arith.addi %mul3A_410, %add3A_429 : i32
      %dma_wait3A_431 = arith.constant 0 : i32
      %dma_wait3A_432 = tpu.memref_slice %arg6[%add3A_430, %dma_wait3A_431] : memref<100x100xi32, #tpu.memory_space<vmem>> -> memref<1x100xi32, #tpu.memory_space<vmem>>
      %dma_wait3A_433 = tpu.memref_squeeze %dma_wait3A_432 : memref<1x100xi32, #tpu.memory_space<vmem>> -> memref<100xi32, #tpu.memory_space<vmem>>
      %dma_wait3A_434 = arith.constant 0 : i32
      %dma_wait3A_435 = arith.constant 0 : i32
      %dma_wait3A_436 = tpu.memref_slice %arg2[%dma_wait3A_434, %dma_wait3A_435] : memref<10000x128xf32, #tpu.memory_space<hbm>> -> memref<10000x128xf32, #tpu.memory_space<hbm>>
      tpu.wait_indirect_dma semaphore(%arg13 : memref<!tpu.dma_semaphore, #tpu.memory_space<semaphore_mem>>) src(%dma_wait3A_436 : memref<10000x128xf32, #tpu.memory_space<hbm>>) dst(%arg9 : memref<100x128xf32, #tpu.memory_space<vmem>>)
      %scan3A_437 = arith.constant 0 : i32
      scf.yield %scan3A_437 : i32
    }
    %scan3A_405 = arith.constant 50 : i32
    %barrier3A_406 = arith.constant 0 : index
    tpu.barrier barrier_id(%barrier3A_406)
    "tpu.region"() ({
      %run_scoped3A = tpu.sem_alloc : memref<!tpu.dma_semaphore, #tpu.memory_space<semaphore_mem>>
      %dma_start3A_407 = arith.constant 0 : i32
      %dma_start3A_408 = tpu.memref_slice %arg5[%arg0, %mul3A_9, %dma_start3A_407] : memref<2x10240x128xf32, #tpu.memory_space<hbm>> -> memref<1x640x128xf32, #tpu.memory_space<hbm>>
      %dma_start3A_409 = tpu.memref_squeeze %dma_start3A_408 : memref<1x640x128xf32, #tpu.memory_space<hbm>> -> memref<640x128xf32, #tpu.memory_space<hbm>>
      %dma_start3A_410 = arith.constant 0 : i32
      %dma_start3A_411 = tpu.memref_slice %arg11[%mul3A_9, %dma_start3A_410] : memref<10240x128xf32, #tpu.memory_space<vmem_shared>> -> memref<640x128xf32, #tpu.memory_space<vmem_shared>>
      tpu.enqueue_dma source(%dma_start3A_411 : memref<640x128xf32, #tpu.memory_space<vmem_shared>>) target(%dma_start3A_409 : memref<640x128xf32, #tpu.memory_space<hbm>>) target_semaphore(%run_scoped3A : memref<!tpu.dma_semaphore, #tpu.memory_space<semaphore_mem>>)
      %dma_wait3A_412 = arith.constant 0 : i32
      %dma_wait3A_413 = tpu.memref_slice %arg5[%arg0, %mul3A_9, %dma_wait3A_412] : memref<2x10240x128xf32, #tpu.memory_space<hbm>> -> memref<1x640x128xf32, #tpu.memory_space<hbm>>
      %dma_wait3A_414 = tpu.memref_squeeze %dma_wait3A_413 : memref<1x640x128xf32, #tpu.memory_space<hbm>> -> memref<640x128xf32, #tpu.memory_space<hbm>>
      %dma_wait3A_415 = arith.constant 0 : i32
      %dma_wait3A_416 = tpu.memref_slice %arg11[%mul3A_9, %dma_wait3A_415] : memref<10240x128xf32, #tpu.memory_space<vmem_shared>> -> memref<640x128xf32, #tpu.memory_space<vmem_shared>>
      tpu.wait_dma2 semaphore(%run_scoped3A : memref<!tpu.dma_semaphore, #tpu.memory_space<semaphore_mem>>) src(%dma_wait3A_416 : memref<640x128xf32, #tpu.memory_space<vmem_shared>>) dst(%dma_wait3A_414 : memref<640x128xf32, #tpu.memory_space<hbm>>)
      tpu.yield
    }) : () -> ()
    return
  }
}

#map = affine_map<(d0, d1) -> (0, 0)>
#map1 = affine_map<(d0, d1) -> (0, 0, 0)>
module attributes {stable_mosaic.version = 14 : i64} {
  func.func @_sc_agg_body(%arg0: i32, %arg1: i32, %arg2: memref<10000x128xf32, #tpu.memory_space<hbm>>, %arg3: memref<32x100x100xi32, #tpu.memory_space<hbm>>, %arg4: memref<32x100x100xi32, #tpu.memory_space<hbm>>, %arg5: memref<2x10240x128xf32, #tpu.memory_space<hbm>>, %arg6: memref<100x100xi32, #tpu.memory_space<vmem>>, %arg7: memref<100x100xi32, #tpu.memory_space<vmem>>, %arg8: memref<100x128xf32, #tpu.memory_space<vmem>>, %arg9: memref<100x128xf32, #tpu.memory_space<vmem>>, %arg10: memref<20x128xf32, #tpu.memory_space<vmem>>, %arg11: memref<10240x128xf32, #tpu.memory_space<vmem_shared>>, %arg12: memref<!tpu.dma_semaphore, #tpu.memory_space<semaphore_mem>>, %arg13: memref<!tpu.dma_semaphore, #tpu.memory_space<semaphore_mem>>) attributes {dimension_semantics = [#tpu.dimension_semantics<core_parallel>, #tpu.dimension_semantics<subcore_parallel>], iteration_bounds = array<i64: 2, 16>, scalar_prefetch = 0 : i64, scratch_operands = 8 : i64, tpu.core_type = #tpu.core_type<sc_vector_subcore>, window_params = [{transform_indices = #map}, {transform_indices = #map1}, {transform_indices = #map1}, {transform_indices = #map1}]} {
    %mul3A = arith.constant 2 : i32
    %mul3A_0 = arith.muli %arg1, %mul3A : i32
    %add3A = arith.addi %mul3A_0, %arg0 : i32
    %broadcast_in_dim3A = arith.constant 0.000000e+00 : f32
    %broadcast_in_dim3A_1 = vector.broadcast %broadcast_in_dim3A : f32 to vector<16xf32>
    %scan3A = arith.constant 0 : i32
    %scan3A_2 = arith.constant 0 : i32
    %scan3A_3 = arith.constant 20 : i32
    %scan3A_4 = arith.addi %scan3A_2, %scan3A_3 : i32
    %scan3A_5 = arith.constant 1 : i32
    %scan3A_6 = scf.for %scan3A_407 = %scan3A_2 to %scan3A_4 step %scan3A_5 iter_args(%scan3A_408 = %scan3A) -> (i32)  : i32 {
      %swap3A = arith.index_cast %scan3A_407 : i32 to index
      %swap3A_409 = arith.constant 0 : index
      %swap3A_410 = tpu.vector_load %arg10[%swap3A, %swap3A_409] {strides = array<i32>} : memref<20x128xf32, #tpu.memory_space<vmem>>, vector<1x16xf32>,
      %swap3A_411 = vector.shape_cast %swap3A_410 : vector<1x16xf32> to vector<16xf32>
      %swap3A_412 = vector.shape_cast %broadcast_in_dim3A_1 : vector<16xf32> to vector<1x16xf32>
      tpu.vector_store %arg10[%swap3A, %swap3A_409], %swap3A_412 {strides = array<i32>} : memref<20x128xf32, #tpu.memory_space<vmem>>, vector<1x16xf32>,
      %swap3A_413 = arith.index_cast %scan3A_407 : i32 to index
      %swap3A_414 = arith.constant 16 : index
      %swap3A_415 = tpu.vector_load %arg10[%swap3A_413, %swap3A_414] {strides = array<i32>} : memref<20x128xf32, #tpu.memory_space<vmem>>, vector<1x16xf32>,
      %swap3A_416 = vector.shape_cast %swap3A_415 : vector<1x16xf32> to vector<16xf32>
      %swap3A_417 = vector.shape_cast %broadcast_in_dim3A_1 : vector<16xf32> to vector<1x16xf32>
      tpu.vector_store %arg10[%swap3A_413, %swap3A_414], %swap3A_417 {strides = array<i32>} : memref<20x128xf32, #tpu.memory_space<vmem>>, vector<1x16xf32>,
      %swap3A_418 = arith.index_cast %scan3A_407 : i32 to index
      %swap3A_419 = arith.constant 32 : index
      %swap3A_420 = tpu.vector_load %arg10[%swap3A_418, %swap3A_419] {strides = array<i32>} : memref<20x128xf32, #tpu.memory_space<vmem>>, vector<1x16xf32>,
      %swap3A_421 = vector.shape_cast %swap3A_420 : vector<1x16xf32> to vector<16xf32>
      %swap3A_422 = vector.shape_cast %broadcast_in_dim3A_1 : vector<16xf32> to vector<1x16xf32>
      tpu.vector_store %arg10[%swap3A_418, %swap3A_419], %swap3A_422 {strides = array<i32>} : memref<20x128xf32, #tpu.memory_space<vmem>>, vector<1x16xf32>,
      %swap3A_423 = arith.index_cast %scan3A_407 : i32 to index
      %swap3A_424 = arith.constant 48 : index
      %swap3A_425 = tpu.vector_load %arg10[%swap3A_423, %swap3A_424] {strides = array<i32>} : memref<20x128xf32, #tpu.memory_space<vmem>>, vector<1x16xf32>,
      %swap3A_426 = vector.shape_cast %swap3A_425 : vector<1x16xf32> to vector<16xf32>
      %swap3A_427 = vector.shape_cast %broadcast_in_dim3A_1 : vector<16xf32> to vector<1x16xf32>
      tpu.vector_store %arg10[%swap3A_423, %swap3A_424], %swap3A_427 {strides = array<i32>} : memref<20x128xf32, #tpu.memory_space<vmem>>, vector<1x16xf32>,
      %swap3A_428 = arith.index_cast %scan3A_407 : i32 to index
      %swap3A_429 = arith.constant 64 : index
      %swap3A_430 = tpu.vector_load %arg10[%swap3A_428, %swap3A_429] {strides = array<i32>} : memref<20x128xf32, #tpu.memory_space<vmem>>, vector<1x16xf32>,
      %swap3A_431 = vector.shape_cast %swap3A_430 : vector<1x16xf32> to vector<16xf32>
      %swap3A_432 = vector.shape_cast %broadcast_in_dim3A_1 : vector<16xf32> to vector<1x16xf32>
      tpu.vector_store %arg10[%swap3A_428, %swap3A_429], %swap3A_432 {strides = array<i32>} : memref<20x128xf32, #tpu.memory_space<vmem>>, vector<1x16xf32>,
      %swap3A_433 = arith.index_cast %scan3A_407 : i32 to index
      %swap3A_434 = arith.constant 80 : index
      %swap3A_435 = tpu.vector_load %arg10[%swap3A_433, %swap3A_434] {strides = array<i32>} : memref<20x128xf32, #tpu.memory_space<vmem>>, vector<1x16xf32>,
      %swap3A_436 = vector.shape_cast %swap3A_435 : vector<1x16xf32> to vector<16xf32>
      %swap3A_437 = vector.shape_cast %broadcast_in_dim3A_1 : vector<16xf32> to vector<1x16xf32>
      tpu.vector_store %arg10[%swap3A_433, %swap3A_434], %swap3A_437 {strides = array<i32>} : memref<20x128xf32, #tpu.memory_space<vmem>>, vector<1x16xf32>,
      %swap3A_438 = arith.index_cast %scan3A_407 : i32 to index
      %swap3A_439 = arith.constant 96 : index
      %swap3A_440 = tpu.vector_load %arg10[%swap3A_438, %swap3A_439] {strides = array<i32>} : memref<20x128xf32, #tpu.memory_space<vmem>>, vector<1x16xf32>,
      %swap3A_441 = vector.shape_cast %swap3A_440 : vector<1x16xf32> to vector<16xf32>
      %swap3A_442 = vector.shape_cast %broadcast_in_dim3A_1 : vector<16xf32> to vector<1x16xf32>
      tpu.vector_store %arg10[%swap3A_438, %swap3A_439], %swap3A_442 {strides = array<i32>} : memref<20x128xf32, #tpu.memory_space<vmem>>, vector<1x16xf32>,
      %swap3A_443 = arith.index_cast %scan3A_407 : i32 to index
      %swap3A_444 = arith.constant 112 : index
      %swap3A_445 = tpu.vector_load %arg10[%swap3A_443, %swap3A_444] {strides = array<i32>} : memref<20x128xf32, #tpu.memory_space<vmem>>, vector<1x16xf32>,
      %swap3A_446 = vector.shape_cast %swap3A_445 : vector<1x16xf32> to vector<16xf32>
      %swap3A_447 = vector.shape_cast %broadcast_in_dim3A_1 : vector<16xf32> to vector<1x16xf32>
      tpu.vector_store %arg10[%swap3A_443, %swap3A_444], %swap3A_447 {strides = array<i32>} : memref<20x128xf32, #tpu.memory_space<vmem>>, vector<1x16xf32>,
      %scan3A_448 = arith.constant 0 : i32
      scf.yield %scan3A_448 : i32
    }
    %scan3A_7 = arith.constant 20 : i32
    %mul3A_8 = arith.constant 640 : i32
    %mul3A_9 = arith.muli %arg1, %mul3A_8 : i32
    %add3A_10 = arith.constant 0 : i32
    %add3A_11 = arith.addi %mul3A_9, %add3A_10 : i32
    %dma_start3A = arith.constant 0 : i32
    %dma_start3A_12 = tpu.memref_slice %arg11[%add3A_11, %dma_start3A] : memref<10240x128xf32, #tpu.memory_space<vmem_shared>> -> memref<20x128xf32, #tpu.memory_space<vmem_shared>>
    %dma_start3A_13 = arith.constant 0 : i32
    %dma_start3A_14 = tpu.memref_slice %arg11[%add3A_11, %dma_start3A_13] : memref<10240x128xf32, #tpu.memory_space<vmem_shared>> -> memref<20x128xf32, #tpu.memory_space<vmem_shared>>
    tpu.enqueue_dma source(%arg10 : memref<20x128xf32, #tpu.memory_space<vmem>>) target(%dma_start3A_14 : memref<20x128xf32, #tpu.memory_space<vmem_shared>>) target_semaphore(%arg13 : memref<!tpu.dma_semaphore, #tpu.memory_space<semaphore_mem>>)
    %add3A_15 = arith.constant 20 : i32
    %add3A_16 = arith.addi %mul3A_9, %add3A_15 : i32
    %dma_start3A_17 = arith.constant 0 : i32
    %dma_start3A_18 = tpu.memref_slice %arg11[%add3A_16, %dma_start3A_17] : memref<10240x128xf32, #tpu.memory_space<vmem_shared>> -> memref<20x128xf32, #tpu.memory_space<vmem_shared>>
    %dma_start3A_19 = arith.constant 0 : i32
    %dma_start3A_20 = tpu.memref_slice %arg11[%add3A_16, %dma_start3A_19] : memref<10240x128xf32, #tpu.memory_space<vmem_shared>> -> memref<20x128xf32, #tpu.memory_space<vmem_shared>>
    tpu.enqueue_dma source(%arg10 : memref<20x128xf32, #tpu.memory_space<vmem>>) target(%dma_start3A_20 : memref<20x128xf32, #tpu.memory_space<vmem_shared>>) target_semaphore(%arg13 : memref<!tpu.dma_semaphore, #tpu.memory_space<semaphore_mem>>)
    %add3A_21 = arith.constant 40 : i32
    %add3A_22 = arith.addi %mul3A_9, %add3A_21 : i32
    %dma_start3A_23 = arith.constant 0 : i32
    %dma_start3A_24 = tpu.memref_slice %arg11[%add3A_22, %dma_start3A_23] : memref<10240x128xf32, #tpu.memory_space<vmem_shared>> -> memref<20x128xf32, #tpu.memory_space<vmem_shared>>
    %dma_start3A_25 = arith.constant 0 : i32
    %dma_start3A_26 = tpu.memref_slice %arg11[%add3A_22, %dma_start3A_25] : memref<10240x128xf32, #tpu.memory_space<vmem_shared>> -> memref<20x128xf32, #tpu.memory_space<vmem_shared>>
    tpu.enqueue_dma source(%arg10 : memref<20x128xf32, #tpu.memory_space<vmem>>) target(%dma_start3A_26 : memref<20x128xf32, #tpu.memory_space<vmem_shared>>) target_semaphore(%arg13 : memref<!tpu.dma_semaphore, #tpu.memory_space<semaphore_mem>>)
    %add3A_27 = arith.constant 60 : i32
    %add3A_28 = arith.addi %mul3A_9, %add3A_27 : i32
    %dma_start3A_29 = arith.constant 0 : i32
    %dma_start3A_30 = tpu.memref_slice %arg11[%add3A_28, %dma_start3A_29] : memref<10240x128xf32, #tpu.memory_space<vmem_shared>> -> memref<20x128xf32, #tpu.memory_space<vmem_shared>>
    %dma_start3A_31 = arith.constant 0 : i32
    %dma_start3A_32 = tpu.memref_slice %arg11[%add3A_28, %dma_start3A_31] : memref<10240x128xf32, #tpu.memory_space<vmem_shared>> -> memref<20x128xf32, #tpu.memory_space<vmem_shared>>
    tpu.enqueue_dma source(%arg10 : memref<20x128xf32, #tpu.memory_space<vmem>>) target(%dma_start3A_32 : memref<20x128xf32, #tpu.memory_space<vmem_shared>>) target_semaphore(%arg13 : memref<!tpu.dma_semaphore, #tpu.memory_space<semaphore_mem>>)
    %add3A_33 = arith.constant 80 : i32
    %add3A_34 = arith.addi %mul3A_9, %add3A_33 : i32
    %dma_start3A_35 = arith.constant 0 : i32
    %dma_start3A_36 = tpu.memref_slice %arg11[%add3A_34, %dma_start3A_35] : memref<10240x128xf32, #tpu.memory_space<vmem_shared>> -> memref<20x128xf32, #tpu.memory_space<vmem_shared>>
    %dma_start3A_37 = arith.constant 0 : i32
    %dma_start3A_38 = tpu.memref_slice %arg11[%add3A_34, %dma_start3A_37] : memref<10240x128xf32, #tpu.memory_space<vmem_shared>> -> memref<20x128xf32, #tpu.memory_space<vmem_shared>>
    tpu.enqueue_dma source(%arg10 : memref<20x128xf32, #tpu.memory_space<vmem>>) target(%dma_start3A_38 : memref<20x128xf32, #tpu.memory_space<vmem_shared>>) target_semaphore(%arg13 : memref<!tpu.dma_semaphore, #tpu.memory_space<semaphore_mem>>)
    %add3A_39 = arith.constant 100 : i32
    %add3A_40 = arith.addi %mul3A_9, %add3A_39 : i32
    %dma_start3A_41 = arith.constant 0 : i32
    %dma_start3A_42 = tpu.memref_slice %arg11[%add3A_40, %dma_start3A_41] : memref<10240x128xf32, #tpu.memory_space<vmem_shared>> -> memref<20x128xf32, #tpu.memory_space<vmem_shared>>
    %dma_start3A_43 = arith.constant 0 : i32
    %dma_start3A_44 = tpu.memref_slice %arg11[%add3A_40, %dma_start3A_43] : memref<10240x128xf32, #tpu.memory_space<vmem_shared>> -> memref<20x128xf32, #tpu.memory_space<vmem_shared>>
    tpu.enqueue_dma source(%arg10 : memref<20x128xf32, #tpu.memory_space<vmem>>) target(%dma_start3A_44 : memref<20x128xf32, #tpu.memory_space<vmem_shared>>) target_semaphore(%arg13 : memref<!tpu.dma_semaphore, #tpu.memory_space<semaphore_mem>>)
    %add3A_45 = arith.constant 120 : i32
    %add3A_46 = arith.addi %mul3A_9, %add3A_45 : i32
    %dma_start3A_47 = arith.constant 0 : i32
    %dma_start3A_48 = tpu.memref_slice %arg11[%add3A_46, %dma_start3A_47] : memref<10240x128xf32, #tpu.memory_space<vmem_shared>> -> memref<20x128xf32, #tpu.memory_space<vmem_shared>>
    %dma_start3A_49 = arith.constant 0 : i32
    %dma_start3A_50 = tpu.memref_slice %arg11[%add3A_46, %dma_start3A_49] : memref<10240x128xf32, #tpu.memory_space<vmem_shared>> -> memref<20x128xf32, #tpu.memory_space<vmem_shared>>
    tpu.enqueue_dma source(%arg10 : memref<20x128xf32, #tpu.memory_space<vmem>>) target(%dma_start3A_50 : memref<20x128xf32, #tpu.memory_space<vmem_shared>>) target_semaphore(%arg13 : memref<!tpu.dma_semaphore, #tpu.memory_space<semaphore_mem>>)
    %add3A_51 = arith.constant 140 : i32
    %add3A_52 = arith.addi %mul3A_9, %add3A_51 : i32
    %dma_start3A_53 = arith.constant 0 : i32
    %dma_start3A_54 = tpu.memref_slice %arg11[%add3A_52, %dma_start3A_53] : memref<10240x128xf32, #tpu.memory_space<vmem_shared>> -> memref<20x128xf32, #tpu.memory_space<vmem_shared>>
    %dma_start3A_55 = arith.constant 0 : i32
    %dma_start3A_56 = tpu.memref_slice %arg11[%add3A_52, %dma_start3A_55] : memref<10240x128xf32, #tpu.memory_space<vmem_shared>> -> memref<20x128xf32, #tpu.memory_space<vmem_shared>>
    tpu.enqueue_dma source(%arg10 : memref<20x128xf32, #tpu.memory_space<vmem>>) target(%dma_start3A_56 : memref<20x128xf32, #tpu.memory_space<vmem_shared>>) target_semaphore(%arg13 : memref<!tpu.dma_semaphore, #tpu.memory_space<semaphore_mem>>)
    %add3A_57 = arith.constant 160 : i32
    %add3A_58 = arith.addi %mul3A_9, %add3A_57 : i32
    %dma_start3A_59 = arith.constant 0 : i32
    %dma_start3A_60 = tpu.memref_slice %arg11[%add3A_58, %dma_start3A_59] : memref<10240x128xf32, #tpu.memory_space<vmem_shared>> -> memref<20x128xf32, #tpu.memory_space<vmem_shared>>
    %dma_start3A_61 = arith.constant 0 : i32
    %dma_start3A_62 = tpu.memref_slice %arg11[%add3A_58, %dma_start3A_61] : memref<10240x128xf32, #tpu.memory_space<vmem_shared>> -> memref<20x128xf32, #tpu.memory_space<vmem_shared>>
    tpu.enqueue_dma source(%arg10 : memref<20x128xf32, #tpu.memory_space<vmem>>) target(%dma_start3A_62 : memref<20x128xf32, #tpu.memory_space<vmem_shared>>) target_semaphore(%arg13 : memref<!tpu.dma_semaphore, #tpu.memory_space<semaphore_mem>>)
    %add3A_63 = arith.constant 180 : i32
    %add3A_64 = arith.addi %mul3A_9, %add3A_63 : i32
    %dma_start3A_65 = arith.constant 0 : i32
    %dma_start3A_66 = tpu.memref_slice %arg11[%add3A_64, %dma_start3A_65] : memref<10240x128xf32, #tpu.memory_space<vmem_shared>> -> memref<20x128xf32, #tpu.memory_space<vmem_shared>>
    %dma_start3A_67 = arith.constant 0 : i32
    %dma_start3A_68 = tpu.memref_slice %arg11[%add3A_64, %dma_start3A_67] : memref<10240x128xf32, #tpu.memory_space<vmem_shared>> -> memref<20x128xf32, #tpu.memory_space<vmem_shared>>
    tpu.enqueue_dma source(%arg10 : memref<20x128xf32, #tpu.memory_space<vmem>>) target(%dma_start3A_68 : memref<20x128xf32, #tpu.memory_space<vmem_shared>>) target_semaphore(%arg13 : memref<!tpu.dma_semaphore, #tpu.memory_space<semaphore_mem>>)
    %add3A_69 = arith.constant 200 : i32
    %add3A_70 = arith.addi %mul3A_9, %add3A_69 : i32
    %dma_start3A_71 = arith.constant 0 : i32
    %dma_start3A_72 = tpu.memref_slice %arg11[%add3A_70, %dma_start3A_71] : memref<10240x128xf32, #tpu.memory_space<vmem_shared>> -> memref<20x128xf32, #tpu.memory_space<vmem_shared>>
    %dma_start3A_73 = arith.constant 0 : i32
    %dma_start3A_74 = tpu.memref_slice %arg11[%add3A_70, %dma_start3A_73] : memref<10240x128xf32, #tpu.memory_space<vmem_shared>> -> memref<20x128xf32, #tpu.memory_space<vmem_shared>>
    tpu.enqueue_dma source(%arg10 : memref<20x128xf32, #tpu.memory_space<vmem>>) target(%dma_start3A_74 : memref<20x128xf32, #tpu.memory_space<vmem_shared>>) target_semaphore(%arg13 : memref<!tpu.dma_semaphore, #tpu.memory_space<semaphore_mem>>)
    %add3A_75 = arith.constant 220 : i32
    %add3A_76 = arith.addi %mul3A_9, %add3A_75 : i32
    %dma_start3A_77 = arith.constant 0 : i32
    %dma_start3A_78 = tpu.memref_slice %arg11[%add3A_76, %dma_start3A_77] : memref<10240x128xf32, #tpu.memory_space<vmem_shared>> -> memref<20x128xf32, #tpu.memory_space<vmem_shared>>
    %dma_start3A_79 = arith.constant 0 : i32
    %dma_start3A_80 = tpu.memref_slice %arg11[%add3A_76, %dma_start3A_79] : memref<10240x128xf32, #tpu.memory_space<vmem_shared>> -> memref<20x128xf32, #tpu.memory_space<vmem_shared>>
    tpu.enqueue_dma source(%arg10 : memref<20x128xf32, #tpu.memory_space<vmem>>) target(%dma_start3A_80 : memref<20x128xf32, #tpu.memory_space<vmem_shared>>) target_semaphore(%arg13 : memref<!tpu.dma_semaphore, #tpu.memory_space<semaphore_mem>>)
    %add3A_81 = arith.constant 240 : i32
    %add3A_82 = arith.addi %mul3A_9, %add3A_81 : i32
    %dma_start3A_83 = arith.constant 0 : i32
    %dma_start3A_84 = tpu.memref_slice %arg11[%add3A_82, %dma_start3A_83] : memref<10240x128xf32, #tpu.memory_space<vmem_shared>> -> memref<20x128xf32, #tpu.memory_space<vmem_shared>>
    %dma_start3A_85 = arith.constant 0 : i32
    %dma_start3A_86 = tpu.memref_slice %arg11[%add3A_82, %dma_start3A_85] : memref<10240x128xf32, #tpu.memory_space<vmem_shared>> -> memref<20x128xf32, #tpu.memory_space<vmem_shared>>
    tpu.enqueue_dma source(%arg10 : memref<20x128xf32, #tpu.memory_space<vmem>>) target(%dma_start3A_86 : memref<20x128xf32, #tpu.memory_space<vmem_shared>>) target_semaphore(%arg13 : memref<!tpu.dma_semaphore, #tpu.memory_space<semaphore_mem>>)
    %add3A_87 = arith.constant 260 : i32
    %add3A_88 = arith.addi %mul3A_9, %add3A_87 : i32
    %dma_start3A_89 = arith.constant 0 : i32
    %dma_start3A_90 = tpu.memref_slice %arg11[%add3A_88, %dma_start3A_89] : memref<10240x128xf32, #tpu.memory_space<vmem_shared>> -> memref<20x128xf32, #tpu.memory_space<vmem_shared>>
    %dma_start3A_91 = arith.constant 0 : i32
    %dma_start3A_92 = tpu.memref_slice %arg11[%add3A_88, %dma_start3A_91] : memref<10240x128xf32, #tpu.memory_space<vmem_shared>> -> memref<20x128xf32, #tpu.memory_space<vmem_shared>>
    tpu.enqueue_dma source(%arg10 : memref<20x128xf32, #tpu.memory_space<vmem>>) target(%dma_start3A_92 : memref<20x128xf32, #tpu.memory_space<vmem_shared>>) target_semaphore(%arg13 : memref<!tpu.dma_semaphore, #tpu.memory_space<semaphore_mem>>)
    %add3A_93 = arith.constant 280 : i32
    %add3A_94 = arith.addi %mul3A_9, %add3A_93 : i32
    %dma_start3A_95 = arith.constant 0 : i32
    %dma_start3A_96 = tpu.memref_slice %arg11[%add3A_94, %dma_start3A_95] : memref<10240x128xf32, #tpu.memory_space<vmem_shared>> -> memref<20x128xf32, #tpu.memory_space<vmem_shared>>
    %dma_start3A_97 = arith.constant 0 : i32
    %dma_start3A_98 = tpu.memref_slice %arg11[%add3A_94, %dma_start3A_97] : memref<10240x128xf32, #tpu.memory_space<vmem_shared>> -> memref<20x128xf32, #tpu.memory_space<vmem_shared>>
    tpu.enqueue_dma source(%arg10 : memref<20x128xf32, #tpu.memory_space<vmem>>) target(%dma_start3A_98 : memref<20x128xf32, #tpu.memory_space<vmem_shared>>) target_semaphore(%arg13 : memref<!tpu.dma_semaphore, #tpu.memory_space<semaphore_mem>>)
    %add3A_99 = arith.constant 300 : i32
    %add3A_100 = arith.addi %mul3A_9, %add3A_99 : i32
    %dma_start3A_101 = arith.constant 0 : i32
    %dma_start3A_102 = tpu.memref_slice %arg11[%add3A_100, %dma_start3A_101] : memref<10240x128xf32, #tpu.memory_space<vmem_shared>> -> memref<20x128xf32, #tpu.memory_space<vmem_shared>>
    %dma_start3A_103 = arith.constant 0 : i32
    %dma_start3A_104 = tpu.memref_slice %arg11[%add3A_100, %dma_start3A_103] : memref<10240x128xf32, #tpu.memory_space<vmem_shared>> -> memref<20x128xf32, #tpu.memory_space<vmem_shared>>
    tpu.enqueue_dma source(%arg10 : memref<20x128xf32, #tpu.memory_space<vmem>>) target(%dma_start3A_104 : memref<20x128xf32, #tpu.memory_space<vmem_shared>>) target_semaphore(%arg13 : memref<!tpu.dma_semaphore, #tpu.memory_space<semaphore_mem>>)
    %add3A_105 = arith.constant 320 : i32
    %add3A_106 = arith.addi %mul3A_9, %add3A_105 : i32
    %dma_start3A_107 = arith.constant 0 : i32
    %dma_start3A_108 = tpu.memref_slice %arg11[%add3A_106, %dma_start3A_107] : memref<10240x128xf32, #tpu.memory_space<vmem_shared>> -> memref<20x128xf32, #tpu.memory_space<vmem_shared>>
    %dma_start3A_109 = arith.constant 0 : i32
    %dma_start3A_110 = tpu.memref_slice %arg11[%add3A_106, %dma_start3A_109] : memref<10240x128xf32, #tpu.memory_space<vmem_shared>> -> memref<20x128xf32, #tpu.memory_space<vmem_shared>>
    tpu.enqueue_dma source(%arg10 : memref<20x128xf32, #tpu.memory_space<vmem>>) target(%dma_start3A_110 : memref<20x128xf32, #tpu.memory_space<vmem_shared>>) target_semaphore(%arg13 : memref<!tpu.dma_semaphore, #tpu.memory_space<semaphore_mem>>)
    %add3A_111 = arith.constant 340 : i32
    %add3A_112 = arith.addi %mul3A_9, %add3A_111 : i32
    %dma_start3A_113 = arith.constant 0 : i32
    %dma_start3A_114 = tpu.memref_slice %arg11[%add3A_112, %dma_start3A_113] : memref<10240x128xf32, #tpu.memory_space<vmem_shared>> -> memref<20x128xf32, #tpu.memory_space<vmem_shared>>
    %dma_start3A_115 = arith.constant 0 : i32
    %dma_start3A_116 = tpu.memref_slice %arg11[%add3A_112, %dma_start3A_115] : memref<10240x128xf32, #tpu.memory_space<vmem_shared>> -> memref<20x128xf32, #tpu.memory_space<vmem_shared>>
    tpu.enqueue_dma source(%arg10 : memref<20x128xf32, #tpu.memory_space<vmem>>) target(%dma_start3A_116 : memref<20x128xf32, #tpu.memory_space<vmem_shared>>) target_semaphore(%arg13 : memref<!tpu.dma_semaphore, #tpu.memory_space<semaphore_mem>>)
    %add3A_117 = arith.constant 360 : i32
    %add3A_118 = arith.addi %mul3A_9, %add3A_117 : i32
    %dma_start3A_119 = arith.constant 0 : i32
    %dma_start3A_120 = tpu.memref_slice %arg11[%add3A_118, %dma_start3A_119] : memref<10240x128xf32, #tpu.memory_space<vmem_shared>> -> memref<20x128xf32, #tpu.memory_space<vmem_shared>>
    %dma_start3A_121 = arith.constant 0 : i32
    %dma_start3A_122 = tpu.memref_slice %arg11[%add3A_118, %dma_start3A_121] : memref<10240x128xf32, #tpu.memory_space<vmem_shared>> -> memref<20x128xf32, #tpu.memory_space<vmem_shared>>
    tpu.enqueue_dma source(%arg10 : memref<20x128xf32, #tpu.memory_space<vmem>>) target(%dma_start3A_122 : memref<20x128xf32, #tpu.memory_space<vmem_shared>>) target_semaphore(%arg13 : memref<!tpu.dma_semaphore, #tpu.memory_space<semaphore_mem>>)
    %add3A_123 = arith.constant 380 : i32
    %add3A_124 = arith.addi %mul3A_9, %add3A_123 : i32
    %dma_start3A_125 = arith.constant 0 : i32
    %dma_start3A_126 = tpu.memref_slice %arg11[%add3A_124, %dma_start3A_125] : memref<10240x128xf32, #tpu.memory_space<vmem_shared>> -> memref<20x128xf32, #tpu.memory_space<vmem_shared>>
    %dma_start3A_127 = arith.constant 0 : i32
    %dma_start3A_128 = tpu.memref_slice %arg11[%add3A_124, %dma_start3A_127] : memref<10240x128xf32, #tpu.memory_space<vmem_shared>> -> memref<20x128xf32, #tpu.memory_space<vmem_shared>>
    tpu.enqueue_dma source(%arg10 : memref<20x128xf32, #tpu.memory_space<vmem>>) target(%dma_start3A_128 : memref<20x128xf32, #tpu.memory_space<vmem_shared>>) target_semaphore(%arg13 : memref<!tpu.dma_semaphore, #tpu.memory_space<semaphore_mem>>)
    %add3A_129 = arith.constant 400 : i32
    %add3A_130 = arith.addi %mul3A_9, %add3A_129 : i32
    %dma_start3A_131 = arith.constant 0 : i32
    %dma_start3A_132 = tpu.memref_slice %arg11[%add3A_130, %dma_start3A_131] : memref<10240x128xf32, #tpu.memory_space<vmem_shared>> -> memref<20x128xf32, #tpu.memory_space<vmem_shared>>
    %dma_start3A_133 = arith.constant 0 : i32
    %dma_start3A_134 = tpu.memref_slice %arg11[%add3A_130, %dma_start3A_133] : memref<10240x128xf32, #tpu.memory_space<vmem_shared>> -> memref<20x128xf32, #tpu.memory_space<vmem_shared>>
    tpu.enqueue_dma source(%arg10 : memref<20x128xf32, #tpu.memory_space<vmem>>) target(%dma_start3A_134 : memref<20x128xf32, #tpu.memory_space<vmem_shared>>) target_semaphore(%arg13 : memref<!tpu.dma_semaphore, #tpu.memory_space<semaphore_mem>>)
    %add3A_135 = arith.constant 420 : i32
    %add3A_136 = arith.addi %mul3A_9, %add3A_135 : i32
    %dma_start3A_137 = arith.constant 0 : i32
    %dma_start3A_138 = tpu.memref_slice %arg11[%add3A_136, %dma_start3A_137] : memref<10240x128xf32, #tpu.memory_space<vmem_shared>> -> memref<20x128xf32, #tpu.memory_space<vmem_shared>>
    %dma_start3A_139 = arith.constant 0 : i32
    %dma_start3A_140 = tpu.memref_slice %arg11[%add3A_136, %dma_start3A_139] : memref<10240x128xf32, #tpu.memory_space<vmem_shared>> -> memref<20x128xf32, #tpu.memory_space<vmem_shared>>
    tpu.enqueue_dma source(%arg10 : memref<20x128xf32, #tpu.memory_space<vmem>>) target(%dma_start3A_140 : memref<20x128xf32, #tpu.memory_space<vmem_shared>>) target_semaphore(%arg13 : memref<!tpu.dma_semaphore, #tpu.memory_space<semaphore_mem>>)
    %add3A_141 = arith.constant 440 : i32
    %add3A_142 = arith.addi %mul3A_9, %add3A_141 : i32
    %dma_start3A_143 = arith.constant 0 : i32
    %dma_start3A_144 = tpu.memref_slice %arg11[%add3A_142, %dma_start3A_143] : memref<10240x128xf32, #tpu.memory_space<vmem_shared>> -> memref<20x128xf32, #tpu.memory_space<vmem_shared>>
    %dma_start3A_145 = arith.constant 0 : i32
    %dma_start3A_146 = tpu.memref_slice %arg11[%add3A_142, %dma_start3A_145] : memref<10240x128xf32, #tpu.memory_space<vmem_shared>> -> memref<20x128xf32, #tpu.memory_space<vmem_shared>>
    tpu.enqueue_dma source(%arg10 : memref<20x128xf32, #tpu.memory_space<vmem>>) target(%dma_start3A_146 : memref<20x128xf32, #tpu.memory_space<vmem_shared>>) target_semaphore(%arg13 : memref<!tpu.dma_semaphore, #tpu.memory_space<semaphore_mem>>)
    %add3A_147 = arith.constant 460 : i32
    %add3A_148 = arith.addi %mul3A_9, %add3A_147 : i32
    %dma_start3A_149 = arith.constant 0 : i32
    %dma_start3A_150 = tpu.memref_slice %arg11[%add3A_148, %dma_start3A_149] : memref<10240x128xf32, #tpu.memory_space<vmem_shared>> -> memref<20x128xf32, #tpu.memory_space<vmem_shared>>
    %dma_start3A_151 = arith.constant 0 : i32
    %dma_start3A_152 = tpu.memref_slice %arg11[%add3A_148, %dma_start3A_151] : memref<10240x128xf32, #tpu.memory_space<vmem_shared>> -> memref<20x128xf32, #tpu.memory_space<vmem_shared>>
    tpu.enqueue_dma source(%arg10 : memref<20x128xf32, #tpu.memory_space<vmem>>) target(%dma_start3A_152 : memref<20x128xf32, #tpu.memory_space<vmem_shared>>) target_semaphore(%arg13 : memref<!tpu.dma_semaphore, #tpu.memory_space<semaphore_mem>>)
    %add3A_153 = arith.constant 480 : i32
    %add3A_154 = arith.addi %mul3A_9, %add3A_153 : i32
    %dma_start3A_155 = arith.constant 0 : i32
    %dma_start3A_156 = tpu.memref_slice %arg11[%add3A_154, %dma_start3A_155] : memref<10240x128xf32, #tpu.memory_space<vmem_shared>> -> memref<20x128xf32, #tpu.memory_space<vmem_shared>>
    %dma_start3A_157 = arith.constant 0 : i32
    %dma_start3A_158 = tpu.memref_slice %arg11[%add3A_154, %dma_start3A_157] : memref<10240x128xf32, #tpu.memory_space<vmem_shared>> -> memref<20x128xf32, #tpu.memory_space<vmem_shared>>
    tpu.enqueue_dma source(%arg10 : memref<20x128xf32, #tpu.memory_space<vmem>>) target(%dma_start3A_158 : memref<20x128xf32, #tpu.memory_space<vmem_shared>>) target_semaphore(%arg13 : memref<!tpu.dma_semaphore, #tpu.memory_space<semaphore_mem>>)
    %add3A_159 = arith.constant 500 : i32
    %add3A_160 = arith.addi %mul3A_9, %add3A_159 : i32
    %dma_start3A_161 = arith.constant 0 : i32
    %dma_start3A_162 = tpu.memref_slice %arg11[%add3A_160, %dma_start3A_161] : memref<10240x128xf32, #tpu.memory_space<vmem_shared>> -> memref<20x128xf32, #tpu.memory_space<vmem_shared>>
    %dma_start3A_163 = arith.constant 0 : i32
    %dma_start3A_164 = tpu.memref_slice %arg11[%add3A_160, %dma_start3A_163] : memref<10240x128xf32, #tpu.memory_space<vmem_shared>> -> memref<20x128xf32, #tpu.memory_space<vmem_shared>>
    tpu.enqueue_dma source(%arg10 : memref<20x128xf32, #tpu.memory_space<vmem>>) target(%dma_start3A_164 : memref<20x128xf32, #tpu.memory_space<vmem_shared>>) target_semaphore(%arg13 : memref<!tpu.dma_semaphore, #tpu.memory_space<semaphore_mem>>)
    %add3A_165 = arith.constant 520 : i32
    %add3A_166 = arith.addi %mul3A_9, %add3A_165 : i32
    %dma_start3A_167 = arith.constant 0 : i32
    %dma_start3A_168 = tpu.memref_slice %arg11[%add3A_166, %dma_start3A_167] : memref<10240x128xf32, #tpu.memory_space<vmem_shared>> -> memref<20x128xf32, #tpu.memory_space<vmem_shared>>
    %dma_start3A_169 = arith.constant 0 : i32
    %dma_start3A_170 = tpu.memref_slice %arg11[%add3A_166, %dma_start3A_169] : memref<10240x128xf32, #tpu.memory_space<vmem_shared>> -> memref<20x128xf32, #tpu.memory_space<vmem_shared>>
    tpu.enqueue_dma source(%arg10 : memref<20x128xf32, #tpu.memory_space<vmem>>) target(%dma_start3A_170 : memref<20x128xf32, #tpu.memory_space<vmem_shared>>) target_semaphore(%arg13 : memref<!tpu.dma_semaphore, #tpu.memory_space<semaphore_mem>>)
    %add3A_171 = arith.constant 540 : i32
    %add3A_172 = arith.addi %mul3A_9, %add3A_171 : i32
    %dma_start3A_173 = arith.constant 0 : i32
    %dma_start3A_174 = tpu.memref_slice %arg11[%add3A_172, %dma_start3A_173] : memref<10240x128xf32, #tpu.memory_space<vmem_shared>> -> memref<20x128xf32, #tpu.memory_space<vmem_shared>>
    %dma_start3A_175 = arith.constant 0 : i32
    %dma_start3A_176 = tpu.memref_slice %arg11[%add3A_172, %dma_start3A_175] : memref<10240x128xf32, #tpu.memory_space<vmem_shared>> -> memref<20x128xf32, #tpu.memory_space<vmem_shared>>
    tpu.enqueue_dma source(%arg10 : memref<20x128xf32, #tpu.memory_space<vmem>>) target(%dma_start3A_176 : memref<20x128xf32, #tpu.memory_space<vmem_shared>>) target_semaphore(%arg13 : memref<!tpu.dma_semaphore, #tpu.memory_space<semaphore_mem>>)
    %add3A_177 = arith.constant 560 : i32
    %add3A_178 = arith.addi %mul3A_9, %add3A_177 : i32
    %dma_start3A_179 = arith.constant 0 : i32
    %dma_start3A_180 = tpu.memref_slice %arg11[%add3A_178, %dma_start3A_179] : memref<10240x128xf32, #tpu.memory_space<vmem_shared>> -> memref<20x128xf32, #tpu.memory_space<vmem_shared>>
    %dma_start3A_181 = arith.constant 0 : i32
    %dma_start3A_182 = tpu.memref_slice %arg11[%add3A_178, %dma_start3A_181] : memref<10240x128xf32, #tpu.memory_space<vmem_shared>> -> memref<20x128xf32, #tpu.memory_space<vmem_shared>>
    tpu.enqueue_dma source(%arg10 : memref<20x128xf32, #tpu.memory_space<vmem>>) target(%dma_start3A_182 : memref<20x128xf32, #tpu.memory_space<vmem_shared>>) target_semaphore(%arg13 : memref<!tpu.dma_semaphore, #tpu.memory_space<semaphore_mem>>)
    %add3A_183 = arith.constant 580 : i32
    %add3A_184 = arith.addi %mul3A_9, %add3A_183 : i32
    %dma_start3A_185 = arith.constant 0 : i32
    %dma_start3A_186 = tpu.memref_slice %arg11[%add3A_184, %dma_start3A_185] : memref<10240x128xf32, #tpu.memory_space<vmem_shared>> -> memref<20x128xf32, #tpu.memory_space<vmem_shared>>
    %dma_start3A_187 = arith.constant 0 : i32
    %dma_start3A_188 = tpu.memref_slice %arg11[%add3A_184, %dma_start3A_187] : memref<10240x128xf32, #tpu.memory_space<vmem_shared>> -> memref<20x128xf32, #tpu.memory_space<vmem_shared>>
    tpu.enqueue_dma source(%arg10 : memref<20x128xf32, #tpu.memory_space<vmem>>) target(%dma_start3A_188 : memref<20x128xf32, #tpu.memory_space<vmem_shared>>) target_semaphore(%arg13 : memref<!tpu.dma_semaphore, #tpu.memory_space<semaphore_mem>>)
    %add3A_189 = arith.constant 600 : i32
    %add3A_190 = arith.addi %mul3A_9, %add3A_189 : i32
    %dma_start3A_191 = arith.constant 0 : i32
    %dma_start3A_192 = tpu.memref_slice %arg11[%add3A_190, %dma_start3A_191] : memref<10240x128xf32, #tpu.memory_space<vmem_shared>> -> memref<20x128xf32, #tpu.memory_space<vmem_shared>>
    %dma_start3A_193 = arith.constant 0 : i32
    %dma_start3A_194 = tpu.memref_slice %arg11[%add3A_190, %dma_start3A_193] : memref<10240x128xf32, #tpu.memory_space<vmem_shared>> -> memref<20x128xf32, #tpu.memory_space<vmem_shared>>
    tpu.enqueue_dma source(%arg10 : memref<20x128xf32, #tpu.memory_space<vmem>>) target(%dma_start3A_194 : memref<20x128xf32, #tpu.memory_space<vmem_shared>>) target_semaphore(%arg13 : memref<!tpu.dma_semaphore, #tpu.memory_space<semaphore_mem>>)
    %add3A_195 = arith.constant 620 : i32
    %add3A_196 = arith.addi %mul3A_9, %add3A_195 : i32
    %dma_start3A_197 = arith.constant 0 : i32
    %dma_start3A_198 = tpu.memref_slice %arg11[%add3A_196, %dma_start3A_197] : memref<10240x128xf32, #tpu.memory_space<vmem_shared>> -> memref<20x128xf32, #tpu.memory_space<vmem_shared>>
    %dma_start3A_199 = arith.constant 0 : i32
    %dma_start3A_200 = tpu.memref_slice %arg11[%add3A_196, %dma_start3A_199] : memref<10240x128xf32, #tpu.memory_space<vmem_shared>> -> memref<20x128xf32, #tpu.memory_space<vmem_shared>>
    tpu.enqueue_dma source(%arg10 : memref<20x128xf32, #tpu.memory_space<vmem>>) target(%dma_start3A_200 : memref<20x128xf32, #tpu.memory_space<vmem_shared>>) target_semaphore(%arg13 : memref<!tpu.dma_semaphore, #tpu.memory_space<semaphore_mem>>)
    "tpu.region"() ({
      %run_scoped3A = tpu.sem_alloc : memref<!tpu.dma_semaphore, #tpu.memory_space<semaphore_mem>>
      %dma_start3A_407 = arith.constant 0 : i32
      %dma_start3A_408 = arith.constant 0 : i32
      %dma_start3A_409 = tpu.memref_slice %arg3[%add3A, %dma_start3A_407, %dma_start3A_408] : memref<32x100x100xi32, #tpu.memory_space<hbm>> -> memref<1x100x100xi32, #tpu.memory_space<hbm>>
      %dma_start3A_410 = tpu.memref_squeeze %dma_start3A_409 : memref<1x100x100xi32, #tpu.memory_space<hbm>> -> memref<100x100xi32, #tpu.memory_space<hbm>>
      %dma_start3A_411 = arith.constant 0 : i32
      %dma_start3A_412 = arith.constant 0 : i32
      %dma_start3A_413 = tpu.memref_slice %arg3[%add3A, %dma_start3A_411, %dma_start3A_412] : memref<32x100x100xi32, #tpu.memory_space<hbm>> -> memref<1x100x100xi32, #tpu.memory_space<hbm>>
      %dma_start3A_414 = tpu.memref_squeeze %dma_start3A_413 : memref<1x100x100xi32, #tpu.memory_space<hbm>> -> memref<100x100xi32, #tpu.memory_space<hbm>>
      tpu.enqueue_dma source(%dma_start3A_414 : memref<100x100xi32, #tpu.memory_space<hbm>>) target(%arg6 : memref<100x100xi32, #tpu.memory_space<vmem>>) target_semaphore(%run_scoped3A : memref<!tpu.dma_semaphore, #tpu.memory_space<semaphore_mem>>)
      %dma_wait3A_415 = arith.constant 0 : i32
      %dma_wait3A_416 = arith.constant 0 : i32
      %dma_wait3A_417 = tpu.memref_slice %arg3[%add3A, %dma_wait3A_415, %dma_wait3A_416] : memref<32x100x100xi32, #tpu.memory_space<hbm>> -> memref<1x100x100xi32, #tpu.memory_space<hbm>>
      %dma_wait3A_418 = tpu.memref_squeeze %dma_wait3A_417 : memref<1x100x100xi32, #tpu.memory_space<hbm>> -> memref<100x100xi32, #tpu.memory_space<hbm>>
      %dma_wait3A_419 = arith.constant 0 : i32
      %dma_wait3A_420 = arith.constant 0 : i32
      %dma_wait3A_421 = tpu.memref_slice %arg3[%add3A, %dma_wait3A_419, %dma_wait3A_420] : memref<32x100x100xi32, #tpu.memory_space<hbm>> -> memref<1x100x100xi32, #tpu.memory_space<hbm>>
      %dma_wait3A_422 = tpu.memref_squeeze %dma_wait3A_421 : memref<1x100x100xi32, #tpu.memory_space<hbm>> -> memref<100x100xi32, #tpu.memory_space<hbm>>
      tpu.wait_dma2 semaphore(%run_scoped3A : memref<!tpu.dma_semaphore, #tpu.memory_space<semaphore_mem>>) src(%dma_wait3A_422 : memref<100x100xi32, #tpu.memory_space<hbm>>) dst(%arg6 : memref<100x100xi32, #tpu.memory_space<vmem>>)
      tpu.yield
    }) : () -> ()
    "tpu.region"() ({
      %run_scoped3A = tpu.sem_alloc : memref<!tpu.dma_semaphore, #tpu.memory_space<semaphore_mem>>
      %dma_start3A_407 = arith.constant 0 : i32
      %dma_start3A_408 = arith.constant 0 : i32
      %dma_start3A_409 = tpu.memref_slice %arg4[%add3A, %dma_start3A_407, %dma_start3A_408] : memref<32x100x100xi32, #tpu.memory_space<hbm>> -> memref<1x100x100xi32, #tpu.memory_space<hbm>>
      %dma_start3A_410 = tpu.memref_squeeze %dma_start3A_409 : memref<1x100x100xi32, #tpu.memory_space<hbm>> -> memref<100x100xi32, #tpu.memory_space<hbm>>
      %dma_start3A_411 = arith.constant 0 : i32
      %dma_start3A_412 = arith.constant 0 : i32
      %dma_start3A_413 = tpu.memref_slice %arg4[%add3A, %dma_start3A_411, %dma_start3A_412] : memref<32x100x100xi32, #tpu.memory_space<hbm>> -> memref<1x100x100xi32, #tpu.memory_space<hbm>>
      %dma_start3A_414 = tpu.memref_squeeze %dma_start3A_413 : memref<1x100x100xi32, #tpu.memory_space<hbm>> -> memref<100x100xi32, #tpu.memory_space<hbm>>
      tpu.enqueue_dma source(%dma_start3A_414 : memref<100x100xi32, #tpu.memory_space<hbm>>) target(%arg7 : memref<100x100xi32, #tpu.memory_space<vmem>>) target_semaphore(%run_scoped3A : memref<!tpu.dma_semaphore, #tpu.memory_space<semaphore_mem>>)
      %dma_wait3A_415 = arith.constant 0 : i32
      %dma_wait3A_416 = arith.constant 0 : i32
      %dma_wait3A_417 = tpu.memref_slice %arg4[%add3A, %dma_wait3A_415, %dma_wait3A_416] : memref<32x100x100xi32, #tpu.memory_space<hbm>> -> memref<1x100x100xi32, #tpu.memory_space<hbm>>
      %dma_wait3A_418 = tpu.memref_squeeze %dma_wait3A_417 : memref<1x100x100xi32, #tpu.memory_space<hbm>> -> memref<100x100xi32, #tpu.memory_space<hbm>>
      %dma_wait3A_419 = arith.constant 0 : i32
      %dma_wait3A_420 = arith.constant 0 : i32
      %dma_wait3A_421 = tpu.memref_slice %arg4[%add3A, %dma_wait3A_419, %dma_wait3A_420] : memref<32x100x100xi32, #tpu.memory_space<hbm>> -> memref<1x100x100xi32, #tpu.memory_space<hbm>>
      %dma_wait3A_422 = tpu.memref_squeeze %dma_wait3A_421 : memref<1x100x100xi32, #tpu.memory_space<hbm>> -> memref<100x100xi32, #tpu.memory_space<hbm>>
      tpu.wait_dma2 semaphore(%run_scoped3A : memref<!tpu.dma_semaphore, #tpu.memory_space<semaphore_mem>>) src(%dma_wait3A_422 : memref<100x100xi32, #tpu.memory_space<hbm>>) dst(%arg7 : memref<100x100xi32, #tpu.memory_space<vmem>>)
      tpu.yield
    }) : () -> ()
    %add3A_201 = arith.constant 0 : i32
    %add3A_202 = arith.addi %mul3A_9, %add3A_201 : i32
    %dma_wait3A = arith.constant 0 : i32
    %dma_wait3A_203 = tpu.memref_slice %arg11[%add3A_202, %dma_wait3A] : memref<10240x128xf32, #tpu.memory_space<vmem_shared>> -> memref<20x128xf32, #tpu.memory_space<vmem_shared>>
    %dma_wait3A_204 = arith.constant 0 : i32
    %dma_wait3A_205 = tpu.memref_slice %arg11[%add3A_202, %dma_wait3A_204] : memref<10240x128xf32, #tpu.memory_space<vmem_shared>> -> memref<20x128xf32, #tpu.memory_space<vmem_shared>>
    tpu.wait_dma2 semaphore(%arg13 : memref<!tpu.dma_semaphore, #tpu.memory_space<semaphore_mem>>) src(%arg10 : memref<20x128xf32, #tpu.memory_space<vmem>>) dst(%dma_wait3A_205 : memref<20x128xf32, #tpu.memory_space<vmem_shared>>)
    %add3A_206 = arith.constant 20 : i32
    %add3A_207 = arith.addi %mul3A_9, %add3A_206 : i32
    %dma_wait3A_208 = arith.constant 0 : i32
    %dma_wait3A_209 = tpu.memref_slice %arg11[%add3A_207, %dma_wait3A_208] : memref<10240x128xf32, #tpu.memory_space<vmem_shared>> -> memref<20x128xf32, #tpu.memory_space<vmem_shared>>
    %dma_wait3A_210 = arith.constant 0 : i32
    %dma_wait3A_211 = tpu.memref_slice %arg11[%add3A_207, %dma_wait3A_210] : memref<10240x128xf32, #tpu.memory_space<vmem_shared>> -> memref<20x128xf32, #tpu.memory_space<vmem_shared>>
    tpu.wait_dma2 semaphore(%arg13 : memref<!tpu.dma_semaphore, #tpu.memory_space<semaphore_mem>>) src(%arg10 : memref<20x128xf32, #tpu.memory_space<vmem>>) dst(%dma_wait3A_211 : memref<20x128xf32, #tpu.memory_space<vmem_shared>>)
    %add3A_212 = arith.constant 40 : i32
    %add3A_213 = arith.addi %mul3A_9, %add3A_212 : i32
    %dma_wait3A_214 = arith.constant 0 : i32
    %dma_wait3A_215 = tpu.memref_slice %arg11[%add3A_213, %dma_wait3A_214] : memref<10240x128xf32, #tpu.memory_space<vmem_shared>> -> memref<20x128xf32, #tpu.memory_space<vmem_shared>>
    %dma_wait3A_216 = arith.constant 0 : i32
    %dma_wait3A_217 = tpu.memref_slice %arg11[%add3A_213, %dma_wait3A_216] : memref<10240x128xf32, #tpu.memory_space<vmem_shared>> -> memref<20x128xf32, #tpu.memory_space<vmem_shared>>
    tpu.wait_dma2 semaphore(%arg13 : memref<!tpu.dma_semaphore, #tpu.memory_space<semaphore_mem>>) src(%arg10 : memref<20x128xf32, #tpu.memory_space<vmem>>) dst(%dma_wait3A_217 : memref<20x128xf32, #tpu.memory_space<vmem_shared>>)
    %add3A_218 = arith.constant 60 : i32
    %add3A_219 = arith.addi %mul3A_9, %add3A_218 : i32
    %dma_wait3A_220 = arith.constant 0 : i32
    %dma_wait3A_221 = tpu.memref_slice %arg11[%add3A_219, %dma_wait3A_220] : memref<10240x128xf32, #tpu.memory_space<vmem_shared>> -> memref<20x128xf32, #tpu.memory_space<vmem_shared>>
    %dma_wait3A_222 = arith.constant 0 : i32
    %dma_wait3A_223 = tpu.memref_slice %arg11[%add3A_219, %dma_wait3A_222] : memref<10240x128xf32, #tpu.memory_space<vmem_shared>> -> memref<20x128xf32, #tpu.memory_space<vmem_shared>>
    tpu.wait_dma2 semaphore(%arg13 : memref<!tpu.dma_semaphore, #tpu.memory_space<semaphore_mem>>) src(%arg10 : memref<20x128xf32, #tpu.memory_space<vmem>>) dst(%dma_wait3A_223 : memref<20x128xf32, #tpu.memory_space<vmem_shared>>)
    %add3A_224 = arith.constant 80 : i32
    %add3A_225 = arith.addi %mul3A_9, %add3A_224 : i32
    %dma_wait3A_226 = arith.constant 0 : i32
    %dma_wait3A_227 = tpu.memref_slice %arg11[%add3A_225, %dma_wait3A_226] : memref<10240x128xf32, #tpu.memory_space<vmem_shared>> -> memref<20x128xf32, #tpu.memory_space<vmem_shared>>
    %dma_wait3A_228 = arith.constant 0 : i32
    %dma_wait3A_229 = tpu.memref_slice %arg11[%add3A_225, %dma_wait3A_228] : memref<10240x128xf32, #tpu.memory_space<vmem_shared>> -> memref<20x128xf32, #tpu.memory_space<vmem_shared>>
    tpu.wait_dma2 semaphore(%arg13 : memref<!tpu.dma_semaphore, #tpu.memory_space<semaphore_mem>>) src(%arg10 : memref<20x128xf32, #tpu.memory_space<vmem>>) dst(%dma_wait3A_229 : memref<20x128xf32, #tpu.memory_space<vmem_shared>>)
    %add3A_230 = arith.constant 100 : i32
    %add3A_231 = arith.addi %mul3A_9, %add3A_230 : i32
    %dma_wait3A_232 = arith.constant 0 : i32
    %dma_wait3A_233 = tpu.memref_slice %arg11[%add3A_231, %dma_wait3A_232] : memref<10240x128xf32, #tpu.memory_space<vmem_shared>> -> memref<20x128xf32, #tpu.memory_space<vmem_shared>>
    %dma_wait3A_234 = arith.constant 0 : i32
    %dma_wait3A_235 = tpu.memref_slice %arg11[%add3A_231, %dma_wait3A_234] : memref<10240x128xf32, #tpu.memory_space<vmem_shared>> -> memref<20x128xf32, #tpu.memory_space<vmem_shared>>
    tpu.wait_dma2 semaphore(%arg13 : memref<!tpu.dma_semaphore, #tpu.memory_space<semaphore_mem>>) src(%arg10 : memref<20x128xf32, #tpu.memory_space<vmem>>) dst(%dma_wait3A_235 : memref<20x128xf32, #tpu.memory_space<vmem_shared>>)
    %add3A_236 = arith.constant 120 : i32
    %add3A_237 = arith.addi %mul3A_9, %add3A_236 : i32
    %dma_wait3A_238 = arith.constant 0 : i32
    %dma_wait3A_239 = tpu.memref_slice %arg11[%add3A_237, %dma_wait3A_238] : memref<10240x128xf32, #tpu.memory_space<vmem_shared>> -> memref<20x128xf32, #tpu.memory_space<vmem_shared>>
    %dma_wait3A_240 = arith.constant 0 : i32
    %dma_wait3A_241 = tpu.memref_slice %arg11[%add3A_237, %dma_wait3A_240] : memref<10240x128xf32, #tpu.memory_space<vmem_shared>> -> memref<20x128xf32, #tpu.memory_space<vmem_shared>>
    tpu.wait_dma2 semaphore(%arg13 : memref<!tpu.dma_semaphore, #tpu.memory_space<semaphore_mem>>) src(%arg10 : memref<20x128xf32, #tpu.memory_space<vmem>>) dst(%dma_wait3A_241 : memref<20x128xf32, #tpu.memory_space<vmem_shared>>)
    %add3A_242 = arith.constant 140 : i32
    %add3A_243 = arith.addi %mul3A_9, %add3A_242 : i32
    %dma_wait3A_244 = arith.constant 0 : i32
    %dma_wait3A_245 = tpu.memref_slice %arg11[%add3A_243, %dma_wait3A_244] : memref<10240x128xf32, #tpu.memory_space<vmem_shared>> -> memref<20x128xf32, #tpu.memory_space<vmem_shared>>
    %dma_wait3A_246 = arith.constant 0 : i32
    %dma_wait3A_247 = tpu.memref_slice %arg11[%add3A_243, %dma_wait3A_246] : memref<10240x128xf32, #tpu.memory_space<vmem_shared>> -> memref<20x128xf32, #tpu.memory_space<vmem_shared>>
    tpu.wait_dma2 semaphore(%arg13 : memref<!tpu.dma_semaphore, #tpu.memory_space<semaphore_mem>>) src(%arg10 : memref<20x128xf32, #tpu.memory_space<vmem>>) dst(%dma_wait3A_247 : memref<20x128xf32, #tpu.memory_space<vmem_shared>>)
    %add3A_248 = arith.constant 160 : i32
    %add3A_249 = arith.addi %mul3A_9, %add3A_248 : i32
    %dma_wait3A_250 = arith.constant 0 : i32
    %dma_wait3A_251 = tpu.memref_slice %arg11[%add3A_249, %dma_wait3A_250] : memref<10240x128xf32, #tpu.memory_space<vmem_shared>> -> memref<20x128xf32, #tpu.memory_space<vmem_shared>>
    %dma_wait3A_252 = arith.constant 0 : i32
    %dma_wait3A_253 = tpu.memref_slice %arg11[%add3A_249, %dma_wait3A_252] : memref<10240x128xf32, #tpu.memory_space<vmem_shared>> -> memref<20x128xf32, #tpu.memory_space<vmem_shared>>
    tpu.wait_dma2 semaphore(%arg13 : memref<!tpu.dma_semaphore, #tpu.memory_space<semaphore_mem>>) src(%arg10 : memref<20x128xf32, #tpu.memory_space<vmem>>) dst(%dma_wait3A_253 : memref<20x128xf32, #tpu.memory_space<vmem_shared>>)
    %add3A_254 = arith.constant 180 : i32
    %add3A_255 = arith.addi %mul3A_9, %add3A_254 : i32
    %dma_wait3A_256 = arith.constant 0 : i32
    %dma_wait3A_257 = tpu.memref_slice %arg11[%add3A_255, %dma_wait3A_256] : memref<10240x128xf32, #tpu.memory_space<vmem_shared>> -> memref<20x128xf32, #tpu.memory_space<vmem_shared>>
    %dma_wait3A_258 = arith.constant 0 : i32
    %dma_wait3A_259 = tpu.memref_slice %arg11[%add3A_255, %dma_wait3A_258] : memref<10240x128xf32, #tpu.memory_space<vmem_shared>> -> memref<20x128xf32, #tpu.memory_space<vmem_shared>>
    tpu.wait_dma2 semaphore(%arg13 : memref<!tpu.dma_semaphore, #tpu.memory_space<semaphore_mem>>) src(%arg10 : memref<20x128xf32, #tpu.memory_space<vmem>>) dst(%dma_wait3A_259 : memref<20x128xf32, #tpu.memory_space<vmem_shared>>)
    %add3A_260 = arith.constant 200 : i32
    %add3A_261 = arith.addi %mul3A_9, %add3A_260 : i32
    %dma_wait3A_262 = arith.constant 0 : i32
    %dma_wait3A_263 = tpu.memref_slice %arg11[%add3A_261, %dma_wait3A_262] : memref<10240x128xf32, #tpu.memory_space<vmem_shared>> -> memref<20x128xf32, #tpu.memory_space<vmem_shared>>
    %dma_wait3A_264 = arith.constant 0 : i32
    %dma_wait3A_265 = tpu.memref_slice %arg11[%add3A_261, %dma_wait3A_264] : memref<10240x128xf32, #tpu.memory_space<vmem_shared>> -> memref<20x128xf32, #tpu.memory_space<vmem_shared>>
    tpu.wait_dma2 semaphore(%arg13 : memref<!tpu.dma_semaphore, #tpu.memory_space<semaphore_mem>>) src(%arg10 : memref<20x128xf32, #tpu.memory_space<vmem>>) dst(%dma_wait3A_265 : memref<20x128xf32, #tpu.memory_space<vmem_shared>>)
    %add3A_266 = arith.constant 220 : i32
    %add3A_267 = arith.addi %mul3A_9, %add3A_266 : i32
    %dma_wait3A_268 = arith.constant 0 : i32
    %dma_wait3A_269 = tpu.memref_slice %arg11[%add3A_267, %dma_wait3A_268] : memref<10240x128xf32, #tpu.memory_space<vmem_shared>> -> memref<20x128xf32, #tpu.memory_space<vmem_shared>>
    %dma_wait3A_270 = arith.constant 0 : i32
    %dma_wait3A_271 = tpu.memref_slice %arg11[%add3A_267, %dma_wait3A_270] : memref<10240x128xf32, #tpu.memory_space<vmem_shared>> -> memref<20x128xf32, #tpu.memory_space<vmem_shared>>
    tpu.wait_dma2 semaphore(%arg13 : memref<!tpu.dma_semaphore, #tpu.memory_space<semaphore_mem>>) src(%arg10 : memref<20x128xf32, #tpu.memory_space<vmem>>) dst(%dma_wait3A_271 : memref<20x128xf32, #tpu.memory_space<vmem_shared>>)
    %add3A_272 = arith.constant 240 : i32
    %add3A_273 = arith.addi %mul3A_9, %add3A_272 : i32
    %dma_wait3A_274 = arith.constant 0 : i32
    %dma_wait3A_275 = tpu.memref_slice %arg11[%add3A_273, %dma_wait3A_274] : memref<10240x128xf32, #tpu.memory_space<vmem_shared>> -> memref<20x128xf32, #tpu.memory_space<vmem_shared>>
    %dma_wait3A_276 = arith.constant 0 : i32
    %dma_wait3A_277 = tpu.memref_slice %arg11[%add3A_273, %dma_wait3A_276] : memref<10240x128xf32, #tpu.memory_space<vmem_shared>> -> memref<20x128xf32, #tpu.memory_space<vmem_shared>>
    tpu.wait_dma2 semaphore(%arg13 : memref<!tpu.dma_semaphore, #tpu.memory_space<semaphore_mem>>) src(%arg10 : memref<20x128xf32, #tpu.memory_space<vmem>>) dst(%dma_wait3A_277 : memref<20x128xf32, #tpu.memory_space<vmem_shared>>)
    %add3A_278 = arith.constant 260 : i32
    %add3A_279 = arith.addi %mul3A_9, %add3A_278 : i32
    %dma_wait3A_280 = arith.constant 0 : i32
    %dma_wait3A_281 = tpu.memref_slice %arg11[%add3A_279, %dma_wait3A_280] : memref<10240x128xf32, #tpu.memory_space<vmem_shared>> -> memref<20x128xf32, #tpu.memory_space<vmem_shared>>
    %dma_wait3A_282 = arith.constant 0 : i32
    %dma_wait3A_283 = tpu.memref_slice %arg11[%add3A_279, %dma_wait3A_282] : memref<10240x128xf32, #tpu.memory_space<vmem_shared>> -> memref<20x128xf32, #tpu.memory_space<vmem_shared>>
    tpu.wait_dma2 semaphore(%arg13 : memref<!tpu.dma_semaphore, #tpu.memory_space<semaphore_mem>>) src(%arg10 : memref<20x128xf32, #tpu.memory_space<vmem>>) dst(%dma_wait3A_283 : memref<20x128xf32, #tpu.memory_space<vmem_shared>>)
    %add3A_284 = arith.constant 280 : i32
    %add3A_285 = arith.addi %mul3A_9, %add3A_284 : i32
    %dma_wait3A_286 = arith.constant 0 : i32
    %dma_wait3A_287 = tpu.memref_slice %arg11[%add3A_285, %dma_wait3A_286] : memref<10240x128xf32, #tpu.memory_space<vmem_shared>> -> memref<20x128xf32, #tpu.memory_space<vmem_shared>>
    %dma_wait3A_288 = arith.constant 0 : i32
    %dma_wait3A_289 = tpu.memref_slice %arg11[%add3A_285, %dma_wait3A_288] : memref<10240x128xf32, #tpu.memory_space<vmem_shared>> -> memref<20x128xf32, #tpu.memory_space<vmem_shared>>
    tpu.wait_dma2 semaphore(%arg13 : memref<!tpu.dma_semaphore, #tpu.memory_space<semaphore_mem>>) src(%arg10 : memref<20x128xf32, #tpu.memory_space<vmem>>) dst(%dma_wait3A_289 : memref<20x128xf32, #tpu.memory_space<vmem_shared>>)
    %add3A_290 = arith.constant 300 : i32
    %add3A_291 = arith.addi %mul3A_9, %add3A_290 : i32
    %dma_wait3A_292 = arith.constant 0 : i32
    %dma_wait3A_293 = tpu.memref_slice %arg11[%add3A_291, %dma_wait3A_292] : memref<10240x128xf32, #tpu.memory_space<vmem_shared>> -> memref<20x128xf32, #tpu.memory_space<vmem_shared>>
    %dma_wait3A_294 = arith.constant 0 : i32
    %dma_wait3A_295 = tpu.memref_slice %arg11[%add3A_291, %dma_wait3A_294] : memref<10240x128xf32, #tpu.memory_space<vmem_shared>> -> memref<20x128xf32, #tpu.memory_space<vmem_shared>>
    tpu.wait_dma2 semaphore(%arg13 : memref<!tpu.dma_semaphore, #tpu.memory_space<semaphore_mem>>) src(%arg10 : memref<20x128xf32, #tpu.memory_space<vmem>>) dst(%dma_wait3A_295 : memref<20x128xf32, #tpu.memory_space<vmem_shared>>)
    %add3A_296 = arith.constant 320 : i32
    %add3A_297 = arith.addi %mul3A_9, %add3A_296 : i32
    %dma_wait3A_298 = arith.constant 0 : i32
    %dma_wait3A_299 = tpu.memref_slice %arg11[%add3A_297, %dma_wait3A_298] : memref<10240x128xf32, #tpu.memory_space<vmem_shared>> -> memref<20x128xf32, #tpu.memory_space<vmem_shared>>
    %dma_wait3A_300 = arith.constant 0 : i32
    %dma_wait3A_301 = tpu.memref_slice %arg11[%add3A_297, %dma_wait3A_300] : memref<10240x128xf32, #tpu.memory_space<vmem_shared>> -> memref<20x128xf32, #tpu.memory_space<vmem_shared>>
    tpu.wait_dma2 semaphore(%arg13 : memref<!tpu.dma_semaphore, #tpu.memory_space<semaphore_mem>>) src(%arg10 : memref<20x128xf32, #tpu.memory_space<vmem>>) dst(%dma_wait3A_301 : memref<20x128xf32, #tpu.memory_space<vmem_shared>>)
    %add3A_302 = arith.constant 340 : i32
    %add3A_303 = arith.addi %mul3A_9, %add3A_302 : i32
    %dma_wait3A_304 = arith.constant 0 : i32
    %dma_wait3A_305 = tpu.memref_slice %arg11[%add3A_303, %dma_wait3A_304] : memref<10240x128xf32, #tpu.memory_space<vmem_shared>> -> memref<20x128xf32, #tpu.memory_space<vmem_shared>>
    %dma_wait3A_306 = arith.constant 0 : i32
    %dma_wait3A_307 = tpu.memref_slice %arg11[%add3A_303, %dma_wait3A_306] : memref<10240x128xf32, #tpu.memory_space<vmem_shared>> -> memref<20x128xf32, #tpu.memory_space<vmem_shared>>
    tpu.wait_dma2 semaphore(%arg13 : memref<!tpu.dma_semaphore, #tpu.memory_space<semaphore_mem>>) src(%arg10 : memref<20x128xf32, #tpu.memory_space<vmem>>) dst(%dma_wait3A_307 : memref<20x128xf32, #tpu.memory_space<vmem_shared>>)
    %add3A_308 = arith.constant 360 : i32
    %add3A_309 = arith.addi %mul3A_9, %add3A_308 : i32
    %dma_wait3A_310 = arith.constant 0 : i32
    %dma_wait3A_311 = tpu.memref_slice %arg11[%add3A_309, %dma_wait3A_310] : memref<10240x128xf32, #tpu.memory_space<vmem_shared>> -> memref<20x128xf32, #tpu.memory_space<vmem_shared>>
    %dma_wait3A_312 = arith.constant 0 : i32
    %dma_wait3A_313 = tpu.memref_slice %arg11[%add3A_309, %dma_wait3A_312] : memref<10240x128xf32, #tpu.memory_space<vmem_shared>> -> memref<20x128xf32, #tpu.memory_space<vmem_shared>>
    tpu.wait_dma2 semaphore(%arg13 : memref<!tpu.dma_semaphore, #tpu.memory_space<semaphore_mem>>) src(%arg10 : memref<20x128xf32, #tpu.memory_space<vmem>>) dst(%dma_wait3A_313 : memref<20x128xf32, #tpu.memory_space<vmem_shared>>)
    %add3A_314 = arith.constant 380 : i32
    %add3A_315 = arith.addi %mul3A_9, %add3A_314 : i32
    %dma_wait3A_316 = arith.constant 0 : i32
    %dma_wait3A_317 = tpu.memref_slice %arg11[%add3A_315, %dma_wait3A_316] : memref<10240x128xf32, #tpu.memory_space<vmem_shared>> -> memref<20x128xf32, #tpu.memory_space<vmem_shared>>
    %dma_wait3A_318 = arith.constant 0 : i32
    %dma_wait3A_319 = tpu.memref_slice %arg11[%add3A_315, %dma_wait3A_318] : memref<10240x128xf32, #tpu.memory_space<vmem_shared>> -> memref<20x128xf32, #tpu.memory_space<vmem_shared>>
    tpu.wait_dma2 semaphore(%arg13 : memref<!tpu.dma_semaphore, #tpu.memory_space<semaphore_mem>>) src(%arg10 : memref<20x128xf32, #tpu.memory_space<vmem>>) dst(%dma_wait3A_319 : memref<20x128xf32, #tpu.memory_space<vmem_shared>>)
    %add3A_320 = arith.constant 400 : i32
    %add3A_321 = arith.addi %mul3A_9, %add3A_320 : i32
    %dma_wait3A_322 = arith.constant 0 : i32
    %dma_wait3A_323 = tpu.memref_slice %arg11[%add3A_321, %dma_wait3A_322] : memref<10240x128xf32, #tpu.memory_space<vmem_shared>> -> memref<20x128xf32, #tpu.memory_space<vmem_shared>>
    %dma_wait3A_324 = arith.constant 0 : i32
    %dma_wait3A_325 = tpu.memref_slice %arg11[%add3A_321, %dma_wait3A_324] : memref<10240x128xf32, #tpu.memory_space<vmem_shared>> -> memref<20x128xf32, #tpu.memory_space<vmem_shared>>
    tpu.wait_dma2 semaphore(%arg13 : memref<!tpu.dma_semaphore, #tpu.memory_space<semaphore_mem>>) src(%arg10 : memref<20x128xf32, #tpu.memory_space<vmem>>) dst(%dma_wait3A_325 : memref<20x128xf32, #tpu.memory_space<vmem_shared>>)
    %add3A_326 = arith.constant 420 : i32
    %add3A_327 = arith.addi %mul3A_9, %add3A_326 : i32
    %dma_wait3A_328 = arith.constant 0 : i32
    %dma_wait3A_329 = tpu.memref_slice %arg11[%add3A_327, %dma_wait3A_328] : memref<10240x128xf32, #tpu.memory_space<vmem_shared>> -> memref<20x128xf32, #tpu.memory_space<vmem_shared>>
    %dma_wait3A_330 = arith.constant 0 : i32
    %dma_wait3A_331 = tpu.memref_slice %arg11[%add3A_327, %dma_wait3A_330] : memref<10240x128xf32, #tpu.memory_space<vmem_shared>> -> memref<20x128xf32, #tpu.memory_space<vmem_shared>>
    tpu.wait_dma2 semaphore(%arg13 : memref<!tpu.dma_semaphore, #tpu.memory_space<semaphore_mem>>) src(%arg10 : memref<20x128xf32, #tpu.memory_space<vmem>>) dst(%dma_wait3A_331 : memref<20x128xf32, #tpu.memory_space<vmem_shared>>)
    %add3A_332 = arith.constant 440 : i32
    %add3A_333 = arith.addi %mul3A_9, %add3A_332 : i32
    %dma_wait3A_334 = arith.constant 0 : i32
    %dma_wait3A_335 = tpu.memref_slice %arg11[%add3A_333, %dma_wait3A_334] : memref<10240x128xf32, #tpu.memory_space<vmem_shared>> -> memref<20x128xf32, #tpu.memory_space<vmem_shared>>
    %dma_wait3A_336 = arith.constant 0 : i32
    %dma_wait3A_337 = tpu.memref_slice %arg11[%add3A_333, %dma_wait3A_336] : memref<10240x128xf32, #tpu.memory_space<vmem_shared>> -> memref<20x128xf32, #tpu.memory_space<vmem_shared>>
    tpu.wait_dma2 semaphore(%arg13 : memref<!tpu.dma_semaphore, #tpu.memory_space<semaphore_mem>>) src(%arg10 : memref<20x128xf32, #tpu.memory_space<vmem>>) dst(%dma_wait3A_337 : memref<20x128xf32, #tpu.memory_space<vmem_shared>>)
    %add3A_338 = arith.constant 460 : i32
    %add3A_339 = arith.addi %mul3A_9, %add3A_338 : i32
    %dma_wait3A_340 = arith.constant 0 : i32
    %dma_wait3A_341 = tpu.memref_slice %arg11[%add3A_339, %dma_wait3A_340] : memref<10240x128xf32, #tpu.memory_space<vmem_shared>> -> memref<20x128xf32, #tpu.memory_space<vmem_shared>>
    %dma_wait3A_342 = arith.constant 0 : i32
    %dma_wait3A_343 = tpu.memref_slice %arg11[%add3A_339, %dma_wait3A_342] : memref<10240x128xf32, #tpu.memory_space<vmem_shared>> -> memref<20x128xf32, #tpu.memory_space<vmem_shared>>
    tpu.wait_dma2 semaphore(%arg13 : memref<!tpu.dma_semaphore, #tpu.memory_space<semaphore_mem>>) src(%arg10 : memref<20x128xf32, #tpu.memory_space<vmem>>) dst(%dma_wait3A_343 : memref<20x128xf32, #tpu.memory_space<vmem_shared>>)
    %add3A_344 = arith.constant 480 : i32
    %add3A_345 = arith.addi %mul3A_9, %add3A_344 : i32
    %dma_wait3A_346 = arith.constant 0 : i32
    %dma_wait3A_347 = tpu.memref_slice %arg11[%add3A_345, %dma_wait3A_346] : memref<10240x128xf32, #tpu.memory_space<vmem_shared>> -> memref<20x128xf32, #tpu.memory_space<vmem_shared>>
    %dma_wait3A_348 = arith.constant 0 : i32
    %dma_wait3A_349 = tpu.memref_slice %arg11[%add3A_345, %dma_wait3A_348] : memref<10240x128xf32, #tpu.memory_space<vmem_shared>> -> memref<20x128xf32, #tpu.memory_space<vmem_shared>>
    tpu.wait_dma2 semaphore(%arg13 : memref<!tpu.dma_semaphore, #tpu.memory_space<semaphore_mem>>) src(%arg10 : memref<20x128xf32, #tpu.memory_space<vmem>>) dst(%dma_wait3A_349 : memref<20x128xf32, #tpu.memory_space<vmem_shared>>)
    %add3A_350 = arith.constant 500 : i32
    %add3A_351 = arith.addi %mul3A_9, %add3A_350 : i32
    %dma_wait3A_352 = arith.constant 0 : i32
    %dma_wait3A_353 = tpu.memref_slice %arg11[%add3A_351, %dma_wait3A_352] : memref<10240x128xf32, #tpu.memory_space<vmem_shared>> -> memref<20x128xf32, #tpu.memory_space<vmem_shared>>
    %dma_wait3A_354 = arith.constant 0 : i32
    %dma_wait3A_355 = tpu.memref_slice %arg11[%add3A_351, %dma_wait3A_354] : memref<10240x128xf32, #tpu.memory_space<vmem_shared>> -> memref<20x128xf32, #tpu.memory_space<vmem_shared>>
    tpu.wait_dma2 semaphore(%arg13 : memref<!tpu.dma_semaphore, #tpu.memory_space<semaphore_mem>>) src(%arg10 : memref<20x128xf32, #tpu.memory_space<vmem>>) dst(%dma_wait3A_355 : memref<20x128xf32, #tpu.memory_space<vmem_shared>>)
    %add3A_356 = arith.constant 520 : i32
    %add3A_357 = arith.addi %mul3A_9, %add3A_356 : i32
    %dma_wait3A_358 = arith.constant 0 : i32
    %dma_wait3A_359 = tpu.memref_slice %arg11[%add3A_357, %dma_wait3A_358] : memref<10240x128xf32, #tpu.memory_space<vmem_shared>> -> memref<20x128xf32, #tpu.memory_space<vmem_shared>>
    %dma_wait3A_360 = arith.constant 0 : i32
    %dma_wait3A_361 = tpu.memref_slice %arg11[%add3A_357, %dma_wait3A_360] : memref<10240x128xf32, #tpu.memory_space<vmem_shared>> -> memref<20x128xf32, #tpu.memory_space<vmem_shared>>
    tpu.wait_dma2 semaphore(%arg13 : memref<!tpu.dma_semaphore, #tpu.memory_space<semaphore_mem>>) src(%arg10 : memref<20x128xf32, #tpu.memory_space<vmem>>) dst(%dma_wait3A_361 : memref<20x128xf32, #tpu.memory_space<vmem_shared>>)
    %add3A_362 = arith.constant 540 : i32
    %add3A_363 = arith.addi %mul3A_9, %add3A_362 : i32
    %dma_wait3A_364 = arith.constant 0 : i32
    %dma_wait3A_365 = tpu.memref_slice %arg11[%add3A_363, %dma_wait3A_364] : memref<10240x128xf32, #tpu.memory_space<vmem_shared>> -> memref<20x128xf32, #tpu.memory_space<vmem_shared>>
    %dma_wait3A_366 = arith.constant 0 : i32
    %dma_wait3A_367 = tpu.memref_slice %arg11[%add3A_363, %dma_wait3A_366] : memref<10240x128xf32, #tpu.memory_space<vmem_shared>> -> memref<20x128xf32, #tpu.memory_space<vmem_shared>>
    tpu.wait_dma2 semaphore(%arg13 : memref<!tpu.dma_semaphore, #tpu.memory_space<semaphore_mem>>) src(%arg10 : memref<20x128xf32, #tpu.memory_space<vmem>>) dst(%dma_wait3A_367 : memref<20x128xf32, #tpu.memory_space<vmem_shared>>)
    %add3A_368 = arith.constant 560 : i32
    %add3A_369 = arith.addi %mul3A_9, %add3A_368 : i32
    %dma_wait3A_370 = arith.constant 0 : i32
    %dma_wait3A_371 = tpu.memref_slice %arg11[%add3A_369, %dma_wait3A_370] : memref<10240x128xf32, #tpu.memory_space<vmem_shared>> -> memref<20x128xf32, #tpu.memory_space<vmem_shared>>
    %dma_wait3A_372 = arith.constant 0 : i32
    %dma_wait3A_373 = tpu.memref_slice %arg11[%add3A_369, %dma_wait3A_372] : memref<10240x128xf32, #tpu.memory_space<vmem_shared>> -> memref<20x128xf32, #tpu.memory_space<vmem_shared>>
    tpu.wait_dma2 semaphore(%arg13 : memref<!tpu.dma_semaphore, #tpu.memory_space<semaphore_mem>>) src(%arg10 : memref<20x128xf32, #tpu.memory_space<vmem>>) dst(%dma_wait3A_373 : memref<20x128xf32, #tpu.memory_space<vmem_shared>>)
    %add3A_374 = arith.constant 580 : i32
    %add3A_375 = arith.addi %mul3A_9, %add3A_374 : i32
    %dma_wait3A_376 = arith.constant 0 : i32
    %dma_wait3A_377 = tpu.memref_slice %arg11[%add3A_375, %dma_wait3A_376] : memref<10240x128xf32, #tpu.memory_space<vmem_shared>> -> memref<20x128xf32, #tpu.memory_space<vmem_shared>>
    %dma_wait3A_378 = arith.constant 0 : i32
    %dma_wait3A_379 = tpu.memref_slice %arg11[%add3A_375, %dma_wait3A_378] : memref<10240x128xf32, #tpu.memory_space<vmem_shared>> -> memref<20x128xf32, #tpu.memory_space<vmem_shared>>
    tpu.wait_dma2 semaphore(%arg13 : memref<!tpu.dma_semaphore, #tpu.memory_space<semaphore_mem>>) src(%arg10 : memref<20x128xf32, #tpu.memory_space<vmem>>) dst(%dma_wait3A_379 : memref<20x128xf32, #tpu.memory_space<vmem_shared>>)
    %add3A_380 = arith.constant 600 : i32
    %add3A_381 = arith.addi %mul3A_9, %add3A_380 : i32
    %dma_wait3A_382 = arith.constant 0 : i32
    %dma_wait3A_383 = tpu.memref_slice %arg11[%add3A_381, %dma_wait3A_382] : memref<10240x128xf32, #tpu.memory_space<vmem_shared>> -> memref<20x128xf32, #tpu.memory_space<vmem_shared>>
    %dma_wait3A_384 = arith.constant 0 : i32
    %dma_wait3A_385 = tpu.memref_slice %arg11[%add3A_381, %dma_wait3A_384] : memref<10240x128xf32, #tpu.memory_space<vmem_shared>> -> memref<20x128xf32, #tpu.memory_space<vmem_shared>>
    tpu.wait_dma2 semaphore(%arg13 : memref<!tpu.dma_semaphore, #tpu.memory_space<semaphore_mem>>) src(%arg10 : memref<20x128xf32, #tpu.memory_space<vmem>>) dst(%dma_wait3A_385 : memref<20x128xf32, #tpu.memory_space<vmem_shared>>)
    %add3A_386 = arith.constant 620 : i32
    %add3A_387 = arith.addi %mul3A_9, %add3A_386 : i32
    %dma_wait3A_388 = arith.constant 0 : i32
    %dma_wait3A_389 = tpu.memref_slice %arg11[%add3A_387, %dma_wait3A_388] : memref<10240x128xf32, #tpu.memory_space<vmem_shared>> -> memref<20x128xf32, #tpu.memory_space<vmem_shared>>
    %dma_wait3A_390 = arith.constant 0 : i32
    %dma_wait3A_391 = tpu.memref_slice %arg11[%add3A_387, %dma_wait3A_390] : memref<10240x128xf32, #tpu.memory_space<vmem_shared>> -> memref<20x128xf32, #tpu.memory_space<vmem_shared>>
    tpu.wait_dma2 semaphore(%arg13 : memref<!tpu.dma_semaphore, #tpu.memory_space<semaphore_mem>>) src(%arg10 : memref<20x128xf32, #tpu.memory_space<vmem>>) dst(%dma_wait3A_391 : memref<20x128xf32, #tpu.memory_space<vmem_shared>>)
    %barrier3A = arith.constant 0 : index
    tpu.barrier barrier_id(%barrier3A)
    %dma_start3A_392 = arith.constant 0 : i32
    %dma_start3A_393 = arith.constant 0 : i32
    %dma_start3A_394 = tpu.memref_slice %arg6[%dma_start3A_392, %dma_start3A_393] : memref<100x100xi32, #tpu.memory_space<vmem>> -> memref<1x100xi32, #tpu.memory_space<vmem>>
    %dma_start3A_395 = tpu.memref_squeeze %dma_start3A_394 : memref<1x100xi32, #tpu.memory_space<vmem>> -> memref<100xi32, #tpu.memory_space<vmem>>
    %dma_start3A_396 = arith.constant 0 : i32
    %dma_start3A_397 = arith.constant 0 : i32
    %dma_start3A_398 = tpu.memref_slice %arg2[%dma_start3A_396, %dma_start3A_397] : memref<10000x128xf32, #tpu.memory_space<hbm>> -> memref<10000x128xf32, #tpu.memory_space<hbm>>
    tpu.enqueue_indirect_dma source(%dma_start3A_398 : memref<10000x128xf32, #tpu.memory_space<hbm>>) target(%arg8 : memref<100x128xf32, #tpu.memory_space<vmem>>) offsets(%dma_start3A_395 : memref<100xi32, #tpu.memory_space<vmem>>) semaphore(%arg12 : memref<!tpu.dma_semaphore, #tpu.memory_space<semaphore_mem>>)
    %scan3A_399 = arith.constant 0 : i32
    %scan3A_400 = arith.constant 0 : i32
    %scan3A_401 = arith.constant 50 : i32
    %scan3A_402 = arith.addi %scan3A_400, %scan3A_401 : i32
    %scan3A_403 = arith.constant 1 : i32
    %scan3A_404 = scf.for %scan3A_407 = %scan3A_400 to %scan3A_402 step %scan3A_403 iter_args(%scan3A_408 = %scan3A_399) -> (i32)  : i32 {
      %mul3A_409 = arith.constant 2 : i32
      %mul3A_410 = arith.muli %mul3A_409, %scan3A_407 : i32
      %add3A_411 = arith.constant 1 : i32
      %add3A_412 = arith.addi %mul3A_410, %add3A_411 : i32
      %dma_start3A_413 = arith.constant 0 : i32
      %dma_start3A_414 = tpu.memref_slice %arg6[%add3A_412, %dma_start3A_413] : memref<100x100xi32, #tpu.memory_space<vmem>> -> memref<1x100xi32, #tpu.memory_space<vmem>>
      %dma_start3A_415 = tpu.memref_squeeze %dma_start3A_414 : memref<1x100xi32, #tpu.memory_space<vmem>> -> memref<100xi32, #tpu.memory_space<vmem>>
      %dma_start3A_416 = arith.constant 0 : i32
      %dma_start3A_417 = arith.constant 0 : i32
      %dma_start3A_418 = tpu.memref_slice %arg2[%dma_start3A_416, %dma_start3A_417] : memref<10000x128xf32, #tpu.memory_space<hbm>> -> memref<10000x128xf32, #tpu.memory_space<hbm>>
      tpu.enqueue_indirect_dma source(%dma_start3A_418 : memref<10000x128xf32, #tpu.memory_space<hbm>>) target(%arg9 : memref<100x128xf32, #tpu.memory_space<vmem>>) offsets(%dma_start3A_415 : memref<100xi32, #tpu.memory_space<vmem>>) semaphore(%arg13 : memref<!tpu.dma_semaphore, #tpu.memory_space<semaphore_mem>>)
      %dma_wait3A_419 = arith.constant 0 : i32
      %dma_wait3A_420 = tpu.memref_slice %arg6[%mul3A_410, %dma_wait3A_419] : memref<100x100xi32, #tpu.memory_space<vmem>> -> memref<1x100xi32, #tpu.memory_space<vmem>>
      %dma_wait3A_421 = tpu.memref_squeeze %dma_wait3A_420 : memref<1x100xi32, #tpu.memory_space<vmem>> -> memref<100xi32, #tpu.memory_space<vmem>>
      %dma_wait3A_422 = arith.constant 0 : i32
      %dma_wait3A_423 = arith.constant 0 : i32
      %dma_wait3A_424 = tpu.memref_slice %arg2[%dma_wait3A_422, %dma_wait3A_423] : memref<10000x128xf32, #tpu.memory_space<hbm>> -> memref<10000x128xf32, #tpu.memory_space<hbm>>
      tpu.wait_indirect_dma semaphore(%arg12 : memref<!tpu.dma_semaphore, #tpu.memory_space<semaphore_mem>>) src(%dma_wait3A_424 : memref<10000x128xf32, #tpu.memory_space<hbm>>) dst(%arg8 : memref<100x128xf32, #tpu.memory_space<vmem>>)
      %add3A_425 = arith.constant 2 : i32
      %add3A_426 = arith.addi %mul3A_410, %add3A_425 : i32
      %lt3A = arith.constant 100 : i32
      %lt3A_427 = arith.cmpi slt, %add3A_426, %lt3A : i32
      %convert_element_type3A = arith.extui %lt3A_427 : i1 to i32
      %cond3A = arith.constant 0 : i32
      %cond3A_428 = arith.cmpi ne, %convert_element_type3A, %cond3A : i32
      scf.if %cond3A_428 {
        %add3A_438 = arith.constant 2 : i32
        %add3A_439 = arith.addi %mul3A_410, %add3A_438 : i32
        %dma_start3A_440 = arith.constant 0 : i32
        %dma_start3A_441 = tpu.memref_slice %arg6[%add3A_439, %dma_start3A_440] : memref<100x100xi32, #tpu.memory_space<vmem>> -> memref<1x100xi32, #tpu.memory_space<vmem>>
        %dma_start3A_442 = tpu.memref_squeeze %dma_start3A_441 : memref<1x100xi32, #tpu.memory_space<vmem>> -> memref<100xi32, #tpu.memory_space<vmem>>
        %dma_start3A_443 = arith.constant 0 : i32
        %dma_start3A_444 = arith.constant 0 : i32
        %dma_start3A_445 = tpu.memref_slice %arg2[%dma_start3A_443, %dma_start3A_444] : memref<10000x128xf32, #tpu.memory_space<hbm>> -> memref<10000x128xf32, #tpu.memory_space<hbm>>
        tpu.enqueue_indirect_dma source(%dma_start3A_445 : memref<10000x128xf32, #tpu.memory_space<hbm>>) target(%arg8 : memref<100x128xf32, #tpu.memory_space<vmem>>) offsets(%dma_start3A_442 : memref<100xi32, #tpu.memory_space<vmem>>) semaphore(%arg12 : memref<!tpu.dma_semaphore, #tpu.memory_space<semaphore_mem>>)
      } else {
      }
      %add3A_429 = arith.constant 1 : i32
      %add3A_430 = arith.addi %mul3A_410, %add3A_429 : i32
      %dma_wait3A_431 = arith.constant 0 : i32
      %dma_wait3A_432 = tpu.memref_slice %arg6[%add3A_430, %dma_wait3A_431] : memref<100x100xi32, #tpu.memory_space<vmem>> -> memref<1x100xi32, #tpu.memory_space<vmem>>
      %dma_wait3A_433 = tpu.memref_squeeze %dma_wait3A_432 : memref<1x100xi32, #tpu.memory_space<vmem>> -> memref<100xi32, #tpu.memory_space<vmem>>
      %dma_wait3A_434 = arith.constant 0 : i32
      %dma_wait3A_435 = arith.constant 0 : i32
      %dma_wait3A_436 = tpu.memref_slice %arg2[%dma_wait3A_434, %dma_wait3A_435] : memref<10000x128xf32, #tpu.memory_space<hbm>> -> memref<10000x128xf32, #tpu.memory_space<hbm>>
      tpu.wait_indirect_dma semaphore(%arg13 : memref<!tpu.dma_semaphore, #tpu.memory_space<semaphore_mem>>) src(%dma_wait3A_436 : memref<10000x128xf32, #tpu.memory_space<hbm>>) dst(%arg9 : memref<100x128xf32, #tpu.memory_space<vmem>>)
      %scan3A_437 = arith.constant 0 : i32
      scf.yield %scan3A_437 : i32
    }
    %scan3A_405 = arith.constant 50 : i32
    %barrier3A_406 = arith.constant 0 : index
    tpu.barrier barrier_id(%barrier3A_406)
    "tpu.region"() ({
      %run_scoped3A = tpu.sem_alloc : memref<!tpu.dma_semaphore, #tpu.memory_space<semaphore_mem>>
      %dma_start3A_407 = arith.constant 0 : i32
      %dma_start3A_408 = tpu.memref_slice %arg5[%arg0, %mul3A_9, %dma_start3A_407] : memref<2x10240x128xf32, #tpu.memory_space<hbm>> -> memref<1x640x128xf32, #tpu.memory_space<hbm>>
      %dma_start3A_409 = tpu.memref_squeeze %dma_start3A_408 : memref<1x640x128xf32, #tpu.memory_space<hbm>> -> memref<640x128xf32, #tpu.memory_space<hbm>>
      %dma_start3A_410 = arith.constant 0 : i32
      %dma_start3A_411 = tpu.memref_slice %arg11[%mul3A_9, %dma_start3A_410] : memref<10240x128xf32, #tpu.memory_space<vmem_shared>> -> memref<640x128xf32, #tpu.memory_space<vmem_shared>>
      tpu.enqueue_dma source(%dma_start3A_411 : memref<640x128xf32, #tpu.memory_space<vmem_shared>>) target(%dma_start3A_409 : memref<640x128xf32, #tpu.memory_space<hbm>>) target_semaphore(%run_scoped3A : memref<!tpu.dma_semaphore, #tpu.memory_space<semaphore_mem>>)
      %dma_wait3A_412 = arith.constant 0 : i32
      %dma_wait3A_413 = tpu.memref_slice %arg5[%arg0, %mul3A_9, %dma_wait3A_412] : memref<2x10240x128xf32, #tpu.memory_space<hbm>> -> memref<1x640x128xf32, #tpu.memory_space<hbm>>
      %dma_wait3A_414 = tpu.memref_squeeze %dma_wait3A_413 : memref<1x640x128xf32, #tpu.memory_space<hbm>> -> memref<640x128xf32, #tpu.memory_space<hbm>>
      %dma_wait3A_415 = arith.constant 0 : i32
      %dma_wait3A_416 = tpu.memref_slice %arg11[%mul3A_9, %dma_wait3A_415] : memref<10240x128xf32, #tpu.memory_space<vmem_shared>> -> memref<640x128xf32, #tpu.memory_space<vmem_shared>>
      tpu.wait_dma2 semaphore(%run_scoped3A : memref<!tpu.dma_semaphore, #tpu.memory_space<semaphore_mem>>) src(%dma_wait3A_416 : memref<640x128xf32, #tpu.memory_space<vmem_shared>>) dst(%dma_wait3A_414 : memref<640x128xf32, #tpu.memory_space<hbm>>)
      tpu.yield
    }) : () -> ()
    return
  }
}

#map = affine_map<(d0, d1) -> (0, 0, 0)>
module attributes {stable_mosaic.version = 14 : i64} {
  func.func @_sc_deg_body(%arg0: i32, %arg1: i32, %arg2: memref<32x100x100xi32, #tpu.memory_space<hbm>>, %arg3: memref<2x10240x16xf32, #tpu.memory_space<hbm>>, %arg4: memref<100x100xi32, #tpu.memory_space<vmem>>, %arg5: memref<100x16xf32, #tpu.memory_space<vmem>>, %arg6: memref<80x16xf32, #tpu.memory_space<vmem>>, %arg7: memref<10240x16xf32, #tpu.memory_space<vmem_shared>>, %arg8: memref<!tpu.dma_semaphore, #tpu.memory_space<semaphore_mem>>) attributes {dimension_semantics = [#tpu.dimension_semantics<core_parallel>, #tpu.dimension_semantics<subcore_parallel>], iteration_bounds = array<i64: 2, 16>, scalar_prefetch = 0 : i64, scratch_operands = 5 : i64, tpu.core_type = #tpu.core_type<sc_vector_subcore>, window_params = [{transform_indices = #map}, {transform_indices = #map}]} {
    %mul3A = arith.constant 2 : i32
    %mul3A_0 = arith.muli %arg1, %mul3A : i32
    %add3A = arith.addi %mul3A_0, %arg0 : i32
    %broadcast_in_dim3A = arith.constant 0.000000e+00 : f32
    %broadcast_in_dim3A_1 = vector.broadcast %broadcast_in_dim3A : f32 to vector<16xf32>
    %scan3A = arith.constant 0 : i32
    %scan3A_2 = arith.constant 0 : i32
    %scan3A_3 = arith.constant 80 : i32
    %scan3A_4 = arith.addi %scan3A_2, %scan3A_3 : i32
    %scan3A_5 = arith.constant 1 : i32
    %scan3A_6 = scf.for %scan3A_43 = %scan3A_2 to %scan3A_4 step %scan3A_5 iter_args(%scan3A_44 = %scan3A) -> (i32)  : i32 {
      %swap3A = arith.index_cast %scan3A_43 : i32 to index
      %swap3A_45 = arith.constant 0 : index
      %swap3A_46 = tpu.vector_load %arg6[%swap3A, %swap3A_45] {strides = array<i32>} : memref<80x16xf32, #tpu.memory_space<vmem>>, vector<1x16xf32>,
      %swap3A_47 = vector.shape_cast %swap3A_46 : vector<1x16xf32> to vector<16xf32>
      %swap3A_48 = vector.shape_cast %broadcast_in_dim3A_1 : vector<16xf32> to vector<1x16xf32>
      tpu.vector_store %arg6[%swap3A, %swap3A_45], %swap3A_48 {strides = array<i32>} : memref<80x16xf32, #tpu.memory_space<vmem>>, vector<1x16xf32>,
      %scan3A_49 = arith.constant 0 : i32
      scf.yield %scan3A_49 : i32
    }
    %scan3A_7 = arith.constant 80 : i32
    %mul3A_8 = arith.constant 640 : i32
    %mul3A_9 = arith.muli %arg1, %mul3A_8 : i32
    %add3A_10 = arith.constant 0 : i32
    %add3A_11 = arith.addi %mul3A_9, %add3A_10 : i32
    "tpu.region"() ({
      %run_scoped3A = tpu.sem_alloc : memref<!tpu.dma_semaphore, #tpu.memory_space<semaphore_mem>>
      %dma_start3A = arith.constant 0 : i32
      %dma_start3A_43 = tpu.memref_slice %arg7[%add3A_11, %dma_start3A] : memref<10240x16xf32, #tpu.memory_space<vmem_shared>> -> memref<80x16xf32, #tpu.memory_space<vmem_shared>>
      %dma_start3A_44 = arith.constant 0 : i32
      %dma_start3A_45 = tpu.memref_slice %arg7[%add3A_11, %dma_start3A_44] : memref<10240x16xf32, #tpu.memory_space<vmem_shared>> -> memref<80x16xf32, #tpu.memory_space<vmem_shared>>
      tpu.enqueue_dma source(%arg6 : memref<80x16xf32, #tpu.memory_space<vmem>>) target(%dma_start3A_45 : memref<80x16xf32, #tpu.memory_space<vmem_shared>>) target_semaphore(%run_scoped3A : memref<!tpu.dma_semaphore, #tpu.memory_space<semaphore_mem>>)
      %dma_wait3A = arith.constant 0 : i32
      %dma_wait3A_46 = tpu.memref_slice %arg7[%add3A_11, %dma_wait3A] : memref<10240x16xf32, #tpu.memory_space<vmem_shared>> -> memref<80x16xf32, #tpu.memory_space<vmem_shared>>
      %dma_wait3A_47 = arith.constant 0 : i32
      %dma_wait3A_48 = tpu.memref_slice %arg7[%add3A_11, %dma_wait3A_47] : memref<10240x16xf32, #tpu.memory_space<vmem_shared>> -> memref<80x16xf32, #tpu.memory_space<vmem_shared>>
      tpu.wait_dma2 semaphore(%run_scoped3A : memref<!tpu.dma_semaphore, #tpu.memory_space<semaphore_mem>>) src(%arg6 : memref<80x16xf32, #tpu.memory_space<vmem>>) dst(%dma_wait3A_48 : memref<80x16xf32, #tpu.memory_space<vmem_shared>>)
      tpu.yield
    }) : () -> ()
    %add3A_12 = arith.constant 80 : i32
    %add3A_13 = arith.addi %mul3A_9, %add3A_12 : i32
    "tpu.region"() ({
      %run_scoped3A = tpu.sem_alloc : memref<!tpu.dma_semaphore, #tpu.memory_space<semaphore_mem>>
      %dma_start3A = arith.constant 0 : i32
      %dma_start3A_43 = tpu.memref_slice %arg7[%add3A_13, %dma_start3A] : memref<10240x16xf32, #tpu.memory_space<vmem_shared>> -> memref<80x16xf32, #tpu.memory_space<vmem_shared>>
      %dma_start3A_44 = arith.constant 0 : i32
      %dma_start3A_45 = tpu.memref_slice %arg7[%add3A_13, %dma_start3A_44] : memref<10240x16xf32, #tpu.memory_space<vmem_shared>> -> memref<80x16xf32, #tpu.memory_space<vmem_shared>>
      tpu.enqueue_dma source(%arg6 : memref<80x16xf32, #tpu.memory_space<vmem>>) target(%dma_start3A_45 : memref<80x16xf32, #tpu.memory_space<vmem_shared>>) target_semaphore(%run_scoped3A : memref<!tpu.dma_semaphore, #tpu.memory_space<semaphore_mem>>)
      %dma_wait3A = arith.constant 0 : i32
      %dma_wait3A_46 = tpu.memref_slice %arg7[%add3A_13, %dma_wait3A] : memref<10240x16xf32, #tpu.memory_space<vmem_shared>> -> memref<80x16xf32, #tpu.memory_space<vmem_shared>>
      %dma_wait3A_47 = arith.constant 0 : i32
      %dma_wait3A_48 = tpu.memref_slice %arg7[%add3A_13, %dma_wait3A_47] : memref<10240x16xf32, #tpu.memory_space<vmem_shared>> -> memref<80x16xf32, #tpu.memory_space<vmem_shared>>
      tpu.wait_dma2 semaphore(%run_scoped3A : memref<!tpu.dma_semaphore, #tpu.memory_space<semaphore_mem>>) src(%arg6 : memref<80x16xf32, #tpu.memory_space<vmem>>) dst(%dma_wait3A_48 : memref<80x16xf32, #tpu.memory_space<vmem_shared>>)
      tpu.yield
    }) : () -> ()
    %add3A_14 = arith.constant 160 : i32
    %add3A_15 = arith.addi %mul3A_9, %add3A_14 : i32
    "tpu.region"() ({
      %run_scoped3A = tpu.sem_alloc : memref<!tpu.dma_semaphore, #tpu.memory_space<semaphore_mem>>
      %dma_start3A = arith.constant 0 : i32
      %dma_start3A_43 = tpu.memref_slice %arg7[%add3A_15, %dma_start3A] : memref<10240x16xf32, #tpu.memory_space<vmem_shared>> -> memref<80x16xf32, #tpu.memory_space<vmem_shared>>
      %dma_start3A_44 = arith.constant 0 : i32
      %dma_start3A_45 = tpu.memref_slice %arg7[%add3A_15, %dma_start3A_44] : memref<10240x16xf32, #tpu.memory_space<vmem_shared>> -> memref<80x16xf32, #tpu.memory_space<vmem_shared>>
      tpu.enqueue_dma source(%arg6 : memref<80x16xf32, #tpu.memory_space<vmem>>) target(%dma_start3A_45 : memref<80x16xf32, #tpu.memory_space<vmem_shared>>) target_semaphore(%run_scoped3A : memref<!tpu.dma_semaphore, #tpu.memory_space<semaphore_mem>>)
      %dma_wait3A = arith.constant 0 : i32
      %dma_wait3A_46 = tpu.memref_slice %arg7[%add3A_15, %dma_wait3A] : memref<10240x16xf32, #tpu.memory_space<vmem_shared>> -> memref<80x16xf32, #tpu.memory_space<vmem_shared>>
      %dma_wait3A_47 = arith.constant 0 : i32
      %dma_wait3A_48 = tpu.memref_slice %arg7[%add3A_15, %dma_wait3A_47] : memref<10240x16xf32, #tpu.memory_space<vmem_shared>> -> memref<80x16xf32, #tpu.memory_space<vmem_shared>>
      tpu.wait_dma2 semaphore(%run_scoped3A : memref<!tpu.dma_semaphore, #tpu.memory_space<semaphore_mem>>) src(%arg6 : memref<80x16xf32, #tpu.memory_space<vmem>>) dst(%dma_wait3A_48 : memref<80x16xf32, #tpu.memory_space<vmem_shared>>)
      tpu.yield
    }) : () -> ()
    %add3A_16 = arith.constant 240 : i32
    %add3A_17 = arith.addi %mul3A_9, %add3A_16 : i32
    "tpu.region"() ({
      %run_scoped3A = tpu.sem_alloc : memref<!tpu.dma_semaphore, #tpu.memory_space<semaphore_mem>>
      %dma_start3A = arith.constant 0 : i32
      %dma_start3A_43 = tpu.memref_slice %arg7[%add3A_17, %dma_start3A] : memref<10240x16xf32, #tpu.memory_space<vmem_shared>> -> memref<80x16xf32, #tpu.memory_space<vmem_shared>>
      %dma_start3A_44 = arith.constant 0 : i32
      %dma_start3A_45 = tpu.memref_slice %arg7[%add3A_17, %dma_start3A_44] : memref<10240x16xf32, #tpu.memory_space<vmem_shared>> -> memref<80x16xf32, #tpu.memory_space<vmem_shared>>
      tpu.enqueue_dma source(%arg6 : memref<80x16xf32, #tpu.memory_space<vmem>>) target(%dma_start3A_45 : memref<80x16xf32, #tpu.memory_space<vmem_shared>>) target_semaphore(%run_scoped3A : memref<!tpu.dma_semaphore, #tpu.memory_space<semaphore_mem>>)
      %dma_wait3A = arith.constant 0 : i32
      %dma_wait3A_46 = tpu.memref_slice %arg7[%add3A_17, %dma_wait3A] : memref<10240x16xf32, #tpu.memory_space<vmem_shared>> -> memref<80x16xf32, #tpu.memory_space<vmem_shared>>
      %dma_wait3A_47 = arith.constant 0 : i32
      %dma_wait3A_48 = tpu.memref_slice %arg7[%add3A_17, %dma_wait3A_47] : memref<10240x16xf32, #tpu.memory_space<vmem_shared>> -> memref<80x16xf32, #tpu.memory_space<vmem_shared>>
      tpu.wait_dma2 semaphore(%run_scoped3A : memref<!tpu.dma_semaphore, #tpu.memory_space<semaphore_mem>>) src(%arg6 : memref<80x16xf32, #tpu.memory_space<vmem>>) dst(%dma_wait3A_48 : memref<80x16xf32, #tpu.memory_space<vmem_shared>>)
      tpu.yield
    }) : () -> ()
    %add3A_18 = arith.constant 320 : i32
    %add3A_19 = arith.addi %mul3A_9, %add3A_18 : i32
    "tpu.region"() ({
      %run_scoped3A = tpu.sem_alloc : memref<!tpu.dma_semaphore, #tpu.memory_space<semaphore_mem>>
      %dma_start3A = arith.constant 0 : i32
      %dma_start3A_43 = tpu.memref_slice %arg7[%add3A_19, %dma_start3A] : memref<10240x16xf32, #tpu.memory_space<vmem_shared>> -> memref<80x16xf32, #tpu.memory_space<vmem_shared>>
      %dma_start3A_44 = arith.constant 0 : i32
      %dma_start3A_45 = tpu.memref_slice %arg7[%add3A_19, %dma_start3A_44] : memref<10240x16xf32, #tpu.memory_space<vmem_shared>> -> memref<80x16xf32, #tpu.memory_space<vmem_shared>>
      tpu.enqueue_dma source(%arg6 : memref<80x16xf32, #tpu.memory_space<vmem>>) target(%dma_start3A_45 : memref<80x16xf32, #tpu.memory_space<vmem_shared>>) target_semaphore(%run_scoped3A : memref<!tpu.dma_semaphore, #tpu.memory_space<semaphore_mem>>)
      %dma_wait3A = arith.constant 0 : i32
      %dma_wait3A_46 = tpu.memref_slice %arg7[%add3A_19, %dma_wait3A] : memref<10240x16xf32, #tpu.memory_space<vmem_shared>> -> memref<80x16xf32, #tpu.memory_space<vmem_shared>>
      %dma_wait3A_47 = arith.constant 0 : i32
      %dma_wait3A_48 = tpu.memref_slice %arg7[%add3A_19, %dma_wait3A_47] : memref<10240x16xf32, #tpu.memory_space<vmem_shared>> -> memref<80x16xf32, #tpu.memory_space<vmem_shared>>
      tpu.wait_dma2 semaphore(%run_scoped3A : memref<!tpu.dma_semaphore, #tpu.memory_space<semaphore_mem>>) src(%arg6 : memref<80x16xf32, #tpu.memory_space<vmem>>) dst(%dma_wait3A_48 : memref<80x16xf32, #tpu.memory_space<vmem_shared>>)
      tpu.yield
    }) : () -> ()
    %add3A_20 = arith.constant 400 : i32
    %add3A_21 = arith.addi %mul3A_9, %add3A_20 : i32
    "tpu.region"() ({
      %run_scoped3A = tpu.sem_alloc : memref<!tpu.dma_semaphore, #tpu.memory_space<semaphore_mem>>
      %dma_start3A = arith.constant 0 : i32
      %dma_start3A_43 = tpu.memref_slice %arg7[%add3A_21, %dma_start3A] : memref<10240x16xf32, #tpu.memory_space<vmem_shared>> -> memref<80x16xf32, #tpu.memory_space<vmem_shared>>
      %dma_start3A_44 = arith.constant 0 : i32
      %dma_start3A_45 = tpu.memref_slice %arg7[%add3A_21, %dma_start3A_44] : memref<10240x16xf32, #tpu.memory_space<vmem_shared>> -> memref<80x16xf32, #tpu.memory_space<vmem_shared>>
      tpu.enqueue_dma source(%arg6 : memref<80x16xf32, #tpu.memory_space<vmem>>) target(%dma_start3A_45 : memref<80x16xf32, #tpu.memory_space<vmem_shared>>) target_semaphore(%run_scoped3A : memref<!tpu.dma_semaphore, #tpu.memory_space<semaphore_mem>>)
      %dma_wait3A = arith.constant 0 : i32
      %dma_wait3A_46 = tpu.memref_slice %arg7[%add3A_21, %dma_wait3A] : memref<10240x16xf32, #tpu.memory_space<vmem_shared>> -> memref<80x16xf32, #tpu.memory_space<vmem_shared>>
      %dma_wait3A_47 = arith.constant 0 : i32
      %dma_wait3A_48 = tpu.memref_slice %arg7[%add3A_21, %dma_wait3A_47] : memref<10240x16xf32, #tpu.memory_space<vmem_shared>> -> memref<80x16xf32, #tpu.memory_space<vmem_shared>>
      tpu.wait_dma2 semaphore(%run_scoped3A : memref<!tpu.dma_semaphore, #tpu.memory_space<semaphore_mem>>) src(%arg6 : memref<80x16xf32, #tpu.memory_space<vmem>>) dst(%dma_wait3A_48 : memref<80x16xf32, #tpu.memory_space<vmem_shared>>)
      tpu.yield
    }) : () -> ()
    %add3A_22 = arith.constant 480 : i32
    %add3A_23 = arith.addi %mul3A_9, %add3A_22 : i32
    "tpu.region"() ({
      %run_scoped3A = tpu.sem_alloc : memref<!tpu.dma_semaphore, #tpu.memory_space<semaphore_mem>>
      %dma_start3A = arith.constant 0 : i32
      %dma_start3A_43 = tpu.memref_slice %arg7[%add3A_23, %dma_start3A] : memref<10240x16xf32, #tpu.memory_space<vmem_shared>> -> memref<80x16xf32, #tpu.memory_space<vmem_shared>>
      %dma_start3A_44 = arith.constant 0 : i32
      %dma_start3A_45 = tpu.memref_slice %arg7[%add3A_23, %dma_start3A_44] : memref<10240x16xf32, #tpu.memory_space<vmem_shared>> -> memref<80x16xf32, #tpu.memory_space<vmem_shared>>
      tpu.enqueue_dma source(%arg6 : memref<80x16xf32, #tpu.memory_space<vmem>>) target(%dma_start3A_45 : memref<80x16xf32, #tpu.memory_space<vmem_shared>>) target_semaphore(%run_scoped3A : memref<!tpu.dma_semaphore, #tpu.memory_space<semaphore_mem>>)
      %dma_wait3A = arith.constant 0 : i32
      %dma_wait3A_46 = tpu.memref_slice %arg7[%add3A_23, %dma_wait3A] : memref<10240x16xf32, #tpu.memory_space<vmem_shared>> -> memref<80x16xf32, #tpu.memory_space<vmem_shared>>
      %dma_wait3A_47 = arith.constant 0 : i32
      %dma_wait3A_48 = tpu.memref_slice %arg7[%add3A_23, %dma_wait3A_47] : memref<10240x16xf32, #tpu.memory_space<vmem_shared>> -> memref<80x16xf32, #tpu.memory_space<vmem_shared>>
      tpu.wait_dma2 semaphore(%run_scoped3A : memref<!tpu.dma_semaphore, #tpu.memory_space<semaphore_mem>>) src(%arg6 : memref<80x16xf32, #tpu.memory_space<vmem>>) dst(%dma_wait3A_48 : memref<80x16xf32, #tpu.memory_space<vmem_shared>>)
      tpu.yield
    }) : () -> ()
    %add3A_24 = arith.constant 560 : i32
    %add3A_25 = arith.addi %mul3A_9, %add3A_24 : i32
    "tpu.region"() ({
      %run_scoped3A = tpu.sem_alloc : memref<!tpu.dma_semaphore, #tpu.memory_space<semaphore_mem>>
      %dma_start3A = arith.constant 0 : i32
      %dma_start3A_43 = tpu.memref_slice %arg7[%add3A_25, %dma_start3A] : memref<10240x16xf32, #tpu.memory_space<vmem_shared>> -> memref<80x16xf32, #tpu.memory_space<vmem_shared>>
      %dma_start3A_44 = arith.constant 0 : i32
      %dma_start3A_45 = tpu.memref_slice %arg7[%add3A_25, %dma_start3A_44] : memref<10240x16xf32, #tpu.memory_space<vmem_shared>> -> memref<80x16xf32, #tpu.memory_space<vmem_shared>>
      tpu.enqueue_dma source(%arg6 : memref<80x16xf32, #tpu.memory_space<vmem>>) target(%dma_start3A_45 : memref<80x16xf32, #tpu.memory_space<vmem_shared>>) target_semaphore(%run_scoped3A : memref<!tpu.dma_semaphore, #tpu.memory_space<semaphore_mem>>)
      %dma_wait3A = arith.constant 0 : i32
      %dma_wait3A_46 = tpu.memref_slice %arg7[%add3A_25, %dma_wait3A] : memref<10240x16xf32, #tpu.memory_space<vmem_shared>> -> memref<80x16xf32, #tpu.memory_space<vmem_shared>>
      %dma_wait3A_47 = arith.constant 0 : i32
      %dma_wait3A_48 = tpu.memref_slice %arg7[%add3A_25, %dma_wait3A_47] : memref<10240x16xf32, #tpu.memory_space<vmem_shared>> -> memref<80x16xf32, #tpu.memory_space<vmem_shared>>
      tpu.wait_dma2 semaphore(%run_scoped3A : memref<!tpu.dma_semaphore, #tpu.memory_space<semaphore_mem>>) src(%arg6 : memref<80x16xf32, #tpu.memory_space<vmem>>) dst(%dma_wait3A_48 : memref<80x16xf32, #tpu.memory_space<vmem_shared>>)
      tpu.yield
    }) : () -> ()
    %broadcast_in_dim3A_26 = arith.constant 1.000000e+00 : f32
    %broadcast_in_dim3A_27 = vector.broadcast %broadcast_in_dim3A_26 : f32 to vector<16xf32>
    %scan3A_28 = arith.constant 0 : i32
    %scan3A_29 = arith.constant 0 : i32
    %scan3A_30 = arith.constant 100 : i32
    %scan3A_31 = arith.addi %scan3A_29, %scan3A_30 : i32
    %scan3A_32 = arith.constant 1 : i32
    %scan3A_33 = scf.for %scan3A_43 = %scan3A_29 to %scan3A_31 step %scan3A_32 iter_args(%scan3A_44 = %scan3A_28) -> (i32)  : i32 {
      %swap3A = arith.index_cast %scan3A_43 : i32 to index
      %swap3A_45 = arith.constant 0 : index
      %swap3A_46 = tpu.vector_load %arg5[%swap3A, %swap3A_45] {strides = array<i32>} : memref<100x16xf32, #tpu.memory_space<vmem>>, vector<1x16xf32>,
      %swap3A_47 = vector.shape_cast %swap3A_46 : vector<1x16xf32> to vector<16xf32>
      %swap3A_48 = vector.shape_cast %broadcast_in_dim3A_27 : vector<16xf32> to vector<1x16xf32>
      tpu.vector_store %arg5[%swap3A, %swap3A_45], %swap3A_48 {strides = array<i32>} : memref<100x16xf32, #tpu.memory_space<vmem>>, vector<1x16xf32>,
      %scan3A_49 = arith.constant 0 : i32
      scf.yield %scan3A_49 : i32
    }
    %scan3A_34 = arith.constant 100 : i32
    %barrier3A = arith.constant 0 : index
    tpu.barrier barrier_id(%barrier3A)
    "tpu.region"() ({
      %run_scoped3A = tpu.sem_alloc : memref<!tpu.dma_semaphore, #tpu.memory_space<semaphore_mem>>
      %dma_start3A = arith.constant 0 : i32
      %dma_start3A_43 = arith.constant 0 : i32
      %dma_start3A_44 = tpu.memref_slice %arg2[%add3A, %dma_start3A, %dma_start3A_43] : memref<32x100x100xi32, #tpu.memory_space<hbm>> -> memref<1x100x100xi32, #tpu.memory_space<hbm>>
      %dma_start3A_45 = tpu.memref_squeeze %dma_start3A_44 : memref<1x100x100xi32, #tpu.memory_space<hbm>> -> memref<100x100xi32, #tpu.memory_space<hbm>>
      %dma_start3A_46 = arith.constant 0 : i32
      %dma_start3A_47 = arith.constant 0 : i32
      %dma_start3A_48 = tpu.memref_slice %arg2[%add3A, %dma_start3A_46, %dma_start3A_47] : memref<32x100x100xi32, #tpu.memory_space<hbm>> -> memref<1x100x100xi32, #tpu.memory_space<hbm>>
      %dma_start3A_49 = tpu.memref_squeeze %dma_start3A_48 : memref<1x100x100xi32, #tpu.memory_space<hbm>> -> memref<100x100xi32, #tpu.memory_space<hbm>>
      tpu.enqueue_dma source(%dma_start3A_49 : memref<100x100xi32, #tpu.memory_space<hbm>>) target(%arg4 : memref<100x100xi32, #tpu.memory_space<vmem>>) target_semaphore(%run_scoped3A : memref<!tpu.dma_semaphore, #tpu.memory_space<semaphore_mem>>)
      %dma_wait3A = arith.constant 0 : i32
      %dma_wait3A_50 = arith.constant 0 : i32
      %dma_wait3A_51 = tpu.memref_slice %arg2[%add3A, %dma_wait3A, %dma_wait3A_50] : memref<32x100x100xi32, #tpu.memory_space<hbm>> -> memref<1x100x100xi32, #tpu.memory_space<hbm>>
      %dma_wait3A_52 = tpu.memref_squeeze %dma_wait3A_51 : memref<1x100x100xi32, #tpu.memory_space<hbm>> -> memref<100x100xi32, #tpu.memory_space<hbm>>
      %dma_wait3A_53 = arith.constant 0 : i32
      %dma_wait3A_54 = arith.constant 0 : i32
      %dma_wait3A_55 = tpu.memref_slice %arg2[%add3A, %dma_wait3A_53, %dma_wait3A_54] : memref<32x100x100xi32, #tpu.memory_space<hbm>> -> memref<1x100x100xi32, #tpu.memory_space<hbm>>
      %dma_wait3A_56 = tpu.memref_squeeze %dma_wait3A_55 : memref<1x100x100xi32, #tpu.memory_space<hbm>> -> memref<100x100xi32, #tpu.memory_space<hbm>>
      tpu.wait_dma2 semaphore(%run_scoped3A : memref<!tpu.dma_semaphore, #tpu.memory_space<semaphore_mem>>) src(%dma_wait3A_56 : memref<100x100xi32, #tpu.memory_space<hbm>>) dst(%arg4 : memref<100x100xi32, #tpu.memory_space<vmem>>)
      tpu.yield
    }) : () -> ()
    %scan3A_35 = arith.constant 0 : i32
    %scan3A_36 = arith.constant 0 : i32
    %scan3A_37 = arith.constant 20 : i32
    %scan3A_38 = arith.addi %scan3A_36, %scan3A_37 : i32
    %scan3A_39 = arith.constant 1 : i32
    %scan3A_40 = scf.for %scan3A_43 = %scan3A_36 to %scan3A_38 step %scan3A_39 iter_args(%scan3A_44 = %scan3A_35) -> (i32)  : i32 {
      %mul3A_45 = arith.constant 5 : i32
      %mul3A_46 = arith.muli %scan3A_43, %mul3A_45 : i32
      %add3A_47 = arith.constant 0 : i32
      %add3A_48 = arith.addi %mul3A_46, %add3A_47 : i32
      %dma_start3A = arith.constant 0 : i32
      %dma_start3A_49 = tpu.memref_slice %arg4[%add3A_48, %dma_start3A] : memref<100x100xi32, #tpu.memory_space<vmem>> -> memref<1x100xi32, #tpu.memory_space<vmem>>
      %dma_start3A_50 = tpu.memref_squeeze %dma_start3A_49 : memref<1x100xi32, #tpu.memory_space<vmem>> -> memref<100xi32, #tpu.memory_space<vmem>>
      %dma_start3A_51 = arith.constant 0 : i32
      %dma_start3A_52 = arith.constant 0 : i32
      %dma_start3A_53 = tpu.memref_slice %arg7[%dma_start3A_51, %dma_start3A_52] : memref<10240x16xf32, #tpu.memory_space<vmem_shared>> -> memref<10240x16xf32, #tpu.memory_space<vmem_shared>>
      tpu.enqueue_indirect_dma source(%arg5 : memref<100x16xf32, #tpu.memory_space<vmem>>) target(%dma_start3A_53 : memref<10240x16xf32, #tpu.memory_space<vmem_shared>>) offsets(%dma_start3A_50 : memref<100xi32, #tpu.memory_space<vmem>>) semaphore(%arg8 : memref<!tpu.dma_semaphore, #tpu.memory_space<semaphore_mem>>) {add = true}
      %mul3A_54 = arith.constant 5 : i32
      %mul3A_55 = arith.muli %scan3A_43, %mul3A_54 : i32
      %add3A_56 = arith.constant 1 : i32
      %add3A_57 = arith.addi %mul3A_55, %add3A_56 : i32
      %dma_start3A_58 = arith.constant 0 : i32
      %dma_start3A_59 = tpu.memref_slice %arg4[%add3A_57, %dma_start3A_58] : memref<100x100xi32, #tpu.memory_space<vmem>> -> memref<1x100xi32, #tpu.memory_space<vmem>>
      %dma_start3A_60 = tpu.memref_squeeze %dma_start3A_59 : memref<1x100xi32, #tpu.memory_space<vmem>> -> memref<100xi32, #tpu.memory_space<vmem>>
      %dma_start3A_61 = arith.constant 0 : i32
      %dma_start3A_62 = arith.constant 0 : i32
      %dma_start3A_63 = tpu.memref_slice %arg7[%dma_start3A_61, %dma_start3A_62] : memref<10240x16xf32, #tpu.memory_space<vmem_shared>> -> memref<10240x16xf32, #tpu.memory_space<vmem_shared>>
      tpu.enqueue_indirect_dma source(%arg5 : memref<100x16xf32, #tpu.memory_space<vmem>>) target(%dma_start3A_63 : memref<10240x16xf32, #tpu.memory_space<vmem_shared>>) offsets(%dma_start3A_60 : memref<100xi32, #tpu.memory_space<vmem>>) semaphore(%arg8 : memref<!tpu.dma_semaphore, #tpu.memory_space<semaphore_mem>>) {add = true}
      %mul3A_64 = arith.constant 5 : i32
      %mul3A_65 = arith.muli %scan3A_43, %mul3A_64 : i32
      %add3A_66 = arith.constant 2 : i32
      %add3A_67 = arith.addi %mul3A_65, %add3A_66 : i32
      %dma_start3A_68 = arith.constant 0 : i32
      %dma_start3A_69 = tpu.memref_slice %arg4[%add3A_67, %dma_start3A_68] : memref<100x100xi32, #tpu.memory_space<vmem>> -> memref<1x100xi32, #tpu.memory_space<vmem>>
      %dma_start3A_70 = tpu.memref_squeeze %dma_start3A_69 : memref<1x100xi32, #tpu.memory_space<vmem>> -> memref<100xi32, #tpu.memory_space<vmem>>
      %dma_start3A_71 = arith.constant 0 : i32
      %dma_start3A_72 = arith.constant 0 : i32
      %dma_start3A_73 = tpu.memref_slice %arg7[%dma_start3A_71, %dma_start3A_72] : memref<10240x16xf32, #tpu.memory_space<vmem_shared>> -> memref<10240x16xf32, #tpu.memory_space<vmem_shared>>
      tpu.enqueue_indirect_dma source(%arg5 : memref<100x16xf32, #tpu.memory_space<vmem>>) target(%dma_start3A_73 : memref<10240x16xf32, #tpu.memory_space<vmem_shared>>) offsets(%dma_start3A_70 : memref<100xi32, #tpu.memory_space<vmem>>) semaphore(%arg8 : memref<!tpu.dma_semaphore, #tpu.memory_space<semaphore_mem>>) {add = true}
      %mul3A_74 = arith.constant 5 : i32
      %mul3A_75 = arith.muli %scan3A_43, %mul3A_74 : i32
      %add3A_76 = arith.constant 3 : i32
      %add3A_77 = arith.addi %mul3A_75, %add3A_76 : i32
      %dma_start3A_78 = arith.constant 0 : i32
      %dma_start3A_79 = tpu.memref_slice %arg4[%add3A_77, %dma_start3A_78] : memref<100x100xi32, #tpu.memory_space<vmem>> -> memref<1x100xi32, #tpu.memory_space<vmem>>
      %dma_start3A_80 = tpu.memref_squeeze %dma_start3A_79 : memref<1x100xi32, #tpu.memory_space<vmem>> -> memref<100xi32, #tpu.memory_space<vmem>>
      %dma_start3A_81 = arith.constant 0 : i32
      %dma_start3A_82 = arith.constant 0 : i32
      %dma_start3A_83 = tpu.memref_slice %arg7[%dma_start3A_81, %dma_start3A_82] : memref<10240x16xf32, #tpu.memory_space<vmem_shared>> -> memref<10240x16xf32, #tpu.memory_space<vmem_shared>>
      tpu.enqueue_indirect_dma source(%arg5 : memref<100x16xf32, #tpu.memory_space<vmem>>) target(%dma_start3A_83 : memref<10240x16xf32, #tpu.memory_space<vmem_shared>>) offsets(%dma_start3A_80 : memref<100xi32, #tpu.memory_space<vmem>>) semaphore(%arg8 : memref<!tpu.dma_semaphore, #tpu.memory_space<semaphore_mem>>) {add = true}
      %mul3A_84 = arith.constant 5 : i32
      %mul3A_85 = arith.muli %scan3A_43, %mul3A_84 : i32
      %add3A_86 = arith.constant 4 : i32
      %add3A_87 = arith.addi %mul3A_85, %add3A_86 : i32
      %dma_start3A_88 = arith.constant 0 : i32
      %dma_start3A_89 = tpu.memref_slice %arg4[%add3A_87, %dma_start3A_88] : memref<100x100xi32, #tpu.memory_space<vmem>> -> memref<1x100xi32, #tpu.memory_space<vmem>>
      %dma_start3A_90 = tpu.memref_squeeze %dma_start3A_89 : memref<1x100xi32, #tpu.memory_space<vmem>> -> memref<100xi32, #tpu.memory_space<vmem>>
      %dma_start3A_91 = arith.constant 0 : i32
      %dma_start3A_92 = arith.constant 0 : i32
      %dma_start3A_93 = tpu.memref_slice %arg7[%dma_start3A_91, %dma_start3A_92] : memref<10240x16xf32, #tpu.memory_space<vmem_shared>> -> memref<10240x16xf32, #tpu.memory_space<vmem_shared>>
      tpu.enqueue_indirect_dma source(%arg5 : memref<100x16xf32, #tpu.memory_space<vmem>>) target(%dma_start3A_93 : memref<10240x16xf32, #tpu.memory_space<vmem_shared>>) offsets(%dma_start3A_90 : memref<100xi32, #tpu.memory_space<vmem>>) semaphore(%arg8 : memref<!tpu.dma_semaphore, #tpu.memory_space<semaphore_mem>>) {add = true}
      %mul3A_94 = arith.constant 5 : i32
      %mul3A_95 = arith.muli %scan3A_43, %mul3A_94 : i32
      %add3A_96 = arith.constant 0 : i32
      %add3A_97 = arith.addi %mul3A_95, %add3A_96 : i32
      %dma_wait3A = arith.constant 0 : i32
      %dma_wait3A_98 = tpu.memref_slice %arg4[%add3A_97, %dma_wait3A] : memref<100x100xi32, #tpu.memory_space<vmem>> -> memref<1x100xi32, #tpu.memory_space<vmem>>
      %dma_wait3A_99 = tpu.memref_squeeze %dma_wait3A_98 : memref<1x100xi32, #tpu.memory_space<vmem>> -> memref<100xi32, #tpu.memory_space<vmem>>
      %dma_wait3A_100 = arith.constant 0 : i32
      %dma_wait3A_101 = arith.constant 0 : i32
      %dma_wait3A_102 = tpu.memref_slice %arg7[%dma_wait3A_100, %dma_wait3A_101] : memref<10240x16xf32, #tpu.memory_space<vmem_shared>> -> memref<10240x16xf32, #tpu.memory_space<vmem_shared>>
      tpu.wait_indirect_dma semaphore(%arg8 : memref<!tpu.dma_semaphore, #tpu.memory_space<semaphore_mem>>) src(%arg5 : memref<100x16xf32, #tpu.memory_space<vmem>>) dst(%dma_wait3A_102 : memref<10240x16xf32, #tpu.memory_space<vmem_shared>>)
      %mul3A_103 = arith.constant 5 : i32
      %mul3A_104 = arith.muli %scan3A_43, %mul3A_103 : i32
      %add3A_105 = arith.constant 1 : i32
      %add3A_106 = arith.addi %mul3A_104, %add3A_105 : i32
      %dma_wait3A_107 = arith.constant 0 : i32
      %dma_wait3A_108 = tpu.memref_slice %arg4[%add3A_106, %dma_wait3A_107] : memref<100x100xi32, #tpu.memory_space<vmem>> -> memref<1x100xi32, #tpu.memory_space<vmem>>
      %dma_wait3A_109 = tpu.memref_squeeze %dma_wait3A_108 : memref<1x100xi32, #tpu.memory_space<vmem>> -> memref<100xi32, #tpu.memory_space<vmem>>
      %dma_wait3A_110 = arith.constant 0 : i32
      %dma_wait3A_111 = arith.constant 0 : i32
      %dma_wait3A_112 = tpu.memref_slice %arg7[%dma_wait3A_110, %dma_wait3A_111] : memref<10240x16xf32, #tpu.memory_space<vmem_shared>> -> memref<10240x16xf32, #tpu.memory_space<vmem_shared>>
      tpu.wait_indirect_dma semaphore(%arg8 : memref<!tpu.dma_semaphore, #tpu.memory_space<semaphore_mem>>) src(%arg5 : memref<100x16xf32, #tpu.memory_space<vmem>>) dst(%dma_wait3A_112 : memref<10240x16xf32, #tpu.memory_space<vmem_shared>>)
      %mul3A_113 = arith.constant 5 : i32
      %mul3A_114 = arith.muli %scan3A_43, %mul3A_113 : i32
      %add3A_115 = arith.constant 2 : i32
      %add3A_116 = arith.addi %mul3A_114, %add3A_115 : i32
      %dma_wait3A_117 = arith.constant 0 : i32
      %dma_wait3A_118 = tpu.memref_slice %arg4[%add3A_116, %dma_wait3A_117] : memref<100x100xi32, #tpu.memory_space<vmem>> -> memref<1x100xi32, #tpu.memory_space<vmem>>
      %dma_wait3A_119 = tpu.memref_squeeze %dma_wait3A_118 : memref<1x100xi32, #tpu.memory_space<vmem>> -> memref<100xi32, #tpu.memory_space<vmem>>
      %dma_wait3A_120 = arith.constant 0 : i32
      %dma_wait3A_121 = arith.constant 0 : i32
      %dma_wait3A_122 = tpu.memref_slice %arg7[%dma_wait3A_120, %dma_wait3A_121] : memref<10240x16xf32, #tpu.memory_space<vmem_shared>> -> memref<10240x16xf32, #tpu.memory_space<vmem_shared>>
      tpu.wait_indirect_dma semaphore(%arg8 : memref<!tpu.dma_semaphore, #tpu.memory_space<semaphore_mem>>) src(%arg5 : memref<100x16xf32, #tpu.memory_space<vmem>>) dst(%dma_wait3A_122 : memref<10240x16xf32, #tpu.memory_space<vmem_shared>>)
      %mul3A_123 = arith.constant 5 : i32
      %mul3A_124 = arith.muli %scan3A_43, %mul3A_123 : i32
      %add3A_125 = arith.constant 3 : i32
      %add3A_126 = arith.addi %mul3A_124, %add3A_125 : i32
      %dma_wait3A_127 = arith.constant 0 : i32
      %dma_wait3A_128 = tpu.memref_slice %arg4[%add3A_126, %dma_wait3A_127] : memref<100x100xi32, #tpu.memory_space<vmem>> -> memref<1x100xi32, #tpu.memory_space<vmem>>
      %dma_wait3A_129 = tpu.memref_squeeze %dma_wait3A_128 : memref<1x100xi32, #tpu.memory_space<vmem>> -> memref<100xi32, #tpu.memory_space<vmem>>
      %dma_wait3A_130 = arith.constant 0 : i32
      %dma_wait3A_131 = arith.constant 0 : i32
      %dma_wait3A_132 = tpu.memref_slice %arg7[%dma_wait3A_130, %dma_wait3A_131] : memref<10240x16xf32, #tpu.memory_space<vmem_shared>> -> memref<10240x16xf32, #tpu.memory_space<vmem_shared>>
      tpu.wait_indirect_dma semaphore(%arg8 : memref<!tpu.dma_semaphore, #tpu.memory_space<semaphore_mem>>) src(%arg5 : memref<100x16xf32, #tpu.memory_space<vmem>>) dst(%dma_wait3A_132 : memref<10240x16xf32, #tpu.memory_space<vmem_shared>>)
      %mul3A_133 = arith.constant 5 : i32
      %mul3A_134 = arith.muli %scan3A_43, %mul3A_133 : i32
      %add3A_135 = arith.constant 4 : i32
      %add3A_136 = arith.addi %mul3A_134, %add3A_135 : i32
      %dma_wait3A_137 = arith.constant 0 : i32
      %dma_wait3A_138 = tpu.memref_slice %arg4[%add3A_136, %dma_wait3A_137] : memref<100x100xi32, #tpu.memory_space<vmem>> -> memref<1x100xi32, #tpu.memory_space<vmem>>
      %dma_wait3A_139 = tpu.memref_squeeze %dma_wait3A_138 : memref<1x100xi32, #tpu.memory_space<vmem>> -> memref<100xi32, #tpu.memory_space<vmem>>
      %dma_wait3A_140 = arith.constant 0 : i32
      %dma_wait3A_141 = arith.constant 0 : i32
      %dma_wait3A_142 = tpu.memref_slice %arg7[%dma_wait3A_140, %dma_wait3A_141] : memref<10240x16xf32, #tpu.memory_space<vmem_shared>> -> memref<10240x16xf32, #tpu.memory_space<vmem_shared>>
      tpu.wait_indirect_dma semaphore(%arg8 : memref<!tpu.dma_semaphore, #tpu.memory_space<semaphore_mem>>) src(%arg5 : memref<100x16xf32, #tpu.memory_space<vmem>>) dst(%dma_wait3A_142 : memref<10240x16xf32, #tpu.memory_space<vmem_shared>>)
      %scan3A_143 = arith.constant 0 : i32
      scf.yield %scan3A_143 : i32
    }
    %scan3A_41 = arith.constant 20 : i32
    %barrier3A_42 = arith.constant 0 : index
    tpu.barrier barrier_id(%barrier3A_42)
    "tpu.region"() ({
      %run_scoped3A = tpu.sem_alloc : memref<!tpu.dma_semaphore, #tpu.memory_space<semaphore_mem>>
      %dma_start3A = arith.constant 0 : i32
      %dma_start3A_43 = tpu.memref_slice %arg3[%arg0, %mul3A_9, %dma_start3A] : memref<2x10240x16xf32, #tpu.memory_space<hbm>> -> memref<1x640x16xf32, #tpu.memory_space<hbm>>
      %dma_start3A_44 = tpu.memref_squeeze %dma_start3A_43 : memref<1x640x16xf32, #tpu.memory_space<hbm>> -> memref<640x16xf32, #tpu.memory_space<hbm>>
      %dma_start3A_45 = arith.constant 0 : i32
      %dma_start3A_46 = tpu.memref_slice %arg7[%mul3A_9, %dma_start3A_45] : memref<10240x16xf32, #tpu.memory_space<vmem_shared>> -> memref<640x16xf32, #tpu.memory_space<vmem_shared>>
      tpu.enqueue_dma source(%dma_start3A_46 : memref<640x16xf32, #tpu.memory_space<vmem_shared>>) target(%dma_start3A_44 : memref<640x16xf32, #tpu.memory_space<hbm>>) target_semaphore(%run_scoped3A : memref<!tpu.dma_semaphore, #tpu.memory_space<semaphore_mem>>)
      %dma_wait3A = arith.constant 0 : i32
      %dma_wait3A_47 = tpu.memref_slice %arg3[%arg0, %mul3A_9, %dma_wait3A] : memref<2x10240x16xf32, #tpu.memory_space<hbm>> -> memref<1x640x16xf32, #tpu.memory_space<hbm>>
      %dma_wait3A_48 = tpu.memref_squeeze %dma_wait3A_47 : memref<1x640x16xf32, #tpu.memory_space<hbm>> -> memref<640x16xf32, #tpu.memory_space<hbm>>
      %dma_wait3A_49 = arith.constant 0 : i32
      %dma_wait3A_50 = tpu.memref_slice %arg7[%mul3A_9, %dma_wait3A_49] : memref<10240x16xf32, #tpu.memory_space<vmem_shared>> -> memref<640x16xf32, #tpu.memory_space<vmem_shared>>
      tpu.wait_dma2 semaphore(%run_scoped3A : memref<!tpu.dma_semaphore, #tpu.memory_space<semaphore_mem>>) src(%dma_wait3A_50 : memref<640x16xf32, #tpu.memory_space<vmem_shared>>) dst(%dma_wait3A_48 : memref<640x16xf32, #tpu.memory_space<hbm>>)
      tpu.yield
    }) : () -> ()
    return
  }
}

module attributes {stable_mosaic.version = 14 : i64} {
  func.func @_dense_body(%arg0: i32, %arg1: memref<2x2000x128xf32, #tpu.memory_space<vmem>>, %arg2: memref<2x2000x16xf32, #tpu.memory_space<vmem>>, %arg3: memref<2000x128xf32, #tpu.memory_space<vmem>>, %arg4: memref<128x128xf32, #tpu.memory_space<vmem>>, %arg5: memref<128x128xf32, #tpu.memory_space<vmem>>, %arg6: memref<1x128xf32, #tpu.memory_space<vmem>>, %arg7: memref<2000x128xf32, #tpu.memory_space<vmem>>) attributes {dimension_semantics = [#tpu.dimension_semantics<arbitrary>], iteration_bounds = array<i64: 5>, scalar_prefetch = 0 : i64, scratch_operands = 0 : i64, tpu.core_type = #tpu.core_type<tc>, window_params = [{transform_indices = @transform_0, window_bounds = array<i64: 2, 2000, 128>}, {transform_indices = @transform_1, window_bounds = array<i64: 2, 2000, 16>}, {transform_indices = @transform_2, window_bounds = array<i64: 2000, 128>}, {pipeline_mode = #tpu.pipeline_mode<synchronous>, transform_indices = @transform_3, window_bounds = array<i64: 128, 128>}, {pipeline_mode = #tpu.pipeline_mode<synchronous>, transform_indices = @transform_4, window_bounds = array<i64: 128, 128>}, {pipeline_mode = #tpu.pipeline_mode<synchronous>, transform_indices = @transform_5, window_bounds = array<i64: 1, 128>}, {transform_indices = @transform_6, window_bounds = array<i64: 2000, 128>}]} {
    %get3A = arith.constant 0 : index
    %get3A_0 = arith.constant 0 : index
    %get3A_1 = arith.constant 0 : index
    %get3A_2 = vector.load %arg2[%get3A, %get3A_0, %get3A_1] : memref<2x2000x16xf32, #tpu.memory_space<vmem>>, vector<1x2000x1xf32>
    %get3A_3 = vector.shape_cast %get3A_2 : vector<1x2000x1xf32> to vector<2000xf32>
    %get3A_4 = arith.constant 1 : index
    %get3A_5 = arith.constant 0 : index
    %get3A_6 = arith.constant 0 : index
    %get3A_7 = vector.load %arg2[%get3A_4, %get3A_5, %get3A_6] : memref<2x2000x16xf32, #tpu.memory_space<vmem>>, vector<1x2000x1xf32>
    %get3A_8 = vector.shape_cast %get3A_7 : vector<1x2000x1xf32> to vector<2000xf32>
    %add3A = arith.addf %get3A_3, %get3A_8 : vector<2000xf32>
    %get3A_9 = arith.constant 0 : index
    %get3A_10 = arith.constant 0 : index
    %get3A_11 = arith.constant 0 : index
    %get3A_12 = vector.load %arg1[%get3A_9, %get3A_10, %get3A_11] : memref<2x2000x128xf32, #tpu.memory_space<vmem>>, vector<1x2000x128xf32>
    %get3A_13 = vector.shape_cast %get3A_12 : vector<1x2000x128xf32> to vector<2000x128xf32>
    %get3A_14 = arith.constant 1 : index
    %get3A_15 = arith.constant 0 : index
    %get3A_16 = arith.constant 0 : index
    %get3A_17 = vector.load %arg1[%get3A_14, %get3A_15, %get3A_16] : memref<2x2000x128xf32, #tpu.memory_space<vmem>>, vector<1x2000x128xf32>
    %get3A_18 = vector.shape_cast %get3A_17 : vector<1x2000x128xf32> to vector<2000x128xf32>
    %add3A_19 = arith.addf %get3A_13, %get3A_18 : vector<2000x128xf32>
    %jit3A = arith.constant 1.000000e+00 : f32
    %max3A = vector.broadcast %jit3A : f32 to vector<2000xf32>
    %max3A_20 = arith.maximumf %max3A, %add3A : vector<2000xf32>
    %broadcast_in_dim3A = vector.shape_cast %max3A_20 : vector<2000xf32> to vector<2000x1xf32>
    %div3A = vector.broadcast %broadcast_in_dim3A : vector<2000x1xf32> to vector<2000x128xf32>
    %div3A_21 = arith.divf %add3A_19, %div3A : vector<2000x128xf32>
    %get3A_22 = arith.constant 0 : index
    %get3A_23 = arith.constant 0 : index
    %get3A_24 = vector.load %arg4[%get3A_22, %get3A_23] : memref<128x128xf32, #tpu.memory_space<vmem>>, vector<128x128xf32>
    %dot_general3A = arith.constant dense<0.000000e+00> : vector<2000x128xf32>
    %dot_general3A_25 = tpu.matmul %div3A_21, %get3A_24, %dot_general3A {dimension_numbers = #tpu.dot_dimension_numbers<[1], [0], [0], [1], [0, 0, 1, 1], [], []>, transpose_lhs_hint = false} : vector<2000x128xf32>, vector<128x128xf32>, vector<2000x128xf32> -> vector<2000x128xf32>
    %get3A_26 = arith.constant 0 : index
    %get3A_27 = arith.constant 0 : index
    %get3A_28 = vector.load %arg3[%get3A_26, %get3A_27] : memref<2000x128xf32, #tpu.memory_space<vmem>>, vector<2000x128xf32>
    %get3A_29 = arith.constant 0 : index
    %get3A_30 = arith.constant 0 : index
    %get3A_31 = vector.load %arg5[%get3A_29, %get3A_30] : memref<128x128xf32, #tpu.memory_space<vmem>>, vector<128x128xf32>
    %dot_general3A_32 = arith.constant dense<0.000000e+00> : vector<2000x128xf32>
    %dot_general3A_33 = tpu.matmul %get3A_28, %get3A_31, %dot_general3A_32 {dimension_numbers = #tpu.dot_dimension_numbers<[1], [0], [0], [1], [0, 0, 1, 1], [], []>, transpose_lhs_hint = false} : vector<2000x128xf32>, vector<128x128xf32>, vector<2000x128xf32> -> vector<2000x128xf32>
    %add3A_34 = arith.addf %dot_general3A_25, %dot_general3A_33 : vector<2000x128xf32>
    %get3A_35 = arith.constant 0 : index
    %get3A_36 = arith.constant 0 : index
    %get3A_37 = vector.load %arg6[%get3A_35, %get3A_36] : memref<1x128xf32, #tpu.memory_space<vmem>>, vector<1x128xf32>
    %add3A_38 = vector.broadcast %get3A_37 : vector<1x128xf32> to vector<2000x128xf32>
    %add3A_39 = arith.addf %add3A_34, %add3A_38 : vector<2000x128xf32>
    %max3A_40 = arith.constant 0.000000e+00 : f32
    %max3A_41 = vector.broadcast %max3A_40 : f32 to vector<2000x128xf32>
    %max3A_42 = arith.maximumf %add3A_39, %max3A_41 : vector<2000x128xf32>
    %swap3A = arith.constant 0 : index
    %swap3A_43 = arith.constant 0 : index
    %swap3A_44 = vector.load %arg7[%swap3A, %swap3A_43] : memref<2000x128xf32, #tpu.memory_space<vmem>>, vector<2000x128xf32>
    tpu.vector_store %arg7[%swap3A, %swap3A_43], %max3A_42 {strides = array<i32>} : memref<2000x128xf32, #tpu.memory_space<vmem>>, vector<2000x128xf32>,
    return
  }
  func.func @transform_0(%arg0: i32) -> (i32, i32, i32) {
    %c0_i32 = arith.constant 0 : i32
    %c0_i32_0 = arith.constant 0 : i32
    %c0_i32_1 = arith.constant 0 : i32
    return %c0_i32, %arg0, %c0_i32_0 : i32, i32, i32
  }
  func.func @transform_1(%arg0: i32) -> (i32, i32, i32) {
    %c0_i32 = arith.constant 0 : i32
    %c0_i32_0 = arith.constant 0 : i32
    %c0_i32_1 = arith.constant 0 : i32
    return %c0_i32, %arg0, %c0_i32_0 : i32, i32, i32
  }
  func.func @transform_2(%arg0: i32) -> (i32, i32) {
    %c0_i32 = arith.constant 0 : i32
    %c0_i32_0 = arith.constant 0 : i32
    return %arg0, %c0_i32 : i32, i32
  }
  func.func @transform_3(%arg0: i32) -> (i32, i32) {
    %c0_i32 = arith.constant 0 : i32
    %c0_i32_0 = arith.constant 0 : i32
    %c0_i32_1 = arith.constant 0 : i32
    return %c0_i32, %c0_i32_0 : i32, i32
  }
  func.func @transform_4(%arg0: i32) -> (i32, i32) {
    %c0_i32 = arith.constant 0 : i32
    %c0_i32_0 = arith.constant 0 : i32
    %c0_i32_1 = arith.constant 0 : i32
    return %c0_i32, %c0_i32_0 : i32, i32
  }
  func.func @transform_5(%arg0: i32) -> (i32, i32) {
    %c0_i32 = arith.constant 0 : i32
    %c0_i32_0 = arith.constant 0 : i32
    %c0_i32_1 = arith.constant 0 : i32
    return %c0_i32, %c0_i32_0 : i32, i32
  }
  func.func @transform_6(%arg0: i32) -> (i32, i32) {
    %c0_i32 = arith.constant 0 : i32
    %c0_i32_0 = arith.constant 0 : i32
    return %arg0, %c0_i32 : i32, i32
  }
}

module attributes {stable_mosaic.version = 14 : i64} {
  func.func @_dense_body(%arg0: i32, %arg1: memref<2x2000x128xf32, #tpu.memory_space<vmem>>, %arg2: memref<2x2000x16xf32, #tpu.memory_space<vmem>>, %arg3: memref<2000x128xf32, #tpu.memory_space<vmem>>, %arg4: memref<128x128xf32, #tpu.memory_space<vmem>>, %arg5: memref<128x128xf32, #tpu.memory_space<vmem>>, %arg6: memref<1x128xf32, #tpu.memory_space<vmem>>, %arg7: memref<2000x128xf32, #tpu.memory_space<vmem>>) attributes {dimension_semantics = [#tpu.dimension_semantics<arbitrary>], iteration_bounds = array<i64: 5>, scalar_prefetch = 0 : i64, scratch_operands = 0 : i64, tpu.core_type = #tpu.core_type<tc>, window_params = [{transform_indices = @transform_0, window_bounds = array<i64: 2, 2000, 128>}, {transform_indices = @transform_1, window_bounds = array<i64: 2, 2000, 16>}, {transform_indices = @transform_2, window_bounds = array<i64: 2000, 128>}, {pipeline_mode = #tpu.pipeline_mode<synchronous>, transform_indices = @transform_3, window_bounds = array<i64: 128, 128>}, {pipeline_mode = #tpu.pipeline_mode<synchronous>, transform_indices = @transform_4, window_bounds = array<i64: 128, 128>}, {pipeline_mode = #tpu.pipeline_mode<synchronous>, transform_indices = @transform_5, window_bounds = array<i64: 1, 128>}, {transform_indices = @transform_6, window_bounds = array<i64: 2000, 128>}]} {
    %get3A = arith.constant 0 : index
    %get3A_0 = arith.constant 0 : index
    %get3A_1 = arith.constant 0 : index
    %get3A_2 = vector.load %arg2[%get3A, %get3A_0, %get3A_1] : memref<2x2000x16xf32, #tpu.memory_space<vmem>>, vector<1x2000x1xf32>
    %get3A_3 = vector.shape_cast %get3A_2 : vector<1x2000x1xf32> to vector<2000xf32>
    %get3A_4 = arith.constant 1 : index
    %get3A_5 = arith.constant 0 : index
    %get3A_6 = arith.constant 0 : index
    %get3A_7 = vector.load %arg2[%get3A_4, %get3A_5, %get3A_6] : memref<2x2000x16xf32, #tpu.memory_space<vmem>>, vector<1x2000x1xf32>
    %get3A_8 = vector.shape_cast %get3A_7 : vector<1x2000x1xf32> to vector<2000xf32>
    %add3A = arith.addf %get3A_3, %get3A_8 : vector<2000xf32>
    %get3A_9 = arith.constant 0 : index
    %get3A_10 = arith.constant 0 : index
    %get3A_11 = arith.constant 0 : index
    %get3A_12 = vector.load %arg1[%get3A_9, %get3A_10, %get3A_11] : memref<2x2000x128xf32, #tpu.memory_space<vmem>>, vector<1x2000x128xf32>
    %get3A_13 = vector.shape_cast %get3A_12 : vector<1x2000x128xf32> to vector<2000x128xf32>
    %get3A_14 = arith.constant 1 : index
    %get3A_15 = arith.constant 0 : index
    %get3A_16 = arith.constant 0 : index
    %get3A_17 = vector.load %arg1[%get3A_14, %get3A_15, %get3A_16] : memref<2x2000x128xf32, #tpu.memory_space<vmem>>, vector<1x2000x128xf32>
    %get3A_18 = vector.shape_cast %get3A_17 : vector<1x2000x128xf32> to vector<2000x128xf32>
    %add3A_19 = arith.addf %get3A_13, %get3A_18 : vector<2000x128xf32>
    %jit3A = arith.constant 1.000000e+00 : f32
    %max3A = vector.broadcast %jit3A : f32 to vector<2000xf32>
    %max3A_20 = arith.maximumf %max3A, %add3A : vector<2000xf32>
    %broadcast_in_dim3A = vector.shape_cast %max3A_20 : vector<2000xf32> to vector<2000x1xf32>
    %div3A = vector.broadcast %broadcast_in_dim3A : vector<2000x1xf32> to vector<2000x128xf32>
    %div3A_21 = arith.divf %add3A_19, %div3A : vector<2000x128xf32>
    %get3A_22 = arith.constant 0 : index
    %get3A_23 = arith.constant 0 : index
    %get3A_24 = vector.load %arg4[%get3A_22, %get3A_23] : memref<128x128xf32, #tpu.memory_space<vmem>>, vector<128x128xf32>
    %dot_general3A = arith.constant dense<0.000000e+00> : vector<2000x128xf32>
    %dot_general3A_25 = tpu.matmul %div3A_21, %get3A_24, %dot_general3A {dimension_numbers = #tpu.dot_dimension_numbers<[1], [0], [0], [1], [0, 0, 1, 1], [], []>, transpose_lhs_hint = false} : vector<2000x128xf32>, vector<128x128xf32>, vector<2000x128xf32> -> vector<2000x128xf32>
    %get3A_26 = arith.constant 0 : index
    %get3A_27 = arith.constant 0 : index
    %get3A_28 = vector.load %arg3[%get3A_26, %get3A_27] : memref<2000x128xf32, #tpu.memory_space<vmem>>, vector<2000x128xf32>
    %get3A_29 = arith.constant 0 : index
    %get3A_30 = arith.constant 0 : index
    %get3A_31 = vector.load %arg5[%get3A_29, %get3A_30] : memref<128x128xf32, #tpu.memory_space<vmem>>, vector<128x128xf32>
    %dot_general3A_32 = arith.constant dense<0.000000e+00> : vector<2000x128xf32>
    %dot_general3A_33 = tpu.matmul %get3A_28, %get3A_31, %dot_general3A_32 {dimension_numbers = #tpu.dot_dimension_numbers<[1], [0], [0], [1], [0, 0, 1, 1], [], []>, transpose_lhs_hint = false} : vector<2000x128xf32>, vector<128x128xf32>, vector<2000x128xf32> -> vector<2000x128xf32>
    %add3A_34 = arith.addf %dot_general3A_25, %dot_general3A_33 : vector<2000x128xf32>
    %get3A_35 = arith.constant 0 : index
    %get3A_36 = arith.constant 0 : index
    %get3A_37 = vector.load %arg6[%get3A_35, %get3A_36] : memref<1x128xf32, #tpu.memory_space<vmem>>, vector<1x128xf32>
    %add3A_38 = vector.broadcast %get3A_37 : vector<1x128xf32> to vector<2000x128xf32>
    %add3A_39 = arith.addf %add3A_34, %add3A_38 : vector<2000x128xf32>
    %swap3A = arith.constant 0 : index
    %swap3A_40 = arith.constant 0 : index
    %swap3A_41 = vector.load %arg7[%swap3A, %swap3A_40] : memref<2000x128xf32, #tpu.memory_space<vmem>>, vector<2000x128xf32>
    tpu.vector_store %arg7[%swap3A, %swap3A_40], %add3A_39 {strides = array<i32>} : memref<2000x128xf32, #tpu.memory_space<vmem>>, vector<2000x128xf32>,
    return
  }
  func.func @transform_0(%arg0: i32) -> (i32, i32, i32) {
    %c0_i32 = arith.constant 0 : i32
    %c0_i32_0 = arith.constant 0 : i32
    %c0_i32_1 = arith.constant 0 : i32
    return %c0_i32, %arg0, %c0_i32_0 : i32, i32, i32
  }
  func.func @transform_1(%arg0: i32) -> (i32, i32, i32) {
    %c0_i32 = arith.constant 0 : i32
    %c0_i32_0 = arith.constant 0 : i32
    %c0_i32_1 = arith.constant 0 : i32
    return %c0_i32, %arg0, %c0_i32_0 : i32, i32, i32
  }
  func.func @transform_2(%arg0: i32) -> (i32, i32) {
    %c0_i32 = arith.constant 0 : i32
    %c0_i32_0 = arith.constant 0 : i32
    return %arg0, %c0_i32 : i32, i32
  }
  func.func @transform_3(%arg0: i32) -> (i32, i32) {
    %c0_i32 = arith.constant 0 : i32
    %c0_i32_0 = arith.constant 0 : i32
    %c0_i32_1 = arith.constant 0 : i32
    return %c0_i32, %c0_i32_0 : i32, i32
  }
  func.func @transform_4(%arg0: i32) -> (i32, i32) {
    %c0_i32 = arith.constant 0 : i32
    %c0_i32_0 = arith.constant 0 : i32
    %c0_i32_1 = arith.constant 0 : i32
    return %c0_i32, %c0_i32_0 : i32, i32
  }
  func.func @transform_5(%arg0: i32) -> (i32, i32) {
    %c0_i32 = arith.constant 0 : i32
    %c0_i32_0 = arith.constant 0 : i32
    %c0_i32_1 = arith.constant 0 : i32
    return %c0_i32, %c0_i32_0 : i32, i32
  }
  func.func @transform_6(%arg0: i32) -> (i32, i32) {
    %c0_i32 = arith.constant 0 : i32
    %c0_i32_0 = arith.constant 0 : i32
    return %arg0, %c0_i32 : i32, i32
  }
}

</mosaic_0001>

<sc_bundles>
// kernel: kernel.12.cloned.1.call-start
scs
__scs_entry_jumppad:
0x0: {  	(pc) =	sbr.rel $0x88, $3  }
0x1: {  	(tag) =	ssettag $0x0;
	lr =	simm.s32 $0x1  }
0x2: {  	[smem:$0x3F96] =	sst lr;
	_ =	strace $0xD0000000  }
0x3: {  	_ = 	snop  }
0x4: {  	_ = 	snop  }
0x5: {  	_ = 	snop  }
0x6: {  	_ = 	snop  }
0x7: {  	_ = 	snop  }
__scs_overlays_trampoline_lowered:
0x8: {  	[smem:$0x3FA5] =	sst s0  }
0x9: {  	[smem:$0x3FA6] =	sst s1  }
0xa: {  	[smem:$0x3FA7] =	sst s2  }
0xb: {  	[smem:$0x3FA8] =	sst s3  }
0xc: {  	[smem:$0x3FA9] =	sst s4  }
0xd: {  	[smem:$0x3FAA] =	sst s5  }
0xe: {  	[smem:$0x3FAB] =	sst s6  }
0xf: {  	[smem:$0x3FAC] =	sst s7  }
0x10: {  	[smem:$0x3FAD] =	sst s8  }
0x11: {  	[smem:$0x3FAE] =	sst s9;
	s0 =	simm.s32 @!p0 $0x0  }
0x12: {  	s1 =	sld [smem:$0x3F94];
	s0 =	simm.s32 @p0 $0x1  }
0x13: {  	[smem:$0x3FAF] =	sst s0;
	s0 =	simm.s32 @!p1 $0x0  }
0x14: {  	s2 =	sld [smem:$0x3F93];
	s0 =	simm.s32 @p1 $0x1  }
0x15: {  	[smem:$0x3FB0] =	sst s0;
	s0 =	simm.s32 @!p2 $0x0  }
0x16: {  	s3 =	sld [smem:$0x3FDB];
	s0 =	simm.s32 @p2 $0x1  }
0x17: {  	s4 =	simm.s32 $0x1BF5;
	[smem:$0x3FB2] =	sst s0  }
0x18: {  	s0 =	sld [smem:$0x3F95];
	_ =	swait.ge [sflag:s4], $0x0  }
0x19: {  	s7 =	sld [smem:$0x3F96]  }
0x1a: {  	s8 =	sadd.s32 $0xFFFFE003, lr  }
0x1b: {  	s9 =	sadd.s32 $0xFFFFFEF7, lr;
	s5 =	simm.s32 $0xFFFFFFFF;
	p2 =	slt.u32 s8, $0xFFFFF086  }
0x1c: {  	p1 =	slt.u32 s9, $0xF7A;
	s5 =	simm.s32 @!p2 $0x0  }
0x1d: {  	s5 =	simm.s32 @p1 $0x1;
	p0 =	seq.s32 s7, s2  }
0x1e: {  	s7 =	smul.u32 @!p0 $0xF7A, s2;
	p2 =	seq.s32 @!p0 s5, $0x0  }
0x1f: {  	s9 =	smul.u32 $0xF7A, s1;
	s8 =	simm.s32 @!p0 $0x1BF5;
	p2 =	por !p2, p0  }
0x20: {  	[sflag:s8] =	ssyncset.s32 @!p0 $0xFFFFF086;
	s6 =	sadd.s32 @!p0 s3, s7;
	s7 =	simm.s32 @!p0 $0x108  }
0x21: {  	s3 =	sadd.s32 s3, s9;
	s6 =	sadd.s32 @!p0 $0x88, s6;
	s7 =	simm.s32 @p2 $0x1082  }
0x22: {  	[simem:s7], [sflag:s8] =	dma.local @!p0 [hbm:s6], $0xF7A  }
0x23: {  	s9 =	sor.u32 $0xD0000000, s2;
	s6 =	simm.s32 $0x108;
	_ =	swait.ge @!p0 [sflag:s8], $0x0  }
0x24: {  	s3 =	sadd.s32 $0x88, s3;
	s6 =	simm.s32 @!p1 $0x1082;
	[sflag:s4] =	ssyncset.s32 $0xFFFFF086  }
0x25: {  	[simem:s6], [sflag:s4] =	dma.local [hbm:s3], $0xF7A  }
0x26: {  	[smem:$0x3F96] =	sst s1;
	(tag) =	ssettag s2;
	_ =	strace s9  }
0x27: {  	s1 =	sld [smem:$0x3FA6]  }
0x28: {  	s2 =	sld [smem:$0x3FA7]  }
0x29: {  	s4 =	sld [smem:$0x3FA9]  }
0x2a: {  	p0 =	seq.s32 s5, $0x0;
	s5 =	sld [smem:$0x3FAA]  }
0x2b: {  	s6 =	sld [smem:$0x3FAB]  }
0x2c: {  	s7 =	sld [smem:$0x3FAC]  }
0x2d: {  	s3 =	simm.s32 $0x108;
	s8 =	sld [smem:$0x3FAD]  }
0x2e: {  	s3 =	simm.s32 @!p0 $0x1082;
	s9 =	sld [smem:$0x3FAE]  }
0x2f: {  	lr =	sadd.s32 s0, s3;
	s0 =	sld [smem:$0x3FA5]  }
0x30: {  	s3 =	sld [smem:$0x3FA8]  }
0x31: {  	[smem:$0x3FB1] =	sst s10  }
0x32: {  	s10 =	sld [smem:$0x3FAF];
	_ =	sdelay $0x3  }
0x33: {  	p0 =	seq.s32 s10, $0x1;
	s10 =	sld [smem:$0x3FB1];
	_ =	sdelay $0x3  }
0x34: {  	[smem:$0x3FB1] =	sst s10  }
0x35: {  	s10 =	sld [smem:$0x3FB0];
	_ =	sdelay $0x3  }
0x36: {  	p1 =	seq.s32 s10, $0x1;
	s10 =	sld [smem:$0x3FB1];
	_ =	sdelay $0x3  }
0x37: {  	[smem:$0x3FB1] =	sst s10  }
0x38: {  	s10 =	sld [smem:$0x3FB2]  }
0x39: {  	_ = 	snop;
	(pc) =	sbr.ind lr, $3  }
0x3a: {  	_ = 	snop  }
0x3b: {  	_ = 	snop  }
0x3c: {  	p2 =	seq.s32 s10, $0x1;
	s10 =	sld [smem:$0x3FB1]  }
0x3d: {  	_ =	shalt  }
0x3e: {  	_ =	shalt  }
0x3f: {  	_ =	shalt  }
0x40: {  	_ =	shalt  }
0x41: {  	_ =	shalt  }
0x42: {  	_ =	shalt  }
0x43: {  	_ =	shalt  }
0x44: {  	_ =	shalt  }
0x45: {  	_ =	shalt  }
0x46: {  	_ =	shalt  }
0x47: {  	_ =	shalt  }
0x48: {  	_ =	shalt  }
0x49: {  	_ =	shalt  }
0x4a: {  	_ =	shalt  }
0x4b: {  	_ =	shalt  }
0x4c: {  	_ =	shalt  }
0x4d: {  	_ =	shalt  }
0x4e: {  	_ =	shalt  }
0x4f: {  	_ =	shalt  }
0x50: {  	_ =	shalt  }
0x51: {  	_ =	shalt  }
0x52: {  	_ =	shalt  }
0x53: {  	_ =	shalt  }
0x54: {  	_ =	shalt  }
0x55: {  	_ =	shalt  }
0x56: {  	_ =	shalt  }
0x57: {  	_ =	shalt  }
0x58: {  	_ =	shalt  }
0x59: {  	_ =	shalt  }
0x5a: {  	_ =	shalt  }
0x5b: {  	_ =	shalt  }
0x5c: {  	_ =	shalt  }
0x5d: {  	_ =	shalt  }
0x5e: {  	_ =	shalt  }
0x5f: {  	_ =	shalt  }
0x60: {  	_ =	shalt  }
0x61: {  	_ =	shalt  }
0x62: {  	_ =	shalt  }
0x63: {  	_ =	shalt  }
0x64: {  	_ =	shalt  }
0x65: {  	_ =	shalt  }
0x66: {  	_ =	shalt  }
0x67: {  	_ =	shalt  }
0x68: {  	_ =	shalt  }
0x69: {  	_ =	shalt  }
0x6a: {  	_ =	shalt  }
0x6b: {  	_ =	shalt  }
0x6c: {  	_ =	shalt  }
0x6d: {  	_ =	shalt  }
0x6e: {  	_ =	shalt  }
0x6f: {  	_ =	shalt  }
0x70: {  	_ =	shalt  }
0x71: {  	_ =	shalt  }
0x72: {  	_ =	shalt  }
0x73: {  	_ =	shalt  }
0x74: {  	_ =	shalt  }
0x75: {  	_ =	shalt  }
0x76: {  	_ =	shalt  }
0x77: {  	_ =	shalt  }
0x78: {  	_ =	shalt  }
0x79: {  	_ =	shalt  }
0x7a: {  	_ =	shalt  }
0x7b: {  	_ =	shalt  }
0x7c: {  	_ =	shalt  }
0x7d: {  	_ =	shalt  }
0x7e: {  	_ =	shalt  }
0x7f: {  	_ =	shalt  }
0x80: {  	_ =	shalt  }
0x81: {  	_ =	shalt  }
0x82: {  	_ =	shalt  }
0x83: {  	_ =	shalt  }
0x84: {  	_ =	shalt  }
0x85: {  	_ =	shalt  }
0x86: {  	_ =	shalt  }
0x87: {  	_ =	shalt  }
.Lfunc_end0:
.L_simem_size_0:
called_computation.1_lowered:
.L_overlay_start_0:
0x88: {  	s2 =	sld [smem:$0x3FD9]  }
0x89: {  	s3 =	sld [smem:$0x3FFE];
	_ =	sdelay $0x1  }
0x8a: {  	s1 =	srdreg.scid  }
0x8b: {  	s0 =	sand.u32 $0x1, s1  }
0x8c: {  	s17 =	sshll.u32 s0, $0xA;
	s2 =	sadd.s32 s3, s2  }
0x8d: {  	s2 =	sadd.s32 s2, s17  }
0x8e: {  	[smem:$0x3FBD] =	sst s2  }
0x8f: {  	_ = 	snop  }
0x90: {  	s18 =	sld [smem:$0x3FC9];
	(tm) =	ssettm $0x1  }
0x91: {  	s19 =	sld [smem:$0x3FFB];
	_ =	sdelay $0x3  }
0x92: {  	_ =	strace s19  }
0x93: {  	s2 =	sld [smem:$0x3FFC];
	_ =	sdelay $0x3  }
0x94: {  	_ =	strace s2  }
0x95: {  	s2 =	sld [smem:$0x3FFD];
	_ =	sdelay $0x3  }
0x96: {  	_ =	strace s2  }
0x97: {  	_ =	strace $0x8FFFFFFF  }
0x98: {  	s20 =	sld [smem:$0x3FDB];
	_ =	sdelay $0x1  }
0x99: {  	s4 =	simm.s32 $_scs_section_size  }
0x9a: {  	s5 =	simm.s32 $_size__tile_overlayer_lowered;
	s6 =	simm.s32 $_tile_overlayer_lowered  }
0x9b: {  	s7 =	simm.s32 $0x1BFF;
	s21 =	sshll.u32 s6, $0x1;
	s4 =	sadd.s32 s4, s20  }
0x9c: {  	s22 =	simm.s32 $0x0;
	s5 =	sshll.u32 s5, $0x1;
	s6 =	sadd.s32 s21, s4  }
0x9d: {  	[timem:s22], [sflag:s7] =	dma.local [hbm:s6], s5  }
0x9e: {  	_ =	swait.ge [sflag:s7], s5  }
0x9f: {  	s5 =	ssub.s32 $0x0, s5;
	[sflag:s7] =	ssyncset.done $0x0  }
0xa0: {  	[sflag:s7] =	ssyncadd.s32 s5;
	_ =	sdelay $0x1  }
0xa1: {  	s23 =	simm.s32 $0x1B8B  }
0xa2: {  	_ =	swait.ge [sflag:s23], $0x1  }
0xa3: {  	[sflag:s23] =	ssyncset.done $0x0  }
0xa4: {  	[sflag:s23] =	ssyncadd.s32 $0xFFFFFFFF  }
0xa5: {  	s5 =	sld [smem:$0x0]  }
0xa6: {  	s6 =	sand.u32 $0xFFFFFFFE, s1  }
0xa7: {  	p0 =	sne.s32 s1, s6  }
0xa8: {  	s6 =	sshll.u32 @p0 s6, $0xE  }
0xa9: {  	s6 =	sadd.s32 @p0 $0x11B8D, s6;
	s7 =	sshll.u32 @p0 s5, $0x11  }
0xaa: {  	s6 =	sor.u32 @p0 s7, s6  }
0xab: {  	[sflag:s6] =	ssyncadd.remote.s32 @p0 $0x1;
	_ =	sdelay $0x1  }
0xac: {  	s6 =	simm.s32 @p0 $0x1B8D  }
0xad: {  	_ =	swait.eq @p0 [sflag:s6], $0x1  }
0xae: {  	[sflag:s6] =	ssyncadd.s32 @p0 $0xFFFFFFFF  }
0xaf: {  	s7 =	sshll.u32 @!p0 s1, $0xE  }
0xb0: {  	s7 =	sor.u32 @!p0 $0x4000, s7;
	s6 =	simm.s32 @!p0 $0x1B8D  }
0xb1: {  	s5 =	sshll.u32 @!p0 s5, $0x11;
	s7 =	sadd.s32 @!p0 $0x11B8D, s7;
	_ =	swait.eq @!p0 [sflag:s6], $0x1  }
0xb2: {  	s5 =	sor.u32 @!p0 s5, s7;
	[sflag:s6] =	ssyncadd.s32 @!p0 $0xFFFFFFFF  }
0xb3: {  	s25 =	simm.s32 $0x1B8E;
	s24 =	sld [smem:$0x3FFE];
	[sflag:s5] =	ssyncadd.remote.s32 @!p0 $0x1  }
0xb4: {  	s26 =	simm.s32 $execute0_lowered;
	[smem:$0x3FD2] =	sst s25  }
0xb5: {  	s6 =	sshll.u32 s26, $0x1;
	_ =	strace $0x80000049;
	[dreg:$0x1] =	wrdreg $0xFFFFFFFF  }
0xb6: {  	s28 =	simm.s32 $_size_execute0_lowered;
	s4 =	sadd.s32 s4, s6;
	[dreg:$0x0] =	wrdreg $0x0  }
0xb7: {  	s6 =	sshll.u32 s28, $0x1;
	[dreg:$0x2] =	wrdreg s4  }
0xb8: {  	[dreg:$0x3] =	wrdreg s6  }
0xb9: {  	[dreg:$0x4] =	wrdreg $0xC0  }
0xba: {  	_ =	task [dreg:s22], $0x5FFFF  }
0xbb: {  	[dreg:$0x1] =	wrdreg $0xFFFFFFFF  }
0xbc: {  	[dreg:$0x0] =	wrdreg $0x60  }
0xbd: {  	[dreg:$0x2] =	wrdreg s18  }
0xbe: {  	[dreg:$0x3] =	wrdreg s24  }
0xbf: {  	[dreg:$0x4] =	wrdreg $0xBF400  }
0xc0: {  	[dreg:$0x5] =	wrdreg $0xA  }
0xc1: {  	_ =	task.clear_ibuf [dreg:s22], $0x6FFFF;
	_ =	strace $0x90000049  }
0xc2: {  	s29 =	simm.s32 $0xA;
	_ =	strace $0x8000004B  }
0xc3: {  	_ =	swait.ge [sflag:s29], $0x1  }
0xc4: {  	[sflag:s29] =	ssyncadd.s32 $0xFFFFFFFF  }
0xc5: {  	_ =	strace $0x9000004B  }
0xc6: {  	_ =	sfence  }
0xc7: {  	s30 =	sld [smem:$0x0];
	_ =	sdelay $0x2  }
0xc8: {  	s31 =	sshll.u32 s1, $0xD;
	s1 =	sshrl.u32 s1, $0x2  }
0xc9: {  	s4 =	sand.u32 $0x4000, s31;
	s1 =	sadd.s32 s1, s30  }
0xca: {  	s0 =	sor.u32 s4, s0;
	s1 =	sshll.u32 s1, $0x11  }
0xcb: {  	s0 =	sor.u32 s1, s0  }
0xcc: {  	s0 =	sadd.s32 $0x8F2B, s0  }
0xcd: {  	[sflag:s0] =	ssyncadd.remote.s32 $0x1  }
0xce: {  	_ =	sfence.sel $0xFFFF  }
0xcf: {  	[dreg:$0x0] =	wrdreg $0xFFFFFFFF;
	(pc) =	sbr.abs _section_cstart, $3  }
0xd0: {  	[dreg:$0x1] =	wrdreg $0xFFFFFFFF  }
0xd1: {  	_ =	task.clear_ibuf [dreg:s22], $0x2FFFF;
	_ =	strace $0x9FFFFFFF  }
0xd2: {  	(tm) =	ssettm $0x7FFFFFFF  }
0xd3: {  	_ =	shalt  }
tec
execute0_lowered:
.L_overlay_start_1:
0x0: {  	(tag) =	ssettag $0x1  }
0x1: {  	s1 =	rddreg [dreg:$0x0]  }
0x2: {  	s0 =	rddreg [dreg:$0x1];
	s8 =	stileid.u32  }
0x3: {  	s3 =	srdreg.scid;
	s6 =	smul.u32 $0x14000, s8  }
0x4: {  	s4 =	sand.u32 $0x1, s3;
	s5 =	sshll.u32 s8, $0x1;
	s8 =	smul.u32 $0x50000, s8  }
0x5: {  	s2 =	rddreg [dreg:$0x2];
	s3 =	simm.s32 $0x0;
	s7 =	smul.u32 $0x140000, s4  }
0x6: {  	s5 =	sor.u32 s4, s5;
	[smem:$0x7FF] =	sst s3;
	s4 =	ssub.s32 $0x2, s4  }
0x7: {  	s5 =	smul.u32 $0x514, s5;
	s25 =	sshrl.u32 s8, $0x2;
	s7 =	sadd.s32 s6, s7  }
0x8: {  	s24 =	sshrl.u32 s4, $0x1;
	s23 =	sshrl.u32 s7, $0x3;
	s7 =	sadd.s32 s25, s2  }
0x9: {  	_ =	strace $0x8000004A;
	s11 =	ssub.s32 s4, s24;
	s26 =	sadd.s32 $0xA00, s7  }
0xa: {  	s4 =	sadd.s32 s6, s2;
	s2 =	sadd.s32 $0x1400, s7;
	[dreg:$0x4] =	wrdreg s26  }
0xb: {  	s9 =	sadd.s32 s5, s0;
	s5 =	sadd.s32 $0x1E00, s7;
	[dreg:$0x5] =	wrdreg s2  }
0xc: {  	s6 =	sadd.s32 $0x2800, s7;
	[dreg:$0x6] =	wrdreg s5  }
0xd: {  	s8 =	sadd.s32 $0x3200, s7;
	[dreg:$0x7] =	wrdreg s6  }
0xe: {  	s12 =	sadd.s32 $0x3C00, s7;
	[dreg:$0x8] =	wrdreg s8  }
0xf: {  	s13 =	sadd.s32 $0x4600, s7;
	[dreg:$0x9] =	wrdreg s12  }
0x10: {  	s14 =	sadd.s32 $0x5000, s7;
	[dreg:$0xa] =	wrdreg s13  }
0x11: {  	s15 =	sadd.s32 $0x5A00, s7;
	[dreg:$0xb] =	wrdreg s14  }
0x12: {  	s16 =	sadd.s32 $0x6400, s7;
	[dreg:$0xc] =	wrdreg s15  }
0x13: {  	s17 =	sadd.s32 $0x6E00, s7;
	[dreg:$0xd] =	wrdreg s16  }
0x14: {  	s18 =	sadd.s32 $0x7800, s7;
	[dreg:$0xe] =	wrdreg s17  }
0x15: {  	s19 =	sadd.s32 $0x8200, s7;
	[dreg:$0xf] =	wrdreg s18  }
0x16: {  	s11 =	smax.u32 s11, $0x1;
	s20 =	sadd.s32 $0x8C00, s7;
	[dreg:$0x10] =	wrdreg s19  }
0x17: {  	s10 =	sadd.s32 s23, s0;
	s21 =	sadd.s32 $0x9600, s7;
	[dreg:$0x11] =	wrdreg s20  }
0x18: {  	s22 =	sadd.s32 $0xA000, s7;
	s23 =	sadd.s32 $0xAA00, s7;
	[dreg:$0x12] =	wrdreg s21  }
0x19: {  	s24 =	sadd.s32 $0xB400, s7;
	s25 =	sadd.s32 $0xBE00, s7;
	[dreg:$0x13] =	wrdreg s22  }
0x1a: {  	s28 =	sadd.s32 $0xE600, s7;
	s29 =	sadd.s32 $0xF000, s7;
	[dreg:$0x14] =	wrdreg s23  }
0x1b: {  	s30 =	sadd.s32 $0xFA00, s7;
	s31 =	sadd.s32 $0x10400, s7;
	[dreg:$0x15] =	wrdreg s24  }
0x1c: {  	s0 =	sadd.s32 $0x10E00, s7;
	[dreg:$0x16] =	wrdreg s25;
	s26 =	sadd.s32 $0xC800, s7  }
0x1d: {  	s25 =	sadd.s32 $0xD200, s7;
	s2 =	sadd.s32 $0x11800, s7;
	s5 =	sadd.s32 $0x12200, s7  }
0x1e: {  	s6 =	sadd.s32 $0x12C00, s7;
	s8 =	sadd.s32 $0xE000, s9;
	s9 =	sadd.s32 $0x3C00, s9  }
0x1f: {  	s10 =	sadd.s32 $0x18400, s10;
	s12 =	simm.s32 $0xB540;
	s13 =	simm.s32 $0x3  }
0x20: {  	s14 =	simm.s32 $0x2;
	s15 =	simm.s32 $0x64;
	s16 =	simm.s32 $0x5140  }
0x21: {  	s17 =	simm.s32 $0x8340;
	s18 =	simm.s32 $0x1;
	s19 =	simm.s32 $0x0  }
0x22: {  	v0 =	vimm.f32 $0.0e+00;
	[dreg:$0x17] =	wrdreg s26;
	s26 =	sadd.s32 $0xDC00, s7;
	s7 =	sadd.s32 $0x13600, s7  }
.LBB2_1:
0x23: {  	s20 =	simm.s32 $0x0;
	s21 =	simm.s32 $0x200  }
.LBB2_2:
0x24: {  	p0 =	sne.s32 s21, $0x2600;
	[tilespmem:s20+$0xB5B0] =	vst v0  }
0x25: {  	[tilespmem:s20+$0xB540] =	vst v0  }
0x26: {  	[tilespmem:s20+$0xB550] =	vst v0  }
.Ltmp0:
0x27: {  	[tilespmem:s20+$0xB560] =	vst v0;
	(pc) =	sbr.rel @p0 .LBB2_2-.Ltmp0, $4  }
0x28: {  	[tilespmem:s20+$0xB570] =	vst v0  }
0x29: {  	[tilespmem:s20+$0xB580] =	vst v0  }
0x2a: {  	[tilespmem:s20+$0xB590] =	vst v0  }
0x2b: {  	[tilespmem:s20+$0xB5A0] =	vst v0;
	s20 =	sshra.s32 s21, $0x2;
	s21 =	sadd.s32 $0x200, s21  }
0x2c: {  	[tilespmem:s20+$0xB5B0] =	vst v0  }
0x2d: {  	[tilespmem:s20+$0xB540] =	vst v0  }
0x2e: {  	[tilespmem:s20+$0xB550] =	vst v0  }
0x2f: {  	[tilespmem:s20+$0xB560] =	vst v0  }
0x30: {  	[tilespmem:s20+$0xB570] =	vst v0  }
0x31: {  	[tilespmem:s20+$0xB580] =	vst v0  }
0x32: {  	[tilespmem:s20+$0xB590] =	vst v0  }
0x33: {  	[tilespmem:s20+$0xB5A0] =	vst v0  }
0x34: {  	[spmem:s4] =	stream.linear.scatter [tilespmem:s12], [sflag:$0x2], $0xA00, $0x38;
	[tilespmem:$0x1FF40] =	vst v63  }
0x35: {  	s22 =	rddreg [dreg:$0x4]  }
0x36: {  	[spmem:s22] =	stream.linear.scatter [tilespmem:s12], [sflag:$0x2], $0xA00, $0x38;
	[tilespmem:$0x1FF40] =	vst v63  }
0x37: {  	s23 =	rddreg [dreg:$0x5]  }
0x38: {  	[spmem:s23] =	stream.linear.scatter [tilespmem:s12], [sflag:$0x2], $0xA00, $0x38;
	[tilespmem:$0x1FF40] =	vst v63  }
0x39: {  	s24 =	rddreg [dreg:$0x6]  }
0x3a: {  	[spmem:s24] =	stream.linear.scatter [tilespmem:s12], [sflag:$0x2], $0xA00, $0x38;
	[tilespmem:$0x1FF40] =	vst v63  }
0x3b: {  	s21 =	rddreg [dreg:$0x7]  }
0x3c: {  	[spmem:s21] =	stream.linear.scatter [tilespmem:s12], [sflag:$0x2], $0xA00, $0x38;
	[tilespmem:$0x1FF40] =	vst v63  }
0x3d: {  	s22 =	rddreg [dreg:$0x8]  }
0x3e: {  	[spmem:s22] =	stream.linear.scatter [tilespmem:s12], [sflag:$0x2], $0xA00, $0x38;
	[tilespmem:$0x1FF40] =	vst v63  }
0x3f: {  	s23 =	rddreg [dreg:$0x9]  }
0x40: {  	[spmem:s23] =	stream.linear.scatter [tilespmem:s12], [sflag:$0x2], $0xA00, $0x38;
	[tilespmem:$0x1FF40] =	vst v63  }
0x41: {  	s24 =	rddreg [dreg:$0xa]  }
0x42: {  	[spmem:s24] =	stream.linear.scatter [tilespmem:s12], [sflag:$0x2], $0xA00, $0x38;
	[tilespmem:$0x1FF40] =	vst v63  }
0x43: {  	s21 =	rddreg [dreg:$0xb]  }
0x44: {  	[spmem:s21] =	stream.linear.scatter [tilespmem:s12], [sflag:$0x2], $0xA00, $0x38;
	[tilespmem:$0x1FF40] =	vst v63  }
0x45: {  	s22 =	rddreg [dreg:$0xc]  }
0x46: {  	[spmem:s22] =	stream.linear.scatter [tilespmem:s12], [sflag:$0x2], $0xA00, $0x38;
	[tilespmem:$0x1FF40] =	vst v63  }
0x47: {  	s23 =	rddreg [dreg:$0xd]  }
0x48: {  	[spmem:s23] =	stream.linear.scatter [tilespmem:s12], [sflag:$0x2], $0xA00, $0x38;
	[tilespmem:$0x1FF40] =	vst v63  }
0x49: {  	s24 =	rddreg [dreg:$0xe]  }
0x4a: {  	[spmem:s24] =	stream.linear.scatter [tilespmem:s12], [sflag:$0x2], $0xA00, $0x38;
	[tilespmem:$0x1FF40] =	vst v63  }
0x4b: {  	s21 =	rddreg [dreg:$0xf]  }
0x4c: {  	[spmem:s21] =	stream.linear.scatter [tilespmem:s12], [sflag:$0x2], $0xA00, $0x38;
	[tilespmem:$0x1FF40] =	vst v63  }
0x4d: {  	s22 =	rddreg [dreg:$0x10]  }
0x4e: {  	[spmem:s22] =	stream.linear.scatter [tilespmem:s12], [sflag:$0x2], $0xA00, $0x38;
	[tilespmem:$0x1FF40] =	vst v63  }
0x4f: {  	s23 =	rddreg [dreg:$0x11]  }
0x50: {  	[spmem:s23] =	stream.linear.scatter [tilespmem:s12], [sflag:$0x2], $0xA00, $0x38;
	[tilespmem:$0x1FF40] =	vst v63  }
0x51: {  	s24 =	rddreg [dreg:$0x12]  }
0x52: {  	[spmem:s24] =	stream.linear.scatter [tilespmem:s12], [sflag:$0x2], $0xA00, $0x38;
	[tilespmem:$0x1FF40] =	vst v63  }
0x53: {  	s21 =	rddreg [dreg:$0x13]  }
0x54: {  	[spmem:s21] =	stream.linear.scatter [tilespmem:s12], [sflag:$0x2], $0xA00, $0x38;
	[tilespmem:$0x1FF40] =	vst v63  }
0x55: {  	s22 =	rddreg [dreg:$0x14]  }
0x56: {  	[spmem:s22] =	stream.linear.scatter [tilespmem:s12], [sflag:$0x2], $0xA00, $0x38;
	[tilespmem:$0x1FF40] =	vst v63  }
0x57: {  	s23 =	rddreg [dreg:$0x15]  }
0x58: {  	[spmem:s23] =	stream.linear.scatter [tilespmem:s12], [sflag:$0x2], $0xA00, $0x38;
	[tilespmem:$0x1FF40] =	vst v63  }
0x59: {  	s24 =	rddreg [dreg:$0x16]  }
0x5a: {  	[spmem:s24] =	stream.linear.scatter [tilespmem:s12], [sflag:$0x2], $0xA00, $0x38;
	[tilespmem:$0x1FF40] =	vst v63  }
0x5b: {  	s21 =	rddreg [dreg:$0x17]  }
0x5c: {  	[spmem:s21] =	stream.linear.scatter [tilespmem:s12], [sflag:$0x2], $0xA00, $0x38;
	[tilespmem:$0x1FF40] =	vst v63  }
0x5d: {  	_ = 	snop  }
0x5e: {  	[spmem:s25] =	stream.linear.scatter [tilespmem:s12], [sflag:$0x2], $0xA00, $0x38;
	[tilespmem:$0x1FF40] =	vst v63  }
0x5f: {  	_ = 	snop  }
0x60: {  	[spmem:s26] =	stream.linear.scatter [tilespmem:s12], [sflag:$0x2], $0xA00, $0x38;
	[tilespmem:$0x1FF40] =	vst v63  }
0x61: {  	_ = 	snop  }
0x62: {  	[spmem:s28] =	stream.linear.scatter [tilespmem:s12], [sflag:$0x2], $0xA00, $0x38;
	[tilespmem:$0x1FF40] =	vst v63  }
0x63: {  	_ = 	snop  }
0x64: {  	[spmem:s29] =	stream.linear.scatter [tilespmem:s12], [sflag:$0x2], $0xA00, $0x38;
	[tilespmem:$0x1FF40] =	vst v63  }
0x65: {  	_ = 	snop  }
0x66: {  	[spmem:s30] =	stream.linear.scatter [tilespmem:s12], [sflag:$0x2], $0xA00, $0x38;
	[tilespmem:$0x1FF40] =	vst v63  }
0x67: {  	_ = 	snop  }
0x68: {  	[spmem:s31] =	stream.linear.scatter [tilespmem:s12], [sflag:$0x2], $0xA00, $0x38;
	[tilespmem:$0x1FF40] =	vst v63  }
0x69: {  	_ = 	snop  }
0x6a: {  	[spmem:s0] =	stream.linear.scatter [tilespmem:s12], [sflag:$0x2], $0xA00, $0x38;
	[tilespmem:$0x1FF40] =	vst v63  }
0x6b: {  	_ = 	snop  }
0x6c: {  	[spmem:s2] =	stream.linear.scatter [tilespmem:s12], [sflag:$0x2], $0xA00, $0x38;
	[tilespmem:$0x1FF40] =	vst v63  }
0x6d: {  	_ = 	snop  }
0x6e: {  	[spmem:s5] =	stream.linear.scatter [tilespmem:s12], [sflag:$0x2], $0xA00, $0x38;
	[tilespmem:$0x1FF40] =	vst v63  }
0x6f: {  	_ = 	snop  }
0x70: {  	[spmem:s6] =	stream.linear.scatter [tilespmem:s12], [sflag:$0x2], $0xA00, $0x38;
	[tilespmem:$0x1FF40] =	vst v63  }
0x71: {  	_ = 	snop  }
0x72: {  	[spmem:s7] =	stream.linear.scatter [tilespmem:s12], [sflag:$0x2], $0xA00, $0x38;
	[tilespmem:$0x1FF40] =	vst v63  }
0x73: {  	_ = 	snop  }
0x74: {  	[tilespmem:s3], [sflag:$0x3] =	stream.linear.gather [hbm4b:s8+s3], $0x28A0, $0x38;
	[tilespmem:$0x1FF40] =	vst v63  }
0x75: {  	_ =	swait.ge [sflag:s13], $0x28A0  }
0x76: {  	[sflag:s13] =	ssyncset.done $0x0  }
0x77: {  	s22 =	simm.s32 $0x28A0;
	[sflag:s13] =	ssyncadd.s32 $0xFFFFD760  }
0x78: {  	[tilespmem:s22], [sflag:$0x3] =	stream.linear.gather [hbm4b:s9+s3], $0x28A0, $0x38;
	[tilespmem:$0x1FF40] =	vst v63  }
0x79: {  	_ =	swait.ge [sflag:s13], $0x28A0  }
0x7a: {  	[sflag:s13] =	ssyncset.done $0x0  }
0x7b: {  	[sflag:s13] =	ssyncadd.s32 $0xFFFFD760  }
0x7c: {  	_ =	swait.ge [sflag:s14], $0xA00  }
0x7d: {  	[sflag:s14] =	ssyncset.done $0x0  }
0x7e: {  	[sflag:s14] =	ssyncadd.s32 $0xFFFFF600  }
0x7f: {  	_ =	swait.ge [sflag:s14], $0xA00  }
0x80: {  	[sflag:s14] =	ssyncset.done $0x0  }
0x81: {  	[sflag:s14] =	ssyncadd.s32 $0xFFFFF600  }
0x82: {  	_ =	swait.ge [sflag:s14], $0xA00  }
0x83: {  	[sflag:s14] =	ssyncset.done $0x0  }
0x84: {  	[sflag:s14] =	ssyncadd.s32 $0xFFFFF600  }
0x85: {  	_ =	swait.ge [sflag:s14], $0xA00  }
0x86: {  	[sflag:s14] =	ssyncset.done $0x0  }
0x87: {  	[sflag:s14] =	ssyncadd.s32 $0xFFFFF600  }
0x88: {  	_ =	swait.ge [sflag:s14], $0xA00  }
0x89: {  	[sflag:s14] =	ssyncset.done $0x0  }
0x8a: {  	[sflag:s14] =	ssyncadd.s32 $0xFFFFF600  }
0x8b: {  	_ =	swait.ge [sflag:s14], $0xA00  }
0x8c: {  	[sflag:s14] =	ssyncset.done $0x0  }
0x8d: {  	[sflag:s14] =	ssyncadd.s32 $0xFFFFF600  }
0x8e: {  	_ =	swait.ge [sflag:s14], $0xA00  }
0x8f: {  	[sflag:s14] =	ssyncset.done $0x0  }
0x90: {  	[sflag:s14] =	ssyncadd.s32 $0xFFFFF600  }
0x91: {  	_ =	swait.ge [sflag:s14], $0xA00  }
0x92: {  	[sflag:s14] =	ssyncset.done $0x0  }
0x93: {  	[sflag:s14] =	ssyncadd.s32 $0xFFFFF600  }
0x94: {  	_ =	swait.ge [sflag:s14], $0xA00  }
0x95: {  	[sflag:s14] =	ssyncset.done $0x0  }
0x96: {  	[sflag:s14] =	ssyncadd.s32 $0xFFFFF600  }
0x97: {  	_ =	swait.ge [sflag:s14], $0xA00  }
0x98: {  	[sflag:s14] =	ssyncset.done $0x0  }
0x99: {  	[sflag:s14] =	ssyncadd.s32 $0xFFFFF600  }
0x9a: {  	_ =	swait.ge [sflag:s14], $0xA00  }
0x9b: {  	[sflag:s14] =	ssyncset.done $0x0  }
0x9c: {  	[sflag:s14] =	ssyncadd.s32 $0xFFFFF600  }
0x9d: {  	_ =	swait.ge [sflag:s14], $0xA00  }
0x9e: {  	[sflag:s14] =	ssyncset.done $0x0  }
0x9f: {  	[sflag:s14] =	ssyncadd.s32 $0xFFFFF600  }
0xa0: {  	_ =	swait.ge [sflag:s14], $0xA00  }
0xa1: {  	[sflag:s14] =	ssyncset.done $0x0  }
0xa2: {  	[sflag:s14] =	ssyncadd.s32 $0xFFFFF600  }
0xa3: {  	_ =	swait.ge [sflag:s14], $0xA00  }
0xa4: {  	[sflag:s14] =	ssyncset.done $0x0  }
0xa5: {  	[sflag:s14] =	ssyncadd.s32 $0xFFFFF600  }
0xa6: {  	_ =	swait.ge [sflag:s14], $0xA00  }
0xa7: {  	[sflag:s14] =	ssyncset.done $0x0  }
0xa8: {  	[sflag:s14] =	ssyncadd.s32 $0xFFFFF600  }
0xa9: {  	_ =	swait.ge [sflag:s14], $0xA00  }
0xaa: {  	[sflag:s14] =	ssyncset.done $0x0  }
0xab: {  	[sflag:s14] =	ssyncadd.s32 $0xFFFFF600  }
0xac: {  	_ =	swait.ge [sflag:s14], $0xA00  }
0xad: {  	[sflag:s14] =	ssyncset.done $0x0  }
0xae: {  	[sflag:s14] =	ssyncadd.s32 $0xFFFFF600  }
0xaf: {  	_ =	swait.ge [sflag:s14], $0xA00  }
0xb0: {  	[sflag:s14] =	ssyncset.done $0x0  }
0xb1: {  	[sflag:s14] =	ssyncadd.s32 $0xFFFFF600  }
0xb2: {  	_ =	swait.ge [sflag:s14], $0xA00  }
0xb3: {  	[sflag:s14] =	ssyncset.done $0x0  }
0xb4: {  	[sflag:s14] =	ssyncadd.s32 $0xFFFFF600  }
0xb5: {  	_ =	swait.ge [sflag:s14], $0xA00  }
0xb6: {  	[sflag:s14] =	ssyncset.done $0x0  }
0xb7: {  	[sflag:s14] =	ssyncadd.s32 $0xFFFFF600  }
0xb8: {  	_ =	swait.ge [sflag:s14], $0xA00  }
0xb9: {  	[sflag:s14] =	ssyncset.done $0x0  }
0xba: {  	[sflag:s14] =	ssyncadd.s32 $0xFFFFF600  }
0xbb: {  	_ =	swait.ge [sflag:s14], $0xA00  }
0xbc: {  	[sflag:s14] =	ssyncset.done $0x0  }
0xbd: {  	[sflag:s14] =	ssyncadd.s32 $0xFFFFF600  }
0xbe: {  	_ =	swait.ge [sflag:s14], $0xA00  }
0xbf: {  	[sflag:s14] =	ssyncset.done $0x0  }
0xc0: {  	[sflag:s14] =	ssyncadd.s32 $0xFFFFF600  }
0xc1: {  	_ =	swait.ge [sflag:s14], $0xA00  }
0xc2: {  	[sflag:s14] =	ssyncset.done $0x0  }
0xc3: {  	[sflag:s14] =	ssyncadd.s32 $0xFFFFF600  }
0xc4: {  	_ =	swait.ge [sflag:s14], $0xA00  }
0xc5: {  	[sflag:s14] =	ssyncset.done $0x0  }
0xc6: {  	[sflag:s14] =	ssyncadd.s32 $0xFFFFF600  }
0xc7: {  	_ =	swait.ge [sflag:s14], $0xA00  }
0xc8: {  	[sflag:s14] =	ssyncset.done $0x0  }
0xc9: {  	[sflag:s14] =	ssyncadd.s32 $0xFFFFF600  }
0xca: {  	_ =	swait.ge [sflag:s14], $0xA00  }
0xcb: {  	[sflag:s14] =	ssyncset.done $0x0  }
0xcc: {  	[sflag:s14] =	ssyncadd.s32 $0xFFFFF600  }
0xcd: {  	_ =	swait.ge [sflag:s14], $0xA00  }
0xce: {  	[sflag:s14] =	ssyncset.done $0x0  }
0xcf: {  	[sflag:s14] =	ssyncadd.s32 $0xFFFFF600  }
0xd0: {  	_ =	swait.ge [sflag:s14], $0xA00  }
0xd1: {  	[sflag:s14] =	ssyncset.done $0x0  }
0xd2: {  	[sflag:s14] =	ssyncadd.s32 $0xFFFFF600  }
0xd3: {  	_ =	swait.ge [sflag:s14], $0xA00  }
0xd4: {  	[sflag:s14] =	ssyncset.done $0x0  }
0xd5: {  	[sflag:s14] =	ssyncadd.s32 $0xFFFFF600  }
0xd6: {  	_ =	swait.ge [sflag:s14], $0xA00  }
0xd7: {  	[sflag:s14] =	ssyncset.done $0x0  }
0xd8: {  	[sflag:s14] =	ssyncadd.s32 $0xFFFFF600  }
0xd9: {  	_ =	swait.ge [sflag:s14], $0xA00  }
0xda: {  	[sflag:s14] =	ssyncset.done $0x0  }
0xdb: {  	[sflag:s14] =	ssyncadd.s32 $0xFFFFF600  }
0xdc: {  	[bflag:$0x0] =	sbarrier.arrive $0xFFFF  }
0xdd: {  	[tilespmem:s16], [sflag:$0x1] =	stream.indirect.gather [hbm4b:s1+s15], $0x80, s3, s15, $0xb8;
	[tilespmem:$0x1FF40] =	vst v63  }
0xde: {  	s23 =	simm.s32 $0x68  }
0xdf: {  	[tilespmem:s17], [sflag:$0x2] =	stream.indirect.gather [hbm4b:s1+s15], $0x80, s23, s15, $0xb8;
	[tilespmem:$0x1FF40] =	vst v63  }
0xe0: {  	_ =	swait.ge [sflag:s18], $0x3200  }
0xe1: {  	[sflag:s18] =	ssyncset.done $0x0  }
0xe2: {  	s24 =	simm.s32 $0xD0;
	[sflag:s18] =	ssyncadd.s32 $0xFFFFCE00  }
0xe3: {  	[tilespmem:s16], [sflag:$0x1] =	stream.indirect.gather [hbm4b:s1+s15], $0x80, s24, s15, $0xb8;
	[tilespmem:$0x1FF40] =	vst v63  }
0xe4: {  	_ =	swait.ge [sflag:s14], $0x3200  }
0xe5: {  	s20 =	simm.s32 $0xFFFFD900;
	s21 =	simm.s32 $0xFFFF6740;
	[sflag:s14] =	ssyncset.done $0x0  }
.LBB2_4:
0xe6: {  	s22 =	sadd.s32 $0x2838, s20  }
0xe7: {  	[sflag:s14] =	ssyncadd.s32 $0xFFFFCE00;
	s23 =	smov.u32 s21;
	s24 =	sadd.s32 $0x340, s21  }
0xe8: {  	[tilespmem:s17], [sflag:$0x2] =	stream.indirect.gather [hbm4b:s1+s15], $0x80, s22, s15, $0xb8;
	[tilespmem:$0x1FF40] =	vst v63  }
0xe9: {  	p0 =	sne.s32 s21, $0xFFFFFCC0;
	_ =	swait.ge [sflag:s18], $0x3200  }
.Ltmp1:
0xea: {  	[sflag:s18] =	ssyncset.done $0x0;
	(pc) =	sbr.rel @p0 .LBB2_4-.Ltmp1, $4  }
0xeb: {  	s20 =	sadd.s32 $0x28A0, s20;
	[sflag:s18] =	ssyncadd.s32 $0xFFFFCE00  }
0xec: {  	[tilespmem:s16], [sflag:$0x1] =	stream.indirect.gather [hbm4b:s1+s15], $0x80, s20, s15, $0xb8;
	[tilespmem:$0x1FF40] =	vst v63  }
0xed: {  	_ =	swait.ge [sflag:s14], $0x3200  }
0xee: {  	s21 =	smov.u32 s24;
	s20 =	sshra.s32 s23, $0x2;
	[sflag:s14] =	ssyncset.done $0x0  }
0xef: {  	s21 =	sadd.s32 $0x2838, s20;
	[sflag:s14] =	ssyncadd.s32 $0xFFFFCE00  }
0xf0: {  	[tilespmem:s17], [sflag:$0x2] =	stream.indirect.gather [hbm4b:s1+s15], $0x80, s21, s15, $0xb8;
	[tilespmem:$0x1FF40] =	vst v63  }
0xf1: {  	_ =	swait.ge [sflag:s18], $0x3200  }
0xf2: {  	[sflag:s18] =	ssyncset.done $0x0  }
0xf3: {  	s21 =	sadd.s32 $0x28A0, s20;
	[sflag:s18] =	ssyncadd.s32 $0xFFFFCE00  }
0xf4: {  	[tilespmem:s16], [sflag:$0x1] =	stream.indirect.gather [hbm4b:s1+s15], $0x80, s21, s15, $0xb8;
	[tilespmem:$0x1FF40] =	vst v63  }
0xf5: {  	_ =	swait.ge [sflag:s14], $0x3200  }
0xf6: {  	[sflag:s14] =	ssyncset.done $0x0  }
0xf7: {  	s22 =	simm.s32 $0x2838;
	[sflag:s14] =	ssyncadd.s32 $0xFFFFCE00  }
0xf8: {  	[tilespmem:s17], [sflag:$0x2] =	stream.indirect.gather [hbm4b:s1+s15], $0x80, s22, s15, $0xb8;
	[tilespmem:$0x1FF40] =	vst v63  }
0xf9: {  	_ =	swait.ge [sflag:s18], $0x3200  }
0xfa: {  	[sflag:s18] =	ssyncset.done $0x0  }
0xfb: {  	[sflag:s18] =	ssyncadd.s32 $0xFFFFCE00  }
0xfc: {  	s23 =	stileid.u32;
	_ =	swait.ge [sflag:s14], $0x3200  }
0xfd: {  	s24 =	sshrl.u32 s4, $0x3;
	s19 =	sadd.s32 $0x1, s19;
	[sflag:s14] =	ssyncset.done $0x0  }
0xfe: {  	s20 =	sshll.u32 s23, $0x6;
	p0 =	sne.s32 s19, s11;
	[sflag:s14] =	ssyncadd.s32 $0xFFFFCE00  }
.Ltmp2:
0xff: {  	s20 =	sor.u32 $0x1C03, s20;
	[bflag:$0x0] =	sbarrier.arrive $0xFFFF;
	(pc) =	sbr.rel @p0 .LBB2_1-.Ltmp2, $4  }
0x100: {  	[hbm:s10], [sflag:s20] =	dma.local [spmem:s24], $0x2800  }
0x101: {  	_ =	swait.ge [sflag:s13], $0x2800  }
0x102: {  	[sflag:s13] =	ssyncset.done $0x0  }
0x103: {  	[sflag:s13] =	ssyncadd.s32 $0xFFFFD800  }
0x104: {  	_ =	sfence.sel $0x180000  }
0x105: {  	[bflag:$0x0] =	sbarrier.arrive $0xFFFF  }
0x106: {  	_ =	strace $0x9000004A  }
0x107: {  	s0 =	stileid.u32;
	[bflag:$0x2] =	sbarrier.arrive $0xFFFF  }
0x108: {  	p0 =	sne.s32 s0, $0x0;
	s0 =	rddreg [dreg:$0x3]  }
0x109: {  	s0 =	sadd.s32 @!p0 $0x100000, s0  }
0x10a: {  	[sflag:s0] =	ssyncadd.tile.s32 @!p0 $0x1;
	_ =	shalt  }
.Lfunc_end2:
_tile_overlayer_lowered:
.L_overlay_start_2:
0x10b: {  	(tag) =	ssettag $0x2  }
0x10c: {  	s0 =	rddreg [dreg:$0x0];
	s2 =	stileid.u32  }
0x10d: {  	s1 =	rddreg [dreg:$0x1];
	p0 =	sne.s32 s2, $0x0  }
0x10e: {  	s3 =	rddreg [dreg:$0x2];
	[bflag:$0x3] =	sbarrier.arrive $0xFFFF;
	s2 =	simm.s32 @!p0 $0x1C03  }
0x10f: {  	[timem:s3], [sflag:s2] =	dma.local @!p0 [hbm:s0], s1  }
0x110: {  	s0 =	simm.s32 @!p0 $0x3  }
0x111: {  	_ =	swait.ge @!p0 [sflag:s0], s1  }
0x112: {  	s1 =	ssub.s32 @!p0 $0x0, s1;
	[sflag:s0] =	ssyncset.done @!p0 $0x0  }
0x113: {  	[sflag:s0] =	ssyncadd.s32 @!p0 s1  }
0x114: {  	[bflag:$0x3] =	sbarrier.arrive $0xFFFF  }
0x115: {  	_ =	shalt  }

// kernel: kernel.15.cloned.1.call-start
scs
__scs_entry_jumppad:
0x0: {  	(pc) =	sbr.rel $0x88, $3  }
0x1: {  	(tag) =	ssettag $0x0;
	lr =	simm.s32 $0x1  }
0x2: {  	[smem:$0x3F96] =	sst lr;
	_ =	strace $0xD0000000  }
0x3: {  	_ = 	snop  }
0x4: {  	_ = 	snop  }
0x5: {  	_ = 	snop  }
0x6: {  	_ = 	snop  }
0x7: {  	_ = 	snop  }
__scs_overlays_trampoline_lowered:
0x8: {  	[smem:$0x3FA5] =	sst s0  }
0x9: {  	[smem:$0x3FA6] =	sst s1  }
0xa: {  	[smem:$0x3FA7] =	sst s2  }
0xb: {  	[smem:$0x3FA8] =	sst s3  }
0xc: {  	[smem:$0x3FA9] =	sst s4  }
0xd: {  	[smem:$0x3FAA] =	sst s5  }
0xe: {  	[smem:$0x3FAB] =	sst s6  }
0xf: {  	[smem:$0x3FAC] =	sst s7  }
0x10: {  	[smem:$0x3FAD] =	sst s8  }
0x11: {  	[smem:$0x3FAE] =	sst s9;
	s0 =	simm.s32 @!p0 $0x0  }
0x12: {  	s1 =	sld [smem:$0x3F94];
	s0 =	simm.s32 @p0 $0x1  }
0x13: {  	[smem:$0x3FAF] =	sst s0;
	s0 =	simm.s32 @!p1 $0x0  }
0x14: {  	s2 =	sld [smem:$0x3F93];
	s0 =	simm.s32 @p1 $0x1  }
0x15: {  	[smem:$0x3FB0] =	sst s0;
	s0 =	simm.s32 @!p2 $0x0  }
0x16: {  	s3 =	sld [smem:$0x3FDB];
	s0 =	simm.s32 @p2 $0x1  }
0x17: {  	s4 =	simm.s32 $0x1BF5;
	[smem:$0x3FB2] =	sst s0  }
0x18: {  	s0 =	sld [smem:$0x3F95];
	_ =	swait.ge [sflag:s4], $0x0  }
0x19: {  	s7 =	sld [smem:$0x3F96]  }
0x1a: {  	s8 =	sadd.s32 $0xFFFFE003, lr  }
0x1b: {  	s9 =	sadd.s32 $0xFFFFFEF7, lr;
	s5 =	simm.s32 $0xFFFFFFFF;
	p2 =	slt.u32 s8, $0xFFFFF086  }
0x1c: {  	p1 =	slt.u32 s9, $0xF7A;
	s5 =	simm.s32 @!p2 $0x0  }
0x1d: {  	s5 =	simm.s32 @p1 $0x1;
	p0 =	seq.s32 s7, s2  }
0x1e: {  	s7 =	smul.u32 @!p0 $0xF7A, s2;
	p2 =	seq.s32 @!p0 s5, $0x0  }
0x1f: {  	s9 =	smul.u32 $0xF7A, s1;
	s8 =	simm.s32 @!p0 $0x1BF5;
	p2 =	por !p2, p0  }
0x20: {  	[sflag:s8] =	ssyncset.s32 @!p0 $0xFFFFF086;
	s6 =	sadd.s32 @!p0 s3, s7;
	s7 =	simm.s32 @!p0 $0x108  }
0x21: {  	s3 =	sadd.s32 s3, s9;
	s6 =	sadd.s32 @!p0 $0x88, s6;
	s7 =	simm.s32 @p2 $0x1082  }
0x22: {  	[simem:s7], [sflag:s8] =	dma.local @!p0 [hbm:s6], $0xF7A  }
0x23: {  	s9 =	sor.u32 $0xD0000000, s2;
	s6 =	simm.s32 $0x108;
	_ =	swait.ge @!p0 [sflag:s8], $0x0  }
0x24: {  	s3 =	sadd.s32 $0x88, s3;
	s6 =	simm.s32 @!p1 $0x1082;
	[sflag:s4] =	ssyncset.s32 $0xFFFFF086  }
0x25: {  	[simem:s6], [sflag:s4] =	dma.local [hbm:s3], $0xF7A  }
0x26: {  	[smem:$0x3F96] =	sst s1;
	(tag) =	ssettag s2;
	_ =	strace s9  }
0x27: {  	s1 =	sld [smem:$0x3FA6]  }
0x28: {  	s2 =	sld [smem:$0x3FA7]  }
0x29: {  	s4 =	sld [smem:$0x3FA9]  }
0x2a: {  	p0 =	seq.s32 s5, $0x0;
	s5 =	sld [smem:$0x3FAA]  }
0x2b: {  	s6 =	sld [smem:$0x3FAB]  }
0x2c: {  	s7 =	sld [smem:$0x3FAC]  }
0x2d: {  	s3 =	simm.s32 $0x108;
	s8 =	sld [smem:$0x3FAD]  }
0x2e: {  	s3 =	simm.s32 @!p0 $0x1082;
	s9 =	sld [smem:$0x3FAE]  }
0x2f: {  	lr =	sadd.s32 s0, s3;
	s0 =	sld [smem:$0x3FA5]  }
0x30: {  	s3 =	sld [smem:$0x3FA8]  }
0x31: {  	[smem:$0x3FB1] =	sst s10  }
0x32: {  	s10 =	sld [smem:$0x3FAF];
	_ =	sdelay $0x3  }
0x33: {  	p0 =	seq.s32 s10, $0x1;
	s10 =	sld [smem:$0x3FB1];
	_ =	sdelay $0x3  }
0x34: {  	[smem:$0x3FB1] =	sst s10  }
0x35: {  	s10 =	sld [smem:$0x3FB0];
	_ =	sdelay $0x3  }
0x36: {  	p1 =	seq.s32 s10, $0x1;
	s10 =	sld [smem:$0x3FB1];
	_ =	sdelay $0x3  }
0x37: {  	[smem:$0x3FB1] =	sst s10  }
0x38: {  	s10 =	sld [smem:$0x3FB2]  }
0x39: {  	_ = 	snop;
	(pc) =	sbr.ind lr, $3  }
0x3a: {  	_ = 	snop  }
0x3b: {  	_ = 	snop  }
0x3c: {  	p2 =	seq.s32 s10, $0x1;
	s10 =	sld [smem:$0x3FB1]  }
0x3d: {  	_ =	shalt  }
0x3e: {  	_ =	shalt  }
0x3f: {  	_ =	shalt  }
0x40: {  	_ =	shalt  }
0x41: {  	_ =	shalt  }
0x42: {  	_ =	shalt  }
0x43: {  	_ =	shalt  }
0x44: {  	_ =	shalt  }
0x45: {  	_ =	shalt  }
0x46: {  	_ =	shalt  }
0x47: {  	_ =	shalt  }
0x48: {  	_ =	shalt  }
0x49: {  	_ =	shalt  }
0x4a: {  	_ =	shalt  }
0x4b: {  	_ =	shalt  }
0x4c: {  	_ =	shalt  }
0x4d: {  	_ =	shalt  }
0x4e: {  	_ =	shalt  }
0x4f: {  	_ =	shalt  }
0x50: {  	_ =	shalt  }
0x51: {  	_ =	shalt  }
0x52: {  	_ =	shalt  }
0x53: {  	_ =	shalt  }
0x54: {  	_ =	shalt  }
0x55: {  	_ =	shalt  }
0x56: {  	_ =	shalt  }
0x57: {  	_ =	shalt  }
0x58: {  	_ =	shalt  }
0x59: {  	_ =	shalt  }
0x5a: {  	_ =	shalt  }
0x5b: {  	_ =	shalt  }
0x5c: {  	_ =	shalt  }
0x5d: {  	_ =	shalt  }
0x5e: {  	_ =	shalt  }
0x5f: {  	_ =	shalt  }
0x60: {  	_ =	shalt  }
0x61: {  	_ =	shalt  }
0x62: {  	_ =	shalt  }
0x63: {  	_ =	shalt  }
0x64: {  	_ =	shalt  }
0x65: {  	_ =	shalt  }
0x66: {  	_ =	shalt  }
0x67: {  	_ =	shalt  }
0x68: {  	_ =	shalt  }
0x69: {  	_ =	shalt  }
0x6a: {  	_ =	shalt  }
0x6b: {  	_ =	shalt  }
0x6c: {  	_ =	shalt  }
0x6d: {  	_ =	shalt  }
0x6e: {  	_ =	shalt  }
0x6f: {  	_ =	shalt  }
0x70: {  	_ =	shalt  }
0x71: {  	_ =	shalt  }
0x72: {  	_ =	shalt  }
0x73: {  	_ =	shalt  }
0x74: {  	_ =	shalt  }
0x75: {  	_ =	shalt  }
0x76: {  	_ =	shalt  }
0x77: {  	_ =	shalt  }
0x78: {  	_ =	shalt  }
0x79: {  	_ =	shalt  }
0x7a: {  	_ =	shalt  }
0x7b: {  	_ =	shalt  }
0x7c: {  	_ =	shalt  }
0x7d: {  	_ =	shalt  }
0x7e: {  	_ =	shalt  }
0x7f: {  	_ =	shalt  }
0x80: {  	_ =	shalt  }
0x81: {  	_ =	shalt  }
0x82: {  	_ =	shalt  }
0x83: {  	_ =	shalt  }
0x84: {  	_ =	shalt  }
0x85: {  	_ =	shalt  }
0x86: {  	_ =	shalt  }
0x87: {  	_ =	shalt  }
.Lfunc_end0:
.L_simem_size_0:
called_computation.2_lowered:
.L_overlay_start_0:
0x88: {  	s2 =	sld [smem:$0x3FD9]  }
0x89: {  	s3 =	sld [smem:$0x3FFE];
	_ =	sdelay $0x1  }
0x8a: {  	s1 =	srdreg.scid  }
0x8b: {  	s0 =	sand.u32 $0x1, s1  }
0x8c: {  	s17 =	sshll.u32 s0, $0xA;
	s2 =	sadd.s32 s3, s2  }
0x8d: {  	s2 =	sadd.s32 s2, s17  }
0x8e: {  	[smem:$0x3FBD] =	sst s2  }
0x8f: {  	_ = 	snop  }
0x90: {  	s2 =	sld [smem:$0x3FD0];
	(tm) =	ssettm $0x1  }
0x91: {  	s18 =	sld [smem:$0x3FFB];
	_ =	sdelay $0x3  }
0x92: {  	_ =	strace s18  }
0x93: {  	s3 =	sld [smem:$0x3FFC];
	_ =	sdelay $0x3  }
0x94: {  	_ =	strace s3  }
0x95: {  	s3 =	sld [smem:$0x3FFD];
	_ =	sdelay $0x3  }
0x96: {  	_ =	strace s3  }
0x97: {  	_ =	strace $0x8FFFFFFF  }
0x98: {  	s19 =	sld [smem:$0x3FDB];
	_ =	sdelay $0x1  }
0x99: {  	s4 =	simm.s32 $_scs_section_size  }
0x9a: {  	s5 =	simm.s32 $_size__tile_overlayer_lowered;
	s6 =	simm.s32 $_tile_overlayer_lowered  }
0x9b: {  	s22 =	simm.s32 $0x1BFF;
	s21 =	sshll.u32 s6, $0x1;
	s3 =	sadd.s32 s4, s19  }
0x9c: {  	s7 =	simm.s32 $0x0;
	s20 =	sshll.u32 s5, $0x1;
	s5 =	sadd.s32 s21, s3  }
0x9d: {  	[timem:s7], [sflag:s22] =	dma.local [hbm:s5], s20  }
0x9e: {  	_ =	swait.ge [sflag:s22], s20  }
0x9f: {  	s4 =	ssub.s32 $0x0, s20;
	[sflag:s22] =	ssyncset.done $0x0  }
0xa0: {  	[sflag:s22] =	ssyncadd.s32 s4;
	_ =	sdelay $0x1  }
0xa1: {  	s23 =	simm.s32 $0x1B8B  }
0xa2: {  	_ =	swait.ge [sflag:s23], $0x1  }
0xa3: {  	[sflag:s23] =	ssyncset.done $0x0  }
0xa4: {  	s25 =	simm.s32 $0x1B8E;
	s24 =	sld [smem:$0x3FFE];
	[sflag:s23] =	ssyncadd.s32 $0xFFFFFFFF  }
0xa5: {  	s26 =	simm.s32 $execute0_lowered;
	[smem:$0x3FD2] =	sst s25  }
0xa6: {  	s5 =	sshll.u32 s26, $0x1;
	_ =	strace $0x8000004C;
	[dreg:$0x1] =	wrdreg $0xFFFFFFFF  }
0xa7: {  	s28 =	simm.s32 $_size_execute0_lowered;
	s3 =	sadd.s32 s3, s5;
	[dreg:$0x0] =	wrdreg $0x0  }
0xa8: {  	s5 =	sshll.u32 s28, $0x1;
	[dreg:$0x2] =	wrdreg s3  }
0xa9: {  	[dreg:$0x3] =	wrdreg s5  }
0xaa: {  	[dreg:$0x4] =	wrdreg $0xC0  }
0xab: {  	_ =	task [dreg:s7], $0x5FFFF  }
0xac: {  	[dreg:$0x1] =	wrdreg $0xFFFFFFFF  }
0xad: {  	[dreg:$0x0] =	wrdreg $0x60  }
0xae: {  	[dreg:$0x2] =	wrdreg s2  }
0xaf: {  	[dreg:$0x3] =	wrdreg s24  }
0xb0: {  	[dreg:$0x4] =	wrdreg $0xBF400  }
0xb1: {  	[dreg:$0x5] =	wrdreg $0x9  }
0xb2: {  	_ =	task.clear_ibuf [dreg:s7], $0x6FFFF;
	_ =	strace $0x9000004C  }
0xb3: {  	s29 =	simm.s32 $0x9;
	_ =	strace $0x8000004E  }
0xb4: {  	_ =	swait.ge [sflag:s29], $0x1  }
0xb5: {  	[sflag:s29] =	ssyncadd.s32 $0xFFFFFFFF  }
0xb6: {  	_ =	strace $0x9000004E  }
0xb7: {  	_ =	sfence  }
0xb8: {  	s30 =	sld [smem:$0x0];
	_ =	sdelay $0x2  }
0xb9: {  	s31 =	sshll.u32 s1, $0xD;
	s1 =	sshrl.u32 s1, $0x2  }
0xba: {  	s3 =	sand.u32 $0x4000, s31;
	s1 =	sadd.s32 s1, s30  }
0xbb: {  	s0 =	sor.u32 s3, s0;
	s1 =	sshll.u32 s1, $0x11  }
0xbc: {  	s0 =	sor.u32 s1, s0  }
0xbd: {  	s0 =	sadd.s32 $0x8F2B, s0  }
0xbe: {  	[sflag:s0] =	ssyncadd.remote.s32 $0x1  }
0xbf: {  	_ =	sfence.sel $0xFFFF  }
0xc0: {  	[dreg:$0x0] =	wrdreg $0xFFFFFFFF;
	(pc) =	sbr.abs _section_cstart, $3  }
0xc1: {  	[dreg:$0x1] =	wrdreg $0xFFFFFFFF  }
0xc2: {  	_ =	task.clear_ibuf [dreg:s7], $0x2FFFF;
	_ =	strace $0x9FFFFFFF  }
0xc3: {  	(tm) =	ssettm $0x7FFFFFFF  }
tec
execute0_lowered:
.L_overlay_start_1:
0x0: {  	(tag) =	ssettag $0x1  }
0x1: {  	s1 =	rddreg [dreg:$0x0]  }
0x2: {  	s0 =	rddreg [dreg:$0x1];
	s8 =	stileid.u32  }
0x3: {  	s3 =	srdreg.scid;
	s6 =	smul.u32 $0x14000, s8  }
0x4: {  	s4 =	sand.u32 $0x1, s3;
	s5 =	sshll.u32 s8, $0x1;
	s8 =	smul.u32 $0x50000, s8  }
0x5: {  	s2 =	rddreg [dreg:$0x2];
	s3 =	simm.s32 $0x0;
	s7 =	smul.u32 $0x140000, s4  }
0x6: {  	s5 =	sor.u32 s4, s5;
	[smem:$0x7FF] =	sst s3;
	s4 =	ssub.s32 $0x2, s4  }
0x7: {  	s5 =	smul.u32 $0x514, s5;
	s25 =	sshrl.u32 s8, $0x2;
	s7 =	sadd.s32 s6, s7  }
0x8: {  	s24 =	sshrl.u32 s4, $0x1;
	s23 =	sshrl.u32 s7, $0x3;
	s7 =	sadd.s32 s25, s2  }
0x9: {  	_ =	strace $0x8000004D;
	s11 =	ssub.s32 s4, s24;
	s26 =	sadd.s32 $0xA00, s7  }
0xa: {  	s4 =	sadd.s32 s6, s2;
	s2 =	sadd.s32 $0x1400, s7;
	[dreg:$0x4] =	wrdreg s26  }
0xb: {  	s9 =	sadd.s32 s5, s0;
	s5 =	sadd.s32 $0x1E00, s7;
	[dreg:$0x5] =	wrdreg s2  }
0xc: {  	s6 =	sadd.s32 $0x2800, s7;
	[dreg:$0x6] =	wrdreg s5  }
0xd: {  	s8 =	sadd.s32 $0x3200, s7;
	[dreg:$0x7] =	wrdreg s6  }
0xe: {  	s12 =	sadd.s32 $0x3C00, s7;
	[dreg:$0x8] =	wrdreg s8  }
0xf: {  	s13 =	sadd.s32 $0x4600, s7;
	[dreg:$0x9] =	wrdreg s12  }
0x10: {  	s14 =	sadd.s32 $0x5000, s7;
	[dreg:$0xa] =	wrdreg s13  }
0x11: {  	s15 =	sadd.s32 $0x5A00, s7;
	[dreg:$0xb] =	wrdreg s14  }
0x12: {  	s16 =	sadd.s32 $0x6400, s7;
	[dreg:$0xc] =	wrdreg s15  }
0x13: {  	s17 =	sadd.s32 $0x6E00, s7;
	[dreg:$0xd] =	wrdreg s16  }
0x14: {  	s18 =	sadd.s32 $0x7800, s7;
	[dreg:$0xe] =	wrdreg s17  }
0x15: {  	s19 =	sadd.s32 $0x8200, s7;
	[dreg:$0xf] =	wrdreg s18  }
0x16: {  	s11 =	smax.u32 s11, $0x1;
	s20 =	sadd.s32 $0x8C00, s7;
	[dreg:$0x10] =	wrdreg s19  }
0x17: {  	s10 =	sadd.s32 s23, s0;
	s21 =	sadd.s32 $0x9600, s7;
	[dreg:$0x11] =	wrdreg s20  }
0x18: {  	s22 =	sadd.s32 $0xA000, s7;
	s23 =	sadd.s32 $0xAA00, s7;
	[dreg:$0x12] =	wrdreg s21  }
0x19: {  	s24 =	sadd.s32 $0xB400, s7;
	s25 =	sadd.s32 $0xBE00, s7;
	[dreg:$0x13] =	wrdreg s22  }
0x1a: {  	s28 =	sadd.s32 $0xE600, s7;
	s29 =	sadd.s32 $0xF000, s7;
	[dreg:$0x14] =	wrdreg s23  }
0x1b: {  	s30 =	sadd.s32 $0xFA00, s7;
	s31 =	sadd.s32 $0x10400, s7;
	[dreg:$0x15] =	wrdreg s24  }
0x1c: {  	s0 =	sadd.s32 $0x10E00, s7;
	[dreg:$0x16] =	wrdreg s25;
	s26 =	sadd.s32 $0xC800, s7  }
0x1d: {  	s25 =	sadd.s32 $0xD200, s7;
	s2 =	sadd.s32 $0x11800, s7;
	s5 =	sadd.s32 $0x12200, s7  }
0x1e: {  	s6 =	sadd.s32 $0x12C00, s7;
	s8 =	sadd.s32 $0xE000, s9;
	s9 =	sadd.s32 $0x3C00, s9  }
0x1f: {  	s10 =	sadd.s32 $0x18400, s10;
	s12 =	simm.s32 $0xB540;
	s13 =	simm.s32 $0x3  }
0x20: {  	s14 =	simm.s32 $0x2;
	s15 =	simm.s32 $0x64;
	s16 =	simm.s32 $0x5140  }
0x21: {  	s17 =	simm.s32 $0x8340;
	s18 =	simm.s32 $0x1;
	s19 =	simm.s32 $0x0  }
0x22: {  	v0 =	vimm.f32 $0.0e+00;
	[dreg:$0x17] =	wrdreg s26;
	s26 =	sadd.s32 $0xDC00, s7;
	s7 =	sadd.s32 $0x13600, s7  }
.LBB2_1:
0x23: {  	s20 =	simm.s32 $0x0;
	s21 =	simm.s32 $0x200  }
.LBB2_2:
0x24: {  	p0 =	sne.s32 s21, $0x2600;
	[tilespmem:s20+$0xB5B0] =	vst v0  }
0x25: {  	[tilespmem:s20+$0xB540] =	vst v0  }
0x26: {  	[tilespmem:s20+$0xB550] =	vst v0  }
.Ltmp0:
0x27: {  	[tilespmem:s20+$0xB560] =	vst v0;
	(pc) =	sbr.rel @p0 .LBB2_2-.Ltmp0, $4  }
0x28: {  	[tilespmem:s20+$0xB570] =	vst v0  }
0x29: {  	[tilespmem:s20+$0xB580] =	vst v0  }
0x2a: {  	[tilespmem:s20+$0xB590] =	vst v0  }
0x2b: {  	[tilespmem:s20+$0xB5A0] =	vst v0;
	s20 =	sshra.s32 s21, $0x2;
	s21 =	sadd.s32 $0x200, s21  }
0x2c: {  	[tilespmem:s20+$0xB5B0] =	vst v0  }
0x2d: {  	[tilespmem:s20+$0xB540] =	vst v0  }
0x2e: {  	[tilespmem:s20+$0xB550] =	vst v0  }
0x2f: {  	[tilespmem:s20+$0xB560] =	vst v0  }
0x30: {  	[tilespmem:s20+$0xB570] =	vst v0  }
0x31: {  	[tilespmem:s20+$0xB580] =	vst v0  }
0x32: {  	[tilespmem:s20+$0xB590] =	vst v0  }
0x33: {  	[tilespmem:s20+$0xB5A0] =	vst v0  }
0x34: {  	[spmem:s4] =	stream.linear.scatter [tilespmem:s12], [sflag:$0x2], $0xA00, $0x38;
	[tilespmem:$0x1FF40] =	vst v63  }
0x35: {  	s22 =	rddreg [dreg:$0x4]  }
0x36: {  	[spmem:s22] =	stream.linear.scatter [tilespmem:s12], [sflag:$0x2], $0xA00, $0x38;
	[tilespmem:$0x1FF40] =	vst v63  }
0x37: {  	s23 =	rddreg [dreg:$0x5]  }
0x38: {  	[spmem:s23] =	stream.linear.scatter [tilespmem:s12], [sflag:$0x2], $0xA00, $0x38;
	[tilespmem:$0x1FF40] =	vst v63  }
0x39: {  	s24 =	rddreg [dreg:$0x6]  }
0x3a: {  	[spmem:s24] =	stream.linear.scatter [tilespmem:s12], [sflag:$0x2], $0xA00, $0x38;
	[tilespmem:$0x1FF40] =	vst v63  }
0x3b: {  	s21 =	rddreg [dreg:$0x7]  }
0x3c: {  	[spmem:s21] =	stream.linear.scatter [tilespmem:s12], [sflag:$0x2], $0xA00, $0x38;
	[tilespmem:$0x1FF40] =	vst v63  }
0x3d: {  	s22 =	rddreg [dreg:$0x8]  }
0x3e: {  	[spmem:s22] =	stream.linear.scatter [tilespmem:s12], [sflag:$0x2], $0xA00, $0x38;
	[tilespmem:$0x1FF40] =	vst v63  }
0x3f: {  	s23 =	rddreg [dreg:$0x9]  }
0x40: {  	[spmem:s23] =	stream.linear.scatter [tilespmem:s12], [sflag:$0x2], $0xA00, $0x38;
	[tilespmem:$0x1FF40] =	vst v63  }
0x41: {  	s24 =	rddreg [dreg:$0xa]  }
0x42: {  	[spmem:s24] =	stream.linear.scatter [tilespmem:s12], [sflag:$0x2], $0xA00, $0x38;
	[tilespmem:$0x1FF40] =	vst v63  }
0x43: {  	s21 =	rddreg [dreg:$0xb]  }
0x44: {  	[spmem:s21] =	stream.linear.scatter [tilespmem:s12], [sflag:$0x2], $0xA00, $0x38;
	[tilespmem:$0x1FF40] =	vst v63  }
0x45: {  	s22 =	rddreg [dreg:$0xc]  }
0x46: {  	[spmem:s22] =	stream.linear.scatter [tilespmem:s12], [sflag:$0x2], $0xA00, $0x38;
	[tilespmem:$0x1FF40] =	vst v63  }
0x47: {  	s23 =	rddreg [dreg:$0xd]  }
0x48: {  	[spmem:s23] =	stream.linear.scatter [tilespmem:s12], [sflag:$0x2], $0xA00, $0x38;
	[tilespmem:$0x1FF40] =	vst v63  }
0x49: {  	s24 =	rddreg [dreg:$0xe]  }
0x4a: {  	[spmem:s24] =	stream.linear.scatter [tilespmem:s12], [sflag:$0x2], $0xA00, $0x38;
	[tilespmem:$0x1FF40] =	vst v63  }
0x4b: {  	s21 =	rddreg [dreg:$0xf]  }
0x4c: {  	[spmem:s21] =	stream.linear.scatter [tilespmem:s12], [sflag:$0x2], $0xA00, $0x38;
	[tilespmem:$0x1FF40] =	vst v63  }
0x4d: {  	s22 =	rddreg [dreg:$0x10]  }
0x4e: {  	[spmem:s22] =	stream.linear.scatter [tilespmem:s12], [sflag:$0x2], $0xA00, $0x38;
	[tilespmem:$0x1FF40] =	vst v63  }
0x4f: {  	s23 =	rddreg [dreg:$0x11]  }
0x50: {  	[spmem:s23] =	stream.linear.scatter [tilespmem:s12], [sflag:$0x2], $0xA00, $0x38;
	[tilespmem:$0x1FF40] =	vst v63  }
0x51: {  	s24 =	rddreg [dreg:$0x12]  }
0x52: {  	[spmem:s24] =	stream.linear.scatter [tilespmem:s12], [sflag:$0x2], $0xA00, $0x38;
	[tilespmem:$0x1FF40] =	vst v63  }
0x53: {  	s21 =	rddreg [dreg:$0x13]  }
0x54: {  	[spmem:s21] =	stream.linear.scatter [tilespmem:s12], [sflag:$0x2], $0xA00, $0x38;
	[tilespmem:$0x1FF40] =	vst v63  }
0x55: {  	s22 =	rddreg [dreg:$0x14]  }
0x56: {  	[spmem:s22] =	stream.linear.scatter [tilespmem:s12], [sflag:$0x2], $0xA00, $0x38;
	[tilespmem:$0x1FF40] =	vst v63  }
0x57: {  	s23 =	rddreg [dreg:$0x15]  }
0x58: {  	[spmem:s23] =	stream.linear.scatter [tilespmem:s12], [sflag:$0x2], $0xA00, $0x38;
	[tilespmem:$0x1FF40] =	vst v63  }
0x59: {  	s24 =	rddreg [dreg:$0x16]  }
0x5a: {  	[spmem:s24] =	stream.linear.scatter [tilespmem:s12], [sflag:$0x2], $0xA00, $0x38;
	[tilespmem:$0x1FF40] =	vst v63  }
0x5b: {  	s21 =	rddreg [dreg:$0x17]  }
0x5c: {  	[spmem:s21] =	stream.linear.scatter [tilespmem:s12], [sflag:$0x2], $0xA00, $0x38;
	[tilespmem:$0x1FF40] =	vst v63  }
0x5d: {  	_ = 	snop  }
0x5e: {  	[spmem:s25] =	stream.linear.scatter [tilespmem:s12], [sflag:$0x2], $0xA00, $0x38;
	[tilespmem:$0x1FF40] =	vst v63  }
0x5f: {  	_ = 	snop  }
0x60: {  	[spmem:s26] =	stream.linear.scatter [tilespmem:s12], [sflag:$0x2], $0xA00, $0x38;
	[tilespmem:$0x1FF40] =	vst v63  }
0x61: {  	_ = 	snop  }
0x62: {  	[spmem:s28] =	stream.linear.scatter [tilespmem:s12], [sflag:$0x2], $0xA00, $0x38;
	[tilespmem:$0x1FF40] =	vst v63  }
0x63: {  	_ = 	snop  }
0x64: {  	[spmem:s29] =	stream.linear.scatter [tilespmem:s12], [sflag:$0x2], $0xA00, $0x38;
	[tilespmem:$0x1FF40] =	vst v63  }
0x65: {  	_ = 	snop  }
0x66: {  	[spmem:s30] =	stream.linear.scatter [tilespmem:s12], [sflag:$0x2], $0xA00, $0x38;
	[tilespmem:$0x1FF40] =	vst v63  }
0x67: {  	_ = 	snop  }
0x68: {  	[spmem:s31] =	stream.linear.scatter [tilespmem:s12], [sflag:$0x2], $0xA00, $0x38;
	[tilespmem:$0x1FF40] =	vst v63  }
0x69: {  	_ = 	snop  }
0x6a: {  	[spmem:s0] =	stream.linear.scatter [tilespmem:s12], [sflag:$0x2], $0xA00, $0x38;
	[tilespmem:$0x1FF40] =	vst v63  }
0x6b: {  	_ = 	snop  }
0x6c: {  	[spmem:s2] =	stream.linear.scatter [tilespmem:s12], [sflag:$0x2], $0xA00, $0x38;
	[tilespmem:$0x1FF40] =	vst v63  }
0x6d: {  	_ = 	snop  }
0x6e: {  	[spmem:s5] =	stream.linear.scatter [tilespmem:s12], [sflag:$0x2], $0xA00, $0x38;
	[tilespmem:$0x1FF40] =	vst v63  }
0x6f: {  	_ = 	snop  }
0x70: {  	[spmem:s6] =	stream.linear.scatter [tilespmem:s12], [sflag:$0x2], $0xA00, $0x38;
	[tilespmem:$0x1FF40] =	vst v63  }
0x71: {  	_ = 	snop  }
0x72: {  	[spmem:s7] =	stream.linear.scatter [tilespmem:s12], [sflag:$0x2], $0xA00, $0x38;
	[tilespmem:$0x1FF40] =	vst v63  }
0x73: {  	_ = 	snop  }
0x74: {  	[tilespmem:s3], [sflag:$0x3] =	stream.linear.gather [hbm4b:s8+s3], $0x28A0, $0x38;
	[tilespmem:$0x1FF40] =	vst v63  }
0x75: {  	_ =	swait.ge [sflag:s13], $0x28A0  }
0x76: {  	[sflag:s13] =	ssyncset.done $0x0  }
0x77: {  	s22 =	simm.s32 $0x28A0;
	[sflag:s13] =	ssyncadd.s32 $0xFFFFD760  }
0x78: {  	[tilespmem:s22], [sflag:$0x3] =	stream.linear.gather [hbm4b:s9+s3], $0x28A0, $0x38;
	[tilespmem:$0x1FF40] =	vst v63  }
0x79: {  	_ =	swait.ge [sflag:s13], $0x28A0  }
0x7a: {  	[sflag:s13] =	ssyncset.done $0x0  }
0x7b: {  	[sflag:s13] =	ssyncadd.s32 $0xFFFFD760  }
0x7c: {  	_ =	swait.ge [sflag:s14], $0xA00  }
0x7d: {  	[sflag:s14] =	ssyncset.done $0x0  }
0x7e: {  	[sflag:s14] =	ssyncadd.s32 $0xFFFFF600  }
0x7f: {  	_ =	swait.ge [sflag:s14], $0xA00  }
0x80: {  	[sflag:s14] =	ssyncset.done $0x0  }
0x81: {  	[sflag:s14] =	ssyncadd.s32 $0xFFFFF600  }
0x82: {  	_ =	swait.ge [sflag:s14], $0xA00  }
0x83: {  	[sflag:s14] =	ssyncset.done $0x0  }
0x84: {  	[sflag:s14] =	ssyncadd.s32 $0xFFFFF600  }
0x85: {  	_ =	swait.ge [sflag:s14], $0xA00  }
0x86: {  	[sflag:s14] =	ssyncset.done $0x0  }
0x87: {  	[sflag:s14] =	ssyncadd.s32 $0xFFFFF600  }
0x88: {  	_ =	swait.ge [sflag:s14], $0xA00  }
0x89: {  	[sflag:s14] =	ssyncset.done $0x0  }
0x8a: {  	[sflag:s14] =	ssyncadd.s32 $0xFFFFF600  }
0x8b: {  	_ =	swait.ge [sflag:s14], $0xA00  }
0x8c: {  	[sflag:s14] =	ssyncset.done $0x0  }
0x8d: {  	[sflag:s14] =	ssyncadd.s32 $0xFFFFF600  }
0x8e: {  	_ =	swait.ge [sflag:s14], $0xA00  }
0x8f: {  	[sflag:s14] =	ssyncset.done $0x0  }
0x90: {  	[sflag:s14] =	ssyncadd.s32 $0xFFFFF600  }
0x91: {  	_ =	swait.ge [sflag:s14], $0xA00  }
0x92: {  	[sflag:s14] =	ssyncset.done $0x0  }
0x93: {  	[sflag:s14] =	ssyncadd.s32 $0xFFFFF600  }
0x94: {  	_ =	swait.ge [sflag:s14], $0xA00  }
0x95: {  	[sflag:s14] =	ssyncset.done $0x0  }
0x96: {  	[sflag:s14] =	ssyncadd.s32 $0xFFFFF600  }
0x97: {  	_ =	swait.ge [sflag:s14], $0xA00  }
0x98: {  	[sflag:s14] =	ssyncset.done $0x0  }
0x99: {  	[sflag:s14] =	ssyncadd.s32 $0xFFFFF600  }
0x9a: {  	_ =	swait.ge [sflag:s14], $0xA00  }
0x9b: {  	[sflag:s14] =	ssyncset.done $0x0  }
0x9c: {  	[sflag:s14] =	ssyncadd.s32 $0xFFFFF600  }
0x9d: {  	_ =	swait.ge [sflag:s14], $0xA00  }
0x9e: {  	[sflag:s14] =	ssyncset.done $0x0  }
0x9f: {  	[sflag:s14] =	ssyncadd.s32 $0xFFFFF600  }
0xa0: {  	_ =	swait.ge [sflag:s14], $0xA00  }
0xa1: {  	[sflag:s14] =	ssyncset.done $0x0  }
0xa2: {  	[sflag:s14] =	ssyncadd.s32 $0xFFFFF600  }
0xa3: {  	_ =	swait.ge [sflag:s14], $0xA00  }
0xa4: {  	[sflag:s14] =	ssyncset.done $0x0  }
0xa5: {  	[sflag:s14] =	ssyncadd.s32 $0xFFFFF600  }
0xa6: {  	_ =	swait.ge [sflag:s14], $0xA00  }
0xa7: {  	[sflag:s14] =	ssyncset.done $0x0  }
0xa8: {  	[sflag:s14] =	ssyncadd.s32 $0xFFFFF600  }
0xa9: {  	_ =	swait.ge [sflag:s14], $0xA00  }
0xaa: {  	[sflag:s14] =	ssyncset.done $0x0  }
0xab: {  	[sflag:s14] =	ssyncadd.s32 $0xFFFFF600  }
0xac: {  	_ =	swait.ge [sflag:s14], $0xA00  }
0xad: {  	[sflag:s14] =	ssyncset.done $0x0  }
0xae: {  	[sflag:s14] =	ssyncadd.s32 $0xFFFFF600  }
0xaf: {  	_ =	swait.ge [sflag:s14], $0xA00  }
0xb0: {  	[sflag:s14] =	ssyncset.done $0x0  }
0xb1: {  	[sflag:s14] =	ssyncadd.s32 $0xFFFFF600  }
0xb2: {  	_ =	swait.ge [sflag:s14], $0xA00  }
0xb3: {  	[sflag:s14] =	ssyncset.done $0x0  }
0xb4: {  	[sflag:s14] =	ssyncadd.s32 $0xFFFFF600  }
0xb5: {  	_ =	swait.ge [sflag:s14], $0xA00  }
0xb6: {  	[sflag:s14] =	ssyncset.done $0x0  }
0xb7: {  	[sflag:s14] =	ssyncadd.s32 $0xFFFFF600  }
0xb8: {  	_ =	swait.ge [sflag:s14], $0xA00  }
0xb9: {  	[sflag:s14] =	ssyncset.done $0x0  }
0xba: {  	[sflag:s14] =	ssyncadd.s32 $0xFFFFF600  }
0xbb: {  	_ =	swait.ge [sflag:s14], $0xA00  }
0xbc: {  	[sflag:s14] =	ssyncset.done $0x0  }
0xbd: {  	[sflag:s14] =	ssyncadd.s32 $0xFFFFF600  }
0xbe: {  	_ =	swait.ge [sflag:s14], $0xA00  }
0xbf: {  	[sflag:s14] =	ssyncset.done $0x0  }
0xc0: {  	[sflag:s14] =	ssyncadd.s32 $0xFFFFF600  }
0xc1: {  	_ =	swait.ge [sflag:s14], $0xA00  }
0xc2: {  	[sflag:s14] =	ssyncset.done $0x0  }
0xc3: {  	[sflag:s14] =	ssyncadd.s32 $0xFFFFF600  }
0xc4: {  	_ =	swait.ge [sflag:s14], $0xA00  }
0xc5: {  	[sflag:s14] =	ssyncset.done $0x0  }
0xc6: {  	[sflag:s14] =	ssyncadd.s32 $0xFFFFF600  }
0xc7: {  	_ =	swait.ge [sflag:s14], $0xA00  }
0xc8: {  	[sflag:s14] =	ssyncset.done $0x0  }
0xc9: {  	[sflag:s14] =	ssyncadd.s32 $0xFFFFF600  }
0xca: {  	_ =	swait.ge [sflag:s14], $0xA00  }
0xcb: {  	[sflag:s14] =	ssyncset.done $0x0  }
0xcc: {  	[sflag:s14] =	ssyncadd.s32 $0xFFFFF600  }
0xcd: {  	_ =	swait.ge [sflag:s14], $0xA00  }
0xce: {  	[sflag:s14] =	ssyncset.done $0x0  }
0xcf: {  	[sflag:s14] =	ssyncadd.s32 $0xFFFFF600  }
0xd0: {  	_ =	swait.ge [sflag:s14], $0xA00  }
0xd1: {  	[sflag:s14] =	ssyncset.done $0x0  }
0xd2: {  	[sflag:s14] =	ssyncadd.s32 $0xFFFFF600  }
0xd3: {  	_ =	swait.ge [sflag:s14], $0xA00  }
0xd4: {  	[sflag:s14] =	ssyncset.done $0x0  }
0xd5: {  	[sflag:s14] =	ssyncadd.s32 $0xFFFFF600  }
0xd6: {  	_ =	swait.ge [sflag:s14], $0xA00  }
0xd7: {  	[sflag:s14] =	ssyncset.done $0x0  }
0xd8: {  	[sflag:s14] =	ssyncadd.s32 $0xFFFFF600  }
0xd9: {  	_ =	swait.ge [sflag:s14], $0xA00  }
0xda: {  	[sflag:s14] =	ssyncset.done $0x0  }
0xdb: {  	[sflag:s14] =	ssyncadd.s32 $0xFFFFF600  }
0xdc: {  	[bflag:$0x0] =	sbarrier.arrive $0xFFFF  }
0xdd: {  	[tilespmem:s16], [sflag:$0x1] =	stream.indirect.gather [hbm4b:s1+s15], $0x80, s3, s15, $0xb8;
	[tilespmem:$0x1FF40] =	vst v63  }
0xde: {  	s23 =	simm.s32 $0x68  }
0xdf: {  	[tilespmem:s17], [sflag:$0x2] =	stream.indirect.gather [hbm4b:s1+s15], $0x80, s23, s15, $0xb8;
	[tilespmem:$0x1FF40] =	vst v63  }
0xe0: {  	_ =	swait.ge [sflag:s18], $0x3200  }
0xe1: {  	[sflag:s18] =	ssyncset.done $0x0  }
0xe2: {  	s24 =	simm.s32 $0xD0;
	[sflag:s18] =	ssyncadd.s32 $0xFFFFCE00  }
0xe3: {  	[tilespmem:s16], [sflag:$0x1] =	stream.indirect.gather [hbm4b:s1+s15], $0x80, s24, s15, $0xb8;
	[tilespmem:$0x1FF40] =	vst v63  }
0xe4: {  	_ =	swait.ge [sflag:s14], $0x3200  }
0xe5: {  	s20 =	simm.s32 $0xFFFFD900;
	s21 =	simm.s32 $0xFFFF6740;
	[sflag:s14] =	ssyncset.done $0x0  }
.LBB2_4:
0xe6: {  	s22 =	sadd.s32 $0x2838, s20  }
0xe7: {  	[sflag:s14] =	ssyncadd.s32 $0xFFFFCE00;
	s23 =	smov.u32 s21;
	s24 =	sadd.s32 $0x340, s21  }
0xe8: {  	[tilespmem:s17], [sflag:$0x2] =	stream.indirect.gather [hbm4b:s1+s15], $0x80, s22, s15, $0xb8;
	[tilespmem:$0x1FF40] =	vst v63  }
0xe9: {  	p0 =	sne.s32 s21, $0xFFFFFCC0;
	_ =	swait.ge [sflag:s18], $0x3200  }
.Ltmp1:
0xea: {  	[sflag:s18] =	ssyncset.done $0x0;
	(pc) =	sbr.rel @p0 .LBB2_4-.Ltmp1, $4  }
0xeb: {  	s20 =	sadd.s32 $0x28A0, s20;
	[sflag:s18] =	ssyncadd.s32 $0xFFFFCE00  }
0xec: {  	[tilespmem:s16], [sflag:$0x1] =	stream.indirect.gather [hbm4b:s1+s15], $0x80, s20, s15, $0xb8;
	[tilespmem:$0x1FF40] =	vst v63  }
0xed: {  	_ =	swait.ge [sflag:s14], $0x3200  }
0xee: {  	s21 =	smov.u32 s24;
	s20 =	sshra.s32 s23, $0x2;
	[sflag:s14] =	ssyncset.done $0x0  }
0xef: {  	s21 =	sadd.s32 $0x2838, s20;
	[sflag:s14] =	ssyncadd.s32 $0xFFFFCE00  }
0xf0: {  	[tilespmem:s17], [sflag:$0x2] =	stream.indirect.gather [hbm4b:s1+s15], $0x80, s21, s15, $0xb8;
	[tilespmem:$0x1FF40] =	vst v63  }
0xf1: {  	_ =	swait.ge [sflag:s18], $0x3200  }
0xf2: {  	[sflag:s18] =	ssyncset.done $0x0  }
0xf3: {  	s21 =	sadd.s32 $0x28A0, s20;
	[sflag:s18] =	ssyncadd.s32 $0xFFFFCE00  }
0xf4: {  	[tilespmem:s16], [sflag:$0x1] =	stream.indirect.gather [hbm4b:s1+s15], $0x80, s21, s15, $0xb8;
	[tilespmem:$0x1FF40] =	vst v63  }
0xf5: {  	_ =	swait.ge [sflag:s14], $0x3200  }
0xf6: {  	[sflag:s14] =	ssyncset.done $0x0  }
0xf7: {  	s22 =	simm.s32 $0x2838;
	[sflag:s14] =	ssyncadd.s32 $0xFFFFCE00  }
0xf8: {  	[tilespmem:s17], [sflag:$0x2] =	stream.indirect.gather [hbm4b:s1+s15], $0x80, s22, s15, $0xb8;
	[tilespmem:$0x1FF40] =	vst v63  }
0xf9: {  	_ =	swait.ge [sflag:s18], $0x3200  }
0xfa: {  	[sflag:s18] =	ssyncset.done $0x0  }
0xfb: {  	[sflag:s18] =	ssyncadd.s32 $0xFFFFCE00  }
0xfc: {  	s23 =	stileid.u32;
	_ =	swait.ge [sflag:s14], $0x3200  }
0xfd: {  	s24 =	sshrl.u32 s4, $0x3;
	s19 =	sadd.s32 $0x1, s19;
	[sflag:s14] =	ssyncset.done $0x0  }
0xfe: {  	s20 =	sshll.u32 s23, $0x6;
	p0 =	sne.s32 s19, s11;
	[sflag:s14] =	ssyncadd.s32 $0xFFFFCE00  }
.Ltmp2:
0xff: {  	s20 =	sor.u32 $0x1C03, s20;
	[bflag:$0x0] =	sbarrier.arrive $0xFFFF;
	(pc) =	sbr.rel @p0 .LBB2_1-.Ltmp2, $4  }
0x100: {  	[hbm:s10], [sflag:s20] =	dma.local [spmem:s24], $0x2800  }
0x101: {  	_ =	swait.ge [sflag:s13], $0x2800  }
0x102: {  	[sflag:s13] =	ssyncset.done $0x0  }
0x103: {  	[sflag:s13] =	ssyncadd.s32 $0xFFFFD800  }
0x104: {  	_ =	sfence.sel $0x180000  }
0x105: {  	[bflag:$0x0] =	sbarrier.arrive $0xFFFF  }
0x106: {  	_ =	strace $0x9000004D  }
0x107: {  	s0 =	stileid.u32;
	[bflag:$0x2] =	sbarrier.arrive $0xFFFF  }
0x108: {  	p0 =	sne.s32 s0, $0x0;
	s0 =	rddreg [dreg:$0x3]  }
0x109: {  	s0 =	sadd.s32 @!p0 $0x100000, s0  }
0x10a: {  	[sflag:s0] =	ssyncadd.tile.s32 @!p0 $0x1;
	_ =	shalt  }
.Lfunc_end2:
_tile_overlayer_lowered:
.L_overlay_start_2:
0x10b: {  	(tag) =	ssettag $0x2  }
0x10c: {  	s0 =	rddreg [dreg:$0x0];
	s2 =	stileid.u32  }
0x10d: {  	s1 =	rddreg [dreg:$0x1];
	p0 =	sne.s32 s2, $0x0  }
0x10e: {  	s3 =	rddreg [dreg:$0x2];
	[bflag:$0x3] =	sbarrier.arrive $0xFFFF;
	s2 =	simm.s32 @!p0 $0x1C03  }
0x10f: {  	[timem:s3], [sflag:s2] =	dma.local @!p0 [hbm:s0], s1  }
0x110: {  	s0 =	simm.s32 @!p0 $0x3  }
0x111: {  	_ =	swait.ge @!p0 [sflag:s0], s1  }
0x112: {  	s1 =	ssub.s32 @!p0 $0x0, s1;
	[sflag:s0] =	ssyncset.done @!p0 $0x0  }
0x113: {  	[sflag:s0] =	ssyncadd.s32 @!p0 s1  }
0x114: {  	[bflag:$0x3] =	sbarrier.arrive $0xFFFF  }
0x115: {  	_ =	shalt  }

// kernel: kernel.18.cloned.1.call-start
scs
__scs_entry_jumppad:
0x0: {  	(pc) =	sbr.rel $0x88, $3  }
0x1: {  	(tag) =	ssettag $0x0;
	lr =	simm.s32 $0x1  }
0x2: {  	[smem:$0x3F96] =	sst lr;
	_ =	strace $0xD0000000  }
0x3: {  	_ = 	snop  }
0x4: {  	_ = 	snop  }
0x5: {  	_ = 	snop  }
0x6: {  	_ = 	snop  }
0x7: {  	_ = 	snop  }
__scs_overlays_trampoline_lowered:
0x8: {  	[smem:$0x3FA5] =	sst s0  }
0x9: {  	[smem:$0x3FA6] =	sst s1  }
0xa: {  	[smem:$0x3FA7] =	sst s2  }
0xb: {  	[smem:$0x3FA8] =	sst s3  }
0xc: {  	[smem:$0x3FA9] =	sst s4  }
0xd: {  	[smem:$0x3FAA] =	sst s5  }
0xe: {  	[smem:$0x3FAB] =	sst s6  }
0xf: {  	[smem:$0x3FAC] =	sst s7  }
0x10: {  	[smem:$0x3FAD] =	sst s8  }
0x11: {  	[smem:$0x3FAE] =	sst s9;
	s0 =	simm.s32 @!p0 $0x0  }
0x12: {  	s1 =	sld [smem:$0x3F94];
	s0 =	simm.s32 @p0 $0x1  }
0x13: {  	[smem:$0x3FAF] =	sst s0;
	s0 =	simm.s32 @!p1 $0x0  }
0x14: {  	s2 =	sld [smem:$0x3F93];
	s0 =	simm.s32 @p1 $0x1  }
0x15: {  	[smem:$0x3FB0] =	sst s0;
	s0 =	simm.s32 @!p2 $0x0  }
0x16: {  	s3 =	sld [smem:$0x3FDB];
	s0 =	simm.s32 @p2 $0x1  }
0x17: {  	s4 =	simm.s32 $0x1BF5;
	[smem:$0x3FB2] =	sst s0  }
0x18: {  	s0 =	sld [smem:$0x3F95];
	_ =	swait.ge [sflag:s4], $0x0  }
0x19: {  	s7 =	sld [smem:$0x3F96]  }
0x1a: {  	s8 =	sadd.s32 $0xFFFFE003, lr  }
0x1b: {  	s9 =	sadd.s32 $0xFFFFFEF7, lr;
	s5 =	simm.s32 $0xFFFFFFFF;
	p2 =	slt.u32 s8, $0xFFFFF086  }
0x1c: {  	p1 =	slt.u32 s9, $0xF7A;
	s5 =	simm.s32 @!p2 $0x0  }
0x1d: {  	s5 =	simm.s32 @p1 $0x1;
	p0 =	seq.s32 s7, s2  }
0x1e: {  	s7 =	smul.u32 @!p0 $0xF7A, s2;
	p2 =	seq.s32 @!p0 s5, $0x0  }
0x1f: {  	s9 =	smul.u32 $0xF7A, s1;
	s8 =	simm.s32 @!p0 $0x1BF5;
	p2 =	por !p2, p0  }
0x20: {  	[sflag:s8] =	ssyncset.s32 @!p0 $0xFFFFF086;
	s6 =	sadd.s32 @!p0 s3, s7;
	s7 =	simm.s32 @!p0 $0x108  }
0x21: {  	s3 =	sadd.s32 s3, s9;
	s6 =	sadd.s32 @!p0 $0x88, s6;
	s7 =	simm.s32 @p2 $0x1082  }
0x22: {  	[simem:s7], [sflag:s8] =	dma.local @!p0 [hbm:s6], $0xF7A  }
0x23: {  	s9 =	sor.u32 $0xD0000000, s2;
	s6 =	simm.s32 $0x108;
	_ =	swait.ge @!p0 [sflag:s8], $0x0  }
0x24: {  	s3 =	sadd.s32 $0x88, s3;
	s6 =	simm.s32 @!p1 $0x1082;
	[sflag:s4] =	ssyncset.s32 $0xFFFFF086  }
0x25: {  	[simem:s6], [sflag:s4] =	dma.local [hbm:s3], $0xF7A  }
0x26: {  	[smem:$0x3F96] =	sst s1;
	(tag) =	ssettag s2;
	_ =	strace s9  }
0x27: {  	s1 =	sld [smem:$0x3FA6]  }
0x28: {  	s2 =	sld [smem:$0x3FA7]  }
0x29: {  	s4 =	sld [smem:$0x3FA9]  }
0x2a: {  	p0 =	seq.s32 s5, $0x0;
	s5 =	sld [smem:$0x3FAA]  }
0x2b: {  	s6 =	sld [smem:$0x3FAB]  }
0x2c: {  	s7 =	sld [smem:$0x3FAC]  }
0x2d: {  	s3 =	simm.s32 $0x108;
	s8 =	sld [smem:$0x3FAD]  }
0x2e: {  	s3 =	simm.s32 @!p0 $0x1082;
	s9 =	sld [smem:$0x3FAE]  }
0x2f: {  	lr =	sadd.s32 s0, s3;
	s0 =	sld [smem:$0x3FA5]  }
0x30: {  	s3 =	sld [smem:$0x3FA8]  }
0x31: {  	[smem:$0x3FB1] =	sst s10  }
0x32: {  	s10 =	sld [smem:$0x3FAF];
	_ =	sdelay $0x3  }
0x33: {  	p0 =	seq.s32 s10, $0x1;
	s10 =	sld [smem:$0x3FB1];
	_ =	sdelay $0x3  }
0x34: {  	[smem:$0x3FB1] =	sst s10  }
0x35: {  	s10 =	sld [smem:$0x3FB0];
	_ =	sdelay $0x3  }
0x36: {  	p1 =	seq.s32 s10, $0x1;
	s10 =	sld [smem:$0x3FB1];
	_ =	sdelay $0x3  }
0x37: {  	[smem:$0x3FB1] =	sst s10  }
0x38: {  	s10 =	sld [smem:$0x3FB2]  }
0x39: {  	_ = 	snop;
	(pc) =	sbr.ind lr, $3  }
0x3a: {  	_ = 	snop  }
0x3b: {  	_ = 	snop  }
0x3c: {  	p2 =	seq.s32 s10, $0x1;
	s10 =	sld [smem:$0x3FB1]  }
0x3d: {  	_ =	shalt  }
0x3e: {  	_ =	shalt  }
0x3f: {  	_ =	shalt  }
0x40: {  	_ =	shalt  }
0x41: {  	_ =	shalt  }
0x42: {  	_ =	shalt  }
0x43: {  	_ =	shalt  }
0x44: {  	_ =	shalt  }
0x45: {  	_ =	shalt  }
0x46: {  	_ =	shalt  }
0x47: {  	_ =	shalt  }
0x48: {  	_ =	shalt  }
0x49: {  	_ =	shalt  }
0x4a: {  	_ =	shalt  }
0x4b: {  	_ =	shalt  }
0x4c: {  	_ =	shalt  }
0x4d: {  	_ =	shalt  }
0x4e: {  	_ =	shalt  }
0x4f: {  	_ =	shalt  }
0x50: {  	_ =	shalt  }
0x51: {  	_ =	shalt  }
0x52: {  	_ =	shalt  }
0x53: {  	_ =	shalt  }
0x54: {  	_ =	shalt  }
0x55: {  	_ =	shalt  }
0x56: {  	_ =	shalt  }
0x57: {  	_ =	shalt  }
0x58: {  	_ =	shalt  }
0x59: {  	_ =	shalt  }
0x5a: {  	_ =	shalt  }
0x5b: {  	_ =	shalt  }
0x5c: {  	_ =	shalt  }
0x5d: {  	_ =	shalt  }
0x5e: {  	_ =	shalt  }
0x5f: {  	_ =	shalt  }
0x60: {  	_ =	shalt  }
0x61: {  	_ =	shalt  }
0x62: {  	_ =	shalt  }
0x63: {  	_ =	shalt  }
0x64: {  	_ =	shalt  }
0x65: {  	_ =	shalt  }
0x66: {  	_ =	shalt  }
0x67: {  	_ =	shalt  }
0x68: {  	_ =	shalt  }
0x69: {  	_ =	shalt  }
0x6a: {  	_ =	shalt  }
0x6b: {  	_ =	shalt  }
0x6c: {  	_ =	shalt  }
0x6d: {  	_ =	shalt  }
0x6e: {  	_ =	shalt  }
0x6f: {  	_ =	shalt  }
0x70: {  	_ =	shalt  }
0x71: {  	_ =	shalt  }
0x72: {  	_ =	shalt  }
0x73: {  	_ =	shalt  }
0x74: {  	_ =	shalt  }
0x75: {  	_ =	shalt  }
0x76: {  	_ =	shalt  }
0x77: {  	_ =	shalt  }
0x78: {  	_ =	shalt  }
0x79: {  	_ =	shalt  }
0x7a: {  	_ =	shalt  }
0x7b: {  	_ =	shalt  }
0x7c: {  	_ =	shalt  }
0x7d: {  	_ =	shalt  }
0x7e: {  	_ =	shalt  }
0x7f: {  	_ =	shalt  }
0x80: {  	_ =	shalt  }
0x81: {  	_ =	shalt  }
0x82: {  	_ =	shalt  }
0x83: {  	_ =	shalt  }
0x84: {  	_ =	shalt  }
0x85: {  	_ =	shalt  }
0x86: {  	_ =	shalt  }
0x87: {  	_ =	shalt  }
.Lfunc_end0:
.L_simem_size_0:
called_computation.3_lowered:
.L_overlay_start_0:
0x88: {  	s2 =	sld [smem:$0x3FD9]  }
0x89: {  	s3 =	sld [smem:$0x3FFE];
	_ =	sdelay $0x1  }
0x8a: {  	s1 =	srdreg.scid  }
0x8b: {  	s0 =	sand.u32 $0x1, s1  }
0x8c: {  	s17 =	sshll.u32 s0, $0xA;
	s2 =	sadd.s32 s3, s2  }
0x8d: {  	s2 =	sadd.s32 s2, s17  }
0x8e: {  	[smem:$0x3FBD] =	sst s2  }
0x8f: {  	_ = 	snop  }
0x90: {  	s2 =	sld [smem:$0x3FD0];
	(tm) =	ssettm $0x1  }
0x91: {  	s18 =	sld [smem:$0x3FFB];
	_ =	sdelay $0x3  }
0x92: {  	_ =	strace s18  }
0x93: {  	s3 =	sld [smem:$0x3FFC];
	_ =	sdelay $0x3  }
0x94: {  	_ =	strace s3  }
0x95: {  	s3 =	sld [smem:$0x3FFD];
	_ =	sdelay $0x3  }
0x96: {  	_ =	strace s3  }
0x97: {  	_ =	strace $0x8FFFFFFF  }
0x98: {  	s19 =	sld [smem:$0x3FDB];
	_ =	sdelay $0x1  }
0x99: {  	s4 =	simm.s32 $_scs_section_size  }
0x9a: {  	s5 =	simm.s32 $_size__tile_overlayer_lowered;
	s6 =	simm.s32 $_tile_overlayer_lowered  }
0x9b: {  	s22 =	simm.s32 $0x1BFF;
	s21 =	sshll.u32 s6, $0x1;
	s3 =	sadd.s32 s4, s19  }
0x9c: {  	s7 =	simm.s32 $0x0;
	s20 =	sshll.u32 s5, $0x1;
	s5 =	sadd.s32 s21, s3  }
0x9d: {  	[timem:s7], [sflag:s22] =	dma.local [hbm:s5], s20  }
0x9e: {  	_ =	swait.ge [sflag:s22], s20  }
0x9f: {  	s4 =	ssub.s32 $0x0, s20;
	[sflag:s22] =	ssyncset.done $0x0  }
0xa0: {  	[sflag:s22] =	ssyncadd.s32 s4;
	_ =	sdelay $0x1  }
0xa1: {  	s23 =	simm.s32 $0x1B8B  }
0xa2: {  	_ =	swait.ge [sflag:s23], $0x1  }
0xa3: {  	[sflag:s23] =	ssyncset.done $0x0  }
0xa4: {  	s25 =	simm.s32 $0x1B8E;
	s24 =	sld [smem:$0x3FFE];
	[sflag:s23] =	ssyncadd.s32 $0xFFFFFFFF  }
0xa5: {  	s26 =	simm.s32 $execute0_lowered;
	[smem:$0x3FD2] =	sst s25  }
0xa6: {  	s5 =	sshll.u32 s26, $0x1;
	_ =	strace $0x8000004F;
	[dreg:$0x1] =	wrdreg $0xFFFFFFFF  }
0xa7: {  	s28 =	simm.s32 $_size_execute0_lowered;
	s3 =	sadd.s32 s3, s5;
	[dreg:$0x0] =	wrdreg $0x0  }
0xa8: {  	s5 =	sshll.u32 s28, $0x1;
	[dreg:$0x2] =	wrdreg s3  }
0xa9: {  	[dreg:$0x3] =	wrdreg s5  }
0xaa: {  	[dreg:$0x4] =	wrdreg $0xC0  }
0xab: {  	_ =	task [dreg:s7], $0x5FFFF  }
0xac: {  	[dreg:$0x1] =	wrdreg $0xFFFFFFFF  }
0xad: {  	[dreg:$0x0] =	wrdreg $0x60  }
0xae: {  	[dreg:$0x2] =	wrdreg s2  }
0xaf: {  	[dreg:$0x3] =	wrdreg s24  }
0xb0: {  	[dreg:$0x4] =	wrdreg $0xBF400  }
0xb1: {  	[dreg:$0x5] =	wrdreg $0x9  }
0xb2: {  	_ =	task.clear_ibuf [dreg:s7], $0x6FFFF;
	_ =	strace $0x9000004F  }
0xb3: {  	s29 =	simm.s32 $0x9;
	_ =	strace $0x80000051  }
0xb4: {  	_ =	swait.ge [sflag:s29], $0x1  }
0xb5: {  	[sflag:s29] =	ssyncadd.s32 $0xFFFFFFFF  }
0xb6: {  	_ =	strace $0x90000051  }
0xb7: {  	_ =	sfence  }
0xb8: {  	s30 =	sld [smem:$0x0];
	_ =	sdelay $0x2  }
0xb9: {  	s31 =	sshll.u32 s1, $0xD;
	s1 =	sshrl.u32 s1, $0x2  }
0xba: {  	s3 =	sand.u32 $0x4000, s31;
	s1 =	sadd.s32 s1, s30  }
0xbb: {  	s0 =	sor.u32 s3, s0;
	s1 =	sshll.u32 s1, $0x11  }
0xbc: {  	s0 =	sor.u32 s1, s0  }
0xbd: {  	s0 =	sadd.s32 $0x8F2B, s0  }
0xbe: {  	[sflag:s0] =	ssyncadd.remote.s32 $0x1  }
0xbf: {  	_ =	sfence.sel $0xFFFF  }
0xc0: {  	[dreg:$0x0] =	wrdreg $0xFFFFFFFF;
	(pc) =	sbr.abs _section_cstart, $3  }
0xc1: {  	[dreg:$0x1] =	wrdreg $0xFFFFFFFF  }
0xc2: {  	_ =	task.clear_ibuf [dreg:s7], $0x2FFFF;
	_ =	strace $0x9FFFFFFF  }
0xc3: {  	(tm) =	ssettm $0x7FFFFFFF  }
tec
execute0_lowered:
.L_overlay_start_1:
0x0: {  	(tag) =	ssettag $0x1  }
0x1: {  	s1 =	rddreg [dreg:$0x0]  }
0x2: {  	s0 =	rddreg [dreg:$0x1];
	s8 =	stileid.u32  }
0x3: {  	s3 =	srdreg.scid;
	s6 =	smul.u32 $0x14000, s8  }
0x4: {  	s4 =	sand.u32 $0x1, s3;
	s5 =	sshll.u32 s8, $0x1;
	s8 =	smul.u32 $0x50000, s8  }
0x5: {  	s2 =	rddreg [dreg:$0x2];
	s3 =	simm.s32 $0x0;
	s7 =	smul.u32 $0x140000, s4  }
0x6: {  	s5 =	sor.u32 s4, s5;
	[smem:$0x7FF] =	sst s3;
	s4 =	ssub.s32 $0x2, s4  }
0x7: {  	s5 =	smul.u32 $0x514, s5;
	s25 =	sshrl.u32 s8, $0x2;
	s7 =	sadd.s32 s6, s7  }
0x8: {  	s24 =	sshrl.u32 s4, $0x1;
	s23 =	sshrl.u32 s7, $0x3;
	s7 =	sadd.s32 s25, s2  }
0x9: {  	_ =	strace $0x80000050;
	s11 =	ssub.s32 s4, s24;
	s26 =	sadd.s32 $0xA00, s7  }
0xa: {  	s4 =	sadd.s32 s6, s2;
	s2 =	sadd.s32 $0x1400, s7;
	[dreg:$0x4] =	wrdreg s26  }
0xb: {  	s9 =	sadd.s32 s5, s0;
	s5 =	sadd.s32 $0x1E00, s7;
	[dreg:$0x5] =	wrdreg s2  }
0xc: {  	s6 =	sadd.s32 $0x2800, s7;
	[dreg:$0x6] =	wrdreg s5  }
0xd: {  	s8 =	sadd.s32 $0x3200, s7;
	[dreg:$0x7] =	wrdreg s6  }
0xe: {  	s12 =	sadd.s32 $0x3C00, s7;
	[dreg:$0x8] =	wrdreg s8  }
0xf: {  	s13 =	sadd.s32 $0x4600, s7;
	[dreg:$0x9] =	wrdreg s12  }
0x10: {  	s14 =	sadd.s32 $0x5000, s7;
	[dreg:$0xa] =	wrdreg s13  }
0x11: {  	s15 =	sadd.s32 $0x5A00, s7;
	[dreg:$0xb] =	wrdreg s14  }
0x12: {  	s16 =	sadd.s32 $0x6400, s7;
	[dreg:$0xc] =	wrdreg s15  }
0x13: {  	s17 =	sadd.s32 $0x6E00, s7;
	[dreg:$0xd] =	wrdreg s16  }
0x14: {  	s18 =	sadd.s32 $0x7800, s7;
	[dreg:$0xe] =	wrdreg s17  }
0x15: {  	s19 =	sadd.s32 $0x8200, s7;
	[dreg:$0xf] =	wrdreg s18  }
0x16: {  	s11 =	smax.u32 s11, $0x1;
	s20 =	sadd.s32 $0x8C00, s7;
	[dreg:$0x10] =	wrdreg s19  }
0x17: {  	s10 =	sadd.s32 s23, s0;
	s21 =	sadd.s32 $0x9600, s7;
	[dreg:$0x11] =	wrdreg s20  }
0x18: {  	s22 =	sadd.s32 $0xA000, s7;
	s23 =	sadd.s32 $0xAA00, s7;
	[dreg:$0x12] =	wrdreg s21  }
0x19: {  	s24 =	sadd.s32 $0xB400, s7;
	s25 =	sadd.s32 $0xBE00, s7;
	[dreg:$0x13] =	wrdreg s22  }
0x1a: {  	s28 =	sadd.s32 $0xE600, s7;
	s29 =	sadd.s32 $0xF000, s7;
	[dreg:$0x14] =	wrdreg s23  }
0x1b: {  	s30 =	sadd.s32 $0xFA00, s7;
	s31 =	sadd.s32 $0x10400, s7;
	[dreg:$0x15] =	wrdreg s24  }
0x1c: {  	s0 =	sadd.s32 $0x10E00, s7;
	[dreg:$0x16] =	wrdreg s25;
	s26 =	sadd.s32 $0xC800, s7  }
0x1d: {  	s25 =	sadd.s32 $0xD200, s7;
	s2 =	sadd.s32 $0x11800, s7;
	s5 =	sadd.s32 $0x12200, s7  }
0x1e: {  	s6 =	sadd.s32 $0x12C00, s7;
	s8 =	sadd.s32 $0xE000, s9;
	s9 =	sadd.s32 $0x3C00, s9  }
0x1f: {  	s10 =	sadd.s32 $0x18400, s10;
	s12 =	simm.s32 $0xB540;
	s13 =	simm.s32 $0x3  }
0x20: {  	s14 =	simm.s32 $0x2;
	s15 =	simm.s32 $0x64;
	s16 =	simm.s32 $0x5140  }
0x21: {  	s17 =	simm.s32 $0x8340;
	s18 =	simm.s32 $0x1;
	s19 =	simm.s32 $0x0  }
0x22: {  	v0 =	vimm.f32 $0.0e+00;
	[dreg:$0x17] =	wrdreg s26;
	s26 =	sadd.s32 $0xDC00, s7;
	s7 =	sadd.s32 $0x13600, s7  }
.LBB2_1:
0x23: {  	s20 =	simm.s32 $0x0;
	s21 =	simm.s32 $0x200  }
.LBB2_2:
0x24: {  	p0 =	sne.s32 s21, $0x2600;
	[tilespmem:s20+$0xB5B0] =	vst v0  }
0x25: {  	[tilespmem:s20+$0xB540] =	vst v0  }
0x26: {  	[tilespmem:s20+$0xB550] =	vst v0  }
.Ltmp0:
0x27: {  	[tilespmem:s20+$0xB560] =	vst v0;
	(pc) =	sbr.rel @p0 .LBB2_2-.Ltmp0, $4  }
0x28: {  	[tilespmem:s20+$0xB570] =	vst v0  }
0x29: {  	[tilespmem:s20+$0xB580] =	vst v0  }
0x2a: {  	[tilespmem:s20+$0xB590] =	vst v0  }
0x2b: {  	[tilespmem:s20+$0xB5A0] =	vst v0;
	s20 =	sshra.s32 s21, $0x2;
	s21 =	sadd.s32 $0x200, s21  }
0x2c: {  	[tilespmem:s20+$0xB5B0] =	vst v0  }
0x2d: {  	[tilespmem:s20+$0xB540] =	vst v0  }
0x2e: {  	[tilespmem:s20+$0xB550] =	vst v0  }
0x2f: {  	[tilespmem:s20+$0xB560] =	vst v0  }
0x30: {  	[tilespmem:s20+$0xB570] =	vst v0  }
0x31: {  	[tilespmem:s20+$0xB580] =	vst v0  }
0x32: {  	[tilespmem:s20+$0xB590] =	vst v0  }
0x33: {  	[tilespmem:s20+$0xB5A0] =	vst v0  }
0x34: {  	[spmem:s4] =	stream.linear.scatter [tilespmem:s12], [sflag:$0x2], $0xA00, $0x38;
	[tilespmem:$0x1FF40] =	vst v63  }
0x35: {  	s22 =	rddreg [dreg:$0x4]  }
0x36: {  	[spmem:s22] =	stream.linear.scatter [tilespmem:s12], [sflag:$0x2], $0xA00, $0x38;
	[tilespmem:$0x1FF40] =	vst v63  }
0x37: {  	s23 =	rddreg [dreg:$0x5]  }
0x38: {  	[spmem:s23] =	stream.linear.scatter [tilespmem:s12], [sflag:$0x2], $0xA00, $0x38;
	[tilespmem:$0x1FF40] =	vst v63  }
0x39: {  	s24 =	rddreg [dreg:$0x6]  }
0x3a: {  	[spmem:s24] =	stream.linear.scatter [tilespmem:s12], [sflag:$0x2], $0xA00, $0x38;
	[tilespmem:$0x1FF40] =	vst v63  }
0x3b: {  	s21 =	rddreg [dreg:$0x7]  }
0x3c: {  	[spmem:s21] =	stream.linear.scatter [tilespmem:s12], [sflag:$0x2], $0xA00, $0x38;
	[tilespmem:$0x1FF40] =	vst v63  }
0x3d: {  	s22 =	rddreg [dreg:$0x8]  }
0x3e: {  	[spmem:s22] =	stream.linear.scatter [tilespmem:s12], [sflag:$0x2], $0xA00, $0x38;
	[tilespmem:$0x1FF40] =	vst v63  }
0x3f: {  	s23 =	rddreg [dreg:$0x9]  }
0x40: {  	[spmem:s23] =	stream.linear.scatter [tilespmem:s12], [sflag:$0x2], $0xA00, $0x38;
	[tilespmem:$0x1FF40] =	vst v63  }
0x41: {  	s24 =	rddreg [dreg:$0xa]  }
0x42: {  	[spmem:s24] =	stream.linear.scatter [tilespmem:s12], [sflag:$0x2], $0xA00, $0x38;
	[tilespmem:$0x1FF40] =	vst v63  }
0x43: {  	s21 =	rddreg [dreg:$0xb]  }
0x44: {  	[spmem:s21] =	stream.linear.scatter [tilespmem:s12], [sflag:$0x2], $0xA00, $0x38;
	[tilespmem:$0x1FF40] =	vst v63  }
0x45: {  	s22 =	rddreg [dreg:$0xc]  }
0x46: {  	[spmem:s22] =	stream.linear.scatter [tilespmem:s12], [sflag:$0x2], $0xA00, $0x38;
	[tilespmem:$0x1FF40] =	vst v63  }
0x47: {  	s23 =	rddreg [dreg:$0xd]  }
0x48: {  	[spmem:s23] =	stream.linear.scatter [tilespmem:s12], [sflag:$0x2], $0xA00, $0x38;
	[tilespmem:$0x1FF40] =	vst v63  }
0x49: {  	s24 =	rddreg [dreg:$0xe]  }
0x4a: {  	[spmem:s24] =	stream.linear.scatter [tilespmem:s12], [sflag:$0x2], $0xA00, $0x38;
	[tilespmem:$0x1FF40] =	vst v63  }
0x4b: {  	s21 =	rddreg [dreg:$0xf]  }
0x4c: {  	[spmem:s21] =	stream.linear.scatter [tilespmem:s12], [sflag:$0x2], $0xA00, $0x38;
	[tilespmem:$0x1FF40] =	vst v63  }
0x4d: {  	s22 =	rddreg [dreg:$0x10]  }
0x4e: {  	[spmem:s22] =	stream.linear.scatter [tilespmem:s12], [sflag:$0x2], $0xA00, $0x38;
	[tilespmem:$0x1FF40] =	vst v63  }
0x4f: {  	s23 =	rddreg [dreg:$0x11]  }
0x50: {  	[spmem:s23] =	stream.linear.scatter [tilespmem:s12], [sflag:$0x2], $0xA00, $0x38;
	[tilespmem:$0x1FF40] =	vst v63  }
0x51: {  	s24 =	rddreg [dreg:$0x12]  }
0x52: {  	[spmem:s24] =	stream.linear.scatter [tilespmem:s12], [sflag:$0x2], $0xA00, $0x38;
	[tilespmem:$0x1FF40] =	vst v63  }
0x53: {  	s21 =	rddreg [dreg:$0x13]  }
0x54: {  	[spmem:s21] =	stream.linear.scatter [tilespmem:s12], [sflag:$0x2], $0xA00, $0x38;
	[tilespmem:$0x1FF40] =	vst v63  }
0x55: {  	s22 =	rddreg [dreg:$0x14]  }
0x56: {  	[spmem:s22] =	stream.linear.scatter [tilespmem:s12], [sflag:$0x2], $0xA00, $0x38;
	[tilespmem:$0x1FF40] =	vst v63  }
0x57: {  	s23 =	rddreg [dreg:$0x15]  }
0x58: {  	[spmem:s23] =	stream.linear.scatter [tilespmem:s12], [sflag:$0x2], $0xA00, $0x38;
	[tilespmem:$0x1FF40] =	vst v63  }
0x59: {  	s24 =	rddreg [dreg:$0x16]  }
0x5a: {  	[spmem:s24] =	stream.linear.scatter [tilespmem:s12], [sflag:$0x2], $0xA00, $0x38;
	[tilespmem:$0x1FF40] =	vst v63  }
0x5b: {  	s21 =	rddreg [dreg:$0x17]  }
0x5c: {  	[spmem:s21] =	stream.linear.scatter [tilespmem:s12], [sflag:$0x2], $0xA00, $0x38;
	[tilespmem:$0x1FF40] =	vst v63  }
0x5d: {  	_ = 	snop  }
0x5e: {  	[spmem:s25] =	stream.linear.scatter [tilespmem:s12], [sflag:$0x2], $0xA00, $0x38;
	[tilespmem:$0x1FF40] =	vst v63  }
0x5f: {  	_ = 	snop  }
0x60: {  	[spmem:s26] =	stream.linear.scatter [tilespmem:s12], [sflag:$0x2], $0xA00, $0x38;
	[tilespmem:$0x1FF40] =	vst v63  }
0x61: {  	_ = 	snop  }
0x62: {  	[spmem:s28] =	stream.linear.scatter [tilespmem:s12], [sflag:$0x2], $0xA00, $0x38;
	[tilespmem:$0x1FF40] =	vst v63  }
0x63: {  	_ = 	snop  }
0x64: {  	[spmem:s29] =	stream.linear.scatter [tilespmem:s12], [sflag:$0x2], $0xA00, $0x38;
	[tilespmem:$0x1FF40] =	vst v63  }
0x65: {  	_ = 	snop  }
0x66: {  	[spmem:s30] =	stream.linear.scatter [tilespmem:s12], [sflag:$0x2], $0xA00, $0x38;
	[tilespmem:$0x1FF40] =	vst v63  }
0x67: {  	_ = 	snop  }
0x68: {  	[spmem:s31] =	stream.linear.scatter [tilespmem:s12], [sflag:$0x2], $0xA00, $0x38;
	[tilespmem:$0x1FF40] =	vst v63  }
0x69: {  	_ = 	snop  }
0x6a: {  	[spmem:s0] =	stream.linear.scatter [tilespmem:s12], [sflag:$0x2], $0xA00, $0x38;
	[tilespmem:$0x1FF40] =	vst v63  }
0x6b: {  	_ = 	snop  }
0x6c: {  	[spmem:s2] =	stream.linear.scatter [tilespmem:s12], [sflag:$0x2], $0xA00, $0x38;
	[tilespmem:$0x1FF40] =	vst v63  }
0x6d: {  	_ = 	snop  }
0x6e: {  	[spmem:s5] =	stream.linear.scatter [tilespmem:s12], [sflag:$0x2], $0xA00, $0x38;
	[tilespmem:$0x1FF40] =	vst v63  }
0x6f: {  	_ = 	snop  }
0x70: {  	[spmem:s6] =	stream.linear.scatter [tilespmem:s12], [sflag:$0x2], $0xA00, $0x38;
	[tilespmem:$0x1FF40] =	vst v63  }
0x71: {  	_ = 	snop  }
0x72: {  	[spmem:s7] =	stream.linear.scatter [tilespmem:s12], [sflag:$0x2], $0xA00, $0x38;
	[tilespmem:$0x1FF40] =	vst v63  }
0x73: {  	_ = 	snop  }
0x74: {  	[tilespmem:s3], [sflag:$0x3] =	stream.linear.gather [hbm4b:s8+s3], $0x28A0, $0x38;
	[tilespmem:$0x1FF40] =	vst v63  }
0x75: {  	_ =	swait.ge [sflag:s13], $0x28A0  }
0x76: {  	[sflag:s13] =	ssyncset.done $0x0  }
0x77: {  	s22 =	simm.s32 $0x28A0;
	[sflag:s13] =	ssyncadd.s32 $0xFFFFD760  }
0x78: {  	[tilespmem:s22], [sflag:$0x3] =	stream.linear.gather [hbm4b:s9+s3], $0x28A0, $0x38;
	[tilespmem:$0x1FF40] =	vst v63  }
0x79: {  	_ =	swait.ge [sflag:s13], $0x28A0  }
0x7a: {  	[sflag:s13] =	ssyncset.done $0x0  }
0x7b: {  	[sflag:s13] =	ssyncadd.s32 $0xFFFFD760  }
0x7c: {  	_ =	swait.ge [sflag:s14], $0xA00  }
0x7d: {  	[sflag:s14] =	ssyncset.done $0x0  }
0x7e: {  	[sflag:s14] =	ssyncadd.s32 $0xFFFFF600  }
0x7f: {  	_ =	swait.ge [sflag:s14], $0xA00  }
0x80: {  	[sflag:s14] =	ssyncset.done $0x0  }
0x81: {  	[sflag:s14] =	ssyncadd.s32 $0xFFFFF600  }
0x82: {  	_ =	swait.ge [sflag:s14], $0xA00  }
0x83: {  	[sflag:s14] =	ssyncset.done $0x0  }
0x84: {  	[sflag:s14] =	ssyncadd.s32 $0xFFFFF600  }
0x85: {  	_ =	swait.ge [sflag:s14], $0xA00  }
0x86: {  	[sflag:s14] =	ssyncset.done $0x0  }
0x87: {  	[sflag:s14] =	ssyncadd.s32 $0xFFFFF600  }
0x88: {  	_ =	swait.ge [sflag:s14], $0xA00  }
0x89: {  	[sflag:s14] =	ssyncset.done $0x0  }
0x8a: {  	[sflag:s14] =	ssyncadd.s32 $0xFFFFF600  }
0x8b: {  	_ =	swait.ge [sflag:s14], $0xA00  }
0x8c: {  	[sflag:s14] =	ssyncset.done $0x0  }
0x8d: {  	[sflag:s14] =	ssyncadd.s32 $0xFFFFF600  }
0x8e: {  	_ =	swait.ge [sflag:s14], $0xA00  }
0x8f: {  	[sflag:s14] =	ssyncset.done $0x0  }
0x90: {  	[sflag:s14] =	ssyncadd.s32 $0xFFFFF600  }
0x91: {  	_ =	swait.ge [sflag:s14], $0xA00  }
0x92: {  	[sflag:s14] =	ssyncset.done $0x0  }
0x93: {  	[sflag:s14] =	ssyncadd.s32 $0xFFFFF600  }
0x94: {  	_ =	swait.ge [sflag:s14], $0xA00  }
0x95: {  	[sflag:s14] =	ssyncset.done $0x0  }
0x96: {  	[sflag:s14] =	ssyncadd.s32 $0xFFFFF600  }
0x97: {  	_ =	swait.ge [sflag:s14], $0xA00  }
0x98: {  	[sflag:s14] =	ssyncset.done $0x0  }
0x99: {  	[sflag:s14] =	ssyncadd.s32 $0xFFFFF600  }
0x9a: {  	_ =	swait.ge [sflag:s14], $0xA00  }
0x9b: {  	[sflag:s14] =	ssyncset.done $0x0  }
0x9c: {  	[sflag:s14] =	ssyncadd.s32 $0xFFFFF600  }
0x9d: {  	_ =	swait.ge [sflag:s14], $0xA00  }
0x9e: {  	[sflag:s14] =	ssyncset.done $0x0  }
0x9f: {  	[sflag:s14] =	ssyncadd.s32 $0xFFFFF600  }
0xa0: {  	_ =	swait.ge [sflag:s14], $0xA00  }
0xa1: {  	[sflag:s14] =	ssyncset.done $0x0  }
0xa2: {  	[sflag:s14] =	ssyncadd.s32 $0xFFFFF600  }
0xa3: {  	_ =	swait.ge [sflag:s14], $0xA00  }
0xa4: {  	[sflag:s14] =	ssyncset.done $0x0  }
0xa5: {  	[sflag:s14] =	ssyncadd.s32 $0xFFFFF600  }
0xa6: {  	_ =	swait.ge [sflag:s14], $0xA00  }
0xa7: {  	[sflag:s14] =	ssyncset.done $0x0  }
0xa8: {  	[sflag:s14] =	ssyncadd.s32 $0xFFFFF600  }
0xa9: {  	_ =	swait.ge [sflag:s14], $0xA00  }
0xaa: {  	[sflag:s14] =	ssyncset.done $0x0  }
0xab: {  	[sflag:s14] =	ssyncadd.s32 $0xFFFFF600  }
0xac: {  	_ =	swait.ge [sflag:s14], $0xA00  }
0xad: {  	[sflag:s14] =	ssyncset.done $0x0  }
0xae: {  	[sflag:s14] =	ssyncadd.s32 $0xFFFFF600  }
0xaf: {  	_ =	swait.ge [sflag:s14], $0xA00  }
0xb0: {  	[sflag:s14] =	ssyncset.done $0x0  }
0xb1: {  	[sflag:s14] =	ssyncadd.s32 $0xFFFFF600  }
0xb2: {  	_ =	swait.ge [sflag:s14], $0xA00  }
0xb3: {  	[sflag:s14] =	ssyncset.done $0x0  }
0xb4: {  	[sflag:s14] =	ssyncadd.s32 $0xFFFFF600  }
0xb5: {  	_ =	swait.ge [sflag:s14], $0xA00  }
0xb6: {  	[sflag:s14] =	ssyncset.done $0x0  }
0xb7: {  	[sflag:s14] =	ssyncadd.s32 $0xFFFFF600  }
0xb8: {  	_ =	swait.ge [sflag:s14], $0xA00  }
0xb9: {  	[sflag:s14] =	ssyncset.done $0x0  }
0xba: {  	[sflag:s14] =	ssyncadd.s32 $0xFFFFF600  }
0xbb: {  	_ =	swait.ge [sflag:s14], $0xA00  }
0xbc: {  	[sflag:s14] =	ssyncset.done $0x0  }
0xbd: {  	[sflag:s14] =	ssyncadd.s32 $0xFFFFF600  }
0xbe: {  	_ =	swait.ge [sflag:s14], $0xA00  }
0xbf: {  	[sflag:s14] =	ssyncset.done $0x0  }
0xc0: {  	[sflag:s14] =	ssyncadd.s32 $0xFFFFF600  }
0xc1: {  	_ =	swait.ge [sflag:s14], $0xA00  }
0xc2: {  	[sflag:s14] =	ssyncset.done $0x0  }
0xc3: {  	[sflag:s14] =	ssyncadd.s32 $0xFFFFF600  }
0xc4: {  	_ =	swait.ge [sflag:s14], $0xA00  }
0xc5: {  	[sflag:s14] =	ssyncset.done $0x0  }
0xc6: {  	[sflag:s14] =	ssyncadd.s32 $0xFFFFF600  }
0xc7: {  	_ =	swait.ge [sflag:s14], $0xA00  }
0xc8: {  	[sflag:s14] =	ssyncset.done $0x0  }
0xc9: {  	[sflag:s14] =	ssyncadd.s32 $0xFFFFF600  }
0xca: {  	_ =	swait.ge [sflag:s14], $0xA00  }
0xcb: {  	[sflag:s14] =	ssyncset.done $0x0  }
0xcc: {  	[sflag:s14] =	ssyncadd.s32 $0xFFFFF600  }
0xcd: {  	_ =	swait.ge [sflag:s14], $0xA00  }
0xce: {  	[sflag:s14] =	ssyncset.done $0x0  }
0xcf: {  	[sflag:s14] =	ssyncadd.s32 $0xFFFFF600  }
0xd0: {  	_ =	swait.ge [sflag:s14], $0xA00  }
0xd1: {  	[sflag:s14] =	ssyncset.done $0x0  }
0xd2: {  	[sflag:s14] =	ssyncadd.s32 $0xFFFFF600  }
0xd3: {  	_ =	swait.ge [sflag:s14], $0xA00  }
0xd4: {  	[sflag:s14] =	ssyncset.done $0x0  }
0xd5: {  	[sflag:s14] =	ssyncadd.s32 $0xFFFFF600  }
0xd6: {  	_ =	swait.ge [sflag:s14], $0xA00  }
0xd7: {  	[sflag:s14] =	ssyncset.done $0x0  }
0xd8: {  	[sflag:s14] =	ssyncadd.s32 $0xFFFFF600  }
0xd9: {  	_ =	swait.ge [sflag:s14], $0xA00  }
0xda: {  	[sflag:s14] =	ssyncset.done $0x0  }
0xdb: {  	[sflag:s14] =	ssyncadd.s32 $0xFFFFF600  }
0xdc: {  	[bflag:$0x0] =	sbarrier.arrive $0xFFFF  }
0xdd: {  	[tilespmem:s16], [sflag:$0x1] =	stream.indirect.gather [hbm4b:s1+s15], $0x80, s3, s15, $0xb8;
	[tilespmem:$0x1FF40] =	vst v63  }
0xde: {  	s23 =	simm.s32 $0x68  }
0xdf: {  	[tilespmem:s17], [sflag:$0x2] =	stream.indirect.gather [hbm4b:s1+s15], $0x80, s23, s15, $0xb8;
	[tilespmem:$0x1FF40] =	vst v63  }
0xe0: {  	_ =	swait.ge [sflag:s18], $0x3200  }
0xe1: {  	[sflag:s18] =	ssyncset.done $0x0  }
0xe2: {  	s24 =	simm.s32 $0xD0;
	[sflag:s18] =	ssyncadd.s32 $0xFFFFCE00  }
0xe3: {  	[tilespmem:s16], [sflag:$0x1] =	stream.indirect.gather [hbm4b:s1+s15], $0x80, s24, s15, $0xb8;
	[tilespmem:$0x1FF40] =	vst v63  }
0xe4: {  	_ =	swait.ge [sflag:s14], $0x3200  }
0xe5: {  	s20 =	simm.s32 $0xFFFFD900;
	s21 =	simm.s32 $0xFFFF6740;
	[sflag:s14] =	ssyncset.done $0x0  }
.LBB2_4:
0xe6: {  	s22 =	sadd.s32 $0x2838, s20  }
0xe7: {  	[sflag:s14] =	ssyncadd.s32 $0xFFFFCE00;
	s23 =	smov.u32 s21;
	s24 =	sadd.s32 $0x340, s21  }
0xe8: {  	[tilespmem:s17], [sflag:$0x2] =	stream.indirect.gather [hbm4b:s1+s15], $0x80, s22, s15, $0xb8;
	[tilespmem:$0x1FF40] =	vst v63  }
0xe9: {  	p0 =	sne.s32 s21, $0xFFFFFCC0;
	_ =	swait.ge [sflag:s18], $0x3200  }
.Ltmp1:
0xea: {  	[sflag:s18] =	ssyncset.done $0x0;
	(pc) =	sbr.rel @p0 .LBB2_4-.Ltmp1, $4  }
0xeb: {  	s20 =	sadd.s32 $0x28A0, s20;
	[sflag:s18] =	ssyncadd.s32 $0xFFFFCE00  }
0xec: {  	[tilespmem:s16], [sflag:$0x1] =	stream.indirect.gather [hbm4b:s1+s15], $0x80, s20, s15, $0xb8;
	[tilespmem:$0x1FF40] =	vst v63  }
0xed: {  	_ =	swait.ge [sflag:s14], $0x3200  }
0xee: {  	s21 =	smov.u32 s24;
	s20 =	sshra.s32 s23, $0x2;
	[sflag:s14] =	ssyncset.done $0x0  }
0xef: {  	s21 =	sadd.s32 $0x2838, s20;
	[sflag:s14] =	ssyncadd.s32 $0xFFFFCE00  }
0xf0: {  	[tilespmem:s17], [sflag:$0x2] =	stream.indirect.gather [hbm4b:s1+s15], $0x80, s21, s15, $0xb8;
	[tilespmem:$0x1FF40] =	vst v63  }
0xf1: {  	_ =	swait.ge [sflag:s18], $0x3200  }
0xf2: {  	[sflag:s18] =	ssyncset.done $0x0  }
0xf3: {  	s21 =	sadd.s32 $0x28A0, s20;
	[sflag:s18] =	ssyncadd.s32 $0xFFFFCE00  }
0xf4: {  	[tilespmem:s16], [sflag:$0x1] =	stream.indirect.gather [hbm4b:s1+s15], $0x80, s21, s15, $0xb8;
	[tilespmem:$0x1FF40] =	vst v63  }
0xf5: {  	_ =	swait.ge [sflag:s14], $0x3200  }
0xf6: {  	[sflag:s14] =	ssyncset.done $0x0  }
0xf7: {  	s22 =	simm.s32 $0x2838;
	[sflag:s14] =	ssyncadd.s32 $0xFFFFCE00  }
0xf8: {  	[tilespmem:s17], [sflag:$0x2] =	stream.indirect.gather [hbm4b:s1+s15], $0x80, s22, s15, $0xb8;
	[tilespmem:$0x1FF40] =	vst v63  }
0xf9: {  	_ =	swait.ge [sflag:s18], $0x3200  }
0xfa: {  	[sflag:s18] =	ssyncset.done $0x0  }
0xfb: {  	[sflag:s18] =	ssyncadd.s32 $0xFFFFCE00  }
0xfc: {  	s23 =	stileid.u32;
	_ =	swait.ge [sflag:s14], $0x3200  }
0xfd: {  	s24 =	sshrl.u32 s4, $0x3;
	s19 =	sadd.s32 $0x1, s19;
	[sflag:s14] =	ssyncset.done $0x0  }
0xfe: {  	s20 =	sshll.u32 s23, $0x6;
	p0 =	sne.s32 s19, s11;
	[sflag:s14] =	ssyncadd.s32 $0xFFFFCE00  }
.Ltmp2:
0xff: {  	s20 =	sor.u32 $0x1C03, s20;
	[bflag:$0x0] =	sbarrier.arrive $0xFFFF;
	(pc) =	sbr.rel @p0 .LBB2_1-.Ltmp2, $4  }
0x100: {  	[hbm:s10], [sflag:s20] =	dma.local [spmem:s24], $0x2800  }
0x101: {  	_ =	swait.ge [sflag:s13], $0x2800  }
0x102: {  	[sflag:s13] =	ssyncset.done $0x0  }
0x103: {  	[sflag:s13] =	ssyncadd.s32 $0xFFFFD800  }
0x104: {  	_ =	sfence.sel $0x180000  }
0x105: {  	[bflag:$0x0] =	sbarrier.arrive $0xFFFF  }
0x106: {  	_ =	strace $0x90000050  }
0x107: {  	s0 =	stileid.u32;
	[bflag:$0x2] =	sbarrier.arrive $0xFFFF  }
0x108: {  	p0 =	sne.s32 s0, $0x0;
	s0 =	rddreg [dreg:$0x3]  }
0x109: {  	s0 =	sadd.s32 @!p0 $0x100000, s0  }
0x10a: {  	[sflag:s0] =	ssyncadd.tile.s32 @!p0 $0x1;
	_ =	shalt  }
.Lfunc_end2:
_tile_overlayer_lowered:
.L_overlay_start_2:
0x10b: {  	(tag) =	ssettag $0x2  }
0x10c: {  	s0 =	rddreg [dreg:$0x0];
	s2 =	stileid.u32  }
0x10d: {  	s1 =	rddreg [dreg:$0x1];
	p0 =	sne.s32 s2, $0x0  }
0x10e: {  	s3 =	rddreg [dreg:$0x2];
	[bflag:$0x3] =	sbarrier.arrive $0xFFFF;
	s2 =	simm.s32 @!p0 $0x1C03  }
0x10f: {  	[timem:s3], [sflag:s2] =	dma.local @!p0 [hbm:s0], s1  }
0x110: {  	s0 =	simm.s32 @!p0 $0x3  }
0x111: {  	_ =	swait.ge @!p0 [sflag:s0], s1  }
0x112: {  	s1 =	ssub.s32 @!p0 $0x0, s1;
	[sflag:s0] =	ssyncset.done @!p0 $0x0  }
0x113: {  	[sflag:s0] =	ssyncadd.s32 @!p0 s1  }
0x114: {  	[bflag:$0x3] =	sbarrier.arrive $0xFFFF  }
0x115: {  	_ =	shalt  }

// kernel: kernel.9.cloned.1.call-start
scs
__scs_entry_jumppad:
0x0: {  	(pc) =	sbr.rel $0x88, $3  }
0x1: {  	(tag) =	ssettag $0x0;
	lr =	simm.s32 $0x1  }
0x2: {  	[smem:$0x3F96] =	sst lr;
	_ =	strace $0xD0000000  }
0x3: {  	_ = 	snop  }
0x4: {  	_ = 	snop  }
0x5: {  	_ = 	snop  }
0x6: {  	_ = 	snop  }
0x7: {  	_ = 	snop  }
__scs_overlays_trampoline_lowered:
0x8: {  	[smem:$0x3FA5] =	sst s0  }
0x9: {  	[smem:$0x3FA6] =	sst s1  }
0xa: {  	[smem:$0x3FA7] =	sst s2  }
0xb: {  	[smem:$0x3FA8] =	sst s3  }
0xc: {  	[smem:$0x3FA9] =	sst s4  }
0xd: {  	[smem:$0x3FAA] =	sst s5  }
0xe: {  	[smem:$0x3FAB] =	sst s6  }
0xf: {  	[smem:$0x3FAC] =	sst s7  }
0x10: {  	[smem:$0x3FAD] =	sst s8  }
0x11: {  	[smem:$0x3FAE] =	sst s9;
	s0 =	simm.s32 @!p0 $0x0  }
0x12: {  	s1 =	sld [smem:$0x3F94];
	s0 =	simm.s32 @p0 $0x1  }
0x13: {  	[smem:$0x3FAF] =	sst s0;
	s0 =	simm.s32 @!p1 $0x0  }
0x14: {  	s2 =	sld [smem:$0x3F93];
	s0 =	simm.s32 @p1 $0x1  }
0x15: {  	[smem:$0x3FB0] =	sst s0;
	s0 =	simm.s32 @!p2 $0x0  }
0x16: {  	s3 =	sld [smem:$0x3FDB];
	s0 =	simm.s32 @p2 $0x1  }
0x17: {  	s4 =	simm.s32 $0x1BF5;
	[smem:$0x3FB2] =	sst s0  }
0x18: {  	s0 =	sld [smem:$0x3F95];
	_ =	swait.ge [sflag:s4], $0x0  }
0x19: {  	s7 =	sld [smem:$0x3F96]  }
0x1a: {  	s8 =	sadd.s32 $0xFFFFE003, lr  }
0x1b: {  	s9 =	sadd.s32 $0xFFFFFEF7, lr;
	s5 =	simm.s32 $0xFFFFFFFF;
	p2 =	slt.u32 s8, $0xFFFFF086  }
0x1c: {  	p1 =	slt.u32 s9, $0xF7A;
	s5 =	simm.s32 @!p2 $0x0  }
0x1d: {  	s5 =	simm.s32 @p1 $0x1;
	p0 =	seq.s32 s7, s2  }
0x1e: {  	s7 =	smul.u32 @!p0 $0xF7A, s2;
	p2 =	seq.s32 @!p0 s5, $0x0  }
0x1f: {  	s9 =	smul.u32 $0xF7A, s1;
	s8 =	simm.s32 @!p0 $0x1BF5;
	p2 =	por !p2, p0  }
0x20: {  	[sflag:s8] =	ssyncset.s32 @!p0 $0xFFFFF086;
	s6 =	sadd.s32 @!p0 s3, s7;
	s7 =	simm.s32 @!p0 $0x108  }
0x21: {  	s3 =	sadd.s32 s3, s9;
	s6 =	sadd.s32 @!p0 $0x88, s6;
	s7 =	simm.s32 @p2 $0x1082  }
0x22: {  	[simem:s7], [sflag:s8] =	dma.local @!p0 [hbm:s6], $0xF7A  }
0x23: {  	s9 =	sor.u32 $0xD0000000, s2;
	s6 =	simm.s32 $0x108;
	_ =	swait.ge @!p0 [sflag:s8], $0x0  }
0x24: {  	s3 =	sadd.s32 $0x88, s3;
	s6 =	simm.s32 @!p1 $0x1082;
	[sflag:s4] =	ssyncset.s32 $0xFFFFF086  }
0x25: {  	[simem:s6], [sflag:s4] =	dma.local [hbm:s3], $0xF7A  }
0x26: {  	[smem:$0x3F96] =	sst s1;
	(tag) =	ssettag s2;
	_ =	strace s9  }
0x27: {  	s1 =	sld [smem:$0x3FA6]  }
0x28: {  	s2 =	sld [smem:$0x3FA7]  }
0x29: {  	s4 =	sld [smem:$0x3FA9]  }
0x2a: {  	p0 =	seq.s32 s5, $0x0;
	s5 =	sld [smem:$0x3FAA]  }
0x2b: {  	s6 =	sld [smem:$0x3FAB]  }
0x2c: {  	s7 =	sld [smem:$0x3FAC]  }
0x2d: {  	s3 =	simm.s32 $0x108;
	s8 =	sld [smem:$0x3FAD]  }
0x2e: {  	s3 =	simm.s32 @!p0 $0x1082;
	s9 =	sld [smem:$0x3FAE]  }
0x2f: {  	lr =	sadd.s32 s0, s3;
	s0 =	sld [smem:$0x3FA5]  }
0x30: {  	s3 =	sld [smem:$0x3FA8]  }
0x31: {  	[smem:$0x3FB1] =	sst s10  }
0x32: {  	s10 =	sld [smem:$0x3FAF];
	_ =	sdelay $0x3  }
0x33: {  	p0 =	seq.s32 s10, $0x1;
	s10 =	sld [smem:$0x3FB1];
	_ =	sdelay $0x3  }
0x34: {  	[smem:$0x3FB1] =	sst s10  }
0x35: {  	s10 =	sld [smem:$0x3FB0];
	_ =	sdelay $0x3  }
0x36: {  	p1 =	seq.s32 s10, $0x1;
	s10 =	sld [smem:$0x3FB1];
	_ =	sdelay $0x3  }
0x37: {  	[smem:$0x3FB1] =	sst s10  }
0x38: {  	s10 =	sld [smem:$0x3FB2]  }
0x39: {  	_ = 	snop;
	(pc) =	sbr.ind lr, $3  }
0x3a: {  	_ = 	snop  }
0x3b: {  	_ = 	snop  }
0x3c: {  	p2 =	seq.s32 s10, $0x1;
	s10 =	sld [smem:$0x3FB1]  }
0x3d: {  	_ =	shalt  }
0x3e: {  	_ =	shalt  }
0x3f: {  	_ =	shalt  }
0x40: {  	_ =	shalt  }
0x41: {  	_ =	shalt  }
0x42: {  	_ =	shalt  }
0x43: {  	_ =	shalt  }
0x44: {  	_ =	shalt  }
0x45: {  	_ =	shalt  }
0x46: {  	_ =	shalt  }
0x47: {  	_ =	shalt  }
0x48: {  	_ =	shalt  }
0x49: {  	_ =	shalt  }
0x4a: {  	_ =	shalt  }
0x4b: {  	_ =	shalt  }
0x4c: {  	_ =	shalt  }
0x4d: {  	_ =	shalt  }
0x4e: {  	_ =	shalt  }
0x4f: {  	_ =	shalt  }
0x50: {  	_ =	shalt  }
0x51: {  	_ =	shalt  }
0x52: {  	_ =	shalt  }
0x53: {  	_ =	shalt  }
0x54: {  	_ =	shalt  }
0x55: {  	_ =	shalt  }
0x56: {  	_ =	shalt  }
0x57: {  	_ =	shalt  }
0x58: {  	_ =	shalt  }
0x59: {  	_ =	shalt  }
0x5a: {  	_ =	shalt  }
0x5b: {  	_ =	shalt  }
0x5c: {  	_ =	shalt  }
0x5d: {  	_ =	shalt  }
0x5e: {  	_ =	shalt  }
0x5f: {  	_ =	shalt  }
0x60: {  	_ =	shalt  }
0x61: {  	_ =	shalt  }
0x62: {  	_ =	shalt  }
0x63: {  	_ =	shalt  }
0x64: {  	_ =	shalt  }
0x65: {  	_ =	shalt  }
0x66: {  	_ =	shalt  }
0x67: {  	_ =	shalt  }
0x68: {  	_ =	shalt  }
0x69: {  	_ =	shalt  }
0x6a: {  	_ =	shalt  }
0x6b: {  	_ =	shalt  }
0x6c: {  	_ =	shalt  }
0x6d: {  	_ =	shalt  }
0x6e: {  	_ =	shalt  }
0x6f: {  	_ =	shalt  }
0x70: {  	_ =	shalt  }
0x71: {  	_ =	shalt  }
0x72: {  	_ =	shalt  }
0x73: {  	_ =	shalt  }
0x74: {  	_ =	shalt  }
0x75: {  	_ =	shalt  }
0x76: {  	_ =	shalt  }
0x77: {  	_ =	shalt  }
0x78: {  	_ =	shalt  }
0x79: {  	_ =	shalt  }
0x7a: {  	_ =	shalt  }
0x7b: {  	_ =	shalt  }
0x7c: {  	_ =	shalt  }
0x7d: {  	_ =	shalt  }
0x7e: {  	_ =	shalt  }
0x7f: {  	_ =	shalt  }
0x80: {  	_ =	shalt  }
0x81: {  	_ =	shalt  }
0x82: {  	_ =	shalt  }
0x83: {  	_ =	shalt  }
0x84: {  	_ =	shalt  }
0x85: {  	_ =	shalt  }
0x86: {  	_ =	shalt  }
0x87: {  	_ =	shalt  }
.Lfunc_end0:
.L_simem_size_0:
called_computation_lowered:
.L_overlay_start_0:
0x88: {  	s2 =	sld [smem:$0x3FD9]  }
0x89: {  	s3 =	sld [smem:$0x3FFE];
	_ =	sdelay $0x1  }
0x8a: {  	s1 =	srdreg.scid  }
0x8b: {  	s0 =	sand.u32 $0x1, s1  }
0x8c: {  	s17 =	sshll.u32 s0, $0xA;
	s2 =	sadd.s32 s3, s2  }
0x8d: {  	s2 =	sadd.s32 s2, s17  }
0x8e: {  	[smem:$0x3FBD] =	sst s2  }
0x8f: {  	_ = 	snop  }
0x90: {  	s2 =	sld [smem:$0x3FD0];
	(tm) =	ssettm $0x1  }
0x91: {  	s18 =	sld [smem:$0x3FFB];
	_ =	sdelay $0x3  }
0x92: {  	_ =	strace s18  }
0x93: {  	s3 =	sld [smem:$0x3FFC];
	_ =	sdelay $0x3  }
0x94: {  	_ =	strace s3  }
0x95: {  	s3 =	sld [smem:$0x3FFD];
	_ =	sdelay $0x3  }
0x96: {  	_ =	strace s3  }
0x97: {  	_ =	strace $0x8FFFFFFF  }
0x98: {  	s19 =	sld [smem:$0x3FDB];
	_ =	sdelay $0x1  }
0x99: {  	s4 =	simm.s32 $_scs_section_size  }
0x9a: {  	s5 =	simm.s32 $_size__tile_overlayer_lowered;
	s6 =	simm.s32 $_tile_overlayer_lowered  }
0x9b: {  	s22 =	simm.s32 $0x1BFF;
	s21 =	sshll.u32 s6, $0x1;
	s3 =	sadd.s32 s4, s19  }
0x9c: {  	s7 =	simm.s32 $0x0;
	s20 =	sshll.u32 s5, $0x1;
	s5 =	sadd.s32 s21, s3  }
0x9d: {  	[timem:s7], [sflag:s22] =	dma.local [hbm:s5], s20  }
0x9e: {  	_ =	swait.ge [sflag:s22], s20  }
0x9f: {  	s4 =	ssub.s32 $0x0, s20;
	[sflag:s22] =	ssyncset.done $0x0  }
0xa0: {  	[sflag:s22] =	ssyncadd.s32 s4;
	_ =	sdelay $0x1  }
0xa1: {  	s23 =	simm.s32 $0x1B8B  }
0xa2: {  	_ =	swait.ge [sflag:s23], $0x1  }
0xa3: {  	[sflag:s23] =	ssyncset.done $0x0  }
0xa4: {  	s25 =	simm.s32 $0x1B8E;
	s24 =	sld [smem:$0x3FFE];
	[sflag:s23] =	ssyncadd.s32 $0xFFFFFFFF  }
0xa5: {  	s26 =	simm.s32 $execute0_lowered;
	[smem:$0x3FD2] =	sst s25  }
0xa6: {  	s5 =	sshll.u32 s26, $0x1;
	_ =	strace $0x80000046;
	[dreg:$0x1] =	wrdreg $0xFFFFFFFF  }
0xa7: {  	s28 =	simm.s32 $_size_execute0_lowered;
	s3 =	sadd.s32 s3, s5;
	[dreg:$0x0] =	wrdreg $0x0  }
0xa8: {  	s5 =	sshll.u32 s28, $0x1;
	[dreg:$0x2] =	wrdreg s3  }
0xa9: {  	[dreg:$0x3] =	wrdreg s5  }
0xaa: {  	[dreg:$0x4] =	wrdreg $0xC0  }
0xab: {  	_ =	task [dreg:s7], $0x5FFFF  }
0xac: {  	[dreg:$0x1] =	wrdreg $0xFFFFFFFF  }
0xad: {  	[dreg:$0x0] =	wrdreg $0x60  }
0xae: {  	[dreg:$0x2] =	wrdreg s24  }
0xaf: {  	[dreg:$0x3] =	wrdreg s2  }
0xb0: {  	[dreg:$0x4] =	wrdreg $0x33E00  }
0xb1: {  	[dreg:$0x5] =	wrdreg $0x9  }
0xb2: {  	_ =	task.clear_ibuf [dreg:s7], $0x6FFFF;
	_ =	strace $0x90000046  }
0xb3: {  	s29 =	simm.s32 $0x9;
	_ =	strace $0x80000048  }
0xb4: {  	_ =	swait.ge [sflag:s29], $0x1  }
0xb5: {  	[sflag:s29] =	ssyncadd.s32 $0xFFFFFFFF  }
0xb6: {  	_ =	strace $0x90000048  }
0xb7: {  	_ =	sfence  }
0xb8: {  	s30 =	sld [smem:$0x0];
	_ =	sdelay $0x2  }
0xb9: {  	s31 =	sshll.u32 s1, $0xD;
	s1 =	sshrl.u32 s1, $0x2  }
0xba: {  	s3 =	sand.u32 $0x4000, s31;
	s1 =	sadd.s32 s1, s30  }
0xbb: {  	s0 =	sor.u32 s3, s0;
	s1 =	sshll.u32 s1, $0x11  }
0xbc: {  	s0 =	sor.u32 s1, s0  }
0xbd: {  	s0 =	sadd.s32 $0x8F2B, s0  }
0xbe: {  	[sflag:s0] =	ssyncadd.remote.s32 $0x1  }
0xbf: {  	_ =	sfence.sel $0xFFFF  }
0xc0: {  	[dreg:$0x0] =	wrdreg $0xFFFFFFFF;
	(pc) =	sbr.abs _section_cstart, $3  }
0xc1: {  	[dreg:$0x1] =	wrdreg $0xFFFFFFFF  }
0xc2: {  	_ =	task.clear_ibuf [dreg:s7], $0x2FFFF;
	_ =	strace $0x9FFFFFFF  }
0xc3: {  	(tm) =	ssettm $0x7FFFFFFF  }
tec
execute0_lowered:
.L_overlay_start_1:
0x0: {  	(tag) =	ssettag $0x1  }
0x1: {  	s4 =	rddreg [dreg:$0x0];
	s1 =	srdreg.scid  }
0x2: {  	s0 =	stileid.u32;
	s13 =	rddreg [dreg:$0x1]  }
0x3: {  	s2 =	rddreg [dreg:$0x2];
	s3 =	simm.s32 $0x0;
	s16 =	simm.s32 $0x2  }
0x4: {  	s17 =	simm.s32 $0x64;
	s18 =	simm.s32 $0x28A0;
	s19 =	simm.s32 $0x1  }
0x5: {  	s5 =	sand.u32 $0x1, s1;
	s1 =	rddreg [dreg:$0x3];
	s7 =	smul.u32 $0xA000, s0  }
0x6: {  	s29 =	sshll.u32 s0, $0x1;
	[smem:$0x7FF] =	sst s3;
	s9 =	smul.u32 $0x2800, s0  }
0x7: {  	s20 =	sshll.u32 s0, $0x6;
	s6 =	sor.u32 s5, s29;
	_ =	strace $0x80000047  }
0x8: {  	s30 =	ssub.s32 $0x2, s5;
	s10 =	smul.u32 $0x28000, s5;
	s20 =	sor.u32 $0x1C02, s20  }
0x9: {  	s6 =	smul.u32 $0x514, s6;
	s31 =	sshrl.u32 s30, $0x1;
	s7 =	sshrl.u32 s7, $0x2  }
0xa: {  	s14 =	ssub.s32 s30, s31;
	s11 =	sadd.s32 s7, s2;
	s15 =	sadd.s32 s9, s10  }
0xb: {  	s12 =	sadd.s32 s6, s4;
	s4 =	sadd.s32 s9, s2;
	s5 =	sadd.s32 $0x500, s11  }
0xc: {  	s6 =	sadd.s32 $0xA00, s11;
	s7 =	sadd.s32 $0xF00, s11;
	s8 =	sadd.s32 $0x1400, s11  }
0xd: {  	s9 =	sadd.s32 $0x1900, s11;
	s10 =	sadd.s32 $0x1E00, s11;
	s15 =	sshrl.u32 s15, $0x3  }
0xe: {  	s11 =	sadd.s32 $0x2300, s11;
	s14 =	smax.u32 s14, $0x1;
	s12 =	sadd.s32 $0x3C00, s12  }
0xf: {  	v0 =	vimm.f32 $0.0e+00;
	v1 =	vimm.f32 $1.000000000e+00;
	s13 =	sadd.s32 s13, s15;
	s15 =	simm.s32 $0x2EE0;
	s21 =	sshrl.u32 s4, $0x3  }
.LBB2_1:
0x10: {  	s22 =	simm.s32 $0x40;
	s23 =	simm.s32 $0x0  }
.LBB2_2:
0x11: {  	p0 =	sne.s32 s22, $0x13C0;
	[tilespmem:s23+$0x2EE0] =	vst v0;
	s23 =	smov.u32 s22;
	s22 =	sadd.s32 $0x40, s22  }
.Ltmp0:
0x12: {  	(pc) =	sbr.rel @p0 .LBB2_2-.Ltmp0, $2  }
0x13: {  	_ =	sdelay $0x2  }
0x14: {  	s23 =	sshra.s32 s23, $0x2  }
0x15: {  	[tilespmem:s23+$0x2EE0] =	vst v0  }
0x16: {  	[spmem:s4] =	stream.linear.scatter [tilespmem:s15], [sflag:$0x2], $0x500, $0x38;
	[tilespmem:$0x5BE0] =	vst v63  }
0x17: {  	_ =	swait.ge [sflag:s16], $0x500  }
0x18: {  	[sflag:s16] =	ssyncset.done $0x0  }
0x19: {  	[sflag:s16] =	ssyncadd.s32 $0xFFFFFB00  }
0x1a: {  	[spmem:s5] =	stream.linear.scatter [tilespmem:s15], [sflag:$0x2], $0x500, $0x38;
	[tilespmem:$0x5BE0] =	vst v63  }
0x1b: {  	_ =	swait.ge [sflag:s16], $0x500  }
0x1c: {  	[sflag:s16] =	ssyncset.done $0x0  }
0x1d: {  	[sflag:s16] =	ssyncadd.s32 $0xFFFFFB00  }
0x1e: {  	[spmem:s6] =	stream.linear.scatter [tilespmem:s15], [sflag:$0x2], $0x500, $0x38;
	[tilespmem:$0x5BE0] =	vst v63  }
0x1f: {  	_ =	swait.ge [sflag:s16], $0x500  }
0x20: {  	[sflag:s16] =	ssyncset.done $0x0  }
0x21: {  	[sflag:s16] =	ssyncadd.s32 $0xFFFFFB00  }
0x22: {  	[spmem:s7] =	stream.linear.scatter [tilespmem:s15], [sflag:$0x2], $0x500, $0x38;
	[tilespmem:$0x5BE0] =	vst v63  }
0x23: {  	_ =	swait.ge [sflag:s16], $0x500  }
0x24: {  	[sflag:s16] =	ssyncset.done $0x0  }
0x25: {  	[sflag:s16] =	ssyncadd.s32 $0xFFFFFB00  }
0x26: {  	[spmem:s8] =	stream.linear.scatter [tilespmem:s15], [sflag:$0x2], $0x500, $0x38;
	[tilespmem:$0x5BE0] =	vst v63  }
0x27: {  	_ =	swait.ge [sflag:s16], $0x500  }
0x28: {  	[sflag:s16] =	ssyncset.done $0x0  }
0x29: {  	[sflag:s16] =	ssyncadd.s32 $0xFFFFFB00  }
0x2a: {  	[spmem:s9] =	stream.linear.scatter [tilespmem:s15], [sflag:$0x2], $0x500, $0x38;
	[tilespmem:$0x5BE0] =	vst v63  }
0x2b: {  	_ =	swait.ge [sflag:s16], $0x500  }
0x2c: {  	[sflag:s16] =	ssyncset.done $0x0  }
0x2d: {  	[sflag:s16] =	ssyncadd.s32 $0xFFFFFB00  }
0x2e: {  	[spmem:s10] =	stream.linear.scatter [tilespmem:s15], [sflag:$0x2], $0x500, $0x38;
	[tilespmem:$0x5BE0] =	vst v63  }
0x2f: {  	_ =	swait.ge [sflag:s16], $0x500  }
0x30: {  	[sflag:s16] =	ssyncset.done $0x0  }
0x31: {  	[sflag:s16] =	ssyncadd.s32 $0xFFFFFB00  }
0x32: {  	[spmem:s11] =	stream.linear.scatter [tilespmem:s15], [sflag:$0x2], $0x500, $0x38;
	[tilespmem:$0x5BE0] =	vst v63  }
0x33: {  	_ =	swait.ge [sflag:s16], $0x500  }
0x34: {  	[sflag:s16] =	ssyncset.done $0x0  }
0x35: {  	s22 =	simm.s32 $0x40;
	s23 =	simm.s32 $0x0;
	[sflag:s16] =	ssyncadd.s32 $0xFFFFFB00  }
.LBB2_4:
0x36: {  	p0 =	sne.s32 s22, $0x18C0;
	[tilespmem:s23+$0x28A0] =	vst v1;
	s23 =	smov.u32 s22;
	s22 =	sadd.s32 $0x40, s22  }
.Ltmp1:
0x37: {  	(pc) =	sbr.rel @p0 .LBB2_4-.Ltmp1, $2  }
0x38: {  	_ =	sdelay $0x2  }
0x39: {  	s23 =	sshra.s32 s23, $0x2  }
0x3a: {  	[tilespmem:s23+$0x28A0] =	vst v1  }
0x3b: {  	s22 =	simm.s32 $0x0;
	[bflag:$0x0] =	sbarrier.arrive $0xFFFF  }
0x3c: {  	[tilespmem:s22], [sflag:$0x2] =	stream.linear.gather [hbm4b:s12+s22], $0x28A0, $0x38;
	[tilespmem:$0x5BE0] =	vst v63  }
0x3d: {  	_ =	swait.ge [sflag:s16], $0x28A0  }
0x3e: {  	[sflag:s16] =	ssyncset.done $0x0  }
0x3f: {  	s26 =	simm.s32 $0x0;
	[sflag:s16] =	ssyncadd.s32 $0xFFFFD760  }
0x40: {  	[spmem:s2] =	stream.indirect.scatter.add.f32 [tilespmem:s18], [sflag:$0x1], $0x10, s26, s17, $0xb8;
	[tilespmem:$0x5BE0] =	vst v63  }
0x41: {  	s28 =	simm.s32 $0x68  }
0x42: {  	[spmem:s2] =	stream.indirect.scatter.add.f32 [tilespmem:s18], [sflag:$0x1], $0x10, s28, s17, $0xb8;
	[tilespmem:$0x5BE0] =	vst v63  }
0x43: {  	s29 =	simm.s32 $0xD0  }
0x44: {  	[spmem:s2] =	stream.indirect.scatter.add.f32 [tilespmem:s18], [sflag:$0x1], $0x10, s29, s17, $0xb8;
	[tilespmem:$0x5BE0] =	vst v63  }
0x45: {  	s30 =	simm.s32 $0x138  }
0x46: {  	[spmem:s2] =	stream.indirect.scatter.add.f32 [tilespmem:s18], [sflag:$0x1], $0x10, s30, s17, $0xb8;
	[tilespmem:$0x5BE0] =	vst v63  }
0x47: {  	s31 =	simm.s32 $0x1A0  }
0x48: {  	[spmem:s2] =	stream.indirect.scatter.add.f32 [tilespmem:s18], [sflag:$0x1], $0x10, s31, s17, $0xb8;
	[tilespmem:$0x5BE0] =	vst v63  }
0x49: {  	_ =	swait.ge [sflag:s19], $0x640  }
0x4a: {  	[sflag:s19] =	ssyncset.done $0x0  }
0x4b: {  	[sflag:s19] =	ssyncadd.s32 $0xFFFFF9C0  }
0x4c: {  	_ =	swait.ge [sflag:s19], $0x640  }
0x4d: {  	[sflag:s19] =	ssyncset.done $0x0  }
0x4e: {  	[sflag:s19] =	ssyncadd.s32 $0xFFFFF9C0  }
0x4f: {  	_ =	swait.ge [sflag:s19], $0x640  }
0x50: {  	[sflag:s19] =	ssyncset.done $0x0  }
0x51: {  	[sflag:s19] =	ssyncadd.s32 $0xFFFFF9C0  }
0x52: {  	_ =	swait.ge [sflag:s19], $0x640  }
0x53: {  	[sflag:s19] =	ssyncset.done $0x0  }
0x54: {  	[sflag:s19] =	ssyncadd.s32 $0xFFFFF9C0  }
0x55: {  	_ =	swait.ge [sflag:s19], $0x640  }
0x56: {  	s23 =	simm.s32 $0x1040;
	s22 =	simm.s32 $0x820;
	[sflag:s19] =	ssyncset.done $0x0  }
.LBB2_6:
0x57: {  	s24 =	sshra.s32 s22, $0x2  }
0x58: {  	[sflag:s19] =	ssyncadd.s32 $0xFFFFF9C0;
	s22 =	smov.u32 s23;
	s25 =	sadd.s32 $0x820, s23  }
0x59: {  	[spmem:s2] =	stream.indirect.scatter.add.f32 [tilespmem:s18], [sflag:$0x1], $0x10, s24, s17, $0xb8;
	[tilespmem:$0x5BE0] =	vst v63  }
0x5a: {  	p0 =	sne.s32 s23, $0x9A60;
	s23 =	sadd.s32 $0x68, s24  }
0x5b: {  	[spmem:s2] =	stream.indirect.scatter.add.f32 [tilespmem:s18], [sflag:$0x1], $0x10, s23, s17, $0xb8;
	[tilespmem:$0x5BE0] =	vst v63  }
0x5c: {  	s23 =	sadd.s32 $0xD0, s24  }
0x5d: {  	[spmem:s2] =	stream.indirect.scatter.add.f32 [tilespmem:s18], [sflag:$0x1], $0x10, s23, s17, $0xb8;
	[tilespmem:$0x5BE0] =	vst v63  }
0x5e: {  	s23 =	sadd.s32 $0x138, s24  }
0x5f: {  	[spmem:s2] =	stream.indirect.scatter.add.f32 [tilespmem:s18], [sflag:$0x1], $0x10, s23, s17, $0xb8;
	[tilespmem:$0x5BE0] =	vst v63  }
0x60: {  	s23 =	sadd.s32 $0x1A0, s24  }
0x61: {  	[spmem:s2] =	stream.indirect.scatter.add.f32 [tilespmem:s18], [sflag:$0x1], $0x10, s23, s17, $0xb8;
	[tilespmem:$0x5BE0] =	vst v63  }
0x62: {  	_ =	swait.ge [sflag:s19], $0x640  }
0x63: {  	[sflag:s19] =	ssyncset.done $0x0  }
0x64: {  	[sflag:s19] =	ssyncadd.s32 $0xFFFFF9C0  }
0x65: {  	_ =	swait.ge [sflag:s19], $0x640  }
0x66: {  	[sflag:s19] =	ssyncset.done $0x0  }
0x67: {  	[sflag:s19] =	ssyncadd.s32 $0xFFFFF9C0  }
0x68: {  	_ =	swait.ge [sflag:s19], $0x640  }
0x69: {  	[sflag:s19] =	ssyncset.done $0x0  }
0x6a: {  	[sflag:s19] =	ssyncadd.s32 $0xFFFFF9C0  }
.Ltmp2:
0x6b: {  	_ =	swait.ge [sflag:s19], $0x640;
	(pc) =	sbr.rel @p0 .LBB2_6-.Ltmp2, $4  }
0x6c: {  	[sflag:s19] =	ssyncset.done $0x0  }
0x6d: {  	[sflag:s19] =	ssyncadd.s32 $0xFFFFF9C0  }
0x6e: {  	_ =	swait.ge [sflag:s19], $0x640  }
0x6f: {  	s23 =	smov.u32 s25;
	[sflag:s19] =	ssyncset.done $0x0  }
0x70: {  	s22 =	sshra.s32 s22, $0x2;
	[sflag:s19] =	ssyncadd.s32 $0xFFFFF9C0  }
0x71: {  	[spmem:s2] =	stream.indirect.scatter.add.f32 [tilespmem:s18], [sflag:$0x1], $0x10, s22, s17, $0xb8;
	[tilespmem:$0x5BE0] =	vst v63  }
0x72: {  	s23 =	sadd.s32 $0x68, s22  }
0x73: {  	[spmem:s2] =	stream.indirect.scatter.add.f32 [tilespmem:s18], [sflag:$0x1], $0x10, s23, s17, $0xb8;
	[tilespmem:$0x5BE0] =	vst v63  }
0x74: {  	s30 =	sadd.s32 $0xD0, s22  }
0x75: {  	[spmem:s2] =	stream.indirect.scatter.add.f32 [tilespmem:s18], [sflag:$0x1], $0x10, s30, s17, $0xb8;
	[tilespmem:$0x5BE0] =	vst v63  }
0x76: {  	s31 =	sadd.s32 $0x138, s22  }
0x77: {  	[spmem:s2] =	stream.indirect.scatter.add.f32 [tilespmem:s18], [sflag:$0x1], $0x10, s31, s17, $0xb8;
	[tilespmem:$0x5BE0] =	vst v63  }
0x78: {  	s22 =	sadd.s32 $0x1A0, s22  }
0x79: {  	[spmem:s2] =	stream.indirect.scatter.add.f32 [tilespmem:s18], [sflag:$0x1], $0x10, s22, s17, $0xb8;
	[tilespmem:$0x5BE0] =	vst v63  }
0x7a: {  	_ =	swait.ge [sflag:s19], $0x640  }
0x7b: {  	[sflag:s19] =	ssyncset.done $0x0  }
0x7c: {  	[sflag:s19] =	ssyncadd.s32 $0xFFFFF9C0  }
0x7d: {  	_ =	swait.ge [sflag:s19], $0x640  }
0x7e: {  	[sflag:s19] =	ssyncset.done $0x0  }
0x7f: {  	[sflag:s19] =	ssyncadd.s32 $0xFFFFF9C0  }
0x80: {  	_ =	swait.ge [sflag:s19], $0x640  }
0x81: {  	[sflag:s19] =	ssyncset.done $0x0  }
0x82: {  	[sflag:s19] =	ssyncadd.s32 $0xFFFFF9C0  }
0x83: {  	_ =	swait.ge [sflag:s19], $0x640  }
0x84: {  	[sflag:s19] =	ssyncset.done $0x0  }
0x85: {  	[sflag:s19] =	ssyncadd.s32 $0xFFFFF9C0  }
0x86: {  	_ =	swait.ge [sflag:s19], $0x640  }
0x87: {  	s3 =	sadd.s32 $0x1, s3;
	[sflag:s19] =	ssyncset.done $0x0  }
0x88: {  	p0 =	sne.s32 s3, s14;
	[sflag:s19] =	ssyncadd.s32 $0xFFFFF9C0  }
.Ltmp3:
0x89: {  	[bflag:$0x0] =	sbarrier.arrive $0xFFFF;
	(pc) =	sbr.rel @p0 .LBB2_1-.Ltmp3, $4  }
0x8a: {  	[hbm:s13], [sflag:s20] =	dma.local [spmem:s21], $0x500  }
0x8b: {  	_ =	swait.ge [sflag:s16], $0x500  }
0x8c: {  	[sflag:s16] =	ssyncset.done $0x0  }
0x8d: {  	[sflag:s16] =	ssyncadd.s32 $0xFFFFFB00  }
0x8e: {  	_ =	sfence.sel $0x180000  }
0x8f: {  	[bflag:$0x0] =	sbarrier.arrive $0xFFFF  }
0x90: {  	p0 =	sne.s32 s0, $0x0;
	_ =	strace $0x90000047  }
0x91: {  	s0 =	sadd.s32 @!p0 $0x100000, s1;
	[bflag:$0x2] =	sbarrier.arrive $0xFFFF  }
0x92: {  	[sflag:s0] =	ssyncadd.tile.s32 @!p0 $0x1;
	_ =	shalt  }
.Lfunc_end2:
_tile_overlayer_lowered:
.L_overlay_start_2:
0x93: {  	(tag) =	ssettag $0x2  }
0x94: {  	s0 =	rddreg [dreg:$0x0];
	s2 =	stileid.u32  }
0x95: {  	s1 =	rddreg [dreg:$0x1];
	p0 =	sne.s32 s2, $0x0  }
0x96: {  	s3 =	rddreg [dreg:$0x2];
	[bflag:$0x3] =	sbarrier.arrive $0xFFFF;
	s2 =	simm.s32 @!p0 $0x1C02  }
0x97: {  	[timem:s3], [sflag:s2] =	dma.local @!p0 [hbm:s0], s1  }
0x98: {  	s0 =	simm.s32 @!p0 $0x2  }
0x99: {  	_ =	swait.ge @!p0 [sflag:s0], s1  }
0x9a: {  	s1 =	ssub.s32 @!p0 $0x0, s1;
	[sflag:s0] =	ssyncset.done @!p0 $0x0  }
0x9b: {  	[sflag:s0] =	ssyncadd.s32 @!p0 s1  }
0x9c: {  	[bflag:$0x3] =	sbarrier.arrive $0xFFFF  }
0x9d: {  	_ =	shalt  }

</sc_bundles>
